<compile_context>
chip_gen: v7x
topology: tpu7x:2x2x1
jax: 0.10.2.dev20260603
libtpu: 0.0.44.dev20260713+nightly
codegen_flags: <defaults>
</compile_context>

<pallas_src>
import functools

import jax
import jax.numpy as jnp
from jax import lax
from jax.experimental import pallas as pl
from jax.experimental.pallas import tpu as pltpu
from jax.experimental.pallas import tpu_sc as plsc

D = 128
O = 128
KN = 16
NC = 2
NS = 16
NPAD = 10240
RPAD = 2 * NPAD
NPW = NPAD // NS
G = 8
NB = NPW // G
BI = 2000
GB = 5
NBIB = 1250
NBIPB = 1280



def _pre_body(x_ref, pos_ref, w1a_ref, w1b_ref, w1p_ref, b1_ref, c_ref, s_ref):
    xb = x_ref[...]
    posc = jnp.dot(pos_ref[...], w1p_ref[...], preferred_element_type=jnp.float32)
    c_ref[...] = (jnp.dot(xb, w1b_ref[...], preferred_element_type=jnp.float32)
                  + posc)[None]
    s_ref[...] = (jnp.dot(xb, w1a_ref[...], preferred_element_type=jnp.float32)
                  - posc + b1_ref[...])[None]


def _pre_call(xf, posf, w1a, w1b, w1p, b1r, B_):
    return pl.pallas_call(
        _pre_body,
        grid=(B_ * GB,),
        in_specs=[
            pl.BlockSpec((BI, D), lambda i: (i, 0)),
            pl.BlockSpec((BI, 2), lambda i: (i, 0)),
            pl.BlockSpec((D, O), lambda i: (0, 0)),
            pl.BlockSpec((D, O), lambda i: (0, 0)),
            pl.BlockSpec((2, O), lambda i: (0, 0)),
            pl.BlockSpec((1, O), lambda i: (0, 0)),
        ],
        out_specs=[
            pl.BlockSpec((1, BI, O), lambda i: (i // GB, i % GB, 0)),
            pl.BlockSpec((1, BI, O), lambda i: (i // GB, i % GB, 0)),
        ],
        out_shape=[
            jax.ShapeDtypeStruct((B_, NPAD, O), jnp.float32),
            jax.ShapeDtypeStruct((B_, NPAD, O), jnp.float32),
        ],
    )(xf, posf, w1a, w1b, w1p, b1r)



_MESH = plsc.VectorSubcoreMesh(core_axis_name="c", subcore_axis_name="s",
                               num_cores=NC, num_subcores=NS)


@functools.partial(
    pl.kernel,
    mesh=_MESH,
    out_type=jax.ShapeDtypeStruct((RPAD, O), jnp.float32),
    scratch_types=[
        pltpu.VMEM((NB, G * KN), jnp.int32),
        pltpu.VMEM((G * KN, O), jnp.float32),
        pltpu.VMEM((G * KN, O), jnp.float32),
        pltpu.VMEM((G, O), jnp.float32),
        pltpu.VMEM((G, O), jnp.float32),
        pltpu.VMEM_SHARED((NPAD, O), jnp.float32),
        pltpu.SemaphoreType.DMA,
        pltpu.SemaphoreType.DMA,
    ],
)
def _sc_gather(c_hbm, s_hbm, gidx_hbm, out_hbm, idx_v, r0_v, r1_v,
               s_v, m_v, c_sh, sem0, sem1):
    cid = lax.axis_index("c")
    sid = lax.axis_index("s")
    wid = cid * NS + sid
    node0 = wid * NPW
    blk0 = cid * NBIPB + sid * NB

    pltpu.sync_copy(c_hbm.at[pl.ds(node0, NPW)], c_sh.at[pl.ds(sid * NPW, NPW)])
    pltpu.sync_copy(gidx_hbm.at[pl.ds(blk0, NB)], idx_v)
    plsc.subcore_barrier()

    pltpu.async_copy(c_sh.at[idx_v.at[0]], r0_v, sem0)

    def compute_block(rows_v):
        def gbody(g, carry):
            for ch in range(O // 16):
                sv = s_v[g, pl.ds(ch * 16, 16)]
                nsv = -sv
                acc = jnp.maximum(rows_v[g * KN, pl.ds(ch * 16, 16)], nsv)
                for k in range(1, KN):
                    acc = acc + jnp.maximum(rows_v[g * KN + k, pl.ds(ch * 16, 16)],
                                            nsv)
                m_v[g, pl.ds(ch * 16, 16)] = acc * (1.0 / KN) + sv
            return carry

        lax.fori_loop(0, G, gbody, 0)

    def pair_body(p, carry2):
        b = 2 * p
        nb0 = node0 + b * G
        pltpu.async_copy(c_sh.at[idx_v.at[b + 1]], r1_v, sem1)
        pltpu.sync_copy(s_hbm.at[pl.ds(nb0, G)], s_v)
        pltpu.make_async_copy(c_sh.at[idx_v.at[b]], r0_v, sem0).wait()
        compute_block(r0_v)
        pltpu.sync_copy(m_v, out_hbm.at[pl.ds(nb0, G)])
        bn = jnp.minimum(b + 2, NB - 1)
        pltpu.async_copy(c_sh.at[idx_v.at[bn]], r0_v, sem0)
        pltpu.sync_copy(s_hbm.at[pl.ds(nb0 + G, G)], s_v)
        pltpu.make_async_copy(c_sh.at[idx_v.at[b + 1]], r1_v, sem1).wait()
        compute_block(r1_v)
        pltpu.sync_copy(m_v, out_hbm.at[pl.ds(nb0 + G, G)])
        return carry2

    lax.fori_loop(0, NB // 2, pair_body, 0)
    pltpu.make_async_copy(c_sh.at[idx_v.at[0]], r0_v, sem0).wait()



def _post_body(x_ref, m_ref, w2a_ref, w2b_ref, b2_ref, g_ref, be_ref, mk_ref, o_ref):
    h = (jnp.dot(x_ref[...], w2a_ref[...], preferred_element_type=jnp.float32)
         + jnp.dot(m_ref[0], w2b_ref[...], preferred_element_type=jnp.float32)
         + b2_ref[...])
    mu = jnp.mean(h, axis=-1, keepdims=True)
    hc = h - mu
    var = jnp.mean(hc * hc, axis=-1, keepdims=True)
    hn = hc * lax.rsqrt(var + 1e-5) * g_ref[...] + be_ref[...]
    o_ref[...] = (jnp.maximum(hn, 0.0) * mk_ref[:, 0:1])[None]


def _post_call(xf, m3, w2a, w2b, b2r, gr, ber, mk, B_, N_):
    return pl.pallas_call(
        _post_body,
        grid=(B_ * GB,),
        in_specs=[
            pl.BlockSpec((BI, D), lambda i: (i, 0)),
            pl.BlockSpec((1, BI, O), lambda i: (i // GB, i % GB, 0)),
            pl.BlockSpec((D, O), lambda i: (0, 0)),
            pl.BlockSpec((O, O), lambda i: (0, 0)),
            pl.BlockSpec((1, O), lambda i: (0, 0)),
            pl.BlockSpec((1, O), lambda i: (0, 0)),
            pl.BlockSpec((1, O), lambda i: (0, 0)),
            pl.BlockSpec((BI, 1), lambda i: (i, 0)),
        ],
        out_specs=pl.BlockSpec((1, BI, O), lambda i: (i // GB, i % GB, 0)),
        out_shape=jax.ShapeDtypeStruct((B_, N_, O), jnp.float32),
    )(xf, m3, w2a, w2b, b2r, gr, ber, mk)


def kernel(x, pos, mask, W1, b1, W2, b2, gamma, beta, edge_idx):
    B_, N_, D_ = x.shape
    R = B_ * N_

    xf = x.reshape(R, D_)
    posf = pos.reshape(R, 2)
    c, s = _pre_call(xf, posf, W1[:D], W1[D:2 * D], W1[2 * D:],
                     b1.reshape(1, O), B_)

    gidx = jnp.pad(edge_idx.reshape(B_, NBIB, G * KN),
                   ((0, 0), (0, NBIPB - NBIB), (0, 0)))
    gidx = gidx.reshape(B_ * NBIPB, G * KN)

    m = _sc_gather(c.reshape(RPAD, O), s.reshape(RPAD, O), gidx)

    out = _post_call(xf, m.reshape(B_, NPAD, O), W2[:D], W2[D:],
                     b2.reshape(1, O), gamma.reshape(1, O), beta.reshape(1, O),
                     mask.reshape(R, 1), B_, N_)
    return out

# --- scband reference (transcript-rebuilt; emitter-appended) ---
"""Pipeline reference for scband-mplayer-88218628260532 (READ-ONLY COPY).

The authoritative reference and input builder live on the scoring server;
editing this copy changes nothing except your own understanding.
"""

import jax, jax.numpy as jnp
import numpy as np

B, N, K, D, O = 2, 10000, 16, 128, 128

def setup_inputs(seed: int = 0) -> dict:
    key = jax.random.key(seed)
    ks = jax.random.split(key, 8)
    x = jax.random.normal(ks[0], (B, N, D), dtype=jnp.float32)
    pos = jax.random.normal(ks[1], (B, N, 2), dtype=jnp.float32)
    edge_idx = jax.random.randint(ks[2], (B, N, K), 0, N, dtype=jnp.int32)
    mask = jnp.ones((B, N), dtype=jnp.float32)
    W1 = jax.random.normal(ks[3], (2 * D + 2, O), dtype=jnp.float32) * 0.05
    b1 = jnp.zeros((O,), dtype=jnp.float32)
    W2 = jax.random.normal(ks[4], (D + O, O), dtype=jnp.float32) * 0.05
    b2 = jnp.zeros((O,), dtype=jnp.float32)
    gamma = jnp.ones((O,), dtype=jnp.float32)
    beta = jnp.zeros((O,), dtype=jnp.float32)
    return {"x": x, "pos": pos, "mask": mask, "W1": W1, "b1": b1, "W2": W2, "b2": b2, "gamma": gamma, "beta": beta, "edge_idx": edge_idx}

def reference(x, pos, mask, W1, b1, W2, b2, gamma, beta, edge_idx):
    B_, N_, D_ = x.shape
    K_ = edge_idx.shape[2]
    bidx = jnp.arange(B_)[:, None, None]
    nbrs = x[bidx, edge_idx]            # [B, N, K, D] gather along node axis
    nbr_pos = pos[bidx, edge_idx]       # [B, N, K, 2]
    rel_pos = nbr_pos - pos[:, :, None, :]
    x_exp = jnp.broadcast_to(x[:, :, None, :], (B_, N_, K_, D_))
    edge_feat = jnp.concatenate([x_exp, nbrs, rel_pos], axis=-1)  # [B,N,K,2D+2]
    messages = jax.nn.relu(edge_feat @ W1 + b1).mean(axis=2)      # [B,N,O]
    h = jnp.concatenate([x, messages], axis=-1) @ W2 + b2         # [B,N,O]
    mu = h.mean(axis=-1, keepdims=True)
    var = h.var(axis=-1, keepdims=True)
    hn = (h - mu) / jnp.sqrt(var + 1e-5) * gamma + beta
    updated = jax.nn.relu(hn)
    return updated * mask[..., None]

if __name__ == "__main__":
    import jax
    _d = setup_inputs()
    print(jax.jit(kernel)(*tuple(_d.values())))

</pallas_src>

<mosaic_0001>
#map = affine_map<(d0, d1) -> (0, 0)>
module attributes {stable_mosaic.version = 14 : i64} {
  func.func @_sc_gather(%arg0: i32, %arg1: i32, %arg2: memref<20480x128xf32, #tpu.memory_space<hbm>>, %arg3: memref<20480x128xf32, #tpu.memory_space<hbm>>, %arg4: memref<2560x128xi32, #tpu.memory_space<hbm>>, %arg5: memref<20480x128xf32, #tpu.memory_space<hbm>>, %arg6: memref<80x128xi32, #tpu.memory_space<vmem>>, %arg7: memref<128x128xf32, #tpu.memory_space<vmem>>, %arg8: memref<128x128xf32, #tpu.memory_space<vmem>>, %arg9: memref<8x128xf32, #tpu.memory_space<vmem>>, %arg10: memref<8x128xf32, #tpu.memory_space<vmem>>, %arg11: memref<10240x128xf32, #tpu.memory_space<vmem_shared>>, %arg12: memref<!tpu.dma_semaphore, #tpu.memory_space<semaphore_mem>>, %arg13: memref<!tpu.dma_semaphore, #tpu.memory_space<semaphore_mem>>) attributes {dimension_semantics = [#tpu.dimension_semantics<core_parallel>, #tpu.dimension_semantics<subcore_parallel>], iteration_bounds = array<i64: 2, 16>, scalar_prefetch = 0 : i64, scratch_operands = 8 : i64, tpu.core_type = #tpu.core_type<sc_vector_subcore>, window_params = [{transform_indices = #map}, {transform_indices = #map}, {transform_indices = #map}, {transform_indices = #map}]} {
    %mul3A = arith.constant 16 : i32
    %mul3A_0 = arith.muli %arg0, %mul3A : i32
    %add3A = arith.addi %mul3A_0, %arg1 : i32
    %mul3A_1 = arith.constant 640 : i32
    %mul3A_2 = arith.muli %add3A, %mul3A_1 : i32
    %mul3A_3 = arith.constant 1280 : i32
    %mul3A_4 = arith.muli %arg0, %mul3A_3 : i32
    %mul3A_5 = arith.constant 80 : i32
    %mul3A_6 = arith.muli %arg1, %mul3A_5 : i32
    %add3A_7 = arith.addi %mul3A_4, %mul3A_6 : i32
    %mul3A_8 = arith.constant 640 : i32
    %mul3A_9 = arith.muli %arg1, %mul3A_8 : i32
    "tpu.region"() ({
      %run_scoped3A = tpu.sem_alloc : memref<!tpu.dma_semaphore, #tpu.memory_space<semaphore_mem>>
      %dma_start3A_27 = arith.constant 0 : i32
      %dma_start3A_28 = tpu.memref_slice %arg11[%mul3A_9, %dma_start3A_27] : memref<10240x128xf32, #tpu.memory_space<vmem_shared>> -> memref<640x128xf32, #tpu.memory_space<vmem_shared>>
      %dma_start3A_29 = arith.constant 0 : i32
      %dma_start3A_30 = tpu.memref_slice %arg2[%mul3A_2, %dma_start3A_29] : memref<20480x128xf32, #tpu.memory_space<hbm>> -> memref<640x128xf32, #tpu.memory_space<hbm>>
      tpu.enqueue_dma source(%dma_start3A_30 : memref<640x128xf32, #tpu.memory_space<hbm>>) target(%dma_start3A_28 : memref<640x128xf32, #tpu.memory_space<vmem_shared>>) target_semaphore(%run_scoped3A : memref<!tpu.dma_semaphore, #tpu.memory_space<semaphore_mem>>)
      %dma_wait3A_31 = arith.constant 0 : i32
      %dma_wait3A_32 = tpu.memref_slice %arg11[%mul3A_9, %dma_wait3A_31] : memref<10240x128xf32, #tpu.memory_space<vmem_shared>> -> memref<640x128xf32, #tpu.memory_space<vmem_shared>>
      %dma_wait3A_33 = arith.constant 0 : i32
      %dma_wait3A_34 = tpu.memref_slice %arg2[%mul3A_2, %dma_wait3A_33] : memref<20480x128xf32, #tpu.memory_space<hbm>> -> memref<640x128xf32, #tpu.memory_space<hbm>>
      tpu.wait_dma2 semaphore(%run_scoped3A : memref<!tpu.dma_semaphore, #tpu.memory_space<semaphore_mem>>) src(%dma_wait3A_34 : memref<640x128xf32, #tpu.memory_space<hbm>>) dst(%dma_wait3A_32 : memref<640x128xf32, #tpu.memory_space<vmem_shared>>)
      tpu.yield
    }) : () -> ()
    "tpu.region"() ({
      %run_scoped3A = tpu.sem_alloc : memref<!tpu.dma_semaphore, #tpu.memory_space<semaphore_mem>>
      %dma_start3A_27 = arith.constant 0 : i32
      %dma_start3A_28 = tpu.memref_slice %arg4[%add3A_7, %dma_start3A_27] : memref<2560x128xi32, #tpu.memory_space<hbm>> -> memref<80x128xi32, #tpu.memory_space<hbm>>
      %dma_start3A_29 = arith.constant 0 : i32
      %dma_start3A_30 = tpu.memref_slice %arg4[%add3A_7, %dma_start3A_29] : memref<2560x128xi32, #tpu.memory_space<hbm>> -> memref<80x128xi32, #tpu.memory_space<hbm>>
      tpu.enqueue_dma source(%dma_start3A_30 : memref<80x128xi32, #tpu.memory_space<hbm>>) target(%arg6 : memref<80x128xi32, #tpu.memory_space<vmem>>) target_semaphore(%run_scoped3A : memref<!tpu.dma_semaphore, #tpu.memory_space<semaphore_mem>>)
      %dma_wait3A_31 = arith.constant 0 : i32
      %dma_wait3A_32 = tpu.memref_slice %arg4[%add3A_7, %dma_wait3A_31] : memref<2560x128xi32, #tpu.memory_space<hbm>> -> memref<80x128xi32, #tpu.memory_space<hbm>>
      %dma_wait3A_33 = arith.constant 0 : i32
      %dma_wait3A_34 = tpu.memref_slice %arg4[%add3A_7, %dma_wait3A_33] : memref<2560x128xi32, #tpu.memory_space<hbm>> -> memref<80x128xi32, #tpu.memory_space<hbm>>
      tpu.wait_dma2 semaphore(%run_scoped3A : memref<!tpu.dma_semaphore, #tpu.memory_space<semaphore_mem>>) src(%dma_wait3A_34 : memref<80x128xi32, #tpu.memory_space<hbm>>) dst(%arg6 : memref<80x128xi32, #tpu.memory_space<vmem>>)
      tpu.yield
    }) : () -> ()
    %barrier3A = arith.constant 0 : index
    tpu.barrier barrier_id(%barrier3A)
    %dma_start3A = arith.constant 0 : i32
    %dma_start3A_10 = arith.constant 0 : i32
    %dma_start3A_11 = tpu.memref_slice %arg6[%dma_start3A, %dma_start3A_10] : memref<80x128xi32, #tpu.memory_space<vmem>> -> memref<1x128xi32, #tpu.memory_space<vmem>>
    %dma_start3A_12 = tpu.memref_squeeze %dma_start3A_11 : memref<1x128xi32, #tpu.memory_space<vmem>> -> memref<128xi32, #tpu.memory_space<vmem>>
    %dma_start3A_13 = arith.constant 0 : i32
    %dma_start3A_14 = arith.constant 0 : i32
    %dma_start3A_15 = tpu.memref_slice %arg11[%dma_start3A_13, %dma_start3A_14] : memref<10240x128xf32, #tpu.memory_space<vmem_shared>> -> memref<10240x128xf32, #tpu.memory_space<vmem_shared>>
    tpu.enqueue_indirect_dma source(%dma_start3A_15 : memref<10240x128xf32, #tpu.memory_space<vmem_shared>>) target(%arg7 : memref<128x128xf32, #tpu.memory_space<vmem>>) offsets(%dma_start3A_12 : memref<128xi32, #tpu.memory_space<vmem>>) semaphore(%arg12 : memref<!tpu.dma_semaphore, #tpu.memory_space<semaphore_mem>>)
    %scan3A = arith.constant 0 : i32
    %scan3A_16 = arith.constant 0 : i32
    %scan3A_17 = arith.constant 40 : i32
    %scan3A_18 = arith.addi %scan3A_16, %scan3A_17 : i32
    %scan3A_19 = arith.constant 1 : i32
    scf.for %scan3A_27 = %scan3A_16 to %scan3A_18 step %scan3A_19  : i32 {
      %mul3A_28 = arith.constant 2 : i32
      %mul3A_29 = arith.muli %mul3A_28, %scan3A_27 : i32
      %mul3A_30 = arith.constant 8 : i32
      %mul3A_31 = arith.muli %mul3A_29, %mul3A_30 : i32
      %add3A_32 = arith.addi %mul3A_2, %mul3A_31 : i32
      %add3A_33 = arith.constant 1 : i32
      %add3A_34 = arith.addi %mul3A_29, %add3A_33 : i32
      %dma_start3A_35 = arith.constant 0 : i32
      %dma_start3A_36 = tpu.memref_slice %arg6[%add3A_34, %dma_start3A_35] : memref<80x128xi32, #tpu.memory_space<vmem>> -> memref<1x128xi32, #tpu.memory_space<vmem>>
      %dma_start3A_37 = tpu.memref_squeeze %dma_start3A_36 : memref<1x128xi32, #tpu.memory_space<vmem>> -> memref<128xi32, #tpu.memory_space<vmem>>
      %dma_start3A_38 = arith.constant 0 : i32
      %dma_start3A_39 = arith.constant 0 : i32
      %dma_start3A_40 = tpu.memref_slice %arg11[%dma_start3A_38, %dma_start3A_39] : memref<10240x128xf32, #tpu.memory_space<vmem_shared>> -> memref<10240x128xf32, #tpu.memory_space<vmem_shared>>
      tpu.enqueue_indirect_dma source(%dma_start3A_40 : memref<10240x128xf32, #tpu.memory_space<vmem_shared>>) target(%arg8 : memref<128x128xf32, #tpu.memory_space<vmem>>) offsets(%dma_start3A_37 : memref<128xi32, #tpu.memory_space<vmem>>) semaphore(%arg13 : memref<!tpu.dma_semaphore, #tpu.memory_space<semaphore_mem>>)
      "tpu.region"() ({
        %run_scoped3A = tpu.sem_alloc : memref<!tpu.dma_semaphore, #tpu.memory_space<semaphore_mem>>
        %dma_start3A_80 = arith.constant 0 : i32
        %dma_start3A_81 = tpu.memref_slice %arg3[%add3A_32, %dma_start3A_80] : memref<20480x128xf32, #tpu.memory_space<hbm>> -> memref<8x128xf32, #tpu.memory_space<hbm>>
        %dma_start3A_82 = arith.constant 0 : i32
        %dma_start3A_83 = tpu.memref_slice %arg3[%add3A_32, %dma_start3A_82] : memref<20480x128xf32, #tpu.memory_space<hbm>> -> memref<8x128xf32, #tpu.memory_space<hbm>>
        tpu.enqueue_dma source(%dma_start3A_83 : memref<8x128xf32, #tpu.memory_space<hbm>>) target(%arg9 : memref<8x128xf32, #tpu.memory_space<vmem>>) target_semaphore(%run_scoped3A : memref<!tpu.dma_semaphore, #tpu.memory_space<semaphore_mem>>)
        %dma_wait3A_84 = arith.constant 0 : i32
        %dma_wait3A_85 = tpu.memref_slice %arg3[%add3A_32, %dma_wait3A_84] : memref<20480x128xf32, #tpu.memory_space<hbm>> -> memref<8x128xf32, #tpu.memory_space<hbm>>
        %dma_wait3A_86 = arith.constant 0 : i32
        %dma_wait3A_87 = tpu.memref_slice %arg3[%add3A_32, %dma_wait3A_86] : memref<20480x128xf32, #tpu.memory_space<hbm>> -> memref<8x128xf32, #tpu.memory_space<hbm>>
        tpu.wait_dma2 semaphore(%run_scoped3A : memref<!tpu.dma_semaphore, #tpu.memory_space<semaphore_mem>>) src(%dma_wait3A_87 : memref<8x128xf32, #tpu.memory_space<hbm>>) dst(%arg9 : memref<8x128xf32, #tpu.memory_space<vmem>>)
        tpu.yield
      }) : () -> ()
      %dma_wait3A_41 = arith.constant 0 : i32
      %dma_wait3A_42 = tpu.memref_slice %arg6[%mul3A_29, %dma_wait3A_41] : memref<80x128xi32, #tpu.memory_space<vmem>> -> memref<1x128xi32, #tpu.memory_space<vmem>>
      %dma_wait3A_43 = tpu.memref_squeeze %dma_wait3A_42 : memref<1x128xi32, #tpu.memory_space<vmem>> -> memref<128xi32, #tpu.memory_space<vmem>>
      %dma_wait3A_44 = arith.constant 0 : i32
      %dma_wait3A_45 = arith.constant 0 : i32
      %dma_wait3A_46 = tpu.memref_slice %arg11[%dma_wait3A_44, %dma_wait3A_45] : memref<10240x128xf32, #tpu.memory_space<vmem_shared>> -> memref<10240x128xf32, #tpu.memory_space<vmem_shared>>
      tpu.wait_indirect_dma semaphore(%arg12 : memref<!tpu.dma_semaphore, #tpu.memory_space<semaphore_mem>>) src(%dma_wait3A_46 : memref<10240x128xf32, #tpu.memory_space<vmem_shared>>) dst(%arg7 : memref<128x128xf32, #tpu.memory_space<vmem>>)
      %scan3A_47 = arith.constant 0 : i32
      %scan3A_48 = arith.constant 0 : i32
      %scan3A_49 = arith.constant 8 : i32
      %scan3A_50 = arith.addi %scan3A_48, %scan3A_49 : i32
      %scan3A_51 = arith.constant 1 : i32
      scf.for %scan3A_80 = %scan3A_48 to %scan3A_50 step %scan3A_51  : i32 {
        %get3A = arith.index_cast %scan3A_80 : i32 to index
        %get3A_81 = arith.constant 0 : index
        %get3A_82 = tpu.vector_load %arg9[%get3A, %get3A_81] {strides = array<i32>} : memref<8x128xf32, #tpu.memory_space<vmem>>, vector<1x16xf32>,
        %get3A_83 = vector.shape_cast %get3A_82 : vector<1x16xf32> to vector<16xf32>
        %neg3A = arith.constant 0.000000e+00 : f32
        %neg3A_84 = vector.broadcast %neg3A : f32 to vector<16xf32>
        %neg3A_85 = arith.subf %neg3A_84, %get3A_83 : vector<16xf32>
        %mul3A_86 = arith.constant 16 : i32
        %mul3A_87 = arith.muli %scan3A_80, %mul3A_86 : i32
        %get3A_88 = arith.index_cast %mul3A_87 : i32 to index
        %get3A_89 = arith.constant 0 : index
        %get3A_90 = tpu.vector_load %arg7[%get3A_88, %get3A_89] {strides = array<i32>} : memref<128x128xf32, #tpu.memory_space<vmem>>, vector<1x16xf32>,
        %get3A_91 = vector.shape_cast %get3A_90 : vector<1x16xf32> to vector<16xf32>
        %max3A = arith.maximumf %get3A_91, %neg3A_85 : vector<16xf32>
        %mul3A_92 = arith.constant 16 : i32
        %mul3A_93 = arith.muli %scan3A_80, %mul3A_92 : i32
        %add3A_94 = arith.constant 1 : i32
        %add3A_95 = arith.addi %mul3A_93, %add3A_94 : i32
        %get3A_96 = arith.index_cast %add3A_95 : i32 to index
        %get3A_97 = arith.constant 0 : index
        %get3A_98 = tpu.vector_load %arg7[%get3A_96, %get3A_97] {strides = array<i32>} : memref<128x128xf32, #tpu.memory_space<vmem>>, vector<1x16xf32>,
        %get3A_99 = vector.shape_cast %get3A_98 : vector<1x16xf32> to vector<16xf32>
        %max3A_100 = arith.maximumf %get3A_99, %neg3A_85 : vector<16xf32>
        %add3A_101 = arith.addf %max3A, %max3A_100 : vector<16xf32>
        %mul3A_102 = arith.constant 16 : i32
        %mul3A_103 = arith.muli %scan3A_80, %mul3A_102 : i32
        %add3A_104 = arith.constant 2 : i32
        %add3A_105 = arith.addi %mul3A_103, %add3A_104 : i32
        %get3A_106 = arith.index_cast %add3A_105 : i32 to index
        %get3A_107 = arith.constant 0 : index
        %get3A_108 = tpu.vector_load %arg7[%get3A_106, %get3A_107] {strides = array<i32>} : memref<128x128xf32, #tpu.memory_space<vmem>>, vector<1x16xf32>,
        %get3A_109 = vector.shape_cast %get3A_108 : vector<1x16xf32> to vector<16xf32>
        %max3A_110 = arith.maximumf %get3A_109, %neg3A_85 : vector<16xf32>
        %add3A_111 = arith.addf %add3A_101, %max3A_110 : vector<16xf32>
        %mul3A_112 = arith.constant 16 : i32
        %mul3A_113 = arith.muli %scan3A_80, %mul3A_112 : i32
        %add3A_114 = arith.constant 3 : i32
        %add3A_115 = arith.addi %mul3A_113, %add3A_114 : i32
        %get3A_116 = arith.index_cast %add3A_115 : i32 to index
        %get3A_117 = arith.constant 0 : index
        %get3A_118 = tpu.vector_load %arg7[%get3A_116, %get3A_117] {strides = array<i32>} : memref<128x128xf32, #tpu.memory_space<vmem>>, vector<1x16xf32>,
        %get3A_119 = vector.shape_cast %get3A_118 : vector<1x16xf32> to vector<16xf32>
        %max3A_120 = arith.maximumf %get3A_119, %neg3A_85 : vector<16xf32>
        %add3A_121 = arith.addf %add3A_111, %max3A_120 : vector<16xf32>
        %mul3A_122 = arith.constant 16 : i32
        %mul3A_123 = arith.muli %scan3A_80, %mul3A_122 : i32
        %add3A_124 = arith.constant 4 : i32
        %add3A_125 = arith.addi %mul3A_123, %add3A_124 : i32
        %get3A_126 = arith.index_cast %add3A_125 : i32 to index
        %get3A_127 = arith.constant 0 : index
        %get3A_128 = tpu.vector_load %arg7[%get3A_126, %get3A_127] {strides = array<i32>} : memref<128x128xf32, #tpu.memory_space<vmem>>, vector<1x16xf32>,
        %get3A_129 = vector.shape_cast %get3A_128 : vector<1x16xf32> to vector<16xf32>
        %max3A_130 = arith.maximumf %get3A_129, %neg3A_85 : vector<16xf32>
        %add3A_131 = arith.addf %add3A_121, %max3A_130 : vector<16xf32>
        %mul3A_132 = arith.constant 16 : i32
        %mul3A_133 = arith.muli %scan3A_80, %mul3A_132 : i32
        %add3A_134 = arith.constant 5 : i32
        %add3A_135 = arith.addi %mul3A_133, %add3A_134 : i32
        %get3A_136 = arith.index_cast %add3A_135 : i32 to index
        %get3A_137 = arith.constant 0 : index
        %get3A_138 = tpu.vector_load %arg7[%get3A_136, %get3A_137] {strides = array<i32>} : memref<128x128xf32, #tpu.memory_space<vmem>>, vector<1x16xf32>,
        %get3A_139 = vector.shape_cast %get3A_138 : vector<1x16xf32> to vector<16xf32>
        %max3A_140 = arith.maximumf %get3A_139, %neg3A_85 : vector<16xf32>
        %add3A_141 = arith.addf %add3A_131, %max3A_140 : vector<16xf32>
        %mul3A_142 = arith.constant 16 : i32
        %mul3A_143 = arith.muli %scan3A_80, %mul3A_142 : i32
        %add3A_144 = arith.constant 6 : i32
        %add3A_145 = arith.addi %mul3A_143, %add3A_144 : i32
        %get3A_146 = arith.index_cast %add3A_145 : i32 to index
        %get3A_147 = arith.constant 0 : index
        %get3A_148 = tpu.vector_load %arg7[%get3A_146, %get3A_147] {strides = array<i32>} : memref<128x128xf32, #tpu.memory_space<vmem>>, vector<1x16xf32>,
        %get3A_149 = vector.shape_cast %get3A_148 : vector<1x16xf32> to vector<16xf32>
        %max3A_150 = arith.maximumf %get3A_149, %neg3A_85 : vector<16xf32>
        %add3A_151 = arith.addf %add3A_141, %max3A_150 : vector<16xf32>
        %mul3A_152 = arith.constant 16 : i32
        %mul3A_153 = arith.muli %scan3A_80, %mul3A_152 : i32
        %add3A_154 = arith.constant 7 : i32
        %add3A_155 = arith.addi %mul3A_153, %add3A_154 : i32
        %get3A_156 = arith.index_cast %add3A_155 : i32 to index
        %get3A_157 = arith.constant 0 : index
        %get3A_158 = tpu.vector_load %arg7[%get3A_156, %get3A_157] {strides = array<i32>} : memref<128x128xf32, #tpu.memory_space<vmem>>, vector<1x16xf32>,
        %get3A_159 = vector.shape_cast %get3A_158 : vector<1x16xf32> to vector<16xf32>
        %max3A_160 = arith.maximumf %get3A_159, %neg3A_85 : vector<16xf32>
        %add3A_161 = arith.addf %add3A_151, %max3A_160 : vector<16xf32>
        %mul3A_162 = arith.constant 16 : i32
        %mul3A_163 = arith.muli %scan3A_80, %mul3A_162 : i32
        %add3A_164 = arith.constant 8 : i32
        %add3A_165 = arith.addi %mul3A_163, %add3A_164 : i32
        %get3A_166 = arith.index_cast %add3A_165 : i32 to index
        %get3A_167 = arith.constant 0 : index
        %get3A_168 = tpu.vector_load %arg7[%get3A_166, %get3A_167] {strides = array<i32>} : memref<128x128xf32, #tpu.memory_space<vmem>>, vector<1x16xf32>,
        %get3A_169 = vector.shape_cast %get3A_168 : vector<1x16xf32> to vector<16xf32>
        %max3A_170 = arith.maximumf %get3A_169, %neg3A_85 : vector<16xf32>
        %add3A_171 = arith.addf %add3A_161, %max3A_170 : vector<16xf32>
        %mul3A_172 = arith.constant 16 : i32
        %mul3A_173 = arith.muli %scan3A_80, %mul3A_172 : i32
        %add3A_174 = arith.constant 9 : i32
        %add3A_175 = arith.addi %mul3A_173, %add3A_174 : i32
        %get3A_176 = arith.index_cast %add3A_175 : i32 to index
        %get3A_177 = arith.constant 0 : index
        %get3A_178 = tpu.vector_load %arg7[%get3A_176, %get3A_177] {strides = array<i32>} : memref<128x128xf32, #tpu.memory_space<vmem>>, vector<1x16xf32>,
        %get3A_179 = vector.shape_cast %get3A_178 : vector<1x16xf32> to vector<16xf32>
        %max3A_180 = arith.maximumf %get3A_179, %neg3A_85 : vector<16xf32>
        %add3A_181 = arith.addf %add3A_171, %max3A_180 : vector<16xf32>
        %mul3A_182 = arith.constant 16 : i32
        %mul3A_183 = arith.muli %scan3A_80, %mul3A_182 : i32
        %add3A_184 = arith.constant 10 : i32
        %add3A_185 = arith.addi %mul3A_183, %add3A_184 : i32
        %get3A_186 = arith.index_cast %add3A_185 : i32 to index
        %get3A_187 = arith.constant 0 : index
        %get3A_188 = tpu.vector_load %arg7[%get3A_186, %get3A_187] {strides = array<i32>} : memref<128x128xf32, #tpu.memory_space<vmem>>, vector<1x16xf32>,
        %get3A_189 = vector.shape_cast %get3A_188 : vector<1x16xf32> to vector<16xf32>
        %max3A_190 = arith.maximumf %get3A_189, %neg3A_85 : vector<16xf32>
        %add3A_191 = arith.addf %add3A_181, %max3A_190 : vector<16xf32>
        %mul3A_192 = arith.constant 16 : i32
        %mul3A_193 = arith.muli %scan3A_80, %mul3A_192 : i32
        %add3A_194 = arith.constant 11 : i32
        %add3A_195 = arith.addi %mul3A_193, %add3A_194 : i32
        %get3A_196 = arith.index_cast %add3A_195 : i32 to index
        %get3A_197 = arith.constant 0 : index
        %get3A_198 = tpu.vector_load %arg7[%get3A_196, %get3A_197] {strides = array<i32>} : memref<128x128xf32, #tpu.memory_space<vmem>>, vector<1x16xf32>,
        %get3A_199 = vector.shape_cast %get3A_198 : vector<1x16xf32> to vector<16xf32>
        %max3A_200 = arith.maximumf %get3A_199, %neg3A_85 : vector<16xf32>
        %add3A_201 = arith.addf %add3A_191, %max3A_200 : vector<16xf32>
        %mul3A_202 = arith.constant 16 : i32
        %mul3A_203 = arith.muli %scan3A_80, %mul3A_202 : i32
        %add3A_204 = arith.constant 12 : i32
        %add3A_205 = arith.addi %mul3A_203, %add3A_204 : i32
        %get3A_206 = arith.index_cast %add3A_205 : i32 to index
        %get3A_207 = arith.constant 0 : index
        %get3A_208 = tpu.vector_load %arg7[%get3A_206, %get3A_207] {strides = array<i32>} : memref<128x128xf32, #tpu.memory_space<vmem>>, vector<1x16xf32>,
        %get3A_209 = vector.shape_cast %get3A_208 : vector<1x16xf32> to vector<16xf32>
        %max3A_210 = arith.maximumf %get3A_209, %neg3A_85 : vector<16xf32>
        %add3A_211 = arith.addf %add3A_201, %max3A_210 : vector<16xf32>
        %mul3A_212 = arith.constant 16 : i32
        %mul3A_213 = arith.muli %scan3A_80, %mul3A_212 : i32
        %add3A_214 = arith.constant 13 : i32
        %add3A_215 = arith.addi %mul3A_213, %add3A_214 : i32
        %get3A_216 = arith.index_cast %add3A_215 : i32 to index
        %get3A_217 = arith.constant 0 : index
        %get3A_218 = tpu.vector_load %arg7[%get3A_216, %get3A_217] {strides = array<i32>} : memref<128x128xf32, #tpu.memory_space<vmem>>, vector<1x16xf32>,
        %get3A_219 = vector.shape_cast %get3A_218 : vector<1x16xf32> to vector<16xf32>
        %max3A_220 = arith.maximumf %get3A_219, %neg3A_85 : vector<16xf32>
        %add3A_221 = arith.addf %add3A_211, %max3A_220 : vector<16xf32>
        %mul3A_222 = arith.constant 16 : i32
        %mul3A_223 = arith.muli %scan3A_80, %mul3A_222 : i32
        %add3A_224 = arith.constant 14 : i32
        %add3A_225 = arith.addi %mul3A_223, %add3A_224 : i32
        %get3A_226 = arith.index_cast %add3A_225 : i32 to index
        %get3A_227 = arith.constant 0 : index
        %get3A_228 = tpu.vector_load %arg7[%get3A_226, %get3A_227] {strides = array<i32>} : memref<128x128xf32, #tpu.memory_space<vmem>>, vector<1x16xf32>,
        %get3A_229 = vector.shape_cast %get3A_228 : vector<1x16xf32> to vector<16xf32>
        %max3A_230 = arith.maximumf %get3A_229, %neg3A_85 : vector<16xf32>
        %add3A_231 = arith.addf %add3A_221, %max3A_230 : vector<16xf32>
        %mul3A_232 = arith.constant 16 : i32
        %mul3A_233 = arith.muli %scan3A_80, %mul3A_232 : i32
        %add3A_234 = arith.constant 15 : i32
        %add3A_235 = arith.addi %mul3A_233, %add3A_234 : i32
        %get3A_236 = arith.index_cast %add3A_235 : i32 to index
        %get3A_237 = arith.constant 0 : index
        %get3A_238 = tpu.vector_load %arg7[%get3A_236, %get3A_237] {strides = array<i32>} : memref<128x128xf32, #tpu.memory_space<vmem>>, vector<1x16xf32>,
        %get3A_239 = vector.shape_cast %get3A_238 : vector<1x16xf32> to vector<16xf32>
        %max3A_240 = arith.maximumf %get3A_239, %neg3A_85 : vector<16xf32>
        %add3A_241 = arith.addf %add3A_231, %max3A_240 : vector<16xf32>
        %mul3A_242 = arith.constant 6.250000e-02 : f32
        %mul3A_243 = vector.broadcast %mul3A_242 : f32 to vector<16xf32>
        %mul3A_244 = arith.mulf %add3A_241, %mul3A_243 : vector<16xf32>
        %add3A_245 = arith.addf %mul3A_244, %get3A_83 : vector<16xf32>
        %swap3A = arith.index_cast %scan3A_80 : i32 to index
        %swap3A_246 = arith.constant 0 : index
        %swap3A_247 = tpu.vector_load %arg10[%swap3A, %swap3A_246] {strides = array<i32>} : memref<8x128xf32, #tpu.memory_space<vmem>>, vector<1x16xf32>,
        %swap3A_248 = vector.shape_cast %swap3A_247 : vector<1x16xf32> to vector<16xf32>
        %swap3A_249 = vector.shape_cast %add3A_245 : vector<16xf32> to vector<1x16xf32>
        tpu.vector_store %arg10[%swap3A, %swap3A_246], %swap3A_249 {strides = array<i32>} : memref<8x128xf32, #tpu.memory_space<vmem>>, vector<1x16xf32>,
        %get3A_250 = arith.index_cast %scan3A_80 : i32 to index
        %get3A_251 = arith.constant 16 : index
        %get3A_252 = tpu.vector_load %arg9[%get3A_250, %get3A_251] {strides = array<i32>} : memref<8x128xf32, #tpu.memory_space<vmem>>, vector<1x16xf32>,
        %get3A_253 = vector.shape_cast %get3A_252 : vector<1x16xf32> to vector<16xf32>
        %neg3A_254 = arith.constant 0.000000e+00 : f32
        %neg3A_255 = vector.broadcast %neg3A_254 : f32 to vector<16xf32>
        %neg3A_256 = arith.subf %neg3A_255, %get3A_253 : vector<16xf32>
        %mul3A_257 = arith.constant 16 : i32
        %mul3A_258 = arith.muli %scan3A_80, %mul3A_257 : i32
        %get3A_259 = arith.index_cast %mul3A_258 : i32 to index
        %get3A_260 = arith.constant 16 : index
        %get3A_261 = tpu.vector_load %arg7[%get3A_259, %get3A_260] {strides = array<i32>} : memref<128x128xf32, #tpu.memory_space<vmem>>, vector<1x16xf32>,
        %get3A_262 = vector.shape_cast %get3A_261 : vector<1x16xf32> to vector<16xf32>
        %max3A_263 = arith.maximumf %get3A_262, %neg3A_256 : vector<16xf32>
        %mul3A_264 = arith.constant 16 : i32
        %mul3A_265 = arith.muli %scan3A_80, %mul3A_264 : i32
        %add3A_266 = arith.constant 1 : i32
        %add3A_267 = arith.addi %mul3A_265, %add3A_266 : i32
        %get3A_268 = arith.index_cast %add3A_267 : i32 to index
        %get3A_269 = arith.constant 16 : index
        %get3A_270 = tpu.vector_load %arg7[%get3A_268, %get3A_269] {strides = array<i32>} : memref<128x128xf32, #tpu.memory_space<vmem>>, vector<1x16xf32>,
        %get3A_271 = vector.shape_cast %get3A_270 : vector<1x16xf32> to vector<16xf32>
        %max3A_272 = arith.maximumf %get3A_271, %neg3A_256 : vector<16xf32>
        %add3A_273 = arith.addf %max3A_263, %max3A_272 : vector<16xf32>
        %mul3A_274 = arith.constant 16 : i32
        %mul3A_275 = arith.muli %scan3A_80, %mul3A_274 : i32
        %add3A_276 = arith.constant 2 : i32
        %add3A_277 = arith.addi %mul3A_275, %add3A_276 : i32
        %get3A_278 = arith.index_cast %add3A_277 : i32 to index
        %get3A_279 = arith.constant 16 : index
        %get3A_280 = tpu.vector_load %arg7[%get3A_278, %get3A_279] {strides = array<i32>} : memref<128x128xf32, #tpu.memory_space<vmem>>, vector<1x16xf32>,
        %get3A_281 = vector.shape_cast %get3A_280 : vector<1x16xf32> to vector<16xf32>
        %max3A_282 = arith.maximumf %get3A_281, %neg3A_256 : vector<16xf32>
        %add3A_283 = arith.addf %add3A_273, %max3A_282 : vector<16xf32>
        %mul3A_284 = arith.constant 16 : i32
        %mul3A_285 = arith.muli %scan3A_80, %mul3A_284 : i32
        %add3A_286 = arith.constant 3 : i32
        %add3A_287 = arith.addi %mul3A_285, %add3A_286 : i32
        %get3A_288 = arith.index_cast %add3A_287 : i32 to index
        %get3A_289 = arith.constant 16 : index
        %get3A_290 = tpu.vector_load %arg7[%get3A_288, %get3A_289] {strides = array<i32>} : memref<128x128xf32, #tpu.memory_space<vmem>>, vector<1x16xf32>,
        %get3A_291 = vector.shape_cast %get3A_290 : vector<1x16xf32> to vector<16xf32>
        %max3A_292 = arith.maximumf %get3A_291, %neg3A_256 : vector<16xf32>
        %add3A_293 = arith.addf %add3A_283, %max3A_292 : vector<16xf32>
        %mul3A_294 = arith.constant 16 : i32
        %mul3A_295 = arith.muli %scan3A_80, %mul3A_294 : i32
        %add3A_296 = arith.constant 4 : i32
        %add3A_297 = arith.addi %mul3A_295, %add3A_296 : i32
        %get3A_298 = arith.index_cast %add3A_297 : i32 to index
        %get3A_299 = arith.constant 16 : index
        %get3A_300 = tpu.vector_load %arg7[%get3A_298, %get3A_299] {strides = array<i32>} : memref<128x128xf32, #tpu.memory_space<vmem>>, vector<1x16xf32>,
        %get3A_301 = vector.shape_cast %get3A_300 : vector<1x16xf32> to vector<16xf32>
        %max3A_302 = arith.maximumf %get3A_301, %neg3A_256 : vector<16xf32>
        %add3A_303 = arith.addf %add3A_293, %max3A_302 : vector<16xf32>
        %mul3A_304 = arith.constant 16 : i32
        %mul3A_305 = arith.muli %scan3A_80, %mul3A_304 : i32
        %add3A_306 = arith.constant 5 : i32
        %add3A_307 = arith.addi %mul3A_305, %add3A_306 : i32
        %get3A_308 = arith.index_cast %add3A_307 : i32 to index
        %get3A_309 = arith.constant 16 : index
        %get3A_310 = tpu.vector_load %arg7[%get3A_308, %get3A_309] {strides = array<i32>} : memref<128x128xf32, #tpu.memory_space<vmem>>, vector<1x16xf32>,
        %get3A_311 = vector.shape_cast %get3A_310 : vector<1x16xf32> to vector<16xf32>
        %max3A_312 = arith.maximumf %get3A_311, %neg3A_256 : vector<16xf32>
        %add3A_313 = arith.addf %add3A_303, %max3A_312 : vector<16xf32>
        %mul3A_314 = arith.constant 16 : i32
        %mul3A_315 = arith.muli %scan3A_80, %mul3A_314 : i32
        %add3A_316 = arith.constant 6 : i32
        %add3A_317 = arith.addi %mul3A_315, %add3A_316 : i32
        %get3A_318 = arith.index_cast %add3A_317 : i32 to index
        %get3A_319 = arith.constant 16 : index
        %get3A_320 = tpu.vector_load %arg7[%get3A_318, %get3A_319] {strides = array<i32>} : memref<128x128xf32, #tpu.memory_space<vmem>>, vector<1x16xf32>,
        %get3A_321 = vector.shape_cast %get3A_320 : vector<1x16xf32> to vector<16xf32>
        %max3A_322 = arith.maximumf %get3A_321, %neg3A_256 : vector<16xf32>
        %add3A_323 = arith.addf %add3A_313, %max3A_322 : vector<16xf32>
        %mul3A_324 = arith.constant 16 : i32
        %mul3A_325 = arith.muli %scan3A_80, %mul3A_324 : i32
        %add3A_326 = arith.constant 7 : i32
        %add3A_327 = arith.addi %mul3A_325, %add3A_326 : i32
        %get3A_328 = arith.index_cast %add3A_327 : i32 to index
        %get3A_329 = arith.constant 16 : index
        %get3A_330 = tpu.vector_load %arg7[%get3A_328, %get3A_329] {strides = array<i32>} : memref<128x128xf32, #tpu.memory_space<vmem>>, vector<1x16xf32>,
        %get3A_331 = vector.shape_cast %get3A_330 : vector<1x16xf32> to vector<16xf32>
        %max3A_332 = arith.maximumf %get3A_331, %neg3A_256 : vector<16xf32>
        %add3A_333 = arith.addf %add3A_323, %max3A_332 : vector<16xf32>
        %mul3A_334 = arith.constant 16 : i32
        %mul3A_335 = arith.muli %scan3A_80, %mul3A_334 : i32
        %add3A_336 = arith.constant 8 : i32
        %add3A_337 = arith.addi %mul3A_335, %add3A_336 : i32
        %get3A_338 = arith.index_cast %add3A_337 : i32 to index
        %get3A_339 = arith.constant 16 : index
        %get3A_340 = tpu.vector_load %arg7[%get3A_338, %get3A_339] {strides = array<i32>} : memref<128x128xf32, #tpu.memory_space<vmem>>, vector<1x16xf32>,
        %get3A_341 = vector.shape_cast %get3A_340 : vector<1x16xf32> to vector<16xf32>
        %max3A_342 = arith.maximumf %get3A_341, %neg3A_256 : vector<16xf32>
        %add3A_343 = arith.addf %add3A_333, %max3A_342 : vector<16xf32>
        %mul3A_344 = arith.constant 16 : i32
        %mul3A_345 = arith.muli %scan3A_80, %mul3A_344 : i32
        %add3A_346 = arith.constant 9 : i32
        %add3A_347 = arith.addi %mul3A_345, %add3A_346 : i32
        %get3A_348 = arith.index_cast %add3A_347 : i32 to index
        %get3A_349 = arith.constant 16 : index
        %get3A_350 = tpu.vector_load %arg7[%get3A_348, %get3A_349] {strides = array<i32>} : memref<128x128xf32, #tpu.memory_space<vmem>>, vector<1x16xf32>,
        %get3A_351 = vector.shape_cast %get3A_350 : vector<1x16xf32> to vector<16xf32>
        %max3A_352 = arith.maximumf %get3A_351, %neg3A_256 : vector<16xf32>
        %add3A_353 = arith.addf %add3A_343, %max3A_352 : vector<16xf32>
        %mul3A_354 = arith.constant 16 : i32
        %mul3A_355 = arith.muli %scan3A_80, %mul3A_354 : i32
        %add3A_356 = arith.constant 10 : i32
        %add3A_357 = arith.addi %mul3A_355, %add3A_356 : i32
        %get3A_358 = arith.index_cast %add3A_357 : i32 to index
        %get3A_359 = arith.constant 16 : index
        %get3A_360 = tpu.vector_load %arg7[%get3A_358, %get3A_359] {strides = array<i32>} : memref<128x128xf32, #tpu.memory_space<vmem>>, vector<1x16xf32>,
        %get3A_361 = vector.shape_cast %get3A_360 : vector<1x16xf32> to vector<16xf32>
        %max3A_362 = arith.maximumf %get3A_361, %neg3A_256 : vector<16xf32>
        %add3A_363 = arith.addf %add3A_353, %max3A_362 : vector<16xf32>
        %mul3A_364 = arith.constant 16 : i32
        %mul3A_365 = arith.muli %scan3A_80, %mul3A_364 : i32
        %add3A_366 = arith.constant 11 : i32
        %add3A_367 = arith.addi %mul3A_365, %add3A_366 : i32
        %get3A_368 = arith.index_cast %add3A_367 : i32 to index
        %get3A_369 = arith.constant 16 : index
        %get3A_370 = tpu.vector_load %arg7[%get3A_368, %get3A_369] {strides = array<i32>} : memref<128x128xf32, #tpu.memory_space<vmem>>, vector<1x16xf32>,
        %get3A_371 = vector.shape_cast %get3A_370 : vector<1x16xf32> to vector<16xf32>
        %max3A_372 = arith.maximumf %get3A_371, %neg3A_256 : vector<16xf32>
        %add3A_373 = arith.addf %add3A_363, %max3A_372 : vector<16xf32>
        %mul3A_374 = arith.constant 16 : i32
        %mul3A_375 = arith.muli %scan3A_80, %mul3A_374 : i32
        %add3A_376 = arith.constant 12 : i32
        %add3A_377 = arith.addi %mul3A_375, %add3A_376 : i32
        %get3A_378 = arith.index_cast %add3A_377 : i32 to index
        %get3A_379 = arith.constant 16 : index
        %get3A_380 = tpu.vector_load %arg7[%get3A_378, %get3A_379] {strides = array<i32>} : memref<128x128xf32, #tpu.memory_space<vmem>>, vector<1x16xf32>,
        %get3A_381 = vector.shape_cast %get3A_380 : vector<1x16xf32> to vector<16xf32>
        %max3A_382 = arith.maximumf %get3A_381, %neg3A_256 : vector<16xf32>
        %add3A_383 = arith.addf %add3A_373, %max3A_382 : vector<16xf32>
        %mul3A_384 = arith.constant 16 : i32
        %mul3A_385 = arith.muli %scan3A_80, %mul3A_384 : i32
        %add3A_386 = arith.constant 13 : i32
        %add3A_387 = arith.addi %mul3A_385, %add3A_386 : i32
        %get3A_388 = arith.index_cast %add3A_387 : i32 to index
        %get3A_389 = arith.constant 16 : index
        %get3A_390 = tpu.vector_load %arg7[%get3A_388, %get3A_389] {strides = array<i32>} : memref<128x128xf32, #tpu.memory_space<vmem>>, vector<1x16xf32>,
        %get3A_391 = vector.shape_cast %get3A_390 : vector<1x16xf32> to vector<16xf32>
        %max3A_392 = arith.maximumf %get3A_391, %neg3A_256 : vector<16xf32>
        %add3A_393 = arith.addf %add3A_383, %max3A_392 : vector<16xf32>
        %mul3A_394 = arith.constant 16 : i32
        %mul3A_395 = arith.muli %scan3A_80, %mul3A_394 : i32
        %add3A_396 = arith.constant 14 : i32
        %add3A_397 = arith.addi %mul3A_395, %add3A_396 : i32
        %get3A_398 = arith.index_cast %add3A_397 : i32 to index
        %get3A_399 = arith.constant 16 : index
        %get3A_400 = tpu.vector_load %arg7[%get3A_398, %get3A_399] {strides = array<i32>} : memref<128x128xf32, #tpu.memory_space<vmem>>, vector<1x16xf32>,
        %get3A_401 = vector.shape_cast %get3A_400 : vector<1x16xf32> to vector<16xf32>
        %max3A_402 = arith.maximumf %get3A_401, %neg3A_256 : vector<16xf32>
        %add3A_403 = arith.addf %add3A_393, %max3A_402 : vector<16xf32>
        %mul3A_404 = arith.constant 16 : i32
        %mul3A_405 = arith.muli %scan3A_80, %mul3A_404 : i32
        %add3A_406 = arith.constant 15 : i32
        %add3A_407 = arith.addi %mul3A_405, %add3A_406 : i32
        %get3A_408 = arith.index_cast %add3A_407 : i32 to index
        %get3A_409 = arith.constant 16 : index
        %get3A_410 = tpu.vector_load %arg7[%get3A_408, %get3A_409] {strides = array<i32>} : memref<128x128xf32, #tpu.memory_space<vmem>>, vector<1x16xf32>,
        %get3A_411 = vector.shape_cast %get3A_410 : vector<1x16xf32> to vector<16xf32>
        %max3A_412 = arith.maximumf %get3A_411, %neg3A_256 : vector<16xf32>
        %add3A_413 = arith.addf %add3A_403, %max3A_412 : vector<16xf32>
        %mul3A_414 = arith.constant 6.250000e-02 : f32
        %mul3A_415 = vector.broadcast %mul3A_414 : f32 to vector<16xf32>
        %mul3A_416 = arith.mulf %add3A_413, %mul3A_415 : vector<16xf32>
        %add3A_417 = arith.addf %mul3A_416, %get3A_253 : vector<16xf32>
        %swap3A_418 = arith.index_cast %scan3A_80 : i32 to index
        %swap3A_419 = arith.constant 16 : index
        %swap3A_420 = tpu.vector_load %arg10[%swap3A_418, %swap3A_419] {strides = array<i32>} : memref<8x128xf32, #tpu.memory_space<vmem>>, vector<1x16xf32>,
        %swap3A_421 = vector.shape_cast %swap3A_420 : vector<1x16xf32> to vector<16xf32>
        %swap3A_422 = vector.shape_cast %add3A_417 : vector<16xf32> to vector<1x16xf32>
        tpu.vector_store %arg10[%swap3A_418, %swap3A_419], %swap3A_422 {strides = array<i32>} : memref<8x128xf32, #tpu.memory_space<vmem>>, vector<1x16xf32>,
        %get3A_423 = arith.index_cast %scan3A_80 : i32 to index
        %get3A_424 = arith.constant 32 : index
        %get3A_425 = tpu.vector_load %arg9[%get3A_423, %get3A_424] {strides = array<i32>} : memref<8x128xf32, #tpu.memory_space<vmem>>, vector<1x16xf32>,
        %get3A_426 = vector.shape_cast %get3A_425 : vector<1x16xf32> to vector<16xf32>
        %neg3A_427 = arith.constant 0.000000e+00 : f32
        %neg3A_428 = vector.broadcast %neg3A_427 : f32 to vector<16xf32>
        %neg3A_429 = arith.subf %neg3A_428, %get3A_426 : vector<16xf32>
        %mul3A_430 = arith.constant 16 : i32
        %mul3A_431 = arith.muli %scan3A_80, %mul3A_430 : i32
        %get3A_432 = arith.index_cast %mul3A_431 : i32 to index
        %get3A_433 = arith.constant 32 : index
        %get3A_434 = tpu.vector_load %arg7[%get3A_432, %get3A_433] {strides = array<i32>} : memref<128x128xf32, #tpu.memory_space<vmem>>, vector<1x16xf32>,
        %get3A_435 = vector.shape_cast %get3A_434 : vector<1x16xf32> to vector<16xf32>
        %max3A_436 = arith.maximumf %get3A_435, %neg3A_429 : vector<16xf32>
        %mul3A_437 = arith.constant 16 : i32
        %mul3A_438 = arith.muli %scan3A_80, %mul3A_437 : i32
        %add3A_439 = arith.constant 1 : i32
        %add3A_440 = arith.addi %mul3A_438, %add3A_439 : i32
        %get3A_441 = arith.index_cast %add3A_440 : i32 to index
        %get3A_442 = arith.constant 32 : index
        %get3A_443 = tpu.vector_load %arg7[%get3A_441, %get3A_442] {strides = array<i32>} : memref<128x128xf32, #tpu.memory_space<vmem>>, vector<1x16xf32>,
        %get3A_444 = vector.shape_cast %get3A_443 : vector<1x16xf32> to vector<16xf32>
        %max3A_445 = arith.maximumf %get3A_444, %neg3A_429 : vector<16xf32>
        %add3A_446 = arith.addf %max3A_436, %max3A_445 : vector<16xf32>
        %mul3A_447 = arith.constant 16 : i32
        %mul3A_448 = arith.muli %scan3A_80, %mul3A_447 : i32
        %add3A_449 = arith.constant 2 : i32
        %add3A_450 = arith.addi %mul3A_448, %add3A_449 : i32
        %get3A_451 = arith.index_cast %add3A_450 : i32 to index
        %get3A_452 = arith.constant 32 : index
        %get3A_453 = tpu.vector_load %arg7[%get3A_451, %get3A_452] {strides = array<i32>} : memref<128x128xf32, #tpu.memory_space<vmem>>, vector<1x16xf32>,
        %get3A_454 = vector.shape_cast %get3A_453 : vector<1x16xf32> to vector<16xf32>
        %max3A_455 = arith.maximumf %get3A_454, %neg3A_429 : vector<16xf32>
        %add3A_456 = arith.addf %add3A_446, %max3A_455 : vector<16xf32>
        %mul3A_457 = arith.constant 16 : i32
        %mul3A_458 = arith.muli %scan3A_80, %mul3A_457 : i32
        %add3A_459 = arith.constant 3 : i32
        %add3A_460 = arith.addi %mul3A_458, %add3A_459 : i32
        %get3A_461 = arith.index_cast %add3A_460 : i32 to index
        %get3A_462 = arith.constant 32 : index
        %get3A_463 = tpu.vector_load %arg7[%get3A_461, %get3A_462] {strides = array<i32>} : memref<128x128xf32, #tpu.memory_space<vmem>>, vector<1x16xf32>,
        %get3A_464 = vector.shape_cast %get3A_463 : vector<1x16xf32> to vector<16xf32>
        %max3A_465 = arith.maximumf %get3A_464, %neg3A_429 : vector<16xf32>
        %add3A_466 = arith.addf %add3A_456, %max3A_465 : vector<16xf32>
        %mul3A_467 = arith.constant 16 : i32
        %mul3A_468 = arith.muli %scan3A_80, %mul3A_467 : i32
        %add3A_469 = arith.constant 4 : i32
        %add3A_470 = arith.addi %mul3A_468, %add3A_469 : i32
        %get3A_471 = arith.index_cast %add3A_470 : i32 to index
        %get3A_472 = arith.constant 32 : index
        %get3A_473 = tpu.vector_load %arg7[%get3A_471, %get3A_472] {strides = array<i32>} : memref<128x128xf32, #tpu.memory_space<vmem>>, vector<1x16xf32>,
        %get3A_474 = vector.shape_cast %get3A_473 : vector<1x16xf32> to vector<16xf32>
        %max3A_475 = arith.maximumf %get3A_474, %neg3A_429 : vector<16xf32>
        %add3A_476 = arith.addf %add3A_466, %max3A_475 : vector<16xf32>
        %mul3A_477 = arith.constant 16 : i32
        %mul3A_478 = arith.muli %scan3A_80, %mul3A_477 : i32
        %add3A_479 = arith.constant 5 : i32
        %add3A_480 = arith.addi %mul3A_478, %add3A_479 : i32
        %get3A_481 = arith.index_cast %add3A_480 : i32 to index
        %get3A_482 = arith.constant 32 : index
        %get3A_483 = tpu.vector_load %arg7[%get3A_481, %get3A_482] {strides = array<i32>} : memref<128x128xf32, #tpu.memory_space<vmem>>, vector<1x16xf32>,
        %get3A_484 = vector.shape_cast %get3A_483 : vector<1x16xf32> to vector<16xf32>
        %max3A_485 = arith.maximumf %get3A_484, %neg3A_429 : vector<16xf32>
        %add3A_486 = arith.addf %add3A_476, %max3A_485 : vector<16xf32>
        %mul3A_487 = arith.constant 16 : i32
        %mul3A_488 = arith.muli %scan3A_80, %mul3A_487 : i32
        %add3A_489 = arith.constant 6 : i32
        %add3A_490 = arith.addi %mul3A_488, %add3A_489 : i32
        %get3A_491 = arith.index_cast %add3A_490 : i32 to index
        %get3A_492 = arith.constant 32 : index
        %get3A_493 = tpu.vector_load %arg7[%get3A_491, %get3A_492] {strides = array<i32>} : memref<128x128xf32, #tpu.memory_space<vmem>>, vector<1x16xf32>,
        %get3A_494 = vector.shape_cast %get3A_493 : vector<1x16xf32> to vector<16xf32>
        %max3A_495 = arith.maximumf %get3A_494, %neg3A_429 : vector<16xf32>
        %add3A_496 = arith.addf %add3A_486, %max3A_495 : vector<16xf32>
        %mul3A_497 = arith.constant 16 : i32
        %mul3A_498 = arith.muli %scan3A_80, %mul3A_497 : i32
        %add3A_499 = arith.constant 7 : i32
        %add3A_500 = arith.addi %mul3A_498, %add3A_499 : i32
        %get3A_501 = arith.index_cast %add3A_500 : i32 to index
        %get3A_502 = arith.constant 32 : index
        %get3A_503 = tpu.vector_load %arg7[%get3A_501, %get3A_502] {strides = array<i32>} : memref<128x128xf32, #tpu.memory_space<vmem>>, vector<1x16xf32>,
        %get3A_504 = vector.shape_cast %get3A_503 : vector<1x16xf32> to vector<16xf32>
        %max3A_505 = arith.maximumf %get3A_504, %neg3A_429 : vector<16xf32>
        %add3A_506 = arith.addf %add3A_496, %max3A_505 : vector<16xf32>
        %mul3A_507 = arith.constant 16 : i32
        %mul3A_508 = arith.muli %scan3A_80, %mul3A_507 : i32
        %add3A_509 = arith.constant 8 : i32
        %add3A_510 = arith.addi %mul3A_508, %add3A_509 : i32
        %get3A_511 = arith.index_cast %add3A_510 : i32 to index
        %get3A_512 = arith.constant 32 : index
        %get3A_513 = tpu.vector_load %arg7[%get3A_511, %get3A_512] {strides = array<i32>} : memref<128x128xf32, #tpu.memory_space<vmem>>, vector<1x16xf32>,
        %get3A_514 = vector.shape_cast %get3A_513 : vector<1x16xf32> to vector<16xf32>
        %max3A_515 = arith.maximumf %get3A_514, %neg3A_429 : vector<16xf32>
        %add3A_516 = arith.addf %add3A_506, %max3A_515 : vector<16xf32>
        %mul3A_517 = arith.constant 16 : i32
        %mul3A_518 = arith.muli %scan3A_80, %mul3A_517 : i32
        %add3A_519 = arith.constant 9 : i32
        %add3A_520 = arith.addi %mul3A_518, %add3A_519 : i32
        %get3A_521 = arith.index_cast %add3A_520 : i32 to index
        %get3A_522 = arith.constant 32 : index
        %get3A_523 = tpu.vector_load %arg7[%get3A_521, %get3A_522] {strides = array<i32>} : memref<128x128xf32, #tpu.memory_space<vmem>>, vector<1x16xf32>,
        %get3A_524 = vector.shape_cast %get3A_523 : vector<1x16xf32> to vector<16xf32>
        %max3A_525 = arith.maximumf %get3A_524, %neg3A_429 : vector<16xf32>
        %add3A_526 = arith.addf %add3A_516, %max3A_525 : vector<16xf32>
        %mul3A_527 = arith.constant 16 : i32
        %mul3A_528 = arith.muli %scan3A_80, %mul3A_527 : i32
        %add3A_529 = arith.constant 10 : i32
        %add3A_530 = arith.addi %mul3A_528, %add3A_529 : i32
        %get3A_531 = arith.index_cast %add3A_530 : i32 to index
        %get3A_532 = arith.constant 32 : index
        %get3A_533 = tpu.vector_load %arg7[%get3A_531, %get3A_532] {strides = array<i32>} : memref<128x128xf32, #tpu.memory_space<vmem>>, vector<1x16xf32>,
        %get3A_534 = vector.shape_cast %get3A_533 : vector<1x16xf32> to vector<16xf32>
        %max3A_535 = arith.maximumf %get3A_534, %neg3A_429 : vector<16xf32>
        %add3A_536 = arith.addf %add3A_526, %max3A_535 : vector<16xf32>
        %mul3A_537 = arith.constant 16 : i32
        %mul3A_538 = arith.muli %scan3A_80, %mul3A_537 : i32
        %add3A_539 = arith.constant 11 : i32
        %add3A_540 = arith.addi %mul3A_538, %add3A_539 : i32
        %get3A_541 = arith.index_cast %add3A_540 : i32 to index
        %get3A_542 = arith.constant 32 : index
        %get3A_543 = tpu.vector_load %arg7[%get3A_541, %get3A_542] {strides = array<i32>} : memref<128x128xf32, #tpu.memory_space<vmem>>, vector<1x16xf32>,
        %get3A_544 = vector.shape_cast %get3A_543 : vector<1x16xf32> to vector<16xf32>
        %max3A_545 = arith.maximumf %get3A_544, %neg3A_429 : vector<16xf32>
        %add3A_546 = arith.addf %add3A_536, %max3A_545 : vector<16xf32>
        %mul3A_547 = arith.constant 16 : i32
        %mul3A_548 = arith.muli %scan3A_80, %mul3A_547 : i32
        %add3A_549 = arith.constant 12 : i32
        %add3A_550 = arith.addi %mul3A_548, %add3A_549 : i32
        %get3A_551 = arith.index_cast %add3A_550 : i32 to index
        %get3A_552 = arith.constant 32 : index
        %get3A_553 = tpu.vector_load %arg7[%get3A_551, %get3A_552] {strides = array<i32>} : memref<128x128xf32, #tpu.memory_space<vmem>>, vector<1x16xf32>,
        %get3A_554 = vector.shape_cast %get3A_553 : vector<1x16xf32> to vector<16xf32>
        %max3A_555 = arith.maximumf %get3A_554, %neg3A_429 : vector<16xf32>
        %add3A_556 = arith.addf %add3A_546, %max3A_555 : vector<16xf32>
        %mul3A_557 = arith.constant 16 : i32
        %mul3A_558 = arith.muli %scan3A_80, %mul3A_557 : i32
        %add3A_559 = arith.constant 13 : i32
        %add3A_560 = arith.addi %mul3A_558, %add3A_559 : i32
        %get3A_561 = arith.index_cast %add3A_560 : i32 to index
        %get3A_562 = arith.constant 32 : index
        %get3A_563 = tpu.vector_load %arg7[%get3A_561, %get3A_562] {strides = array<i32>} : memref<128x128xf32, #tpu.memory_space<vmem>>, vector<1x16xf32>,
        %get3A_564 = vector.shape_cast %get3A_563 : vector<1x16xf32> to vector<16xf32>
        %max3A_565 = arith.maximumf %get3A_564, %neg3A_429 : vector<16xf32>
        %add3A_566 = arith.addf %add3A_556, %max3A_565 : vector<16xf32>
        %mul3A_567 = arith.constant 16 : i32
        %mul3A_568 = arith.muli %scan3A_80, %mul3A_567 : i32
        %add3A_569 = arith.constant 14 : i32
        %add3A_570 = arith.addi %mul3A_568, %add3A_569 : i32
        %get3A_571 = arith.index_cast %add3A_570 : i32 to index
        %get3A_572 = arith.constant 32 : index
        %get3A_573 = tpu.vector_load %arg7[%get3A_571, %get3A_572] {strides = array<i32>} : memref<128x128xf32, #tpu.memory_space<vmem>>, vector<1x16xf32>,
        %get3A_574 = vector.shape_cast %get3A_573 : vector<1x16xf32> to vector<16xf32>
        %max3A_575 = arith.maximumf %get3A_574, %neg3A_429 : vector<16xf32>
        %add3A_576 = arith.addf %add3A_566, %max3A_575 : vector<16xf32>
        %mul3A_577 = arith.constant 16 : i32
        %mul3A_578 = arith.muli %scan3A_80, %mul3A_577 : i32
        %add3A_579 = arith.constant 15 : i32
        %add3A_580 = arith.addi %mul3A_578, %add3A_579 : i32
        %get3A_581 = arith.index_cast %add3A_580 : i32 to index
        %get3A_582 = arith.constant 32 : index
        %get3A_583 = tpu.vector_load %arg7[%get3A_581, %get3A_582] {strides = array<i32>} : memref<128x128xf32, #tpu.memory_space<vmem>>, vector<1x16xf32>,
        %get3A_584 = vector.shape_cast %get3A_583 : vector<1x16xf32> to vector<16xf32>
        %max3A_585 = arith.maximumf %get3A_584, %neg3A_429 : vector<16xf32>
        %add3A_586 = arith.addf %add3A_576, %max3A_585 : vector<16xf32>
        %mul3A_587 = arith.constant 6.250000e-02 : f32
        %mul3A_588 = vector.broadcast %mul3A_587 : f32 to vector<16xf32>
        %mul3A_589 = arith.mulf %add3A_586, %mul3A_588 : vector<16xf32>
        %add3A_590 = arith.addf %mul3A_589, %get3A_426 : vector<16xf32>
        %swap3A_591 = arith.index_cast %scan3A_80 : i32 to index
        %swap3A_592 = arith.constant 32 : index
        %swap3A_593 = tpu.vector_load %arg10[%swap3A_591, %swap3A_592] {strides = array<i32>} : memref<8x128xf32, #tpu.memory_space<vmem>>, vector<1x16xf32>,
        %swap3A_594 = vector.shape_cast %swap3A_593 : vector<1x16xf32> to vector<16xf32>
        %swap3A_595 = vector.shape_cast %add3A_590 : vector<16xf32> to vector<1x16xf32>
        tpu.vector_store %arg10[%swap3A_591, %swap3A_592], %swap3A_595 {strides = array<i32>} : memref<8x128xf32, #tpu.memory_space<vmem>>, vector<1x16xf32>,
        %get3A_596 = arith.index_cast %scan3A_80 : i32 to index
        %get3A_597 = arith.constant 48 : index
        %get3A_598 = tpu.vector_load %arg9[%get3A_596, %get3A_597] {strides = array<i32>} : memref<8x128xf32, #tpu.memory_space<vmem>>, vector<1x16xf32>,
        %get3A_599 = vector.shape_cast %get3A_598 : vector<1x16xf32> to vector<16xf32>
        %neg3A_600 = arith.constant 0.000000e+00 : f32
        %neg3A_601 = vector.broadcast %neg3A_600 : f32 to vector<16xf32>
        %neg3A_602 = arith.subf %neg3A_601, %get3A_599 : vector<16xf32>
        %mul3A_603 = arith.constant 16 : i32
        %mul3A_604 = arith.muli %scan3A_80, %mul3A_603 : i32
        %get3A_605 = arith.index_cast %mul3A_604 : i32 to index
        %get3A_606 = arith.constant 48 : index
        %get3A_607 = tpu.vector_load %arg7[%get3A_605, %get3A_606] {strides = array<i32>} : memref<128x128xf32, #tpu.memory_space<vmem>>, vector<1x16xf32>,
        %get3A_608 = vector.shape_cast %get3A_607 : vector<1x16xf32> to vector<16xf32>
        %max3A_609 = arith.maximumf %get3A_608, %neg3A_602 : vector<16xf32>
        %mul3A_610 = arith.constant 16 : i32
        %mul3A_611 = arith.muli %scan3A_80, %mul3A_610 : i32
        %add3A_612 = arith.constant 1 : i32
        %add3A_613 = arith.addi %mul3A_611, %add3A_612 : i32
        %get3A_614 = arith.index_cast %add3A_613 : i32 to index
        %get3A_615 = arith.constant 48 : index
        %get3A_616 = tpu.vector_load %arg7[%get3A_614, %get3A_615] {strides = array<i32>} : memref<128x128xf32, #tpu.memory_space<vmem>>, vector<1x16xf32>,
        %get3A_617 = vector.shape_cast %get3A_616 : vector<1x16xf32> to vector<16xf32>
        %max3A_618 = arith.maximumf %get3A_617, %neg3A_602 : vector<16xf32>
        %add3A_619 = arith.addf %max3A_609, %max3A_618 : vector<16xf32>
        %mul3A_620 = arith.constant 16 : i32
        %mul3A_621 = arith.muli %scan3A_80, %mul3A_620 : i32
        %add3A_622 = arith.constant 2 : i32
        %add3A_623 = arith.addi %mul3A_621, %add3A_622 : i32
        %get3A_624 = arith.index_cast %add3A_623 : i32 to index
        %get3A_625 = arith.constant 48 : index
        %get3A_626 = tpu.vector_load %arg7[%get3A_624, %get3A_625] {strides = array<i32>} : memref<128x128xf32, #tpu.memory_space<vmem>>, vector<1x16xf32>,
        %get3A_627 = vector.shape_cast %get3A_626 : vector<1x16xf32> to vector<16xf32>
        %max3A_628 = arith.maximumf %get3A_627, %neg3A_602 : vector<16xf32>
        %add3A_629 = arith.addf %add3A_619, %max3A_628 : vector<16xf32>
        %mul3A_630 = arith.constant 16 : i32
        %mul3A_631 = arith.muli %scan3A_80, %mul3A_630 : i32
        %add3A_632 = arith.constant 3 : i32
        %add3A_633 = arith.addi %mul3A_631, %add3A_632 : i32
        %get3A_634 = arith.index_cast %add3A_633 : i32 to index
        %get3A_635 = arith.constant 48 : index
        %get3A_636 = tpu.vector_load %arg7[%get3A_634, %get3A_635] {strides = array<i32>} : memref<128x128xf32, #tpu.memory_space<vmem>>, vector<1x16xf32>,
        %get3A_637 = vector.shape_cast %get3A_636 : vector<1x16xf32> to vector<16xf32>
        %max3A_638 = arith.maximumf %get3A_637, %neg3A_602 : vector<16xf32>
        %add3A_639 = arith.addf %add3A_629, %max3A_638 : vector<16xf32>
        %mul3A_640 = arith.constant 16 : i32
        %mul3A_641 = arith.muli %scan3A_80, %mul3A_640 : i32
        %add3A_642 = arith.constant 4 : i32
        %add3A_643 = arith.addi %mul3A_641, %add3A_642 : i32
        %get3A_644 = arith.index_cast %add3A_643 : i32 to index
        %get3A_645 = arith.constant 48 : index
        %get3A_646 = tpu.vector_load %arg7[%get3A_644, %get3A_645] {strides = array<i32>} : memref<128x128xf32, #tpu.memory_space<vmem>>, vector<1x16xf32>,
        %get3A_647 = vector.shape_cast %get3A_646 : vector<1x16xf32> to vector<16xf32>
        %max3A_648 = arith.maximumf %get3A_647, %neg3A_602 : vector<16xf32>
        %add3A_649 = arith.addf %add3A_639, %max3A_648 : vector<16xf32>
        %mul3A_650 = arith.constant 16 : i32
        %mul3A_651 = arith.muli %scan3A_80, %mul3A_650 : i32
        %add3A_652 = arith.constant 5 : i32
        %add3A_653 = arith.addi %mul3A_651, %add3A_652 : i32
        %get3A_654 = arith.index_cast %add3A_653 : i32 to index
        %get3A_655 = arith.constant 48 : index
        %get3A_656 = tpu.vector_load %arg7[%get3A_654, %get3A_655] {strides = array<i32>} : memref<128x128xf32, #tpu.memory_space<vmem>>, vector<1x16xf32>,
        %get3A_657 = vector.shape_cast %get3A_656 : vector<1x16xf32> to vector<16xf32>
        %max3A_658 = arith.maximumf %get3A_657, %neg3A_602 : vector<16xf32>
        %add3A_659 = arith.addf %add3A_649, %max3A_658 : vector<16xf32>
        %mul3A_660 = arith.constant 16 : i32
        %mul3A_661 = arith.muli %scan3A_80, %mul3A_660 : i32
        %add3A_662 = arith.constant 6 : i32
        %add3A_663 = arith.addi %mul3A_661, %add3A_662 : i32
        %get3A_664 = arith.index_cast %add3A_663 : i32 to index
        %get3A_665 = arith.constant 48 : index
        %get3A_666 = tpu.vector_load %arg7[%get3A_664, %get3A_665] {strides = array<i32>} : memref<128x128xf32, #tpu.memory_space<vmem>>, vector<1x16xf32>,
        %get3A_667 = vector.shape_cast %get3A_666 : vector<1x16xf32> to vector<16xf32>
        %max3A_668 = arith.maximumf %get3A_667, %neg3A_602 : vector<16xf32>
        %add3A_669 = arith.addf %add3A_659, %max3A_668 : vector<16xf32>
        %mul3A_670 = arith.constant 16 : i32
        %mul3A_671 = arith.muli %scan3A_80, %mul3A_670 : i32
        %add3A_672 = arith.constant 7 : i32
        %add3A_673 = arith.addi %mul3A_671, %add3A_672 : i32
        %get3A_674 = arith.index_cast %add3A_673 : i32 to index
        %get3A_675 = arith.constant 48 : index
        %get3A_676 = tpu.vector_load %arg7[%get3A_674, %get3A_675] {strides = array<i32>} : memref<128x128xf32, #tpu.memory_space<vmem>>, vector<1x16xf32>,
        %get3A_677 = vector.shape_cast %get3A_676 : vector<1x16xf32> to vector<16xf32>
        %max3A_678 = arith.maximumf %get3A_677, %neg3A_602 : vector<16xf32>
        %add3A_679 = arith.addf %add3A_669, %max3A_678 : vector<16xf32>
        %mul3A_680 = arith.constant 16 : i32
        %mul3A_681 = arith.muli %scan3A_80, %mul3A_680 : i32
        %add3A_682 = arith.constant 8 : i32
        %add3A_683 = arith.addi %mul3A_681, %add3A_682 : i32
        %get3A_684 = arith.index_cast %add3A_683 : i32 to index
        %get3A_685 = arith.constant 48 : index
        %get3A_686 = tpu.vector_load %arg7[%get3A_684, %get3A_685] {strides = array<i32>} : memref<128x128xf32, #tpu.memory_space<vmem>>, vector<1x16xf32>,
        %get3A_687 = vector.shape_cast %get3A_686 : vector<1x16xf32> to vector<16xf32>
        %max3A_688 = arith.maximumf %get3A_687, %neg3A_602 : vector<16xf32>
        %add3A_689 = arith.addf %add3A_679, %max3A_688 : vector<16xf32>
        %mul3A_690 = arith.constant 16 : i32
        %mul3A_691 = arith.muli %scan3A_80, %mul3A_690 : i32
        %add3A_692 = arith.constant 9 : i32
        %add3A_693 = arith.addi %mul3A_691, %add3A_692 : i32
        %get3A_694 = arith.index_cast %add3A_693 : i32 to index
        %get3A_695 = arith.constant 48 : index
        %get3A_696 = tpu.vector_load %arg7[%get3A_694, %get3A_695] {strides = array<i32>} : memref<128x128xf32, #tpu.memory_space<vmem>>, vector<1x16xf32>,
        %get3A_697 = vector.shape_cast %get3A_696 : vector<1x16xf32> to vector<16xf32>
        %max3A_698 = arith.maximumf %get3A_697, %neg3A_602 : vector<16xf32>
        %add3A_699 = arith.addf %add3A_689, %max3A_698 : vector<16xf32>
        %mul3A_700 = arith.constant 16 : i32
        %mul3A_701 = arith.muli %scan3A_80, %mul3A_700 : i32
        %add3A_702 = arith.constant 10 : i32
        %add3A_703 = arith.addi %mul3A_701, %add3A_702 : i32
        %get3A_704 = arith.index_cast %add3A_703 : i32 to index
        %get3A_705 = arith.constant 48 : index
        %get3A_706 = tpu.vector_load %arg7[%get3A_704, %get3A_705] {strides = array<i32>} : memref<128x128xf32, #tpu.memory_space<vmem>>, vector<1x16xf32>,
        %get3A_707 = vector.shape_cast %get3A_706 : vector<1x16xf32> to vector<16xf32>
        %max3A_708 = arith.maximumf %get3A_707, %neg3A_602 : vector<16xf32>
        %add3A_709 = arith.addf %add3A_699, %max3A_708 : vector<16xf32>
        %mul3A_710 = arith.constant 16 : i32
        %mul3A_711 = arith.muli %scan3A_80, %mul3A_710 : i32
        %add3A_712 = arith.constant 11 : i32
        %add3A_713 = arith.addi %mul3A_711, %add3A_712 : i32
        %get3A_714 = arith.index_cast %add3A_713 : i32 to index
        %get3A_715 = arith.constant 48 : index
        %get3A_716 = tpu.vector_load %arg7[%get3A_714, %get3A_715] {strides = array<i32>} : memref<128x128xf32, #tpu.memory_space<vmem>>, vector<1x16xf32>,
        %get3A_717 = vector.shape_cast %get3A_716 : vector<1x16xf32> to vector<16xf32>
        %max3A_718 = arith.maximumf %get3A_717, %neg3A_602 : vector<16xf32>
        %add3A_719 = arith.addf %add3A_709, %max3A_718 : vector<16xf32>
        %mul3A_720 = arith.constant 16 : i32
        %mul3A_721 = arith.muli %scan3A_80, %mul3A_720 : i32
        %add3A_722 = arith.constant 12 : i32
        %add3A_723 = arith.addi %mul3A_721, %add3A_722 : i32
        %get3A_724 = arith.index_cast %add3A_723 : i32 to index
        %get3A_725 = arith.constant 48 : index
        %get3A_726 = tpu.vector_load %arg7[%get3A_724, %get3A_725] {strides = array<i32>} : memref<128x128xf32, #tpu.memory_space<vmem>>, vector<1x16xf32>,
        %get3A_727 = vector.shape_cast %get3A_726 : vector<1x16xf32> to vector<16xf32>
        %max3A_728 = arith.maximumf %get3A_727, %neg3A_602 : vector<16xf32>
        %add3A_729 = arith.addf %add3A_719, %max3A_728 : vector<16xf32>
        %mul3A_730 = arith.constant 16 : i32
        %mul3A_731 = arith.muli %scan3A_80, %mul3A_730 : i32
        %add3A_732 = arith.constant 13 : i32
        %add3A_733 = arith.addi %mul3A_731, %add3A_732 : i32
        %get3A_734 = arith.index_cast %add3A_733 : i32 to index
        %get3A_735 = arith.constant 48 : index
        %get3A_736 = tpu.vector_load %arg7[%get3A_734, %get3A_735] {strides = array<i32>} : memref<128x128xf32, #tpu.memory_space<vmem>>, vector<1x16xf32>,
        %get3A_737 = vector.shape_cast %get3A_736 : vector<1x16xf32> to vector<16xf32>
        %max3A_738 = arith.maximumf %get3A_737, %neg3A_602 : vector<16xf32>
        %add3A_739 = arith.addf %add3A_729, %max3A_738 : vector<16xf32>
        %mul3A_740 = arith.constant 16 : i32
        %mul3A_741 = arith.muli %scan3A_80, %mul3A_740 : i32
        %add3A_742 = arith.constant 14 : i32
        %add3A_743 = arith.addi %mul3A_741, %add3A_742 : i32
        %get3A_744 = arith.index_cast %add3A_743 : i32 to index
        %get3A_745 = arith.constant 48 : index
        %get3A_746 = tpu.vector_load %arg7[%get3A_744, %get3A_745] {strides = array<i32>} : memref<128x128xf32, #tpu.memory_space<vmem>>, vector<1x16xf32>,
        %get3A_747 = vector.shape_cast %get3A_746 : vector<1x16xf32> to vector<16xf32>
        %max3A_748 = arith.maximumf %get3A_747, %neg3A_602 : vector<16xf32>
        %add3A_749 = arith.addf %add3A_739, %max3A_748 : vector<16xf32>
        %mul3A_750 = arith.constant 16 : i32
        %mul3A_751 = arith.muli %scan3A_80, %mul3A_750 : i32
        %add3A_752 = arith.constant 15 : i32
        %add3A_753 = arith.addi %mul3A_751, %add3A_752 : i32
        %get3A_754 = arith.index_cast %add3A_753 : i32 to index
        %get3A_755 = arith.constant 48 : index
        %get3A_756 = tpu.vector_load %arg7[%get3A_754, %get3A_755] {strides = array<i32>} : memref<128x128xf32, #tpu.memory_space<vmem>>, vector<1x16xf32>,
        %get3A_757 = vector.shape_cast %get3A_756 : vector<1x16xf32> to vector<16xf32>
        %max3A_758 = arith.maximumf %get3A_757, %neg3A_602 : vector<16xf32>
        %add3A_759 = arith.addf %add3A_749, %max3A_758 : vector<16xf32>
        %mul3A_760 = arith.constant 6.250000e-02 : f32
        %mul3A_761 = vector.broadcast %mul3A_760 : f32 to vector<16xf32>
        %mul3A_762 = arith.mulf %add3A_759, %mul3A_761 : vector<16xf32>
        %add3A_763 = arith.addf %mul3A_762, %get3A_599 : vector<16xf32>
        %swap3A_764 = arith.index_cast %scan3A_80 : i32 to index
        %swap3A_765 = arith.constant 48 : index
        %swap3A_766 = tpu.vector_load %arg10[%swap3A_764, %swap3A_765] {strides = array<i32>} : memref<8x128xf32, #tpu.memory_space<vmem>>, vector<1x16xf32>,
        %swap3A_767 = vector.shape_cast %swap3A_766 : vector<1x16xf32> to vector<16xf32>
        %swap3A_768 = vector.shape_cast %add3A_763 : vector<16xf32> to vector<1x16xf32>
        tpu.vector_store %arg10[%swap3A_764, %swap3A_765], %swap3A_768 {strides = array<i32>} : memref<8x128xf32, #tpu.memory_space<vmem>>, vector<1x16xf32>,
        %get3A_769 = arith.index_cast %scan3A_80 : i32 to index
        %get3A_770 = arith.constant 64 : index
        %get3A_771 = tpu.vector_load %arg9[%get3A_769, %get3A_770] {strides = array<i32>} : memref<8x128xf32, #tpu.memory_space<vmem>>, vector<1x16xf32>,
        %get3A_772 = vector.shape_cast %get3A_771 : vector<1x16xf32> to vector<16xf32>
        %neg3A_773 = arith.constant 0.000000e+00 : f32
        %neg3A_774 = vector.broadcast %neg3A_773 : f32 to vector<16xf32>
        %neg3A_775 = arith.subf %neg3A_774, %get3A_772 : vector<16xf32>
        %mul3A_776 = arith.constant 16 : i32
        %mul3A_777 = arith.muli %scan3A_80, %mul3A_776 : i32
        %get3A_778 = arith.index_cast %mul3A_777 : i32 to index
        %get3A_779 = arith.constant 64 : index
        %get3A_780 = tpu.vector_load %arg7[%get3A_778, %get3A_779] {strides = array<i32>} : memref<128x128xf32, #tpu.memory_space<vmem>>, vector<1x16xf32>,
        %get3A_781 = vector.shape_cast %get3A_780 : vector<1x16xf32> to vector<16xf32>
        %max3A_782 = arith.maximumf %get3A_781, %neg3A_775 : vector<16xf32>
        %mul3A_783 = arith.constant 16 : i32
        %mul3A_784 = arith.muli %scan3A_80, %mul3A_783 : i32
        %add3A_785 = arith.constant 1 : i32
        %add3A_786 = arith.addi %mul3A_784, %add3A_785 : i32
        %get3A_787 = arith.index_cast %add3A_786 : i32 to index
        %get3A_788 = arith.constant 64 : index
        %get3A_789 = tpu.vector_load %arg7[%get3A_787, %get3A_788] {strides = array<i32>} : memref<128x128xf32, #tpu.memory_space<vmem>>, vector<1x16xf32>,
        %get3A_790 = vector.shape_cast %get3A_789 : vector<1x16xf32> to vector<16xf32>
        %max3A_791 = arith.maximumf %get3A_790, %neg3A_775 : vector<16xf32>
        %add3A_792 = arith.addf %max3A_782, %max3A_791 : vector<16xf32>
        %mul3A_793 = arith.constant 16 : i32
        %mul3A_794 = arith.muli %scan3A_80, %mul3A_793 : i32
        %add3A_795 = arith.constant 2 : i32
        %add3A_796 = arith.addi %mul3A_794, %add3A_795 : i32
        %get3A_797 = arith.index_cast %add3A_796 : i32 to index
        %get3A_798 = arith.constant 64 : index
        %get3A_799 = tpu.vector_load %arg7[%get3A_797, %get3A_798] {strides = array<i32>} : memref<128x128xf32, #tpu.memory_space<vmem>>, vector<1x16xf32>,
        %get3A_800 = vector.shape_cast %get3A_799 : vector<1x16xf32> to vector<16xf32>
        %max3A_801 = arith.maximumf %get3A_800, %neg3A_775 : vector<16xf32>
        %add3A_802 = arith.addf %add3A_792, %max3A_801 : vector<16xf32>
        %mul3A_803 = arith.constant 16 : i32
        %mul3A_804 = arith.muli %scan3A_80, %mul3A_803 : i32
        %add3A_805 = arith.constant 3 : i32
        %add3A_806 = arith.addi %mul3A_804, %add3A_805 : i32
        %get3A_807 = arith.index_cast %add3A_806 : i32 to index
        %get3A_808 = arith.constant 64 : index
        %get3A_809 = tpu.vector_load %arg7[%get3A_807, %get3A_808] {strides = array<i32>} : memref<128x128xf32, #tpu.memory_space<vmem>>, vector<1x16xf32>,
        %get3A_810 = vector.shape_cast %get3A_809 : vector<1x16xf32> to vector<16xf32>
        %max3A_811 = arith.maximumf %get3A_810, %neg3A_775 : vector<16xf32>
        %add3A_812 = arith.addf %add3A_802, %max3A_811 : vector<16xf32>
        %mul3A_813 = arith.constant 16 : i32
        %mul3A_814 = arith.muli %scan3A_80, %mul3A_813 : i32
        %add3A_815 = arith.constant 4 : i32
        %add3A_816 = arith.addi %mul3A_814, %add3A_815 : i32
        %get3A_817 = arith.index_cast %add3A_816 : i32 to index
        %get3A_818 = arith.constant 64 : index
        %get3A_819 = tpu.vector_load %arg7[%get3A_817, %get3A_818] {strides = array<i32>} : memref<128x128xf32, #tpu.memory_space<vmem>>, vector<1x16xf32>,
        %get3A_820 = vector.shape_cast %get3A_819 : vector<1x16xf32> to vector<16xf32>
        %max3A_821 = arith.maximumf %get3A_820, %neg3A_775 : vector<16xf32>
        %add3A_822 = arith.addf %add3A_812, %max3A_821 : vector<16xf32>
        %mul3A_823 = arith.constant 16 : i32
        %mul3A_824 = arith.muli %scan3A_80, %mul3A_823 : i32
        %add3A_825 = arith.constant 5 : i32
        %add3A_826 = arith.addi %mul3A_824, %add3A_825 : i32
        %get3A_827 = arith.index_cast %add3A_826 : i32 to index
        %get3A_828 = arith.constant 64 : index
        %get3A_829 = tpu.vector_load %arg7[%get3A_827, %get3A_828] {strides = array<i32>} : memref<128x128xf32, #tpu.memory_space<vmem>>, vector<1x16xf32>,
        %get3A_830 = vector.shape_cast %get3A_829 : vector<1x16xf32> to vector<16xf32>
        %max3A_831 = arith.maximumf %get3A_830, %neg3A_775 : vector<16xf32>
        %add3A_832 = arith.addf %add3A_822, %max3A_831 : vector<16xf32>
        %mul3A_833 = arith.constant 16 : i32
        %mul3A_834 = arith.muli %scan3A_80, %mul3A_833 : i32
        %add3A_835 = arith.constant 6 : i32
        %add3A_836 = arith.addi %mul3A_834, %add3A_835 : i32
        %get3A_837 = arith.index_cast %add3A_836 : i32 to index
        %get3A_838 = arith.constant 64 : index
        %get3A_839 = tpu.vector_load %arg7[%get3A_837, %get3A_838] {strides = array<i32>} : memref<128x128xf32, #tpu.memory_space<vmem>>, vector<1x16xf32>,
        %get3A_840 = vector.shape_cast %get3A_839 : vector<1x16xf32> to vector<16xf32>
        %max3A_841 = arith.maximumf %get3A_840, %neg3A_775 : vector<16xf32>
        %add3A_842 = arith.addf %add3A_832, %max3A_841 : vector<16xf32>
        %mul3A_843 = arith.constant 16 : i32
        %mul3A_844 = arith.muli %scan3A_80, %mul3A_843 : i32
        %add3A_845 = arith.constant 7 : i32
        %add3A_846 = arith.addi %mul3A_844, %add3A_845 : i32
        %get3A_847 = arith.index_cast %add3A_846 : i32 to index
        %get3A_848 = arith.constant 64 : index
        %get3A_849 = tpu.vector_load %arg7[%get3A_847, %get3A_848] {strides = array<i32>} : memref<128x128xf32, #tpu.memory_space<vmem>>, vector<1x16xf32>,
        %get3A_850 = vector.shape_cast %get3A_849 : vector<1x16xf32> to vector<16xf32>
        %max3A_851 = arith.maximumf %get3A_850, %neg3A_775 : vector<16xf32>
        %add3A_852 = arith.addf %add3A_842, %max3A_851 : vector<16xf32>
        %mul3A_853 = arith.constant 16 : i32
        %mul3A_854 = arith.muli %scan3A_80, %mul3A_853 : i32
        %add3A_855 = arith.constant 8 : i32
        %add3A_856 = arith.addi %mul3A_854, %add3A_855 : i32
        %get3A_857 = arith.index_cast %add3A_856 : i32 to index
        %get3A_858 = arith.constant 64 : index
        %get3A_859 = tpu.vector_load %arg7[%get3A_857, %get3A_858] {strides = array<i32>} : memref<128x128xf32, #tpu.memory_space<vmem>>, vector<1x16xf32>,
        %get3A_860 = vector.shape_cast %get3A_859 : vector<1x16xf32> to vector<16xf32>
        %max3A_861 = arith.maximumf %get3A_860, %neg3A_775 : vector<16xf32>
        %add3A_862 = arith.addf %add3A_852, %max3A_861 : vector<16xf32>
        %mul3A_863 = arith.constant 16 : i32
        %mul3A_864 = arith.muli %scan3A_80, %mul3A_863 : i32
        %add3A_865 = arith.constant 9 : i32
        %add3A_866 = arith.addi %mul3A_864, %add3A_865 : i32
        %get3A_867 = arith.index_cast %add3A_866 : i32 to index
        %get3A_868 = arith.constant 64 : index
        %get3A_869 = tpu.vector_load %arg7[%get3A_867, %get3A_868] {strides = array<i32>} : memref<128x128xf32, #tpu.memory_space<vmem>>, vector<1x16xf32>,
        %get3A_870 = vector.shape_cast %get3A_869 : vector<1x16xf32> to vector<16xf32>
        %max3A_871 = arith.maximumf %get3A_870, %neg3A_775 : vector<16xf32>
        %add3A_872 = arith.addf %add3A_862, %max3A_871 : vector<16xf32>
        %mul3A_873 = arith.constant 16 : i32
        %mul3A_874 = arith.muli %scan3A_80, %mul3A_873 : i32
        %add3A_875 = arith.constant 10 : i32
        %add3A_876 = arith.addi %mul3A_874, %add3A_875 : i32
        %get3A_877 = arith.index_cast %add3A_876 : i32 to index
        %get3A_878 = arith.constant 64 : index
        %get3A_879 = tpu.vector_load %arg7[%get3A_877, %get3A_878] {strides = array<i32>} : memref<128x128xf32, #tpu.memory_space<vmem>>, vector<1x16xf32>,
        %get3A_880 = vector.shape_cast %get3A_879 : vector<1x16xf32> to vector<16xf32>
        %max3A_881 = arith.maximumf %get3A_880, %neg3A_775 : vector<16xf32>
        %add3A_882 = arith.addf %add3A_872, %max3A_881 : vector<16xf32>
        %mul3A_883 = arith.constant 16 : i32
        %mul3A_884 = arith.muli %scan3A_80, %mul3A_883 : i32
        %add3A_885 = arith.constant 11 : i32
        %add3A_886 = arith.addi %mul3A_884, %add3A_885 : i32
        %get3A_887 = arith.index_cast %add3A_886 : i32 to index
        %get3A_888 = arith.constant 64 : index
        %get3A_889 = tpu.vector_load %arg7[%get3A_887, %get3A_888] {strides = array<i32>} : memref<128x128xf32, #tpu.memory_space<vmem>>, vector<1x16xf32>,
        %get3A_890 = vector.shape_cast %get3A_889 : vector<1x16xf32> to vector<16xf32>
        %max3A_891 = arith.maximumf %get3A_890, %neg3A_775 : vector<16xf32>
        %add3A_892 = arith.addf %add3A_882, %max3A_891 : vector<16xf32>
        %mul3A_893 = arith.constant 16 : i32
        %mul3A_894 = arith.muli %scan3A_80, %mul3A_893 : i32
        %add3A_895 = arith.constant 12 : i32
        %add3A_896 = arith.addi %mul3A_894, %add3A_895 : i32
        %get3A_897 = arith.index_cast %add3A_896 : i32 to index
        %get3A_898 = arith.constant 64 : index
        %get3A_899 = tpu.vector_load %arg7[%get3A_897, %get3A_898] {strides = array<i32>} : memref<128x128xf32, #tpu.memory_space<vmem>>, vector<1x16xf32>,
        %get3A_900 = vector.shape_cast %get3A_899 : vector<1x16xf32> to vector<16xf32>
        %max3A_901 = arith.maximumf %get3A_900, %neg3A_775 : vector<16xf32>
        %add3A_902 = arith.addf %add3A_892, %max3A_901 : vector<16xf32>
        %mul3A_903 = arith.constant 16 : i32
        %mul3A_904 = arith.muli %scan3A_80, %mul3A_903 : i32
        %add3A_905 = arith.constant 13 : i32
        %add3A_906 = arith.addi %mul3A_904, %add3A_905 : i32
        %get3A_907 = arith.index_cast %add3A_906 : i32 to index
        %get3A_908 = arith.constant 64 : index
        %get3A_909 = tpu.vector_load %arg7[%get3A_907, %get3A_908] {strides = array<i32>} : memref<128x128xf32, #tpu.memory_space<vmem>>, vector<1x16xf32>,
        %get3A_910 = vector.shape_cast %get3A_909 : vector<1x16xf32> to vector<16xf32>
        %max3A_911 = arith.maximumf %get3A_910, %neg3A_775 : vector<16xf32>
        %add3A_912 = arith.addf %add3A_902, %max3A_911 : vector<16xf32>
        %mul3A_913 = arith.constant 16 : i32
        %mul3A_914 = arith.muli %scan3A_80, %mul3A_913 : i32
        %add3A_915 = arith.constant 14 : i32
        %add3A_916 = arith.addi %mul3A_914, %add3A_915 : i32
        %get3A_917 = arith.index_cast %add3A_916 : i32 to index
        %get3A_918 = arith.constant 64 : index
        %get3A_919 = tpu.vector_load %arg7[%get3A_917, %get3A_918] {strides = array<i32>} : memref<128x128xf32, #tpu.memory_space<vmem>>, vector<1x16xf32>,
        %get3A_920 = vector.shape_cast %get3A_919 : vector<1x16xf32> to vector<16xf32>
        %max3A_921 = arith.maximumf %get3A_920, %neg3A_775 : vector<16xf32>
        %add3A_922 = arith.addf %add3A_912, %max3A_921 : vector<16xf32>
        %mul3A_923 = arith.constant 16 : i32
        %mul3A_924 = arith.muli %scan3A_80, %mul3A_923 : i32
        %add3A_925 = arith.constant 15 : i32
        %add3A_926 = arith.addi %mul3A_924, %add3A_925 : i32
        %get3A_927 = arith.index_cast %add3A_926 : i32 to index
        %get3A_928 = arith.constant 64 : index
        %get3A_929 = tpu.vector_load %arg7[%get3A_927, %get3A_928] {strides = array<i32>} : memref<128x128xf32, #tpu.memory_space<vmem>>, vector<1x16xf32>,
        %get3A_930 = vector.shape_cast %get3A_929 : vector<1x16xf32> to vector<16xf32>
        %max3A_931 = arith.maximumf %get3A_930, %neg3A_775 : vector<16xf32>
        %add3A_932 = arith.addf %add3A_922, %max3A_931 : vector<16xf32>
        %mul3A_933 = arith.constant 6.250000e-02 : f32
        %mul3A_934 = vector.broadcast %mul3A_933 : f32 to vector<16xf32>
        %mul3A_935 = arith.mulf %add3A_932, %mul3A_934 : vector<16xf32>
        %add3A_936 = arith.addf %mul3A_935, %get3A_772 : vector<16xf32>
        %swap3A_937 = arith.index_cast %scan3A_80 : i32 to index
        %swap3A_938 = arith.constant 64 : index
        %swap3A_939 = tpu.vector_load %arg10[%swap3A_937, %swap3A_938] {strides = array<i32>} : memref<8x128xf32, #tpu.memory_space<vmem>>, vector<1x16xf32>,
        %swap3A_940 = vector.shape_cast %swap3A_939 : vector<1x16xf32> to vector<16xf32>
        %swap3A_941 = vector.shape_cast %add3A_936 : vector<16xf32> to vector<1x16xf32>
        tpu.vector_store %arg10[%swap3A_937, %swap3A_938], %swap3A_941 {strides = array<i32>} : memref<8x128xf32, #tpu.memory_space<vmem>>, vector<1x16xf32>,
        %get3A_942 = arith.index_cast %scan3A_80 : i32 to index
        %get3A_943 = arith.constant 80 : index
        %get3A_944 = tpu.vector_load %arg9[%get3A_942, %get3A_943] {strides = array<i32>} : memref<8x128xf32, #tpu.memory_space<vmem>>, vector<1x16xf32>,
        %get3A_945 = vector.shape_cast %get3A_944 : vector<1x16xf32> to vector<16xf32>
        %neg3A_946 = arith.constant 0.000000e+00 : f32
        %neg3A_947 = vector.broadcast %neg3A_946 : f32 to vector<16xf32>
        %neg3A_948 = arith.subf %neg3A_947, %get3A_945 : vector<16xf32>
        %mul3A_949 = arith.constant 16 : i32
        %mul3A_950 = arith.muli %scan3A_80, %mul3A_949 : i32
        %get3A_951 = arith.index_cast %mul3A_950 : i32 to index
        %get3A_952 = arith.constant 80 : index
        %get3A_953 = tpu.vector_load %arg7[%get3A_951, %get3A_952] {strides = array<i32>} : memref<128x128xf32, #tpu.memory_space<vmem>>, vector<1x16xf32>,
        %get3A_954 = vector.shape_cast %get3A_953 : vector<1x16xf32> to vector<16xf32>
        %max3A_955 = arith.maximumf %get3A_954, %neg3A_948 : vector<16xf32>
        %mul3A_956 = arith.constant 16 : i32
        %mul3A_957 = arith.muli %scan3A_80, %mul3A_956 : i32
        %add3A_958 = arith.constant 1 : i32
        %add3A_959 = arith.addi %mul3A_957, %add3A_958 : i32
        %get3A_960 = arith.index_cast %add3A_959 : i32 to index
        %get3A_961 = arith.constant 80 : index
        %get3A_962 = tpu.vector_load %arg7[%get3A_960, %get3A_961] {strides = array<i32>} : memref<128x128xf32, #tpu.memory_space<vmem>>, vector<1x16xf32>,
        %get3A_963 = vector.shape_cast %get3A_962 : vector<1x16xf32> to vector<16xf32>
        %max3A_964 = arith.maximumf %get3A_963, %neg3A_948 : vector<16xf32>
        %add3A_965 = arith.addf %max3A_955, %max3A_964 : vector<16xf32>
        %mul3A_966 = arith.constant 16 : i32
        %mul3A_967 = arith.muli %scan3A_80, %mul3A_966 : i32
        %add3A_968 = arith.constant 2 : i32
        %add3A_969 = arith.addi %mul3A_967, %add3A_968 : i32
        %get3A_970 = arith.index_cast %add3A_969 : i32 to index
        %get3A_971 = arith.constant 80 : index
        %get3A_972 = tpu.vector_load %arg7[%get3A_970, %get3A_971] {strides = array<i32>} : memref<128x128xf32, #tpu.memory_space<vmem>>, vector<1x16xf32>,
        %get3A_973 = vector.shape_cast %get3A_972 : vector<1x16xf32> to vector<16xf32>
        %max3A_974 = arith.maximumf %get3A_973, %neg3A_948 : vector<16xf32>
        %add3A_975 = arith.addf %add3A_965, %max3A_974 : vector<16xf32>
        %mul3A_976 = arith.constant 16 : i32
        %mul3A_977 = arith.muli %scan3A_80, %mul3A_976 : i32
        %add3A_978 = arith.constant 3 : i32
        %add3A_979 = arith.addi %mul3A_977, %add3A_978 : i32
        %get3A_980 = arith.index_cast %add3A_979 : i32 to index
        %get3A_981 = arith.constant 80 : index
        %get3A_982 = tpu.vector_load %arg7[%get3A_980, %get3A_981] {strides = array<i32>} : memref<128x128xf32, #tpu.memory_space<vmem>>, vector<1x16xf32>,
        %get3A_983 = vector.shape_cast %get3A_982 : vector<1x16xf32> to vector<16xf32>
        %max3A_984 = arith.maximumf %get3A_983, %neg3A_948 : vector<16xf32>
        %add3A_985 = arith.addf %add3A_975, %max3A_984 : vector<16xf32>
        %mul3A_986 = arith.constant 16 : i32
        %mul3A_987 = arith.muli %scan3A_80, %mul3A_986 : i32
        %add3A_988 = arith.constant 4 : i32
        %add3A_989 = arith.addi %mul3A_987, %add3A_988 : i32
        %get3A_990 = arith.index_cast %add3A_989 : i32 to index
        %get3A_991 = arith.constant 80 : index
        %get3A_992 = tpu.vector_load %arg7[%get3A_990, %get3A_991] {strides = array<i32>} : memref<128x128xf32, #tpu.memory_space<vmem>>, vector<1x16xf32>,
        %get3A_993 = vector.shape_cast %get3A_992 : vector<1x16xf32> to vector<16xf32>
        %max3A_994 = arith.maximumf %get3A_993, %neg3A_948 : vector<16xf32>
        %add3A_995 = arith.addf %add3A_985, %max3A_994 : vector<16xf32>
        %mul3A_996 = arith.constant 16 : i32
        %mul3A_997 = arith.muli %scan3A_80, %mul3A_996 : i32
        %add3A_998 = arith.constant 5 : i32
        %add3A_999 = arith.addi %mul3A_997, %add3A_998 : i32
        %get3A_1000 = arith.index_cast %add3A_999 : i32 to index
        %get3A_1001 = arith.constant 80 : index
        %get3A_1002 = tpu.vector_load %arg7[%get3A_1000, %get3A_1001] {strides = array<i32>} : memref<128x128xf32, #tpu.memory_space<vmem>>, vector<1x16xf32>,
        %get3A_1003 = vector.shape_cast %get3A_1002 : vector<1x16xf32> to vector<16xf32>
        %max3A_1004 = arith.maximumf %get3A_1003, %neg3A_948 : vector<16xf32>
        %add3A_1005 = arith.addf %add3A_995, %max3A_1004 : vector<16xf32>
        %mul3A_1006 = arith.constant 16 : i32
        %mul3A_1007 = arith.muli %scan3A_80, %mul3A_1006 : i32
        %add3A_1008 = arith.constant 6 : i32
        %add3A_1009 = arith.addi %mul3A_1007, %add3A_1008 : i32
        %get3A_1010 = arith.index_cast %add3A_1009 : i32 to index
        %get3A_1011 = arith.constant 80 : index
        %get3A_1012 = tpu.vector_load %arg7[%get3A_1010, %get3A_1011] {strides = array<i32>} : memref<128x128xf32, #tpu.memory_space<vmem>>, vector<1x16xf32>,
        %get3A_1013 = vector.shape_cast %get3A_1012 : vector<1x16xf32> to vector<16xf32>
        %max3A_1014 = arith.maximumf %get3A_1013, %neg3A_948 : vector<16xf32>
        %add3A_1015 = arith.addf %add3A_1005, %max3A_1014 : vector<16xf32>
        %mul3A_1016 = arith.constant 16 : i32
        %mul3A_1017 = arith.muli %scan3A_80, %mul3A_1016 : i32
        %add3A_1018 = arith.constant 7 : i32
        %add3A_1019 = arith.addi %mul3A_1017, %add3A_1018 : i32
        %get3A_1020 = arith.index_cast %add3A_1019 : i32 to index
        %get3A_1021 = arith.constant 80 : index
        %get3A_1022 = tpu.vector_load %arg7[%get3A_1020, %get3A_1021] {strides = array<i32>} : memref<128x128xf32, #tpu.memory_space<vmem>>, vector<1x16xf32>,
        %get3A_1023 = vector.shape_cast %get3A_1022 : vector<1x16xf32> to vector<16xf32>
        %max3A_1024 = arith.maximumf %get3A_1023, %neg3A_948 : vector<16xf32>
        %add3A_1025 = arith.addf %add3A_1015, %max3A_1024 : vector<16xf32>
        %mul3A_1026 = arith.constant 16 : i32
        %mul3A_1027 = arith.muli %scan3A_80, %mul3A_1026 : i32
        %add3A_1028 = arith.constant 8 : i32
        %add3A_1029 = arith.addi %mul3A_1027, %add3A_1028 : i32
        %get3A_1030 = arith.index_cast %add3A_1029 : i32 to index
        %get3A_1031 = arith.constant 80 : index
        %get3A_1032 = tpu.vector_load %arg7[%get3A_1030, %get3A_1031] {strides = array<i32>} : memref<128x128xf32, #tpu.memory_space<vmem>>, vector<1x16xf32>,
        %get3A_1033 = vector.shape_cast %get3A_1032 : vector<1x16xf32> to vector<16xf32>
        %max3A_1034 = arith.maximumf %get3A_1033, %neg3A_948 : vector<16xf32>
        %add3A_1035 = arith.addf %add3A_1025, %max3A_1034 : vector<16xf32>
        %mul3A_1036 = arith.constant 16 : i32
        %mul3A_1037 = arith.muli %scan3A_80, %mul3A_1036 : i32
        %add3A_1038 = arith.constant 9 : i32
        %add3A_1039 = arith.addi %mul3A_1037, %add3A_1038 : i32
        %get3A_1040 = arith.index_cast %add3A_1039 : i32 to index
        %get3A_1041 = arith.constant 80 : index
        %get3A_1042 = tpu.vector_load %arg7[%get3A_1040, %get3A_1041] {strides = array<i32>} : memref<128x128xf32, #tpu.memory_space<vmem>>, vector<1x16xf32>,
        %get3A_1043 = vector.shape_cast %get3A_1042 : vector<1x16xf32> to vector<16xf32>
        %max3A_1044 = arith.maximumf %get3A_1043, %neg3A_948 : vector<16xf32>
        %add3A_1045 = arith.addf %add3A_1035, %max3A_1044 : vector<16xf32>
        %mul3A_1046 = arith.constant 16 : i32
        %mul3A_1047 = arith.muli %scan3A_80, %mul3A_1046 : i32
        %add3A_1048 = arith.constant 10 : i32
        %add3A_1049 = arith.addi %mul3A_1047, %add3A_1048 : i32
        %get3A_1050 = arith.index_cast %add3A_1049 : i32 to index
        %get3A_1051 = arith.constant 80 : index
        %get3A_1052 = tpu.vector_load %arg7[%get3A_1050, %get3A_1051] {strides = array<i32>} : memref<128x128xf32, #tpu.memory_space<vmem>>, vector<1x16xf32>,
        %get3A_1053 = vector.shape_cast %get3A_1052 : vector<1x16xf32> to vector<16xf32>
        %max3A_1054 = arith.maximumf %get3A_1053, %neg3A_948 : vector<16xf32>
        %add3A_1055 = arith.addf %add3A_1045, %max3A_1054 : vector<16xf32>
        %mul3A_1056 = arith.constant 16 : i32
        %mul3A_1057 = arith.muli %scan3A_80, %mul3A_1056 : i32
        %add3A_1058 = arith.constant 11 : i32
        %add3A_1059 = arith.addi %mul3A_1057, %add3A_1058 : i32
        %get3A_1060 = arith.index_cast %add3A_1059 : i32 to index
        %get3A_1061 = arith.constant 80 : index
        %get3A_1062 = tpu.vector_load %arg7[%get3A_1060, %get3A_1061] {strides = array<i32>} : memref<128x128xf32, #tpu.memory_space<vmem>>, vector<1x16xf32>,
        %get3A_1063 = vector.shape_cast %get3A_1062 : vector<1x16xf32> to vector<16xf32>
        %max3A_1064 = arith.maximumf %get3A_1063, %neg3A_948 : vector<16xf32>
        %add3A_1065 = arith.addf %add3A_1055, %max3A_1064 : vector<16xf32>
        %mul3A_1066 = arith.constant 16 : i32
        %mul3A_1067 = arith.muli %scan3A_80, %mul3A_1066 : i32
        %add3A_1068 = arith.constant 12 : i32
        %add3A_1069 = arith.addi %mul3A_1067, %add3A_1068 : i32
        %get3A_1070 = arith.index_cast %add3A_1069 : i32 to index
        %get3A_1071 = arith.constant 80 : index
        %get3A_1072 = tpu.vector_load %arg7[%get3A_1070, %get3A_1071] {strides = array<i32>} : memref<128x128xf32, #tpu.memory_space<vmem>>, vector<1x16xf32>,
        %get3A_1073 = vector.shape_cast %get3A_1072 : vector<1x16xf32> to vector<16xf32>
        %max3A_1074 = arith.maximumf %get3A_1073, %neg3A_948 : vector<16xf32>
        %add3A_1075 = arith.addf %add3A_1065, %max3A_1074 : vector<16xf32>
        %mul3A_1076 = arith.constant 16 : i32
        %mul3A_1077 = arith.muli %scan3A_80, %mul3A_1076 : i32
        %add3A_1078 = arith.constant 13 : i32
        %add3A_1079 = arith.addi %mul3A_1077, %add3A_1078 : i32
        %get3A_1080 = arith.index_cast %add3A_1079 : i32 to index
        %get3A_1081 = arith.constant 80 : index
        %get3A_1082 = tpu.vector_load %arg7[%get3A_1080, %get3A_1081] {strides = array<i32>} : memref<128x128xf32, #tpu.memory_space<vmem>>, vector<1x16xf32>,
        %get3A_1083 = vector.shape_cast %get3A_1082 : vector<1x16xf32> to vector<16xf32>
        %max3A_1084 = arith.maximumf %get3A_1083, %neg3A_948 : vector<16xf32>
        %add3A_1085 = arith.addf %add3A_1075, %max3A_1084 : vector<16xf32>
        %mul3A_1086 = arith.constant 16 : i32
        %mul3A_1087 = arith.muli %scan3A_80, %mul3A_1086 : i32
        %add3A_1088 = arith.constant 14 : i32
        %add3A_1089 = arith.addi %mul3A_1087, %add3A_1088 : i32
        %get3A_1090 = arith.index_cast %add3A_1089 : i32 to index
        %get3A_1091 = arith.constant 80 : index
        %get3A_1092 = tpu.vector_load %arg7[%get3A_1090, %get3A_1091] {strides = array<i32>} : memref<128x128xf32, #tpu.memory_space<vmem>>, vector<1x16xf32>,
        %get3A_1093 = vector.shape_cast %get3A_1092 : vector<1x16xf32> to vector<16xf32>
        %max3A_1094 = arith.maximumf %get3A_1093, %neg3A_948 : vector<16xf32>
        %add3A_1095 = arith.addf %add3A_1085, %max3A_1094 : vector<16xf32>
        %mul3A_1096 = arith.constant 16 : i32
        %mul3A_1097 = arith.muli %scan3A_80, %mul3A_1096 : i32
        %add3A_1098 = arith.constant 15 : i32
        %add3A_1099 = arith.addi %mul3A_1097, %add3A_1098 : i32
        %get3A_1100 = arith.index_cast %add3A_1099 : i32 to index
        %get3A_1101 = arith.constant 80 : index
        %get3A_1102 = tpu.vector_load %arg7[%get3A_1100, %get3A_1101] {strides = array<i32>} : memref<128x128xf32, #tpu.memory_space<vmem>>, vector<1x16xf32>,
        %get3A_1103 = vector.shape_cast %get3A_1102 : vector<1x16xf32> to vector<16xf32>
        %max3A_1104 = arith.maximumf %get3A_1103, %neg3A_948 : vector<16xf32>
        %add3A_1105 = arith.addf %add3A_1095, %max3A_1104 : vector<16xf32>
        %mul3A_1106 = arith.constant 6.250000e-02 : f32
        %mul3A_1107 = vector.broadcast %mul3A_1106 : f32 to vector<16xf32>
        %mul3A_1108 = arith.mulf %add3A_1105, %mul3A_1107 : vector<16xf32>
        %add3A_1109 = arith.addf %mul3A_1108, %get3A_945 : vector<16xf32>
        %swap3A_1110 = arith.index_cast %scan3A_80 : i32 to index
        %swap3A_1111 = arith.constant 80 : index
        %swap3A_1112 = tpu.vector_load %arg10[%swap3A_1110, %swap3A_1111] {strides = array<i32>} : memref<8x128xf32, #tpu.memory_space<vmem>>, vector<1x16xf32>,
        %swap3A_1113 = vector.shape_cast %swap3A_1112 : vector<1x16xf32> to vector<16xf32>
        %swap3A_1114 = vector.shape_cast %add3A_1109 : vector<16xf32> to vector<1x16xf32>
        tpu.vector_store %arg10[%swap3A_1110, %swap3A_1111], %swap3A_1114 {strides = array<i32>} : memref<8x128xf32, #tpu.memory_space<vmem>>, vector<1x16xf32>,
        %get3A_1115 = arith.index_cast %scan3A_80 : i32 to index
        %get3A_1116 = arith.constant 96 : index
        %get3A_1117 = tpu.vector_load %arg9[%get3A_1115, %get3A_1116] {strides = array<i32>} : memref<8x128xf32, #tpu.memory_space<vmem>>, vector<1x16xf32>,
        %get3A_1118 = vector.shape_cast %get3A_1117 : vector<1x16xf32> to vector<16xf32>
        %neg3A_1119 = arith.constant 0.000000e+00 : f32
        %neg3A_1120 = vector.broadcast %neg3A_1119 : f32 to vector<16xf32>
        %neg3A_1121 = arith.subf %neg3A_1120, %get3A_1118 : vector<16xf32>
        %mul3A_1122 = arith.constant 16 : i32
        %mul3A_1123 = arith.muli %scan3A_80, %mul3A_1122 : i32
        %get3A_1124 = arith.index_cast %mul3A_1123 : i32 to index
        %get3A_1125 = arith.constant 96 : index
        %get3A_1126 = tpu.vector_load %arg7[%get3A_1124, %get3A_1125] {strides = array<i32>} : memref<128x128xf32, #tpu.memory_space<vmem>>, vector<1x16xf32>,
        %get3A_1127 = vector.shape_cast %get3A_1126 : vector<1x16xf32> to vector<16xf32>
        %max3A_1128 = arith.maximumf %get3A_1127, %neg3A_1121 : vector<16xf32>
        %mul3A_1129 = arith.constant 16 : i32
        %mul3A_1130 = arith.muli %scan3A_80, %mul3A_1129 : i32
        %add3A_1131 = arith.constant 1 : i32
        %add3A_1132 = arith.addi %mul3A_1130, %add3A_1131 : i32
        %get3A_1133 = arith.index_cast %add3A_1132 : i32 to index
        %get3A_1134 = arith.constant 96 : index
        %get3A_1135 = tpu.vector_load %arg7[%get3A_1133, %get3A_1134] {strides = array<i32>} : memref<128x128xf32, #tpu.memory_space<vmem>>, vector<1x16xf32>,
        %get3A_1136 = vector.shape_cast %get3A_1135 : vector<1x16xf32> to vector<16xf32>
        %max3A_1137 = arith.maximumf %get3A_1136, %neg3A_1121 : vector<16xf32>
        %add3A_1138 = arith.addf %max3A_1128, %max3A_1137 : vector<16xf32>
        %mul3A_1139 = arith.constant 16 : i32
        %mul3A_1140 = arith.muli %scan3A_80, %mul3A_1139 : i32
        %add3A_1141 = arith.constant 2 : i32
        %add3A_1142 = arith.addi %mul3A_1140, %add3A_1141 : i32
        %get3A_1143 = arith.index_cast %add3A_1142 : i32 to index
        %get3A_1144 = arith.constant 96 : index
        %get3A_1145 = tpu.vector_load %arg7[%get3A_1143, %get3A_1144] {strides = array<i32>} : memref<128x128xf32, #tpu.memory_space<vmem>>, vector<1x16xf32>,
        %get3A_1146 = vector.shape_cast %get3A_1145 : vector<1x16xf32> to vector<16xf32>
        %max3A_1147 = arith.maximumf %get3A_1146, %neg3A_1121 : vector<16xf32>
        %add3A_1148 = arith.addf %add3A_1138, %max3A_1147 : vector<16xf32>
        %mul3A_1149 = arith.constant 16 : i32
        %mul3A_1150 = arith.muli %scan3A_80, %mul3A_1149 : i32
        %add3A_1151 = arith.constant 3 : i32
        %add3A_1152 = arith.addi %mul3A_1150, %add3A_1151 : i32
        %get3A_1153 = arith.index_cast %add3A_1152 : i32 to index
        %get3A_1154 = arith.constant 96 : index
        %get3A_1155 = tpu.vector_load %arg7[%get3A_1153, %get3A_1154] {strides = array<i32>} : memref<128x128xf32, #tpu.memory_space<vmem>>, vector<1x16xf32>,
        %get3A_1156 = vector.shape_cast %get3A_1155 : vector<1x16xf32> to vector<16xf32>
        %max3A_1157 = arith.maximumf %get3A_1156, %neg3A_1121 : vector<16xf32>
        %add3A_1158 = arith.addf %add3A_1148, %max3A_1157 : vector<16xf32>
        %mul3A_1159 = arith.constant 16 : i32
        %mul3A_1160 = arith.muli %scan3A_80, %mul3A_1159 : i32
        %add3A_1161 = arith.constant 4 : i32
        %add3A_1162 = arith.addi %mul3A_1160, %add3A_1161 : i32
        %get3A_1163 = arith.index_cast %add3A_1162 : i32 to index
        %get3A_1164 = arith.constant 96 : index
        %get3A_1165 = tpu.vector_load %arg7[%get3A_1163, %get3A_1164] {strides = array<i32>} : memref<128x128xf32, #tpu.memory_space<vmem>>, vector<1x16xf32>,
        %get3A_1166 = vector.shape_cast %get3A_1165 : vector<1x16xf32> to vector<16xf32>
        %max3A_1167 = arith.maximumf %get3A_1166, %neg3A_1121 : vector<16xf32>
        %add3A_1168 = arith.addf %add3A_1158, %max3A_1167 : vector<16xf32>
        %mul3A_1169 = arith.constant 16 : i32
        %mul3A_1170 = arith.muli %scan3A_80, %mul3A_1169 : i32
        %add3A_1171 = arith.constant 5 : i32
        %add3A_1172 = arith.addi %mul3A_1170, %add3A_1171 : i32
        %get3A_1173 = arith.index_cast %add3A_1172 : i32 to index
        %get3A_1174 = arith.constant 96 : index
        %get3A_1175 = tpu.vector_load %arg7[%get3A_1173, %get3A_1174] {strides = array<i32>} : memref<128x128xf32, #tpu.memory_space<vmem>>, vector<1x16xf32>,
        %get3A_1176 = vector.shape_cast %get3A_1175 : vector<1x16xf32> to vector<16xf32>
        %max3A_1177 = arith.maximumf %get3A_1176, %neg3A_1121 : vector<16xf32>
        %add3A_1178 = arith.addf %add3A_1168, %max3A_1177 : vector<16xf32>
        %mul3A_1179 = arith.constant 16 : i32
        %mul3A_1180 = arith.muli %scan3A_80, %mul3A_1179 : i32
        %add3A_1181 = arith.constant 6 : i32
        %add3A_1182 = arith.addi %mul3A_1180, %add3A_1181 : i32
        %get3A_1183 = arith.index_cast %add3A_1182 : i32 to index
        %get3A_1184 = arith.constant 96 : index
        %get3A_1185 = tpu.vector_load %arg7[%get3A_1183, %get3A_1184] {strides = array<i32>} : memref<128x128xf32, #tpu.memory_space<vmem>>, vector<1x16xf32>,
        %get3A_1186 = vector.shape_cast %get3A_1185 : vector<1x16xf32> to vector<16xf32>
        %max3A_1187 = arith.maximumf %get3A_1186, %neg3A_1121 : vector<16xf32>
        %add3A_1188 = arith.addf %add3A_1178, %max3A_1187 : vector<16xf32>
        %mul3A_1189 = arith.constant 16 : i32
        %mul3A_1190 = arith.muli %scan3A_80, %mul3A_1189 : i32
        %add3A_1191 = arith.constant 7 : i32
        %add3A_1192 = arith.addi %mul3A_1190, %add3A_1191 : i32
        %get3A_1193 = arith.index_cast %add3A_1192 : i32 to index
        %get3A_1194 = arith.constant 96 : index
        %get3A_1195 = tpu.vector_load %arg7[%get3A_1193, %get3A_1194] {strides = array<i32>} : memref<128x128xf32, #tpu.memory_space<vmem>>, vector<1x16xf32>,
        %get3A_1196 = vector.shape_cast %get3A_1195 : vector<1x16xf32> to vector<16xf32>
        %max3A_1197 = arith.maximumf %get3A_1196, %neg3A_1121 : vector<16xf32>
        %add3A_1198 = arith.addf %add3A_1188, %max3A_1197 : vector<16xf32>
        %mul3A_1199 = arith.constant 16 : i32
        %mul3A_1200 = arith.muli %scan3A_80, %mul3A_1199 : i32
        %add3A_1201 = arith.constant 8 : i32
        %add3A_1202 = arith.addi %mul3A_1200, %add3A_1201 : i32
        %get3A_1203 = arith.index_cast %add3A_1202 : i32 to index
        %get3A_1204 = arith.constant 96 : index
        %get3A_1205 = tpu.vector_load %arg7[%get3A_1203, %get3A_1204] {strides = array<i32>} : memref<128x128xf32, #tpu.memory_space<vmem>>, vector<1x16xf32>,
        %get3A_1206 = vector.shape_cast %get3A_1205 : vector<1x16xf32> to vector<16xf32>
        %max3A_1207 = arith.maximumf %get3A_1206, %neg3A_1121 : vector<16xf32>
        %add3A_1208 = arith.addf %add3A_1198, %max3A_1207 : vector<16xf32>
        %mul3A_1209 = arith.constant 16 : i32
        %mul3A_1210 = arith.muli %scan3A_80, %mul3A_1209 : i32
        %add3A_1211 = arith.constant 9 : i32
        %add3A_1212 = arith.addi %mul3A_1210, %add3A_1211 : i32
        %get3A_1213 = arith.index_cast %add3A_1212 : i32 to index
        %get3A_1214 = arith.constant 96 : index
        %get3A_1215 = tpu.vector_load %arg7[%get3A_1213, %get3A_1214] {strides = array<i32>} : memref<128x128xf32, #tpu.memory_space<vmem>>, vector<1x16xf32>,
        %get3A_1216 = vector.shape_cast %get3A_1215 : vector<1x16xf32> to vector<16xf32>
        %max3A_1217 = arith.maximumf %get3A_1216, %neg3A_1121 : vector<16xf32>
        %add3A_1218 = arith.addf %add3A_1208, %max3A_1217 : vector<16xf32>
        %mul3A_1219 = arith.constant 16 : i32
        %mul3A_1220 = arith.muli %scan3A_80, %mul3A_1219 : i32
        %add3A_1221 = arith.constant 10 : i32
        %add3A_1222 = arith.addi %mul3A_1220, %add3A_1221 : i32
        %get3A_1223 = arith.index_cast %add3A_1222 : i32 to index
        %get3A_1224 = arith.constant 96 : index
        %get3A_1225 = tpu.vector_load %arg7[%get3A_1223, %get3A_1224] {strides = array<i32>} : memref<128x128xf32, #tpu.memory_space<vmem>>, vector<1x16xf32>,
        %get3A_1226 = vector.shape_cast %get3A_1225 : vector<1x16xf32> to vector<16xf32>
        %max3A_1227 = arith.maximumf %get3A_1226, %neg3A_1121 : vector<16xf32>
        %add3A_1228 = arith.addf %add3A_1218, %max3A_1227 : vector<16xf32>
        %mul3A_1229 = arith.constant 16 : i32
        %mul3A_1230 = arith.muli %scan3A_80, %mul3A_1229 : i32
        %add3A_1231 = arith.constant 11 : i32
        %add3A_1232 = arith.addi %mul3A_1230, %add3A_1231 : i32
        %get3A_1233 = arith.index_cast %add3A_1232 : i32 to index
        %get3A_1234 = arith.constant 96 : index
        %get3A_1235 = tpu.vector_load %arg7[%get3A_1233, %get3A_1234] {strides = array<i32>} : memref<128x128xf32, #tpu.memory_space<vmem>>, vector<1x16xf32>,
        %get3A_1236 = vector.shape_cast %get3A_1235 : vector<1x16xf32> to vector<16xf32>
        %max3A_1237 = arith.maximumf %get3A_1236, %neg3A_1121 : vector<16xf32>
        %add3A_1238 = arith.addf %add3A_1228, %max3A_1237 : vector<16xf32>
        %mul3A_1239 = arith.constant 16 : i32
        %mul3A_1240 = arith.muli %scan3A_80, %mul3A_1239 : i32
        %add3A_1241 = arith.constant 12 : i32
        %add3A_1242 = arith.addi %mul3A_1240, %add3A_1241 : i32
        %get3A_1243 = arith.index_cast %add3A_1242 : i32 to index
        %get3A_1244 = arith.constant 96 : index
        %get3A_1245 = tpu.vector_load %arg7[%get3A_1243, %get3A_1244] {strides = array<i32>} : memref<128x128xf32, #tpu.memory_space<vmem>>, vector<1x16xf32>,
        %get3A_1246 = vector.shape_cast %get3A_1245 : vector<1x16xf32> to vector<16xf32>
        %max3A_1247 = arith.maximumf %get3A_1246, %neg3A_1121 : vector<16xf32>
        %add3A_1248 = arith.addf %add3A_1238, %max3A_1247 : vector<16xf32>
        %mul3A_1249 = arith.constant 16 : i32
        %mul3A_1250 = arith.muli %scan3A_80, %mul3A_1249 : i32
        %add3A_1251 = arith.constant 13 : i32
        %add3A_1252 = arith.addi %mul3A_1250, %add3A_1251 : i32
        %get3A_1253 = arith.index_cast %add3A_1252 : i32 to index
        %get3A_1254 = arith.constant 96 : index
        %get3A_1255 = tpu.vector_load %arg7[%get3A_1253, %get3A_1254] {strides = array<i32>} : memref<128x128xf32, #tpu.memory_space<vmem>>, vector<1x16xf32>,
        %get3A_1256 = vector.shape_cast %get3A_1255 : vector<1x16xf32> to vector<16xf32>
        %max3A_1257 = arith.maximumf %get3A_1256, %neg3A_1121 : vector<16xf32>
        %add3A_1258 = arith.addf %add3A_1248, %max3A_1257 : vector<16xf32>
        %mul3A_1259 = arith.constant 16 : i32
        %mul3A_1260 = arith.muli %scan3A_80, %mul3A_1259 : i32
        %add3A_1261 = arith.constant 14 : i32
        %add3A_1262 = arith.addi %mul3A_1260, %add3A_1261 : i32
        %get3A_1263 = arith.index_cast %add3A_1262 : i32 to index
        %get3A_1264 = arith.constant 96 : index
        %get3A_1265 = tpu.vector_load %arg7[%get3A_1263, %get3A_1264] {strides = array<i32>} : memref<128x128xf32, #tpu.memory_space<vmem>>, vector<1x16xf32>,
        %get3A_1266 = vector.shape_cast %get3A_1265 : vector<1x16xf32> to vector<16xf32>
        %max3A_1267 = arith.maximumf %get3A_1266, %neg3A_1121 : vector<16xf32>
        %add3A_1268 = arith.addf %add3A_1258, %max3A_1267 : vector<16xf32>
        %mul3A_1269 = arith.constant 16 : i32
        %mul3A_1270 = arith.muli %scan3A_80, %mul3A_1269 : i32
        %add3A_1271 = arith.constant 15 : i32
        %add3A_1272 = arith.addi %mul3A_1270, %add3A_1271 : i32
        %get3A_1273 = arith.index_cast %add3A_1272 : i32 to index
        %get3A_1274 = arith.constant 96 : index
        %get3A_1275 = tpu.vector_load %arg7[%get3A_1273, %get3A_1274] {strides = array<i32>} : memref<128x128xf32, #tpu.memory_space<vmem>>, vector<1x16xf32>,
        %get3A_1276 = vector.shape_cast %get3A_1275 : vector<1x16xf32> to vector<16xf32>
        %max3A_1277 = arith.maximumf %get3A_1276, %neg3A_1121 : vector<16xf32>
        %add3A_1278 = arith.addf %add3A_1268, %max3A_1277 : vector<16xf32>
        %mul3A_1279 = arith.constant 6.250000e-02 : f32
        %mul3A_1280 = vector.broadcast %mul3A_1279 : f32 to vector<16xf32>
        %mul3A_1281 = arith.mulf %add3A_1278, %mul3A_1280 : vector<16xf32>
        %add3A_1282 = arith.addf %mul3A_1281, %get3A_1118 : vector<16xf32>
        %swap3A_1283 = arith.index_cast %scan3A_80 : i32 to index
        %swap3A_1284 = arith.constant 96 : index
        %swap3A_1285 = tpu.vector_load %arg10[%swap3A_1283, %swap3A_1284] {strides = array<i32>} : memref<8x128xf32, #tpu.memory_space<vmem>>, vector<1x16xf32>,
        %swap3A_1286 = vector.shape_cast %swap3A_1285 : vector<1x16xf32> to vector<16xf32>
        %swap3A_1287 = vector.shape_cast %add3A_1282 : vector<16xf32> to vector<1x16xf32>
        tpu.vector_store %arg10[%swap3A_1283, %swap3A_1284], %swap3A_1287 {strides = array<i32>} : memref<8x128xf32, #tpu.memory_space<vmem>>, vector<1x16xf32>,
        %get3A_1288 = arith.index_cast %scan3A_80 : i32 to index
        %get3A_1289 = arith.constant 112 : index
        %get3A_1290 = tpu.vector_load %arg9[%get3A_1288, %get3A_1289] {strides = array<i32>} : memref<8x128xf32, #tpu.memory_space<vmem>>, vector<1x16xf32>,
        %get3A_1291 = vector.shape_cast %get3A_1290 : vector<1x16xf32> to vector<16xf32>
        %neg3A_1292 = arith.constant 0.000000e+00 : f32
        %neg3A_1293 = vector.broadcast %neg3A_1292 : f32 to vector<16xf32>
        %neg3A_1294 = arith.subf %neg3A_1293, %get3A_1291 : vector<16xf32>
        %mul3A_1295 = arith.constant 16 : i32
        %mul3A_1296 = arith.muli %scan3A_80, %mul3A_1295 : i32
        %get3A_1297 = arith.index_cast %mul3A_1296 : i32 to index
        %get3A_1298 = arith.constant 112 : index
        %get3A_1299 = tpu.vector_load %arg7[%get3A_1297, %get3A_1298] {strides = array<i32>} : memref<128x128xf32, #tpu.memory_space<vmem>>, vector<1x16xf32>,
        %get3A_1300 = vector.shape_cast %get3A_1299 : vector<1x16xf32> to vector<16xf32>
        %max3A_1301 = arith.maximumf %get3A_1300, %neg3A_1294 : vector<16xf32>
        %mul3A_1302 = arith.constant 16 : i32
        %mul3A_1303 = arith.muli %scan3A_80, %mul3A_1302 : i32
        %add3A_1304 = arith.constant 1 : i32
        %add3A_1305 = arith.addi %mul3A_1303, %add3A_1304 : i32
        %get3A_1306 = arith.index_cast %add3A_1305 : i32 to index
        %get3A_1307 = arith.constant 112 : index
        %get3A_1308 = tpu.vector_load %arg7[%get3A_1306, %get3A_1307] {strides = array<i32>} : memref<128x128xf32, #tpu.memory_space<vmem>>, vector<1x16xf32>,
        %get3A_1309 = vector.shape_cast %get3A_1308 : vector<1x16xf32> to vector<16xf32>
        %max3A_1310 = arith.maximumf %get3A_1309, %neg3A_1294 : vector<16xf32>
        %add3A_1311 = arith.addf %max3A_1301, %max3A_1310 : vector<16xf32>
        %mul3A_1312 = arith.constant 16 : i32
        %mul3A_1313 = arith.muli %scan3A_80, %mul3A_1312 : i32
        %add3A_1314 = arith.constant 2 : i32
        %add3A_1315 = arith.addi %mul3A_1313, %add3A_1314 : i32
        %get3A_1316 = arith.index_cast %add3A_1315 : i32 to index
        %get3A_1317 = arith.constant 112 : index
        %get3A_1318 = tpu.vector_load %arg7[%get3A_1316, %get3A_1317] {strides = array<i32>} : memref<128x128xf32, #tpu.memory_space<vmem>>, vector<1x16xf32>,
        %get3A_1319 = vector.shape_cast %get3A_1318 : vector<1x16xf32> to vector<16xf32>
        %max3A_1320 = arith.maximumf %get3A_1319, %neg3A_1294 : vector<16xf32>
        %add3A_1321 = arith.addf %add3A_1311, %max3A_1320 : vector<16xf32>
        %mul3A_1322 = arith.constant 16 : i32
        %mul3A_1323 = arith.muli %scan3A_80, %mul3A_1322 : i32
        %add3A_1324 = arith.constant 3 : i32
        %add3A_1325 = arith.addi %mul3A_1323, %add3A_1324 : i32
        %get3A_1326 = arith.index_cast %add3A_1325 : i32 to index
        %get3A_1327 = arith.constant 112 : index
        %get3A_1328 = tpu.vector_load %arg7[%get3A_1326, %get3A_1327] {strides = array<i32>} : memref<128x128xf32, #tpu.memory_space<vmem>>, vector<1x16xf32>,
        %get3A_1329 = vector.shape_cast %get3A_1328 : vector<1x16xf32> to vector<16xf32>
        %max3A_1330 = arith.maximumf %get3A_1329, %neg3A_1294 : vector<16xf32>
        %add3A_1331 = arith.addf %add3A_1321, %max3A_1330 : vector<16xf32>
        %mul3A_1332 = arith.constant 16 : i32
        %mul3A_1333 = arith.muli %scan3A_80, %mul3A_1332 : i32
        %add3A_1334 = arith.constant 4 : i32
        %add3A_1335 = arith.addi %mul3A_1333, %add3A_1334 : i32
        %get3A_1336 = arith.index_cast %add3A_1335 : i32 to index
        %get3A_1337 = arith.constant 112 : index
        %get3A_1338 = tpu.vector_load %arg7[%get3A_1336, %get3A_1337] {strides = array<i32>} : memref<128x128xf32, #tpu.memory_space<vmem>>, vector<1x16xf32>,
        %get3A_1339 = vector.shape_cast %get3A_1338 : vector<1x16xf32> to vector<16xf32>
        %max3A_1340 = arith.maximumf %get3A_1339, %neg3A_1294 : vector<16xf32>
        %add3A_1341 = arith.addf %add3A_1331, %max3A_1340 : vector<16xf32>
        %mul3A_1342 = arith.constant 16 : i32
        %mul3A_1343 = arith.muli %scan3A_80, %mul3A_1342 : i32
        %add3A_1344 = arith.constant 5 : i32
        %add3A_1345 = arith.addi %mul3A_1343, %add3A_1344 : i32
        %get3A_1346 = arith.index_cast %add3A_1345 : i32 to index
        %get3A_1347 = arith.constant 112 : index
        %get3A_1348 = tpu.vector_load %arg7[%get3A_1346, %get3A_1347] {strides = array<i32>} : memref<128x128xf32, #tpu.memory_space<vmem>>, vector<1x16xf32>,
        %get3A_1349 = vector.shape_cast %get3A_1348 : vector<1x16xf32> to vector<16xf32>
        %max3A_1350 = arith.maximumf %get3A_1349, %neg3A_1294 : vector<16xf32>
        %add3A_1351 = arith.addf %add3A_1341, %max3A_1350 : vector<16xf32>
        %mul3A_1352 = arith.constant 16 : i32
        %mul3A_1353 = arith.muli %scan3A_80, %mul3A_1352 : i32
        %add3A_1354 = arith.constant 6 : i32
        %add3A_1355 = arith.addi %mul3A_1353, %add3A_1354 : i32
        %get3A_1356 = arith.index_cast %add3A_1355 : i32 to index
        %get3A_1357 = arith.constant 112 : index
        %get3A_1358 = tpu.vector_load %arg7[%get3A_1356, %get3A_1357] {strides = array<i32>} : memref<128x128xf32, #tpu.memory_space<vmem>>, vector<1x16xf32>,
        %get3A_1359 = vector.shape_cast %get3A_1358 : vector<1x16xf32> to vector<16xf32>
        %max3A_1360 = arith.maximumf %get3A_1359, %neg3A_1294 : vector<16xf32>
        %add3A_1361 = arith.addf %add3A_1351, %max3A_1360 : vector<16xf32>
        %mul3A_1362 = arith.constant 16 : i32
        %mul3A_1363 = arith.muli %scan3A_80, %mul3A_1362 : i32
        %add3A_1364 = arith.constant 7 : i32
        %add3A_1365 = arith.addi %mul3A_1363, %add3A_1364 : i32
        %get3A_1366 = arith.index_cast %add3A_1365 : i32 to index
        %get3A_1367 = arith.constant 112 : index
        %get3A_1368 = tpu.vector_load %arg7[%get3A_1366, %get3A_1367] {strides = array<i32>} : memref<128x128xf32, #tpu.memory_space<vmem>>, vector<1x16xf32>,
        %get3A_1369 = vector.shape_cast %get3A_1368 : vector<1x16xf32> to vector<16xf32>
        %max3A_1370 = arith.maximumf %get3A_1369, %neg3A_1294 : vector<16xf32>
        %add3A_1371 = arith.addf %add3A_1361, %max3A_1370 : vector<16xf32>
        %mul3A_1372 = arith.constant 16 : i32
        %mul3A_1373 = arith.muli %scan3A_80, %mul3A_1372 : i32
        %add3A_1374 = arith.constant 8 : i32
        %add3A_1375 = arith.addi %mul3A_1373, %add3A_1374 : i32
        %get3A_1376 = arith.index_cast %add3A_1375 : i32 to index
        %get3A_1377 = arith.constant 112 : index
        %get3A_1378 = tpu.vector_load %arg7[%get3A_1376, %get3A_1377] {strides = array<i32>} : memref<128x128xf32, #tpu.memory_space<vmem>>, vector<1x16xf32>,
        %get3A_1379 = vector.shape_cast %get3A_1378 : vector<1x16xf32> to vector<16xf32>
        %max3A_1380 = arith.maximumf %get3A_1379, %neg3A_1294 : vector<16xf32>
        %add3A_1381 = arith.addf %add3A_1371, %max3A_1380 : vector<16xf32>
        %mul3A_1382 = arith.constant 16 : i32
        %mul3A_1383 = arith.muli %scan3A_80, %mul3A_1382 : i32
        %add3A_1384 = arith.constant 9 : i32
        %add3A_1385 = arith.addi %mul3A_1383, %add3A_1384 : i32
        %get3A_1386 = arith.index_cast %add3A_1385 : i32 to index
        %get3A_1387 = arith.constant 112 : index
        %get3A_1388 = tpu.vector_load %arg7[%get3A_1386, %get3A_1387] {strides = array<i32>} : memref<128x128xf32, #tpu.memory_space<vmem>>, vector<1x16xf32>,
        %get3A_1389 = vector.shape_cast %get3A_1388 : vector<1x16xf32> to vector<16xf32>
        %max3A_1390 = arith.maximumf %get3A_1389, %neg3A_1294 : vector<16xf32>
        %add3A_1391 = arith.addf %add3A_1381, %max3A_1390 : vector<16xf32>
        %mul3A_1392 = arith.constant 16 : i32
        %mul3A_1393 = arith.muli %scan3A_80, %mul3A_1392 : i32
        %add3A_1394 = arith.constant 10 : i32
        %add3A_1395 = arith.addi %mul3A_1393, %add3A_1394 : i32
        %get3A_1396 = arith.index_cast %add3A_1395 : i32 to index
        %get3A_1397 = arith.constant 112 : index
        %get3A_1398 = tpu.vector_load %arg7[%get3A_1396, %get3A_1397] {strides = array<i32>} : memref<128x128xf32, #tpu.memory_space<vmem>>, vector<1x16xf32>,
        %get3A_1399 = vector.shape_cast %get3A_1398 : vector<1x16xf32> to vector<16xf32>
        %max3A_1400 = arith.maximumf %get3A_1399, %neg3A_1294 : vector<16xf32>
        %add3A_1401 = arith.addf %add3A_1391, %max3A_1400 : vector<16xf32>
        %mul3A_1402 = arith.constant 16 : i32
        %mul3A_1403 = arith.muli %scan3A_80, %mul3A_1402 : i32
        %add3A_1404 = arith.constant 11 : i32
        %add3A_1405 = arith.addi %mul3A_1403, %add3A_1404 : i32
        %get3A_1406 = arith.index_cast %add3A_1405 : i32 to index
        %get3A_1407 = arith.constant 112 : index
        %get3A_1408 = tpu.vector_load %arg7[%get3A_1406, %get3A_1407] {strides = array<i32>} : memref<128x128xf32, #tpu.memory_space<vmem>>, vector<1x16xf32>,
        %get3A_1409 = vector.shape_cast %get3A_1408 : vector<1x16xf32> to vector<16xf32>
        %max3A_1410 = arith.maximumf %get3A_1409, %neg3A_1294 : vector<16xf32>
        %add3A_1411 = arith.addf %add3A_1401, %max3A_1410 : vector<16xf32>
        %mul3A_1412 = arith.constant 16 : i32
        %mul3A_1413 = arith.muli %scan3A_80, %mul3A_1412 : i32
        %add3A_1414 = arith.constant 12 : i32
        %add3A_1415 = arith.addi %mul3A_1413, %add3A_1414 : i32
        %get3A_1416 = arith.index_cast %add3A_1415 : i32 to index
        %get3A_1417 = arith.constant 112 : index
        %get3A_1418 = tpu.vector_load %arg7[%get3A_1416, %get3A_1417] {strides = array<i32>} : memref<128x128xf32, #tpu.memory_space<vmem>>, vector<1x16xf32>,
        %get3A_1419 = vector.shape_cast %get3A_1418 : vector<1x16xf32> to vector<16xf32>
        %max3A_1420 = arith.maximumf %get3A_1419, %neg3A_1294 : vector<16xf32>
        %add3A_1421 = arith.addf %add3A_1411, %max3A_1420 : vector<16xf32>
        %mul3A_1422 = arith.constant 16 : i32
        %mul3A_1423 = arith.muli %scan3A_80, %mul3A_1422 : i32
        %add3A_1424 = arith.constant 13 : i32
        %add3A_1425 = arith.addi %mul3A_1423, %add3A_1424 : i32
        %get3A_1426 = arith.index_cast %add3A_1425 : i32 to index
        %get3A_1427 = arith.constant 112 : index
        %get3A_1428 = tpu.vector_load %arg7[%get3A_1426, %get3A_1427] {strides = array<i32>} : memref<128x128xf32, #tpu.memory_space<vmem>>, vector<1x16xf32>,
        %get3A_1429 = vector.shape_cast %get3A_1428 : vector<1x16xf32> to vector<16xf32>
        %max3A_1430 = arith.maximumf %get3A_1429, %neg3A_1294 : vector<16xf32>
        %add3A_1431 = arith.addf %add3A_1421, %max3A_1430 : vector<16xf32>
        %mul3A_1432 = arith.constant 16 : i32
        %mul3A_1433 = arith.muli %scan3A_80, %mul3A_1432 : i32
        %add3A_1434 = arith.constant 14 : i32
        %add3A_1435 = arith.addi %mul3A_1433, %add3A_1434 : i32
        %get3A_1436 = arith.index_cast %add3A_1435 : i32 to index
        %get3A_1437 = arith.constant 112 : index
        %get3A_1438 = tpu.vector_load %arg7[%get3A_1436, %get3A_1437] {strides = array<i32>} : memref<128x128xf32, #tpu.memory_space<vmem>>, vector<1x16xf32>,
        %get3A_1439 = vector.shape_cast %get3A_1438 : vector<1x16xf32> to vector<16xf32>
        %max3A_1440 = arith.maximumf %get3A_1439, %neg3A_1294 : vector<16xf32>
        %add3A_1441 = arith.addf %add3A_1431, %max3A_1440 : vector<16xf32>
        %mul3A_1442 = arith.constant 16 : i32
        %mul3A_1443 = arith.muli %scan3A_80, %mul3A_1442 : i32
        %add3A_1444 = arith.constant 15 : i32
        %add3A_1445 = arith.addi %mul3A_1443, %add3A_1444 : i32
        %get3A_1446 = arith.index_cast %add3A_1445 : i32 to index
        %get3A_1447 = arith.constant 112 : index
        %get3A_1448 = tpu.vector_load %arg7[%get3A_1446, %get3A_1447] {strides = array<i32>} : memref<128x128xf32, #tpu.memory_space<vmem>>, vector<1x16xf32>,
        %get3A_1449 = vector.shape_cast %get3A_1448 : vector<1x16xf32> to vector<16xf32>
        %max3A_1450 = arith.maximumf %get3A_1449, %neg3A_1294 : vector<16xf32>
        %add3A_1451 = arith.addf %add3A_1441, %max3A_1450 : vector<16xf32>
        %mul3A_1452 = arith.constant 6.250000e-02 : f32
        %mul3A_1453 = vector.broadcast %mul3A_1452 : f32 to vector<16xf32>
        %mul3A_1454 = arith.mulf %add3A_1451, %mul3A_1453 : vector<16xf32>
        %add3A_1455 = arith.addf %mul3A_1454, %get3A_1291 : vector<16xf32>
        %swap3A_1456 = arith.index_cast %scan3A_80 : i32 to index
        %swap3A_1457 = arith.constant 112 : index
        %swap3A_1458 = tpu.vector_load %arg10[%swap3A_1456, %swap3A_1457] {strides = array<i32>} : memref<8x128xf32, #tpu.memory_space<vmem>>, vector<1x16xf32>,
        %swap3A_1459 = vector.shape_cast %swap3A_1458 : vector<1x16xf32> to vector<16xf32>
        %swap3A_1460 = vector.shape_cast %add3A_1455 : vector<16xf32> to vector<1x16xf32>
        tpu.vector_store %arg10[%swap3A_1456, %swap3A_1457], %swap3A_1460 {strides = array<i32>} : memref<8x128xf32, #tpu.memory_space<vmem>>, vector<1x16xf32>,
      }
      %scan3A_52 = arith.constant 8 : i32
      "tpu.region"() ({
        %run_scoped3A = tpu.sem_alloc : memref<!tpu.dma_semaphore, #tpu.memory_space<semaphore_mem>>
        %dma_start3A_80 = arith.constant 0 : i32
        %dma_start3A_81 = tpu.memref_slice %arg5[%add3A_32, %dma_start3A_80] : memref<20480x128xf32, #tpu.memory_space<hbm>> -> memref<8x128xf32, #tpu.memory_space<hbm>>
        %dma_start3A_82 = arith.constant 0 : i32
        %dma_start3A_83 = tpu.memref_slice %arg5[%add3A_32, %dma_start3A_82] : memref<20480x128xf32, #tpu.memory_space<hbm>> -> memref<8x128xf32, #tpu.memory_space<hbm>>
        tpu.enqueue_dma source(%arg10 : memref<8x128xf32, #tpu.memory_space<vmem>>) target(%dma_start3A_83 : memref<8x128xf32, #tpu.memory_space<hbm>>) target_semaphore(%run_scoped3A : memref<!tpu.dma_semaphore, #tpu.memory_space<semaphore_mem>>)
        %dma_wait3A_84 = arith.constant 0 : i32
        %dma_wait3A_85 = tpu.memref_slice %arg5[%add3A_32, %dma_wait3A_84] : memref<20480x128xf32, #tpu.memory_space<hbm>> -> memref<8x128xf32, #tpu.memory_space<hbm>>
        %dma_wait3A_86 = arith.constant 0 : i32
        %dma_wait3A_87 = tpu.memref_slice %arg5[%add3A_32, %dma_wait3A_86] : memref<20480x128xf32, #tpu.memory_space<hbm>> -> memref<8x128xf32, #tpu.memory_space<hbm>>
        tpu.wait_dma2 semaphore(%run_scoped3A : memref<!tpu.dma_semaphore, #tpu.memory_space<semaphore_mem>>) src(%arg10 : memref<8x128xf32, #tpu.memory_space<vmem>>) dst(%dma_wait3A_87 : memref<8x128xf32, #tpu.memory_space<hbm>>)
        tpu.yield
      }) : () -> ()
      %add3A_53 = arith.constant 2 : i32
      %add3A_54 = arith.addi %mul3A_29, %add3A_53 : i32
      %min3A = arith.constant 79 : i32
      %min3A_55 = arith.minsi %add3A_54, %min3A : i32
      %dma_start3A_56 = arith.constant 0 : i32
      %dma_start3A_57 = tpu.memref_slice %arg6[%min3A_55, %dma_start3A_56] : memref<80x128xi32, #tpu.memory_space<vmem>> -> memref<1x128xi32, #tpu.memory_space<vmem>>
      %dma_start3A_58 = tpu.memref_squeeze %dma_start3A_57 : memref<1x128xi32, #tpu.memory_space<vmem>> -> memref<128xi32, #tpu.memory_space<vmem>>
      %dma_start3A_59 = arith.constant 0 : i32
      %dma_start3A_60 = arith.constant 0 : i32
      %dma_start3A_61 = tpu.memref_slice %arg11[%dma_start3A_59, %dma_start3A_60] : memref<10240x128xf32, #tpu.memory_space<vmem_shared>> -> memref<10240x128xf32, #tpu.memory_space<vmem_shared>>
      tpu.enqueue_indirect_dma source(%dma_start3A_61 : memref<10240x128xf32, #tpu.memory_space<vmem_shared>>) target(%arg7 : memref<128x128xf32, #tpu.memory_space<vmem>>) offsets(%dma_start3A_58 : memref<128xi32, #tpu.memory_space<vmem>>) semaphore(%arg12 : memref<!tpu.dma_semaphore, #tpu.memory_space<semaphore_mem>>)
      %add3A_62 = arith.constant 8 : i32
      %add3A_63 = arith.addi %add3A_32, %add3A_62 : i32
      "tpu.region"() ({
        %run_scoped3A = tpu.sem_alloc : memref<!tpu.dma_semaphore, #tpu.memory_space<semaphore_mem>>
        %dma_start3A_80 = arith.constant 0 : i32
        %dma_start3A_81 = tpu.memref_slice %arg3[%add3A_63, %dma_start3A_80] : memref<20480x128xf32, #tpu.memory_space<hbm>> -> memref<8x128xf32, #tpu.memory_space<hbm>>
        %dma_start3A_82 = arith.constant 0 : i32
        %dma_start3A_83 = tpu.memref_slice %arg3[%add3A_63, %dma_start3A_82] : memref<20480x128xf32, #tpu.memory_space<hbm>> -> memref<8x128xf32, #tpu.memory_space<hbm>>
        tpu.enqueue_dma source(%dma_start3A_83 : memref<8x128xf32, #tpu.memory_space<hbm>>) target(%arg9 : memref<8x128xf32, #tpu.memory_space<vmem>>) target_semaphore(%run_scoped3A : memref<!tpu.dma_semaphore, #tpu.memory_space<semaphore_mem>>)
        %dma_wait3A_84 = arith.constant 0 : i32
        %dma_wait3A_85 = tpu.memref_slice %arg3[%add3A_63, %dma_wait3A_84] : memref<20480x128xf32, #tpu.memory_space<hbm>> -> memref<8x128xf32, #tpu.memory_space<hbm>>
        %dma_wait3A_86 = arith.constant 0 : i32
        %dma_wait3A_87 = tpu.memref_slice %arg3[%add3A_63, %dma_wait3A_86] : memref<20480x128xf32, #tpu.memory_space<hbm>> -> memref<8x128xf32, #tpu.memory_space<hbm>>
        tpu.wait_dma2 semaphore(%run_scoped3A : memref<!tpu.dma_semaphore, #tpu.memory_space<semaphore_mem>>) src(%dma_wait3A_87 : memref<8x128xf32, #tpu.memory_space<hbm>>) dst(%arg9 : memref<8x128xf32, #tpu.memory_space<vmem>>)
        tpu.yield
      }) : () -> ()
      %add3A_64 = arith.constant 1 : i32
      %add3A_65 = arith.addi %mul3A_29, %add3A_64 : i32
      %dma_wait3A_66 = arith.constant 0 : i32
      %dma_wait3A_67 = tpu.memref_slice %arg6[%add3A_65, %dma_wait3A_66] : memref<80x128xi32, #tpu.memory_space<vmem>> -> memref<1x128xi32, #tpu.memory_space<vmem>>
      %dma_wait3A_68 = tpu.memref_squeeze %dma_wait3A_67 : memref<1x128xi32, #tpu.memory_space<vmem>> -> memref<128xi32, #tpu.memory_space<vmem>>
      %dma_wait3A_69 = arith.constant 0 : i32
      %dma_wait3A_70 = arith.constant 0 : i32
      %dma_wait3A_71 = tpu.memref_slice %arg11[%dma_wait3A_69, %dma_wait3A_70] : memref<10240x128xf32, #tpu.memory_space<vmem_shared>> -> memref<10240x128xf32, #tpu.memory_space<vmem_shared>>
      tpu.wait_indirect_dma semaphore(%arg13 : memref<!tpu.dma_semaphore, #tpu.memory_space<semaphore_mem>>) src(%dma_wait3A_71 : memref<10240x128xf32, #tpu.memory_space<vmem_shared>>) dst(%arg8 : memref<128x128xf32, #tpu.memory_space<vmem>>)
      %scan3A_72 = arith.constant 0 : i32
      %scan3A_73 = arith.constant 0 : i32
      %scan3A_74 = arith.constant 8 : i32
      %scan3A_75 = arith.addi %scan3A_73, %scan3A_74 : i32
      %scan3A_76 = arith.constant 1 : i32
      scf.for %scan3A_80 = %scan3A_73 to %scan3A_75 step %scan3A_76  : i32 {
        %get3A = arith.index_cast %scan3A_80 : i32 to index
        %get3A_81 = arith.constant 0 : index
        %get3A_82 = tpu.vector_load %arg9[%get3A, %get3A_81] {strides = array<i32>} : memref<8x128xf32, #tpu.memory_space<vmem>>, vector<1x16xf32>,
        %get3A_83 = vector.shape_cast %get3A_82 : vector<1x16xf32> to vector<16xf32>
        %neg3A = arith.constant 0.000000e+00 : f32
        %neg3A_84 = vector.broadcast %neg3A : f32 to vector<16xf32>
        %neg3A_85 = arith.subf %neg3A_84, %get3A_83 : vector<16xf32>
        %mul3A_86 = arith.constant 16 : i32
        %mul3A_87 = arith.muli %scan3A_80, %mul3A_86 : i32
        %get3A_88 = arith.index_cast %mul3A_87 : i32 to index
        %get3A_89 = arith.constant 0 : index
        %get3A_90 = tpu.vector_load %arg8[%get3A_88, %get3A_89] {strides = array<i32>} : memref<128x128xf32, #tpu.memory_space<vmem>>, vector<1x16xf32>,
        %get3A_91 = vector.shape_cast %get3A_90 : vector<1x16xf32> to vector<16xf32>
        %max3A = arith.maximumf %get3A_91, %neg3A_85 : vector<16xf32>
        %mul3A_92 = arith.constant 16 : i32
        %mul3A_93 = arith.muli %scan3A_80, %mul3A_92 : i32
        %add3A_94 = arith.constant 1 : i32
        %add3A_95 = arith.addi %mul3A_93, %add3A_94 : i32
        %get3A_96 = arith.index_cast %add3A_95 : i32 to index
        %get3A_97 = arith.constant 0 : index
        %get3A_98 = tpu.vector_load %arg8[%get3A_96, %get3A_97] {strides = array<i32>} : memref<128x128xf32, #tpu.memory_space<vmem>>, vector<1x16xf32>,
        %get3A_99 = vector.shape_cast %get3A_98 : vector<1x16xf32> to vector<16xf32>
        %max3A_100 = arith.maximumf %get3A_99, %neg3A_85 : vector<16xf32>
        %add3A_101 = arith.addf %max3A, %max3A_100 : vector<16xf32>
        %mul3A_102 = arith.constant 16 : i32
        %mul3A_103 = arith.muli %scan3A_80, %mul3A_102 : i32
        %add3A_104 = arith.constant 2 : i32
        %add3A_105 = arith.addi %mul3A_103, %add3A_104 : i32
        %get3A_106 = arith.index_cast %add3A_105 : i32 to index
        %get3A_107 = arith.constant 0 : index
        %get3A_108 = tpu.vector_load %arg8[%get3A_106, %get3A_107] {strides = array<i32>} : memref<128x128xf32, #tpu.memory_space<vmem>>, vector<1x16xf32>,
        %get3A_109 = vector.shape_cast %get3A_108 : vector<1x16xf32> to vector<16xf32>
        %max3A_110 = arith.maximumf %get3A_109, %neg3A_85 : vector<16xf32>
        %add3A_111 = arith.addf %add3A_101, %max3A_110 : vector<16xf32>
        %mul3A_112 = arith.constant 16 : i32
        %mul3A_113 = arith.muli %scan3A_80, %mul3A_112 : i32
        %add3A_114 = arith.constant 3 : i32
        %add3A_115 = arith.addi %mul3A_113, %add3A_114 : i32
        %get3A_116 = arith.index_cast %add3A_115 : i32 to index
        %get3A_117 = arith.constant 0 : index
        %get3A_118 = tpu.vector_load %arg8[%get3A_116, %get3A_117] {strides = array<i32>} : memref<128x128xf32, #tpu.memory_space<vmem>>, vector<1x16xf32>,
        %get3A_119 = vector.shape_cast %get3A_118 : vector<1x16xf32> to vector<16xf32>
        %max3A_120 = arith.maximumf %get3A_119, %neg3A_85 : vector<16xf32>
        %add3A_121 = arith.addf %add3A_111, %max3A_120 : vector<16xf32>
        %mul3A_122 = arith.constant 16 : i32
        %mul3A_123 = arith.muli %scan3A_80, %mul3A_122 : i32
        %add3A_124 = arith.constant 4 : i32
        %add3A_125 = arith.addi %mul3A_123, %add3A_124 : i32
        %get3A_126 = arith.index_cast %add3A_125 : i32 to index
        %get3A_127 = arith.constant 0 : index
        %get3A_128 = tpu.vector_load %arg8[%get3A_126, %get3A_127] {strides = array<i32>} : memref<128x128xf32, #tpu.memory_space<vmem>>, vector<1x16xf32>,
        %get3A_129 = vector.shape_cast %get3A_128 : vector<1x16xf32> to vector<16xf32>
        %max3A_130 = arith.maximumf %get3A_129, %neg3A_85 : vector<16xf32>
        %add3A_131 = arith.addf %add3A_121, %max3A_130 : vector<16xf32>
        %mul3A_132 = arith.constant 16 : i32
        %mul3A_133 = arith.muli %scan3A_80, %mul3A_132 : i32
        %add3A_134 = arith.constant 5 : i32
        %add3A_135 = arith.addi %mul3A_133, %add3A_134 : i32
        %get3A_136 = arith.index_cast %add3A_135 : i32 to index
        %get3A_137 = arith.constant 0 : index
        %get3A_138 = tpu.vector_load %arg8[%get3A_136, %get3A_137] {strides = array<i32>} : memref<128x128xf32, #tpu.memory_space<vmem>>, vector<1x16xf32>,
        %get3A_139 = vector.shape_cast %get3A_138 : vector<1x16xf32> to vector<16xf32>
        %max3A_140 = arith.maximumf %get3A_139, %neg3A_85 : vector<16xf32>
        %add3A_141 = arith.addf %add3A_131, %max3A_140 : vector<16xf32>
        %mul3A_142 = arith.constant 16 : i32
        %mul3A_143 = arith.muli %scan3A_80, %mul3A_142 : i32
        %add3A_144 = arith.constant 6 : i32
        %add3A_145 = arith.addi %mul3A_143, %add3A_144 : i32
        %get3A_146 = arith.index_cast %add3A_145 : i32 to index
        %get3A_147 = arith.constant 0 : index
        %get3A_148 = tpu.vector_load %arg8[%get3A_146, %get3A_147] {strides = array<i32>} : memref<128x128xf32, #tpu.memory_space<vmem>>, vector<1x16xf32>,
        %get3A_149 = vector.shape_cast %get3A_148 : vector<1x16xf32> to vector<16xf32>
        %max3A_150 = arith.maximumf %get3A_149, %neg3A_85 : vector<16xf32>
        %add3A_151 = arith.addf %add3A_141, %max3A_150 : vector<16xf32>
        %mul3A_152 = arith.constant 16 : i32
        %mul3A_153 = arith.muli %scan3A_80, %mul3A_152 : i32
        %add3A_154 = arith.constant 7 : i32
        %add3A_155 = arith.addi %mul3A_153, %add3A_154 : i32
        %get3A_156 = arith.index_cast %add3A_155 : i32 to index
        %get3A_157 = arith.constant 0 : index
        %get3A_158 = tpu.vector_load %arg8[%get3A_156, %get3A_157] {strides = array<i32>} : memref<128x128xf32, #tpu.memory_space<vmem>>, vector<1x16xf32>,
        %get3A_159 = vector.shape_cast %get3A_158 : vector<1x16xf32> to vector<16xf32>
        %max3A_160 = arith.maximumf %get3A_159, %neg3A_85 : vector<16xf32>
        %add3A_161 = arith.addf %add3A_151, %max3A_160 : vector<16xf32>
        %mul3A_162 = arith.constant 16 : i32
        %mul3A_163 = arith.muli %scan3A_80, %mul3A_162 : i32
        %add3A_164 = arith.constant 8 : i32
        %add3A_165 = arith.addi %mul3A_163, %add3A_164 : i32
        %get3A_166 = arith.index_cast %add3A_165 : i32 to index
        %get3A_167 = arith.constant 0 : index
        %get3A_168 = tpu.vector_load %arg8[%get3A_166, %get3A_167] {strides = array<i32>} : memref<128x128xf32, #tpu.memory_space<vmem>>, vector<1x16xf32>,
        %get3A_169 = vector.shape_cast %get3A_168 : vector<1x16xf32> to vector<16xf32>
        %max3A_170 = arith.maximumf %get3A_169, %neg3A_85 : vector<16xf32>
        %add3A_171 = arith.addf %add3A_161, %max3A_170 : vector<16xf32>
        %mul3A_172 = arith.constant 16 : i32
        %mul3A_173 = arith.muli %scan3A_80, %mul3A_172 : i32
        %add3A_174 = arith.constant 9 : i32
        %add3A_175 = arith.addi %mul3A_173, %add3A_174 : i32
        %get3A_176 = arith.index_cast %add3A_175 : i32 to index
        %get3A_177 = arith.constant 0 : index
        %get3A_178 = tpu.vector_load %arg8[%get3A_176, %get3A_177] {strides = array<i32>} : memref<128x128xf32, #tpu.memory_space<vmem>>, vector<1x16xf32>,
        %get3A_179 = vector.shape_cast %get3A_178 : vector<1x16xf32> to vector<16xf32>
        %max3A_180 = arith.maximumf %get3A_179, %neg3A_85 : vector<16xf32>
        %add3A_181 = arith.addf %add3A_171, %max3A_180 : vector<16xf32>
        %mul3A_182 = arith.constant 16 : i32
        %mul3A_183 = arith.muli %scan3A_80, %mul3A_182 : i32
        %add3A_184 = arith.constant 10 : i32
        %add3A_185 = arith.addi %mul3A_183, %add3A_184 : i32
        %get3A_186 = arith.index_cast %add3A_185 : i32 to index
        %get3A_187 = arith.constant 0 : index
        %get3A_188 = tpu.vector_load %arg8[%get3A_186, %get3A_187] {strides = array<i32>} : memref<128x128xf32, #tpu.memory_space<vmem>>, vector<1x16xf32>,
        %get3A_189 = vector.shape_cast %get3A_188 : vector<1x16xf32> to vector<16xf32>
        %max3A_190 = arith.maximumf %get3A_189, %neg3A_85 : vector<16xf32>
        %add3A_191 = arith.addf %add3A_181, %max3A_190 : vector<16xf32>
        %mul3A_192 = arith.constant 16 : i32
        %mul3A_193 = arith.muli %scan3A_80, %mul3A_192 : i32
        %add3A_194 = arith.constant 11 : i32
        %add3A_195 = arith.addi %mul3A_193, %add3A_194 : i32
        %get3A_196 = arith.index_cast %add3A_195 : i32 to index
        %get3A_197 = arith.constant 0 : index
        %get3A_198 = tpu.vector_load %arg8[%get3A_196, %get3A_197] {strides = array<i32>} : memref<128x128xf32, #tpu.memory_space<vmem>>, vector<1x16xf32>,
        %get3A_199 = vector.shape_cast %get3A_198 : vector<1x16xf32> to vector<16xf32>
        %max3A_200 = arith.maximumf %get3A_199, %neg3A_85 : vector<16xf32>
        %add3A_201 = arith.addf %add3A_191, %max3A_200 : vector<16xf32>
        %mul3A_202 = arith.constant 16 : i32
        %mul3A_203 = arith.muli %scan3A_80, %mul3A_202 : i32
        %add3A_204 = arith.constant 12 : i32
        %add3A_205 = arith.addi %mul3A_203, %add3A_204 : i32
        %get3A_206 = arith.index_cast %add3A_205 : i32 to index
        %get3A_207 = arith.constant 0 : index
        %get3A_208 = tpu.vector_load %arg8[%get3A_206, %get3A_207] {strides = array<i32>} : memref<128x128xf32, #tpu.memory_space<vmem>>, vector<1x16xf32>,
        %get3A_209 = vector.shape_cast %get3A_208 : vector<1x16xf32> to vector<16xf32>
        %max3A_210 = arith.maximumf %get3A_209, %neg3A_85 : vector<16xf32>
        %add3A_211 = arith.addf %add3A_201, %max3A_210 : vector<16xf32>
        %mul3A_212 = arith.constant 16 : i32
        %mul3A_213 = arith.muli %scan3A_80, %mul3A_212 : i32
        %add3A_214 = arith.constant 13 : i32
        %add3A_215 = arith.addi %mul3A_213, %add3A_214 : i32
        %get3A_216 = arith.index_cast %add3A_215 : i32 to index
        %get3A_217 = arith.constant 0 : index
        %get3A_218 = tpu.vector_load %arg8[%get3A_216, %get3A_217] {strides = array<i32>} : memref<128x128xf32, #tpu.memory_space<vmem>>, vector<1x16xf32>,
        %get3A_219 = vector.shape_cast %get3A_218 : vector<1x16xf32> to vector<16xf32>
        %max3A_220 = arith.maximumf %get3A_219, %neg3A_85 : vector<16xf32>
        %add3A_221 = arith.addf %add3A_211, %max3A_220 : vector<16xf32>
        %mul3A_222 = arith.constant 16 : i32
        %mul3A_223 = arith.muli %scan3A_80, %mul3A_222 : i32
        %add3A_224 = arith.constant 14 : i32
        %add3A_225 = arith.addi %mul3A_223, %add3A_224 : i32
        %get3A_226 = arith.index_cast %add3A_225 : i32 to index
        %get3A_227 = arith.constant 0 : index
        %get3A_228 = tpu.vector_load %arg8[%get3A_226, %get3A_227] {strides = array<i32>} : memref<128x128xf32, #tpu.memory_space<vmem>>, vector<1x16xf32>,
        %get3A_229 = vector.shape_cast %get3A_228 : vector<1x16xf32> to vector<16xf32>
        %max3A_230 = arith.maximumf %get3A_229, %neg3A_85 : vector<16xf32>
        %add3A_231 = arith.addf %add3A_221, %max3A_230 : vector<16xf32>
        %mul3A_232 = arith.constant 16 : i32
        %mul3A_233 = arith.muli %scan3A_80, %mul3A_232 : i32
        %add3A_234 = arith.constant 15 : i32
        %add3A_235 = arith.addi %mul3A_233, %add3A_234 : i32
        %get3A_236 = arith.index_cast %add3A_235 : i32 to index
        %get3A_237 = arith.constant 0 : index
        %get3A_238 = tpu.vector_load %arg8[%get3A_236, %get3A_237] {strides = array<i32>} : memref<128x128xf32, #tpu.memory_space<vmem>>, vector<1x16xf32>,
        %get3A_239 = vector.shape_cast %get3A_238 : vector<1x16xf32> to vector<16xf32>
        %max3A_240 = arith.maximumf %get3A_239, %neg3A_85 : vector<16xf32>
        %add3A_241 = arith.addf %add3A_231, %max3A_240 : vector<16xf32>
        %mul3A_242 = arith.constant 6.250000e-02 : f32
        %mul3A_243 = vector.broadcast %mul3A_242 : f32 to vector<16xf32>
        %mul3A_244 = arith.mulf %add3A_241, %mul3A_243 : vector<16xf32>
        %add3A_245 = arith.addf %mul3A_244, %get3A_83 : vector<16xf32>
        %swap3A = arith.index_cast %scan3A_80 : i32 to index
        %swap3A_246 = arith.constant 0 : index
        %swap3A_247 = tpu.vector_load %arg10[%swap3A, %swap3A_246] {strides = array<i32>} : memref<8x128xf32, #tpu.memory_space<vmem>>, vector<1x16xf32>,
        %swap3A_248 = vector.shape_cast %swap3A_247 : vector<1x16xf32> to vector<16xf32>
        %swap3A_249 = vector.shape_cast %add3A_245 : vector<16xf32> to vector<1x16xf32>
        tpu.vector_store %arg10[%swap3A, %swap3A_246], %swap3A_249 {strides = array<i32>} : memref<8x128xf32, #tpu.memory_space<vmem>>, vector<1x16xf32>,
        %get3A_250 = arith.index_cast %scan3A_80 : i32 to index
        %get3A_251 = arith.constant 16 : index
        %get3A_252 = tpu.vector_load %arg9[%get3A_250, %get3A_251] {strides = array<i32>} : memref<8x128xf32, #tpu.memory_space<vmem>>, vector<1x16xf32>,
        %get3A_253 = vector.shape_cast %get3A_252 : vector<1x16xf32> to vector<16xf32>
        %neg3A_254 = arith.constant 0.000000e+00 : f32
        %neg3A_255 = vector.broadcast %neg3A_254 : f32 to vector<16xf32>
        %neg3A_256 = arith.subf %neg3A_255, %get3A_253 : vector<16xf32>
        %mul3A_257 = arith.constant 16 : i32
        %mul3A_258 = arith.muli %scan3A_80, %mul3A_257 : i32
        %get3A_259 = arith.index_cast %mul3A_258 : i32 to index
        %get3A_260 = arith.constant 16 : index
        %get3A_261 = tpu.vector_load %arg8[%get3A_259, %get3A_260] {strides = array<i32>} : memref<128x128xf32, #tpu.memory_space<vmem>>, vector<1x16xf32>,
        %get3A_262 = vector.shape_cast %get3A_261 : vector<1x16xf32> to vector<16xf32>
        %max3A_263 = arith.maximumf %get3A_262, %neg3A_256 : vector<16xf32>
        %mul3A_264 = arith.constant 16 : i32
        %mul3A_265 = arith.muli %scan3A_80, %mul3A_264 : i32
        %add3A_266 = arith.constant 1 : i32
        %add3A_267 = arith.addi %mul3A_265, %add3A_266 : i32
        %get3A_268 = arith.index_cast %add3A_267 : i32 to index
        %get3A_269 = arith.constant 16 : index
        %get3A_270 = tpu.vector_load %arg8[%get3A_268, %get3A_269] {strides = array<i32>} : memref<128x128xf32, #tpu.memory_space<vmem>>, vector<1x16xf32>,
        %get3A_271 = vector.shape_cast %get3A_270 : vector<1x16xf32> to vector<16xf32>
        %max3A_272 = arith.maximumf %get3A_271, %neg3A_256 : vector<16xf32>
        %add3A_273 = arith.addf %max3A_263, %max3A_272 : vector<16xf32>
        %mul3A_274 = arith.constant 16 : i32
        %mul3A_275 = arith.muli %scan3A_80, %mul3A_274 : i32
        %add3A_276 = arith.constant 2 : i32
        %add3A_277 = arith.addi %mul3A_275, %add3A_276 : i32
        %get3A_278 = arith.index_cast %add3A_277 : i32 to index
        %get3A_279 = arith.constant 16 : index
        %get3A_280 = tpu.vector_load %arg8[%get3A_278, %get3A_279] {strides = array<i32>} : memref<128x128xf32, #tpu.memory_space<vmem>>, vector<1x16xf32>,
        %get3A_281 = vector.shape_cast %get3A_280 : vector<1x16xf32> to vector<16xf32>
        %max3A_282 = arith.maximumf %get3A_281, %neg3A_256 : vector<16xf32>
        %add3A_283 = arith.addf %add3A_273, %max3A_282 : vector<16xf32>
        %mul3A_284 = arith.constant 16 : i32
        %mul3A_285 = arith.muli %scan3A_80, %mul3A_284 : i32
        %add3A_286 = arith.constant 3 : i32
        %add3A_287 = arith.addi %mul3A_285, %add3A_286 : i32
        %get3A_288 = arith.index_cast %add3A_287 : i32 to index
        %get3A_289 = arith.constant 16 : index
        %get3A_290 = tpu.vector_load %arg8[%get3A_288, %get3A_289] {strides = array<i32>} : memref<128x128xf32, #tpu.memory_space<vmem>>, vector<1x16xf32>,
        %get3A_291 = vector.shape_cast %get3A_290 : vector<1x16xf32> to vector<16xf32>
        %max3A_292 = arith.maximumf %get3A_291, %neg3A_256 : vector<16xf32>
        %add3A_293 = arith.addf %add3A_283, %max3A_292 : vector<16xf32>
        %mul3A_294 = arith.constant 16 : i32
        %mul3A_295 = arith.muli %scan3A_80, %mul3A_294 : i32
        %add3A_296 = arith.constant 4 : i32
        %add3A_297 = arith.addi %mul3A_295, %add3A_296 : i32
        %get3A_298 = arith.index_cast %add3A_297 : i32 to index
        %get3A_299 = arith.constant 16 : index
        %get3A_300 = tpu.vector_load %arg8[%get3A_298, %get3A_299] {strides = array<i32>} : memref<128x128xf32, #tpu.memory_space<vmem>>, vector<1x16xf32>,
        %get3A_301 = vector.shape_cast %get3A_300 : vector<1x16xf32> to vector<16xf32>
        %max3A_302 = arith.maximumf %get3A_301, %neg3A_256 : vector<16xf32>
        %add3A_303 = arith.addf %add3A_293, %max3A_302 : vector<16xf32>
        %mul3A_304 = arith.constant 16 : i32
        %mul3A_305 = arith.muli %scan3A_80, %mul3A_304 : i32
        %add3A_306 = arith.constant 5 : i32
        %add3A_307 = arith.addi %mul3A_305, %add3A_306 : i32
        %get3A_308 = arith.index_cast %add3A_307 : i32 to index
        %get3A_309 = arith.constant 16 : index
        %get3A_310 = tpu.vector_load %arg8[%get3A_308, %get3A_309] {strides = array<i32>} : memref<128x128xf32, #tpu.memory_space<vmem>>, vector<1x16xf32>,
        %get3A_311 = vector.shape_cast %get3A_310 : vector<1x16xf32> to vector<16xf32>
        %max3A_312 = arith.maximumf %get3A_311, %neg3A_256 : vector<16xf32>
        %add3A_313 = arith.addf %add3A_303, %max3A_312 : vector<16xf32>
        %mul3A_314 = arith.constant 16 : i32
        %mul3A_315 = arith.muli %scan3A_80, %mul3A_314 : i32
        %add3A_316 = arith.constant 6 : i32
        %add3A_317 = arith.addi %mul3A_315, %add3A_316 : i32
        %get3A_318 = arith.index_cast %add3A_317 : i32 to index
        %get3A_319 = arith.constant 16 : index
        %get3A_320 = tpu.vector_load %arg8[%get3A_318, %get3A_319] {strides = array<i32>} : memref<128x128xf32, #tpu.memory_space<vmem>>, vector<1x16xf32>,
        %get3A_321 = vector.shape_cast %get3A_320 : vector<1x16xf32> to vector<16xf32>
        %max3A_322 = arith.maximumf %get3A_321, %neg3A_256 : vector<16xf32>
        %add3A_323 = arith.addf %add3A_313, %max3A_322 : vector<16xf32>
        %mul3A_324 = arith.constant 16 : i32
        %mul3A_325 = arith.muli %scan3A_80, %mul3A_324 : i32
        %add3A_326 = arith.constant 7 : i32
        %add3A_327 = arith.addi %mul3A_325, %add3A_326 : i32
        %get3A_328 = arith.index_cast %add3A_327 : i32 to index
        %get3A_329 = arith.constant 16 : index
        %get3A_330 = tpu.vector_load %arg8[%get3A_328, %get3A_329] {strides = array<i32>} : memref<128x128xf32, #tpu.memory_space<vmem>>, vector<1x16xf32>,
        %get3A_331 = vector.shape_cast %get3A_330 : vector<1x16xf32> to vector<16xf32>
        %max3A_332 = arith.maximumf %get3A_331, %neg3A_256 : vector<16xf32>
        %add3A_333 = arith.addf %add3A_323, %max3A_332 : vector<16xf32>
        %mul3A_334 = arith.constant 16 : i32
        %mul3A_335 = arith.muli %scan3A_80, %mul3A_334 : i32
        %add3A_336 = arith.constant 8 : i32
        %add3A_337 = arith.addi %mul3A_335, %add3A_336 : i32
        %get3A_338 = arith.index_cast %add3A_337 : i32 to index
        %get3A_339 = arith.constant 16 : index
        %get3A_340 = tpu.vector_load %arg8[%get3A_338, %get3A_339] {strides = array<i32>} : memref<128x128xf32, #tpu.memory_space<vmem>>, vector<1x16xf32>,
        %get3A_341 = vector.shape_cast %get3A_340 : vector<1x16xf32> to vector<16xf32>
        %max3A_342 = arith.maximumf %get3A_341, %neg3A_256 : vector<16xf32>
        %add3A_343 = arith.addf %add3A_333, %max3A_342 : vector<16xf32>
        %mul3A_344 = arith.constant 16 : i32
        %mul3A_345 = arith.muli %scan3A_80, %mul3A_344 : i32
        %add3A_346 = arith.constant 9 : i32
        %add3A_347 = arith.addi %mul3A_345, %add3A_346 : i32
        %get3A_348 = arith.index_cast %add3A_347 : i32 to index
        %get3A_349 = arith.constant 16 : index
        %get3A_350 = tpu.vector_load %arg8[%get3A_348, %get3A_349] {strides = array<i32>} : memref<128x128xf32, #tpu.memory_space<vmem>>, vector<1x16xf32>,
        %get3A_351 = vector.shape_cast %get3A_350 : vector<1x16xf32> to vector<16xf32>
        %max3A_352 = arith.maximumf %get3A_351, %neg3A_256 : vector<16xf32>
        %add3A_353 = arith.addf %add3A_343, %max3A_352 : vector<16xf32>
        %mul3A_354 = arith.constant 16 : i32
        %mul3A_355 = arith.muli %scan3A_80, %mul3A_354 : i32
        %add3A_356 = arith.constant 10 : i32
        %add3A_357 = arith.addi %mul3A_355, %add3A_356 : i32
        %get3A_358 = arith.index_cast %add3A_357 : i32 to index
        %get3A_359 = arith.constant 16 : index
        %get3A_360 = tpu.vector_load %arg8[%get3A_358, %get3A_359] {strides = array<i32>} : memref<128x128xf32, #tpu.memory_space<vmem>>, vector<1x16xf32>,
        %get3A_361 = vector.shape_cast %get3A_360 : vector<1x16xf32> to vector<16xf32>
        %max3A_362 = arith.maximumf %get3A_361, %neg3A_256 : vector<16xf32>
        %add3A_363 = arith.addf %add3A_353, %max3A_362 : vector<16xf32>
        %mul3A_364 = arith.constant 16 : i32
        %mul3A_365 = arith.muli %scan3A_80, %mul3A_364 : i32
        %add3A_366 = arith.constant 11 : i32
        %add3A_367 = arith.addi %mul3A_365, %add3A_366 : i32
        %get3A_368 = arith.index_cast %add3A_367 : i32 to index
        %get3A_369 = arith.constant 16 : index
        %get3A_370 = tpu.vector_load %arg8[%get3A_368, %get3A_369] {strides = array<i32>} : memref<128x128xf32, #tpu.memory_space<vmem>>, vector<1x16xf32>,
        %get3A_371 = vector.shape_cast %get3A_370 : vector<1x16xf32> to vector<16xf32>
        %max3A_372 = arith.maximumf %get3A_371, %neg3A_256 : vector<16xf32>
        %add3A_373 = arith.addf %add3A_363, %max3A_372 : vector<16xf32>
        %mul3A_374 = arith.constant 16 : i32
        %mul3A_375 = arith.muli %scan3A_80, %mul3A_374 : i32
        %add3A_376 = arith.constant 12 : i32
        %add3A_377 = arith.addi %mul3A_375, %add3A_376 : i32
        %get3A_378 = arith.index_cast %add3A_377 : i32 to index
        %get3A_379 = arith.constant 16 : index
        %get3A_380 = tpu.vector_load %arg8[%get3A_378, %get3A_379] {strides = array<i32>} : memref<128x128xf32, #tpu.memory_space<vmem>>, vector<1x16xf32>,
        %get3A_381 = vector.shape_cast %get3A_380 : vector<1x16xf32> to vector<16xf32>
        %max3A_382 = arith.maximumf %get3A_381, %neg3A_256 : vector<16xf32>
        %add3A_383 = arith.addf %add3A_373, %max3A_382 : vector<16xf32>
        %mul3A_384 = arith.constant 16 : i32
        %mul3A_385 = arith.muli %scan3A_80, %mul3A_384 : i32
        %add3A_386 = arith.constant 13 : i32
        %add3A_387 = arith.addi %mul3A_385, %add3A_386 : i32
        %get3A_388 = arith.index_cast %add3A_387 : i32 to index
        %get3A_389 = arith.constant 16 : index
        %get3A_390 = tpu.vector_load %arg8[%get3A_388, %get3A_389] {strides = array<i32>} : memref<128x128xf32, #tpu.memory_space<vmem>>, vector<1x16xf32>,
        %get3A_391 = vector.shape_cast %get3A_390 : vector<1x16xf32> to vector<16xf32>
        %max3A_392 = arith.maximumf %get3A_391, %neg3A_256 : vector<16xf32>
        %add3A_393 = arith.addf %add3A_383, %max3A_392 : vector<16xf32>
        %mul3A_394 = arith.constant 16 : i32
        %mul3A_395 = arith.muli %scan3A_80, %mul3A_394 : i32
        %add3A_396 = arith.constant 14 : i32
        %add3A_397 = arith.addi %mul3A_395, %add3A_396 : i32
        %get3A_398 = arith.index_cast %add3A_397 : i32 to index
        %get3A_399 = arith.constant 16 : index
        %get3A_400 = tpu.vector_load %arg8[%get3A_398, %get3A_399] {strides = array<i32>} : memref<128x128xf32, #tpu.memory_space<vmem>>, vector<1x16xf32>,
        %get3A_401 = vector.shape_cast %get3A_400 : vector<1x16xf32> to vector<16xf32>
        %max3A_402 = arith.maximumf %get3A_401, %neg3A_256 : vector<16xf32>
        %add3A_403 = arith.addf %add3A_393, %max3A_402 : vector<16xf32>
        %mul3A_404 = arith.constant 16 : i32
        %mul3A_405 = arith.muli %scan3A_80, %mul3A_404 : i32
        %add3A_406 = arith.constant 15 : i32
        %add3A_407 = arith.addi %mul3A_405, %add3A_406 : i32
        %get3A_408 = arith.index_cast %add3A_407 : i32 to index
        %get3A_409 = arith.constant 16 : index
        %get3A_410 = tpu.vector_load %arg8[%get3A_408, %get3A_409] {strides = array<i32>} : memref<128x128xf32, #tpu.memory_space<vmem>>, vector<1x16xf32>,
        %get3A_411 = vector.shape_cast %get3A_410 : vector<1x16xf32> to vector<16xf32>
        %max3A_412 = arith.maximumf %get3A_411, %neg3A_256 : vector<16xf32>
        %add3A_413 = arith.addf %add3A_403, %max3A_412 : vector<16xf32>
        %mul3A_414 = arith.constant 6.250000e-02 : f32
        %mul3A_415 = vector.broadcast %mul3A_414 : f32 to vector<16xf32>
        %mul3A_416 = arith.mulf %add3A_413, %mul3A_415 : vector<16xf32>
        %add3A_417 = arith.addf %mul3A_416, %get3A_253 : vector<16xf32>
        %swap3A_418 = arith.index_cast %scan3A_80 : i32 to index
        %swap3A_419 = arith.constant 16 : index
        %swap3A_420 = tpu.vector_load %arg10[%swap3A_418, %swap3A_419] {strides = array<i32>} : memref<8x128xf32, #tpu.memory_space<vmem>>, vector<1x16xf32>,
        %swap3A_421 = vector.shape_cast %swap3A_420 : vector<1x16xf32> to vector<16xf32>
        %swap3A_422 = vector.shape_cast %add3A_417 : vector<16xf32> to vector<1x16xf32>
        tpu.vector_store %arg10[%swap3A_418, %swap3A_419], %swap3A_422 {strides = array<i32>} : memref<8x128xf32, #tpu.memory_space<vmem>>, vector<1x16xf32>,
        %get3A_423 = arith.index_cast %scan3A_80 : i32 to index
        %get3A_424 = arith.constant 32 : index
        %get3A_425 = tpu.vector_load %arg9[%get3A_423, %get3A_424] {strides = array<i32>} : memref<8x128xf32, #tpu.memory_space<vmem>>, vector<1x16xf32>,
        %get3A_426 = vector.shape_cast %get3A_425 : vector<1x16xf32> to vector<16xf32>
        %neg3A_427 = arith.constant 0.000000e+00 : f32
        %neg3A_428 = vector.broadcast %neg3A_427 : f32 to vector<16xf32>
        %neg3A_429 = arith.subf %neg3A_428, %get3A_426 : vector<16xf32>
        %mul3A_430 = arith.constant 16 : i32
        %mul3A_431 = arith.muli %scan3A_80, %mul3A_430 : i32
        %get3A_432 = arith.index_cast %mul3A_431 : i32 to index
        %get3A_433 = arith.constant 32 : index
        %get3A_434 = tpu.vector_load %arg8[%get3A_432, %get3A_433] {strides = array<i32>} : memref<128x128xf32, #tpu.memory_space<vmem>>, vector<1x16xf32>,
        %get3A_435 = vector.shape_cast %get3A_434 : vector<1x16xf32> to vector<16xf32>
        %max3A_436 = arith.maximumf %get3A_435, %neg3A_429 : vector<16xf32>
        %mul3A_437 = arith.constant 16 : i32
        %mul3A_438 = arith.muli %scan3A_80, %mul3A_437 : i32
        %add3A_439 = arith.constant 1 : i32
        %add3A_440 = arith.addi %mul3A_438, %add3A_439 : i32
        %get3A_441 = arith.index_cast %add3A_440 : i32 to index
        %get3A_442 = arith.constant 32 : index
        %get3A_443 = tpu.vector_load %arg8[%get3A_441, %get3A_442] {strides = array<i32>} : memref<128x128xf32, #tpu.memory_space<vmem>>, vector<1x16xf32>,
        %get3A_444 = vector.shape_cast %get3A_443 : vector<1x16xf32> to vector<16xf32>
        %max3A_445 = arith.maximumf %get3A_444, %neg3A_429 : vector<16xf32>
        %add3A_446 = arith.addf %max3A_436, %max3A_445 : vector<16xf32>
        %mul3A_447 = arith.constant 16 : i32
        %mul3A_448 = arith.muli %scan3A_80, %mul3A_447 : i32
        %add3A_449 = arith.constant 2 : i32
        %add3A_450 = arith.addi %mul3A_448, %add3A_449 : i32
        %get3A_451 = arith.index_cast %add3A_450 : i32 to index
        %get3A_452 = arith.constant 32 : index
        %get3A_453 = tpu.vector_load %arg8[%get3A_451, %get3A_452] {strides = array<i32>} : memref<128x128xf32, #tpu.memory_space<vmem>>, vector<1x16xf32>,
        %get3A_454 = vector.shape_cast %get3A_453 : vector<1x16xf32> to vector<16xf32>
        %max3A_455 = arith.maximumf %get3A_454, %neg3A_429 : vector<16xf32>
        %add3A_456 = arith.addf %add3A_446, %max3A_455 : vector<16xf32>
        %mul3A_457 = arith.constant 16 : i32
        %mul3A_458 = arith.muli %scan3A_80, %mul3A_457 : i32
        %add3A_459 = arith.constant 3 : i32
        %add3A_460 = arith.addi %mul3A_458, %add3A_459 : i32
        %get3A_461 = arith.index_cast %add3A_460 : i32 to index
        %get3A_462 = arith.constant 32 : index
        %get3A_463 = tpu.vector_load %arg8[%get3A_461, %get3A_462] {strides = array<i32>} : memref<128x128xf32, #tpu.memory_space<vmem>>, vector<1x16xf32>,
        %get3A_464 = vector.shape_cast %get3A_463 : vector<1x16xf32> to vector<16xf32>
        %max3A_465 = arith.maximumf %get3A_464, %neg3A_429 : vector<16xf32>
        %add3A_466 = arith.addf %add3A_456, %max3A_465 : vector<16xf32>
        %mul3A_467 = arith.constant 16 : i32
        %mul3A_468 = arith.muli %scan3A_80, %mul3A_467 : i32
        %add3A_469 = arith.constant 4 : i32
        %add3A_470 = arith.addi %mul3A_468, %add3A_469 : i32
        %get3A_471 = arith.index_cast %add3A_470 : i32 to index
        %get3A_472 = arith.constant 32 : index
        %get3A_473 = tpu.vector_load %arg8[%get3A_471, %get3A_472] {strides = array<i32>} : memref<128x128xf32, #tpu.memory_space<vmem>>, vector<1x16xf32>,
        %get3A_474 = vector.shape_cast %get3A_473 : vector<1x16xf32> to vector<16xf32>
        %max3A_475 = arith.maximumf %get3A_474, %neg3A_429 : vector<16xf32>
        %add3A_476 = arith.addf %add3A_466, %max3A_475 : vector<16xf32>
        %mul3A_477 = arith.constant 16 : i32
        %mul3A_478 = arith.muli %scan3A_80, %mul3A_477 : i32
        %add3A_479 = arith.constant 5 : i32
        %add3A_480 = arith.addi %mul3A_478, %add3A_479 : i32
        %get3A_481 = arith.index_cast %add3A_480 : i32 to index
        %get3A_482 = arith.constant 32 : index
        %get3A_483 = tpu.vector_load %arg8[%get3A_481, %get3A_482] {strides = array<i32>} : memref<128x128xf32, #tpu.memory_space<vmem>>, vector<1x16xf32>,
        %get3A_484 = vector.shape_cast %get3A_483 : vector<1x16xf32> to vector<16xf32>
        %max3A_485 = arith.maximumf %get3A_484, %neg3A_429 : vector<16xf32>
        %add3A_486 = arith.addf %add3A_476, %max3A_485 : vector<16xf32>
        %mul3A_487 = arith.constant 16 : i32
        %mul3A_488 = arith.muli %scan3A_80, %mul3A_487 : i32
        %add3A_489 = arith.constant 6 : i32
        %add3A_490 = arith.addi %mul3A_488, %add3A_489 : i32
        %get3A_491 = arith.index_cast %add3A_490 : i32 to index
        %get3A_492 = arith.constant 32 : index
        %get3A_493 = tpu.vector_load %arg8[%get3A_491, %get3A_492] {strides = array<i32>} : memref<128x128xf32, #tpu.memory_space<vmem>>, vector<1x16xf32>,
        %get3A_494 = vector.shape_cast %get3A_493 : vector<1x16xf32> to vector<16xf32>
        %max3A_495 = arith.maximumf %get3A_494, %neg3A_429 : vector<16xf32>
        %add3A_496 = arith.addf %add3A_486, %max3A_495 : vector<16xf32>
        %mul3A_497 = arith.constant 16 : i32
        %mul3A_498 = arith.muli %scan3A_80, %mul3A_497 : i32
        %add3A_499 = arith.constant 7 : i32
        %add3A_500 = arith.addi %mul3A_498, %add3A_499 : i32
        %get3A_501 = arith.index_cast %add3A_500 : i32 to index
        %get3A_502 = arith.constant 32 : index
        %get3A_503 = tpu.vector_load %arg8[%get3A_501, %get3A_502] {strides = array<i32>} : memref<128x128xf32, #tpu.memory_space<vmem>>, vector<1x16xf32>,
        %get3A_504 = vector.shape_cast %get3A_503 : vector<1x16xf32> to vector<16xf32>
        %max3A_505 = arith.maximumf %get3A_504, %neg3A_429 : vector<16xf32>
        %add3A_506 = arith.addf %add3A_496, %max3A_505 : vector<16xf32>
        %mul3A_507 = arith.constant 16 : i32
        %mul3A_508 = arith.muli %scan3A_80, %mul3A_507 : i32
        %add3A_509 = arith.constant 8 : i32
        %add3A_510 = arith.addi %mul3A_508, %add3A_509 : i32
        %get3A_511 = arith.index_cast %add3A_510 : i32 to index
        %get3A_512 = arith.constant 32 : index
        %get3A_513 = tpu.vector_load %arg8[%get3A_511, %get3A_512] {strides = array<i32>} : memref<128x128xf32, #tpu.memory_space<vmem>>, vector<1x16xf32>,
        %get3A_514 = vector.shape_cast %get3A_513 : vector<1x16xf32> to vector<16xf32>
        %max3A_515 = arith.maximumf %get3A_514, %neg3A_429 : vector<16xf32>
        %add3A_516 = arith.addf %add3A_506, %max3A_515 : vector<16xf32>
        %mul3A_517 = arith.constant 16 : i32
        %mul3A_518 = arith.muli %scan3A_80, %mul3A_517 : i32
        %add3A_519 = arith.constant 9 : i32
        %add3A_520 = arith.addi %mul3A_518, %add3A_519 : i32
        %get3A_521 = arith.index_cast %add3A_520 : i32 to index
        %get3A_522 = arith.constant 32 : index
        %get3A_523 = tpu.vector_load %arg8[%get3A_521, %get3A_522] {strides = array<i32>} : memref<128x128xf32, #tpu.memory_space<vmem>>, vector<1x16xf32>,
        %get3A_524 = vector.shape_cast %get3A_523 : vector<1x16xf32> to vector<16xf32>
        %max3A_525 = arith.maximumf %get3A_524, %neg3A_429 : vector<16xf32>
        %add3A_526 = arith.addf %add3A_516, %max3A_525 : vector<16xf32>
        %mul3A_527 = arith.constant 16 : i32
        %mul3A_528 = arith.muli %scan3A_80, %mul3A_527 : i32
        %add3A_529 = arith.constant 10 : i32
        %add3A_530 = arith.addi %mul3A_528, %add3A_529 : i32
        %get3A_531 = arith.index_cast %add3A_530 : i32 to index
        %get3A_532 = arith.constant 32 : index
        %get3A_533 = tpu.vector_load %arg8[%get3A_531, %get3A_532] {strides = array<i32>} : memref<128x128xf32, #tpu.memory_space<vmem>>, vector<1x16xf32>,
        %get3A_534 = vector.shape_cast %get3A_533 : vector<1x16xf32> to vector<16xf32>
        %max3A_535 = arith.maximumf %get3A_534, %neg3A_429 : vector<16xf32>
        %add3A_536 = arith.addf %add3A_526, %max3A_535 : vector<16xf32>
        %mul3A_537 = arith.constant 16 : i32
        %mul3A_538 = arith.muli %scan3A_80, %mul3A_537 : i32
        %add3A_539 = arith.constant 11 : i32
        %add3A_540 = arith.addi %mul3A_538, %add3A_539 : i32
        %get3A_541 = arith.index_cast %add3A_540 : i32 to index
        %get3A_542 = arith.constant 32 : index
        %get3A_543 = tpu.vector_load %arg8[%get3A_541, %get3A_542] {strides = array<i32>} : memref<128x128xf32, #tpu.memory_space<vmem>>, vector<1x16xf32>,
        %get3A_544 = vector.shape_cast %get3A_543 : vector<1x16xf32> to vector<16xf32>
        %max3A_545 = arith.maximumf %get3A_544, %neg3A_429 : vector<16xf32>
        %add3A_546 = arith.addf %add3A_536, %max3A_545 : vector<16xf32>
        %mul3A_547 = arith.constant 16 : i32
        %mul3A_548 = arith.muli %scan3A_80, %mul3A_547 : i32
        %add3A_549 = arith.constant 12 : i32
        %add3A_550 = arith.addi %mul3A_548, %add3A_549 : i32
        %get3A_551 = arith.index_cast %add3A_550 : i32 to index
        %get3A_552 = arith.constant 32 : index
        %get3A_553 = tpu.vector_load %arg8[%get3A_551, %get3A_552] {strides = array<i32>} : memref<128x128xf32, #tpu.memory_space<vmem>>, vector<1x16xf32>,
        %get3A_554 = vector.shape_cast %get3A_553 : vector<1x16xf32> to vector<16xf32>
        %max3A_555 = arith.maximumf %get3A_554, %neg3A_429 : vector<16xf32>
        %add3A_556 = arith.addf %add3A_546, %max3A_555 : vector<16xf32>
        %mul3A_557 = arith.constant 16 : i32
        %mul3A_558 = arith.muli %scan3A_80, %mul3A_557 : i32
        %add3A_559 = arith.constant 13 : i32
        %add3A_560 = arith.addi %mul3A_558, %add3A_559 : i32
        %get3A_561 = arith.index_cast %add3A_560 : i32 to index
        %get3A_562 = arith.constant 32 : index
        %get3A_563 = tpu.vector_load %arg8[%get3A_561, %get3A_562] {strides = array<i32>} : memref<128x128xf32, #tpu.memory_space<vmem>>, vector<1x16xf32>,
        %get3A_564 = vector.shape_cast %get3A_563 : vector<1x16xf32> to vector<16xf32>
        %max3A_565 = arith.maximumf %get3A_564, %neg3A_429 : vector<16xf32>
        %add3A_566 = arith.addf %add3A_556, %max3A_565 : vector<16xf32>
        %mul3A_567 = arith.constant 16 : i32
        %mul3A_568 = arith.muli %scan3A_80, %mul3A_567 : i32
        %add3A_569 = arith.constant 14 : i32
        %add3A_570 = arith.addi %mul3A_568, %add3A_569 : i32
        %get3A_571 = arith.index_cast %add3A_570 : i32 to index
        %get3A_572 = arith.constant 32 : index
        %get3A_573 = tpu.vector_load %arg8[%get3A_571, %get3A_572] {strides = array<i32>} : memref<128x128xf32, #tpu.memory_space<vmem>>, vector<1x16xf32>,
        %get3A_574 = vector.shape_cast %get3A_573 : vector<1x16xf32> to vector<16xf32>
        %max3A_575 = arith.maximumf %get3A_574, %neg3A_429 : vector<16xf32>
        %add3A_576 = arith.addf %add3A_566, %max3A_575 : vector<16xf32>
        %mul3A_577 = arith.constant 16 : i32
        %mul3A_578 = arith.muli %scan3A_80, %mul3A_577 : i32
        %add3A_579 = arith.constant 15 : i32
        %add3A_580 = arith.addi %mul3A_578, %add3A_579 : i32
        %get3A_581 = arith.index_cast %add3A_580 : i32 to index
        %get3A_582 = arith.constant 32 : index
        %get3A_583 = tpu.vector_load %arg8[%get3A_581, %get3A_582] {strides = array<i32>} : memref<128x128xf32, #tpu.memory_space<vmem>>, vector<1x16xf32>,
        %get3A_584 = vector.shape_cast %get3A_583 : vector<1x16xf32> to vector<16xf32>
        %max3A_585 = arith.maximumf %get3A_584, %neg3A_429 : vector<16xf32>
        %add3A_586 = arith.addf %add3A_576, %max3A_585 : vector<16xf32>
        %mul3A_587 = arith.constant 6.250000e-02 : f32
        %mul3A_588 = vector.broadcast %mul3A_587 : f32 to vector<16xf32>
        %mul3A_589 = arith.mulf %add3A_586, %mul3A_588 : vector<16xf32>
        %add3A_590 = arith.addf %mul3A_589, %get3A_426 : vector<16xf32>
        %swap3A_591 = arith.index_cast %scan3A_80 : i32 to index
        %swap3A_592 = arith.constant 32 : index
        %swap3A_593 = tpu.vector_load %arg10[%swap3A_591, %swap3A_592] {strides = array<i32>} : memref<8x128xf32, #tpu.memory_space<vmem>>, vector<1x16xf32>,
        %swap3A_594 = vector.shape_cast %swap3A_593 : vector<1x16xf32> to vector<16xf32>
        %swap3A_595 = vector.shape_cast %add3A_590 : vector<16xf32> to vector<1x16xf32>
        tpu.vector_store %arg10[%swap3A_591, %swap3A_592], %swap3A_595 {strides = array<i32>} : memref<8x128xf32, #tpu.memory_space<vmem>>, vector<1x16xf32>,
        %get3A_596 = arith.index_cast %scan3A_80 : i32 to index
        %get3A_597 = arith.constant 48 : index
        %get3A_598 = tpu.vector_load %arg9[%get3A_596, %get3A_597] {strides = array<i32>} : memref<8x128xf32, #tpu.memory_space<vmem>>, vector<1x16xf32>,
        %get3A_599 = vector.shape_cast %get3A_598 : vector<1x16xf32> to vector<16xf32>
        %neg3A_600 = arith.constant 0.000000e+00 : f32
        %neg3A_601 = vector.broadcast %neg3A_600 : f32 to vector<16xf32>
        %neg3A_602 = arith.subf %neg3A_601, %get3A_599 : vector<16xf32>
        %mul3A_603 = arith.constant 16 : i32
        %mul3A_604 = arith.muli %scan3A_80, %mul3A_603 : i32
        %get3A_605 = arith.index_cast %mul3A_604 : i32 to index
        %get3A_606 = arith.constant 48 : index
        %get3A_607 = tpu.vector_load %arg8[%get3A_605, %get3A_606] {strides = array<i32>} : memref<128x128xf32, #tpu.memory_space<vmem>>, vector<1x16xf32>,
        %get3A_608 = vector.shape_cast %get3A_607 : vector<1x16xf32> to vector<16xf32>
        %max3A_609 = arith.maximumf %get3A_608, %neg3A_602 : vector<16xf32>
        %mul3A_610 = arith.constant 16 : i32
        %mul3A_611 = arith.muli %scan3A_80, %mul3A_610 : i32
        %add3A_612 = arith.constant 1 : i32
        %add3A_613 = arith.addi %mul3A_611, %add3A_612 : i32
        %get3A_614 = arith.index_cast %add3A_613 : i32 to index
        %get3A_615 = arith.constant 48 : index
        %get3A_616 = tpu.vector_load %arg8[%get3A_614, %get3A_615] {strides = array<i32>} : memref<128x128xf32, #tpu.memory_space<vmem>>, vector<1x16xf32>,
        %get3A_617 = vector.shape_cast %get3A_616 : vector<1x16xf32> to vector<16xf32>
        %max3A_618 = arith.maximumf %get3A_617, %neg3A_602 : vector<16xf32>
        %add3A_619 = arith.addf %max3A_609, %max3A_618 : vector<16xf32>
        %mul3A_620 = arith.constant 16 : i32
        %mul3A_621 = arith.muli %scan3A_80, %mul3A_620 : i32
        %add3A_622 = arith.constant 2 : i32
        %add3A_623 = arith.addi %mul3A_621, %add3A_622 : i32
        %get3A_624 = arith.index_cast %add3A_623 : i32 to index
        %get3A_625 = arith.constant 48 : index
        %get3A_626 = tpu.vector_load %arg8[%get3A_624, %get3A_625] {strides = array<i32>} : memref<128x128xf32, #tpu.memory_space<vmem>>, vector<1x16xf32>,
        %get3A_627 = vector.shape_cast %get3A_626 : vector<1x16xf32> to vector<16xf32>
        %max3A_628 = arith.maximumf %get3A_627, %neg3A_602 : vector<16xf32>
        %add3A_629 = arith.addf %add3A_619, %max3A_628 : vector<16xf32>
        %mul3A_630 = arith.constant 16 : i32
        %mul3A_631 = arith.muli %scan3A_80, %mul3A_630 : i32
        %add3A_632 = arith.constant 3 : i32
        %add3A_633 = arith.addi %mul3A_631, %add3A_632 : i32
        %get3A_634 = arith.index_cast %add3A_633 : i32 to index
        %get3A_635 = arith.constant 48 : index
        %get3A_636 = tpu.vector_load %arg8[%get3A_634, %get3A_635] {strides = array<i32>} : memref<128x128xf32, #tpu.memory_space<vmem>>, vector<1x16xf32>,
        %get3A_637 = vector.shape_cast %get3A_636 : vector<1x16xf32> to vector<16xf32>
        %max3A_638 = arith.maximumf %get3A_637, %neg3A_602 : vector<16xf32>
        %add3A_639 = arith.addf %add3A_629, %max3A_638 : vector<16xf32>
        %mul3A_640 = arith.constant 16 : i32
        %mul3A_641 = arith.muli %scan3A_80, %mul3A_640 : i32
        %add3A_642 = arith.constant 4 : i32
        %add3A_643 = arith.addi %mul3A_641, %add3A_642 : i32
        %get3A_644 = arith.index_cast %add3A_643 : i32 to index
        %get3A_645 = arith.constant 48 : index
        %get3A_646 = tpu.vector_load %arg8[%get3A_644, %get3A_645] {strides = array<i32>} : memref<128x128xf32, #tpu.memory_space<vmem>>, vector<1x16xf32>,
        %get3A_647 = vector.shape_cast %get3A_646 : vector<1x16xf32> to vector<16xf32>
        %max3A_648 = arith.maximumf %get3A_647, %neg3A_602 : vector<16xf32>
        %add3A_649 = arith.addf %add3A_639, %max3A_648 : vector<16xf32>
        %mul3A_650 = arith.constant 16 : i32
        %mul3A_651 = arith.muli %scan3A_80, %mul3A_650 : i32
        %add3A_652 = arith.constant 5 : i32
        %add3A_653 = arith.addi %mul3A_651, %add3A_652 : i32
        %get3A_654 = arith.index_cast %add3A_653 : i32 to index
        %get3A_655 = arith.constant 48 : index
        %get3A_656 = tpu.vector_load %arg8[%get3A_654, %get3A_655] {strides = array<i32>} : memref<128x128xf32, #tpu.memory_space<vmem>>, vector<1x16xf32>,
        %get3A_657 = vector.shape_cast %get3A_656 : vector<1x16xf32> to vector<16xf32>
        %max3A_658 = arith.maximumf %get3A_657, %neg3A_602 : vector<16xf32>
        %add3A_659 = arith.addf %add3A_649, %max3A_658 : vector<16xf32>
        %mul3A_660 = arith.constant 16 : i32
        %mul3A_661 = arith.muli %scan3A_80, %mul3A_660 : i32
        %add3A_662 = arith.constant 6 : i32
        %add3A_663 = arith.addi %mul3A_661, %add3A_662 : i32
        %get3A_664 = arith.index_cast %add3A_663 : i32 to index
        %get3A_665 = arith.constant 48 : index
        %get3A_666 = tpu.vector_load %arg8[%get3A_664, %get3A_665] {strides = array<i32>} : memref<128x128xf32, #tpu.memory_space<vmem>>, vector<1x16xf32>,
        %get3A_667 = vector.shape_cast %get3A_666 : vector<1x16xf32> to vector<16xf32>
        %max3A_668 = arith.maximumf %get3A_667, %neg3A_602 : vector<16xf32>
        %add3A_669 = arith.addf %add3A_659, %max3A_668 : vector<16xf32>
        %mul3A_670 = arith.constant 16 : i32
        %mul3A_671 = arith.muli %scan3A_80, %mul3A_670 : i32
        %add3A_672 = arith.constant 7 : i32
        %add3A_673 = arith.addi %mul3A_671, %add3A_672 : i32
        %get3A_674 = arith.index_cast %add3A_673 : i32 to index
        %get3A_675 = arith.constant 48 : index
        %get3A_676 = tpu.vector_load %arg8[%get3A_674, %get3A_675] {strides = array<i32>} : memref<128x128xf32, #tpu.memory_space<vmem>>, vector<1x16xf32>,
        %get3A_677 = vector.shape_cast %get3A_676 : vector<1x16xf32> to vector<16xf32>
        %max3A_678 = arith.maximumf %get3A_677, %neg3A_602 : vector<16xf32>
        %add3A_679 = arith.addf %add3A_669, %max3A_678 : vector<16xf32>
        %mul3A_680 = arith.constant 16 : i32
        %mul3A_681 = arith.muli %scan3A_80, %mul3A_680 : i32
        %add3A_682 = arith.constant 8 : i32
        %add3A_683 = arith.addi %mul3A_681, %add3A_682 : i32
        %get3A_684 = arith.index_cast %add3A_683 : i32 to index
        %get3A_685 = arith.constant 48 : index
        %get3A_686 = tpu.vector_load %arg8[%get3A_684, %get3A_685] {strides = array<i32>} : memref<128x128xf32, #tpu.memory_space<vmem>>, vector<1x16xf32>,
        %get3A_687 = vector.shape_cast %get3A_686 : vector<1x16xf32> to vector<16xf32>
        %max3A_688 = arith.maximumf %get3A_687, %neg3A_602 : vector<16xf32>
        %add3A_689 = arith.addf %add3A_679, %max3A_688 : vector<16xf32>
        %mul3A_690 = arith.constant 16 : i32
        %mul3A_691 = arith.muli %scan3A_80, %mul3A_690 : i32
        %add3A_692 = arith.constant 9 : i32
        %add3A_693 = arith.addi %mul3A_691, %add3A_692 : i32
        %get3A_694 = arith.index_cast %add3A_693 : i32 to index
        %get3A_695 = arith.constant 48 : index
        %get3A_696 = tpu.vector_load %arg8[%get3A_694, %get3A_695] {strides = array<i32>} : memref<128x128xf32, #tpu.memory_space<vmem>>, vector<1x16xf32>,
        %get3A_697 = vector.shape_cast %get3A_696 : vector<1x16xf32> to vector<16xf32>
        %max3A_698 = arith.maximumf %get3A_697, %neg3A_602 : vector<16xf32>
        %add3A_699 = arith.addf %add3A_689, %max3A_698 : vector<16xf32>
        %mul3A_700 = arith.constant 16 : i32
        %mul3A_701 = arith.muli %scan3A_80, %mul3A_700 : i32
        %add3A_702 = arith.constant 10 : i32
        %add3A_703 = arith.addi %mul3A_701, %add3A_702 : i32
        %get3A_704 = arith.index_cast %add3A_703 : i32 to index
        %get3A_705 = arith.constant 48 : index
        %get3A_706 = tpu.vector_load %arg8[%get3A_704, %get3A_705] {strides = array<i32>} : memref<128x128xf32, #tpu.memory_space<vmem>>, vector<1x16xf32>,
        %get3A_707 = vector.shape_cast %get3A_706 : vector<1x16xf32> to vector<16xf32>
        %max3A_708 = arith.maximumf %get3A_707, %neg3A_602 : vector<16xf32>
        %add3A_709 = arith.addf %add3A_699, %max3A_708 : vector<16xf32>
        %mul3A_710 = arith.constant 16 : i32
        %mul3A_711 = arith.muli %scan3A_80, %mul3A_710 : i32
        %add3A_712 = arith.constant 11 : i32
        %add3A_713 = arith.addi %mul3A_711, %add3A_712 : i32
        %get3A_714 = arith.index_cast %add3A_713 : i32 to index
        %get3A_715 = arith.constant 48 : index
        %get3A_716 = tpu.vector_load %arg8[%get3A_714, %get3A_715] {strides = array<i32>} : memref<128x128xf32, #tpu.memory_space<vmem>>, vector<1x16xf32>,
        %get3A_717 = vector.shape_cast %get3A_716 : vector<1x16xf32> to vector<16xf32>
        %max3A_718 = arith.maximumf %get3A_717, %neg3A_602 : vector<16xf32>
        %add3A_719 = arith.addf %add3A_709, %max3A_718 : vector<16xf32>
        %mul3A_720 = arith.constant 16 : i32
        %mul3A_721 = arith.muli %scan3A_80, %mul3A_720 : i32
        %add3A_722 = arith.constant 12 : i32
        %add3A_723 = arith.addi %mul3A_721, %add3A_722 : i32
        %get3A_724 = arith.index_cast %add3A_723 : i32 to index
        %get3A_725 = arith.constant 48 : index
        %get3A_726 = tpu.vector_load %arg8[%get3A_724, %get3A_725] {strides = array<i32>} : memref<128x128xf32, #tpu.memory_space<vmem>>, vector<1x16xf32>,
        %get3A_727 = vector.shape_cast %get3A_726 : vector<1x16xf32> to vector<16xf32>
        %max3A_728 = arith.maximumf %get3A_727, %neg3A_602 : vector<16xf32>
        %add3A_729 = arith.addf %add3A_719, %max3A_728 : vector<16xf32>
        %mul3A_730 = arith.constant 16 : i32
        %mul3A_731 = arith.muli %scan3A_80, %mul3A_730 : i32
        %add3A_732 = arith.constant 13 : i32
        %add3A_733 = arith.addi %mul3A_731, %add3A_732 : i32
        %get3A_734 = arith.index_cast %add3A_733 : i32 to index
        %get3A_735 = arith.constant 48 : index
        %get3A_736 = tpu.vector_load %arg8[%get3A_734, %get3A_735] {strides = array<i32>} : memref<128x128xf32, #tpu.memory_space<vmem>>, vector<1x16xf32>,
        %get3A_737 = vector.shape_cast %get3A_736 : vector<1x16xf32> to vector<16xf32>
        %max3A_738 = arith.maximumf %get3A_737, %neg3A_602 : vector<16xf32>
        %add3A_739 = arith.addf %add3A_729, %max3A_738 : vector<16xf32>
        %mul3A_740 = arith.constant 16 : i32
        %mul3A_741 = arith.muli %scan3A_80, %mul3A_740 : i32
        %add3A_742 = arith.constant 14 : i32
        %add3A_743 = arith.addi %mul3A_741, %add3A_742 : i32
        %get3A_744 = arith.index_cast %add3A_743 : i32 to index
        %get3A_745 = arith.constant 48 : index
        %get3A_746 = tpu.vector_load %arg8[%get3A_744, %get3A_745] {strides = array<i32>} : memref<128x128xf32, #tpu.memory_space<vmem>>, vector<1x16xf32>,
        %get3A_747 = vector.shape_cast %get3A_746 : vector<1x16xf32> to vector<16xf32>
        %max3A_748 = arith.maximumf %get3A_747, %neg3A_602 : vector<16xf32>
        %add3A_749 = arith.addf %add3A_739, %max3A_748 : vector<16xf32>
        %mul3A_750 = arith.constant 16 : i32
        %mul3A_751 = arith.muli %scan3A_80, %mul3A_750 : i32
        %add3A_752 = arith.constant 15 : i32
        %add3A_753 = arith.addi %mul3A_751, %add3A_752 : i32
        %get3A_754 = arith.index_cast %add3A_753 : i32 to index
        %get3A_755 = arith.constant 48 : index
        %get3A_756 = tpu.vector_load %arg8[%get3A_754, %get3A_755] {strides = array<i32>} : memref<128x128xf32, #tpu.memory_space<vmem>>, vector<1x16xf32>,
        %get3A_757 = vector.shape_cast %get3A_756 : vector<1x16xf32> to vector<16xf32>
        %max3A_758 = arith.maximumf %get3A_757, %neg3A_602 : vector<16xf32>
        %add3A_759 = arith.addf %add3A_749, %max3A_758 : vector<16xf32>
        %mul3A_760 = arith.constant 6.250000e-02 : f32
        %mul3A_761 = vector.broadcast %mul3A_760 : f32 to vector<16xf32>
        %mul3A_762 = arith.mulf %add3A_759, %mul3A_761 : vector<16xf32>
        %add3A_763 = arith.addf %mul3A_762, %get3A_599 : vector<16xf32>
        %swap3A_764 = arith.index_cast %scan3A_80 : i32 to index
        %swap3A_765 = arith.constant 48 : index
        %swap3A_766 = tpu.vector_load %arg10[%swap3A_764, %swap3A_765] {strides = array<i32>} : memref<8x128xf32, #tpu.memory_space<vmem>>, vector<1x16xf32>,
        %swap3A_767 = vector.shape_cast %swap3A_766 : vector<1x16xf32> to vector<16xf32>
        %swap3A_768 = vector.shape_cast %add3A_763 : vector<16xf32> to vector<1x16xf32>
        tpu.vector_store %arg10[%swap3A_764, %swap3A_765], %swap3A_768 {strides = array<i32>} : memref<8x128xf32, #tpu.memory_space<vmem>>, vector<1x16xf32>,
        %get3A_769 = arith.index_cast %scan3A_80 : i32 to index
        %get3A_770 = arith.constant 64 : index
        %get3A_771 = tpu.vector_load %arg9[%get3A_769, %get3A_770] {strides = array<i32>} : memref<8x128xf32, #tpu.memory_space<vmem>>, vector<1x16xf32>,
        %get3A_772 = vector.shape_cast %get3A_771 : vector<1x16xf32> to vector<16xf32>
        %neg3A_773 = arith.constant 0.000000e+00 : f32
        %neg3A_774 = vector.broadcast %neg3A_773 : f32 to vector<16xf32>
        %neg3A_775 = arith.subf %neg3A_774, %get3A_772 : vector<16xf32>
        %mul3A_776 = arith.constant 16 : i32
        %mul3A_777 = arith.muli %scan3A_80, %mul3A_776 : i32
        %get3A_778 = arith.index_cast %mul3A_777 : i32 to index
        %get3A_779 = arith.constant 64 : index
        %get3A_780 = tpu.vector_load %arg8[%get3A_778, %get3A_779] {strides = array<i32>} : memref<128x128xf32, #tpu.memory_space<vmem>>, vector<1x16xf32>,
        %get3A_781 = vector.shape_cast %get3A_780 : vector<1x16xf32> to vector<16xf32>
        %max3A_782 = arith.maximumf %get3A_781, %neg3A_775 : vector<16xf32>
        %mul3A_783 = arith.constant 16 : i32
        %mul3A_784 = arith.muli %scan3A_80, %mul3A_783 : i32
        %add3A_785 = arith.constant 1 : i32
        %add3A_786 = arith.addi %mul3A_784, %add3A_785 : i32
        %get3A_787 = arith.index_cast %add3A_786 : i32 to index
        %get3A_788 = arith.constant 64 : index
        %get3A_789 = tpu.vector_load %arg8[%get3A_787, %get3A_788] {strides = array<i32>} : memref<128x128xf32, #tpu.memory_space<vmem>>, vector<1x16xf32>,
        %get3A_790 = vector.shape_cast %get3A_789 : vector<1x16xf32> to vector<16xf32>
        %max3A_791 = arith.maximumf %get3A_790, %neg3A_775 : vector<16xf32>
        %add3A_792 = arith.addf %max3A_782, %max3A_791 : vector<16xf32>
        %mul3A_793 = arith.constant 16 : i32
        %mul3A_794 = arith.muli %scan3A_80, %mul3A_793 : i32
        %add3A_795 = arith.constant 2 : i32
        %add3A_796 = arith.addi %mul3A_794, %add3A_795 : i32
        %get3A_797 = arith.index_cast %add3A_796 : i32 to index
        %get3A_798 = arith.constant 64 : index
        %get3A_799 = tpu.vector_load %arg8[%get3A_797, %get3A_798] {strides = array<i32>} : memref<128x128xf32, #tpu.memory_space<vmem>>, vector<1x16xf32>,
        %get3A_800 = vector.shape_cast %get3A_799 : vector<1x16xf32> to vector<16xf32>
        %max3A_801 = arith.maximumf %get3A_800, %neg3A_775 : vector<16xf32>
        %add3A_802 = arith.addf %add3A_792, %max3A_801 : vector<16xf32>
        %mul3A_803 = arith.constant 16 : i32
        %mul3A_804 = arith.muli %scan3A_80, %mul3A_803 : i32
        %add3A_805 = arith.constant 3 : i32
        %add3A_806 = arith.addi %mul3A_804, %add3A_805 : i32
        %get3A_807 = arith.index_cast %add3A_806 : i32 to index
        %get3A_808 = arith.constant 64 : index
        %get3A_809 = tpu.vector_load %arg8[%get3A_807, %get3A_808] {strides = array<i32>} : memref<128x128xf32, #tpu.memory_space<vmem>>, vector<1x16xf32>,
        %get3A_810 = vector.shape_cast %get3A_809 : vector<1x16xf32> to vector<16xf32>
        %max3A_811 = arith.maximumf %get3A_810, %neg3A_775 : vector<16xf32>
        %add3A_812 = arith.addf %add3A_802, %max3A_811 : vector<16xf32>
        %mul3A_813 = arith.constant 16 : i32
        %mul3A_814 = arith.muli %scan3A_80, %mul3A_813 : i32
        %add3A_815 = arith.constant 4 : i32
        %add3A_816 = arith.addi %mul3A_814, %add3A_815 : i32
        %get3A_817 = arith.index_cast %add3A_816 : i32 to index
        %get3A_818 = arith.constant 64 : index
        %get3A_819 = tpu.vector_load %arg8[%get3A_817, %get3A_818] {strides = array<i32>} : memref<128x128xf32, #tpu.memory_space<vmem>>, vector<1x16xf32>,
        %get3A_820 = vector.shape_cast %get3A_819 : vector<1x16xf32> to vector<16xf32>
        %max3A_821 = arith.maximumf %get3A_820, %neg3A_775 : vector<16xf32>
        %add3A_822 = arith.addf %add3A_812, %max3A_821 : vector<16xf32>
        %mul3A_823 = arith.constant 16 : i32
        %mul3A_824 = arith.muli %scan3A_80, %mul3A_823 : i32
        %add3A_825 = arith.constant 5 : i32
        %add3A_826 = arith.addi %mul3A_824, %add3A_825 : i32
        %get3A_827 = arith.index_cast %add3A_826 : i32 to index
        %get3A_828 = arith.constant 64 : index
        %get3A_829 = tpu.vector_load %arg8[%get3A_827, %get3A_828] {strides = array<i32>} : memref<128x128xf32, #tpu.memory_space<vmem>>, vector<1x16xf32>,
        %get3A_830 = vector.shape_cast %get3A_829 : vector<1x16xf32> to vector<16xf32>
        %max3A_831 = arith.maximumf %get3A_830, %neg3A_775 : vector<16xf32>
        %add3A_832 = arith.addf %add3A_822, %max3A_831 : vector<16xf32>
        %mul3A_833 = arith.constant 16 : i32
        %mul3A_834 = arith.muli %scan3A_80, %mul3A_833 : i32
        %add3A_835 = arith.constant 6 : i32
        %add3A_836 = arith.addi %mul3A_834, %add3A_835 : i32
        %get3A_837 = arith.index_cast %add3A_836 : i32 to index
        %get3A_838 = arith.constant 64 : index
        %get3A_839 = tpu.vector_load %arg8[%get3A_837, %get3A_838] {strides = array<i32>} : memref<128x128xf32, #tpu.memory_space<vmem>>, vector<1x16xf32>,
        %get3A_840 = vector.shape_cast %get3A_839 : vector<1x16xf32> to vector<16xf32>
        %max3A_841 = arith.maximumf %get3A_840, %neg3A_775 : vector<16xf32>
        %add3A_842 = arith.addf %add3A_832, %max3A_841 : vector<16xf32>
        %mul3A_843 = arith.constant 16 : i32
        %mul3A_844 = arith.muli %scan3A_80, %mul3A_843 : i32
        %add3A_845 = arith.constant 7 : i32
        %add3A_846 = arith.addi %mul3A_844, %add3A_845 : i32
        %get3A_847 = arith.index_cast %add3A_846 : i32 to index
        %get3A_848 = arith.constant 64 : index
        %get3A_849 = tpu.vector_load %arg8[%get3A_847, %get3A_848] {strides = array<i32>} : memref<128x128xf32, #tpu.memory_space<vmem>>, vector<1x16xf32>,
        %get3A_850 = vector.shape_cast %get3A_849 : vector<1x16xf32> to vector<16xf32>
        %max3A_851 = arith.maximumf %get3A_850, %neg3A_775 : vector<16xf32>
        %add3A_852 = arith.addf %add3A_842, %max3A_851 : vector<16xf32>
        %mul3A_853 = arith.constant 16 : i32
        %mul3A_854 = arith.muli %scan3A_80, %mul3A_853 : i32
        %add3A_855 = arith.constant 8 : i32
        %add3A_856 = arith.addi %mul3A_854, %add3A_855 : i32
        %get3A_857 = arith.index_cast %add3A_856 : i32 to index
        %get3A_858 = arith.constant 64 : index
        %get3A_859 = tpu.vector_load %arg8[%get3A_857, %get3A_858] {strides = array<i32>} : memref<128x128xf32, #tpu.memory_space<vmem>>, vector<1x16xf32>,
        %get3A_860 = vector.shape_cast %get3A_859 : vector<1x16xf32> to vector<16xf32>
        %max3A_861 = arith.maximumf %get3A_860, %neg3A_775 : vector<16xf32>
        %add3A_862 = arith.addf %add3A_852, %max3A_861 : vector<16xf32>
        %mul3A_863 = arith.constant 16 : i32
        %mul3A_864 = arith.muli %scan3A_80, %mul3A_863 : i32
        %add3A_865 = arith.constant 9 : i32
        %add3A_866 = arith.addi %mul3A_864, %add3A_865 : i32
        %get3A_867 = arith.index_cast %add3A_866 : i32 to index
        %get3A_868 = arith.constant 64 : index
        %get3A_869 = tpu.vector_load %arg8[%get3A_867, %get3A_868] {strides = array<i32>} : memref<128x128xf32, #tpu.memory_space<vmem>>, vector<1x16xf32>,
        %get3A_870 = vector.shape_cast %get3A_869 : vector<1x16xf32> to vector<16xf32>
        %max3A_871 = arith.maximumf %get3A_870, %neg3A_775 : vector<16xf32>
        %add3A_872 = arith.addf %add3A_862, %max3A_871 : vector<16xf32>
        %mul3A_873 = arith.constant 16 : i32
        %mul3A_874 = arith.muli %scan3A_80, %mul3A_873 : i32
        %add3A_875 = arith.constant 10 : i32
        %add3A_876 = arith.addi %mul3A_874, %add3A_875 : i32
        %get3A_877 = arith.index_cast %add3A_876 : i32 to index
        %get3A_878 = arith.constant 64 : index
        %get3A_879 = tpu.vector_load %arg8[%get3A_877, %get3A_878] {strides = array<i32>} : memref<128x128xf32, #tpu.memory_space<vmem>>, vector<1x16xf32>,
        %get3A_880 = vector.shape_cast %get3A_879 : vector<1x16xf32> to vector<16xf32>
        %max3A_881 = arith.maximumf %get3A_880, %neg3A_775 : vector<16xf32>
        %add3A_882 = arith.addf %add3A_872, %max3A_881 : vector<16xf32>
        %mul3A_883 = arith.constant 16 : i32
        %mul3A_884 = arith.muli %scan3A_80, %mul3A_883 : i32
        %add3A_885 = arith.constant 11 : i32
        %add3A_886 = arith.addi %mul3A_884, %add3A_885 : i32
        %get3A_887 = arith.index_cast %add3A_886 : i32 to index
        %get3A_888 = arith.constant 64 : index
        %get3A_889 = tpu.vector_load %arg8[%get3A_887, %get3A_888] {strides = array<i32>} : memref<128x128xf32, #tpu.memory_space<vmem>>, vector<1x16xf32>,
        %get3A_890 = vector.shape_cast %get3A_889 : vector<1x16xf32> to vector<16xf32>
        %max3A_891 = arith.maximumf %get3A_890, %neg3A_775 : vector<16xf32>
        %add3A_892 = arith.addf %add3A_882, %max3A_891 : vector<16xf32>
        %mul3A_893 = arith.constant 16 : i32
        %mul3A_894 = arith.muli %scan3A_80, %mul3A_893 : i32
        %add3A_895 = arith.constant 12 : i32
        %add3A_896 = arith.addi %mul3A_894, %add3A_895 : i32
        %get3A_897 = arith.index_cast %add3A_896 : i32 to index
        %get3A_898 = arith.constant 64 : index
        %get3A_899 = tpu.vector_load %arg8[%get3A_897, %get3A_898] {strides = array<i32>} : memref<128x128xf32, #tpu.memory_space<vmem>>, vector<1x16xf32>,
        %get3A_900 = vector.shape_cast %get3A_899 : vector<1x16xf32> to vector<16xf32>
        %max3A_901 = arith.maximumf %get3A_900, %neg3A_775 : vector<16xf32>
        %add3A_902 = arith.addf %add3A_892, %max3A_901 : vector<16xf32>
        %mul3A_903 = arith.constant 16 : i32
        %mul3A_904 = arith.muli %scan3A_80, %mul3A_903 : i32
        %add3A_905 = arith.constant 13 : i32
        %add3A_906 = arith.addi %mul3A_904, %add3A_905 : i32
        %get3A_907 = arith.index_cast %add3A_906 : i32 to index
        %get3A_908 = arith.constant 64 : index
        %get3A_909 = tpu.vector_load %arg8[%get3A_907, %get3A_908] {strides = array<i32>} : memref<128x128xf32, #tpu.memory_space<vmem>>, vector<1x16xf32>,
        %get3A_910 = vector.shape_cast %get3A_909 : vector<1x16xf32> to vector<16xf32>
        %max3A_911 = arith.maximumf %get3A_910, %neg3A_775 : vector<16xf32>
        %add3A_912 = arith.addf %add3A_902, %max3A_911 : vector<16xf32>
        %mul3A_913 = arith.constant 16 : i32
        %mul3A_914 = arith.muli %scan3A_80, %mul3A_913 : i32
        %add3A_915 = arith.constant 14 : i32
        %add3A_916 = arith.addi %mul3A_914, %add3A_915 : i32
        %get3A_917 = arith.index_cast %add3A_916 : i32 to index
        %get3A_918 = arith.constant 64 : index
        %get3A_919 = tpu.vector_load %arg8[%get3A_917, %get3A_918] {strides = array<i32>} : memref<128x128xf32, #tpu.memory_space<vmem>>, vector<1x16xf32>,
        %get3A_920 = vector.shape_cast %get3A_919 : vector<1x16xf32> to vector<16xf32>
        %max3A_921 = arith.maximumf %get3A_920, %neg3A_775 : vector<16xf32>
        %add3A_922 = arith.addf %add3A_912, %max3A_921 : vector<16xf32>
        %mul3A_923 = arith.constant 16 : i32
        %mul3A_924 = arith.muli %scan3A_80, %mul3A_923 : i32
        %add3A_925 = arith.constant 15 : i32
        %add3A_926 = arith.addi %mul3A_924, %add3A_925 : i32
        %get3A_927 = arith.index_cast %add3A_926 : i32 to index
        %get3A_928 = arith.constant 64 : index
        %get3A_929 = tpu.vector_load %arg8[%get3A_927, %get3A_928] {strides = array<i32>} : memref<128x128xf32, #tpu.memory_space<vmem>>, vector<1x16xf32>,
        %get3A_930 = vector.shape_cast %get3A_929 : vector<1x16xf32> to vector<16xf32>
        %max3A_931 = arith.maximumf %get3A_930, %neg3A_775 : vector<16xf32>
        %add3A_932 = arith.addf %add3A_922, %max3A_931 : vector<16xf32>
        %mul3A_933 = arith.constant 6.250000e-02 : f32
        %mul3A_934 = vector.broadcast %mul3A_933 : f32 to vector<16xf32>
        %mul3A_935 = arith.mulf %add3A_932, %mul3A_934 : vector<16xf32>
        %add3A_936 = arith.addf %mul3A_935, %get3A_772 : vector<16xf32>
        %swap3A_937 = arith.index_cast %scan3A_80 : i32 to index
        %swap3A_938 = arith.constant 64 : index
        %swap3A_939 = tpu.vector_load %arg10[%swap3A_937, %swap3A_938] {strides = array<i32>} : memref<8x128xf32, #tpu.memory_space<vmem>>, vector<1x16xf32>,
        %swap3A_940 = vector.shape_cast %swap3A_939 : vector<1x16xf32> to vector<16xf32>
        %swap3A_941 = vector.shape_cast %add3A_936 : vector<16xf32> to vector<1x16xf32>
        tpu.vector_store %arg10[%swap3A_937, %swap3A_938], %swap3A_941 {strides = array<i32>} : memref<8x128xf32, #tpu.memory_space<vmem>>, vector<1x16xf32>,
        %get3A_942 = arith.index_cast %scan3A_80 : i32 to index
        %get3A_943 = arith.constant 80 : index
        %get3A_944 = tpu.vector_load %arg9[%get3A_942, %get3A_943] {strides = array<i32>} : memref<8x128xf32, #tpu.memory_space<vmem>>, vector<1x16xf32>,
        %get3A_945 = vector.shape_cast %get3A_944 : vector<1x16xf32> to vector<16xf32>
        %neg3A_946 = arith.constant 0.000000e+00 : f32
        %neg3A_947 = vector.broadcast %neg3A_946 : f32 to vector<16xf32>
        %neg3A_948 = arith.subf %neg3A_947, %get3A_945 : vector<16xf32>
        %mul3A_949 = arith.constant 16 : i32
        %mul3A_950 = arith.muli %scan3A_80, %mul3A_949 : i32
        %get3A_951 = arith.index_cast %mul3A_950 : i32 to index
        %get3A_952 = arith.constant 80 : index
        %get3A_953 = tpu.vector_load %arg8[%get3A_951, %get3A_952] {strides = array<i32>} : memref<128x128xf32, #tpu.memory_space<vmem>>, vector<1x16xf32>,
        %get3A_954 = vector.shape_cast %get3A_953 : vector<1x16xf32> to vector<16xf32>
        %max3A_955 = arith.maximumf %get3A_954, %neg3A_948 : vector<16xf32>
        %mul3A_956 = arith.constant 16 : i32
        %mul3A_957 = arith.muli %scan3A_80, %mul3A_956 : i32
        %add3A_958 = arith.constant 1 : i32
        %add3A_959 = arith.addi %mul3A_957, %add3A_958 : i32
        %get3A_960 = arith.index_cast %add3A_959 : i32 to index
        %get3A_961 = arith.constant 80 : index
        %get3A_962 = tpu.vector_load %arg8[%get3A_960, %get3A_961] {strides = array<i32>} : memref<128x128xf32, #tpu.memory_space<vmem>>, vector<1x16xf32>,
        %get3A_963 = vector.shape_cast %get3A_962 : vector<1x16xf32> to vector<16xf32>
        %max3A_964 = arith.maximumf %get3A_963, %neg3A_948 : vector<16xf32>
        %add3A_965 = arith.addf %max3A_955, %max3A_964 : vector<16xf32>
        %mul3A_966 = arith.constant 16 : i32
        %mul3A_967 = arith.muli %scan3A_80, %mul3A_966 : i32
        %add3A_968 = arith.constant 2 : i32
        %add3A_969 = arith.addi %mul3A_967, %add3A_968 : i32
        %get3A_970 = arith.index_cast %add3A_969 : i32 to index
        %get3A_971 = arith.constant 80 : index
        %get3A_972 = tpu.vector_load %arg8[%get3A_970, %get3A_971] {strides = array<i32>} : memref<128x128xf32, #tpu.memory_space<vmem>>, vector<1x16xf32>,
        %get3A_973 = vector.shape_cast %get3A_972 : vector<1x16xf32> to vector<16xf32>
        %max3A_974 = arith.maximumf %get3A_973, %neg3A_948 : vector<16xf32>
        %add3A_975 = arith.addf %add3A_965, %max3A_974 : vector<16xf32>
        %mul3A_976 = arith.constant 16 : i32
        %mul3A_977 = arith.muli %scan3A_80, %mul3A_976 : i32
        %add3A_978 = arith.constant 3 : i32
        %add3A_979 = arith.addi %mul3A_977, %add3A_978 : i32
        %get3A_980 = arith.index_cast %add3A_979 : i32 to index
        %get3A_981 = arith.constant 80 : index
        %get3A_982 = tpu.vector_load %arg8[%get3A_980, %get3A_981] {strides = array<i32>} : memref<128x128xf32, #tpu.memory_space<vmem>>, vector<1x16xf32>,
        %get3A_983 = vector.shape_cast %get3A_982 : vector<1x16xf32> to vector<16xf32>
        %max3A_984 = arith.maximumf %get3A_983, %neg3A_948 : vector<16xf32>
        %add3A_985 = arith.addf %add3A_975, %max3A_984 : vector<16xf32>
        %mul3A_986 = arith.constant 16 : i32
        %mul3A_987 = arith.muli %scan3A_80, %mul3A_986 : i32
        %add3A_988 = arith.constant 4 : i32
        %add3A_989 = arith.addi %mul3A_987, %add3A_988 : i32
        %get3A_990 = arith.index_cast %add3A_989 : i32 to index
        %get3A_991 = arith.constant 80 : index
        %get3A_992 = tpu.vector_load %arg8[%get3A_990, %get3A_991] {strides = array<i32>} : memref<128x128xf32, #tpu.memory_space<vmem>>, vector<1x16xf32>,
        %get3A_993 = vector.shape_cast %get3A_992 : vector<1x16xf32> to vector<16xf32>
        %max3A_994 = arith.maximumf %get3A_993, %neg3A_948 : vector<16xf32>
        %add3A_995 = arith.addf %add3A_985, %max3A_994 : vector<16xf32>
        %mul3A_996 = arith.constant 16 : i32
        %mul3A_997 = arith.muli %scan3A_80, %mul3A_996 : i32
        %add3A_998 = arith.constant 5 : i32
        %add3A_999 = arith.addi %mul3A_997, %add3A_998 : i32
        %get3A_1000 = arith.index_cast %add3A_999 : i32 to index
        %get3A_1001 = arith.constant 80 : index
        %get3A_1002 = tpu.vector_load %arg8[%get3A_1000, %get3A_1001] {strides = array<i32>} : memref<128x128xf32, #tpu.memory_space<vmem>>, vector<1x16xf32>,
        %get3A_1003 = vector.shape_cast %get3A_1002 : vector<1x16xf32> to vector<16xf32>
        %max3A_1004 = arith.maximumf %get3A_1003, %neg3A_948 : vector<16xf32>
        %add3A_1005 = arith.addf %add3A_995, %max3A_1004 : vector<16xf32>
        %mul3A_1006 = arith.constant 16 : i32
        %mul3A_1007 = arith.muli %scan3A_80, %mul3A_1006 : i32
        %add3A_1008 = arith.constant 6 : i32
        %add3A_1009 = arith.addi %mul3A_1007, %add3A_1008 : i32
        %get3A_1010 = arith.index_cast %add3A_1009 : i32 to index
        %get3A_1011 = arith.constant 80 : index
        %get3A_1012 = tpu.vector_load %arg8[%get3A_1010, %get3A_1011] {strides = array<i32>} : memref<128x128xf32, #tpu.memory_space<vmem>>, vector<1x16xf32>,
        %get3A_1013 = vector.shape_cast %get3A_1012 : vector<1x16xf32> to vector<16xf32>
        %max3A_1014 = arith.maximumf %get3A_1013, %neg3A_948 : vector<16xf32>
        %add3A_1015 = arith.addf %add3A_1005, %max3A_1014 : vector<16xf32>
        %mul3A_1016 = arith.constant 16 : i32
        %mul3A_1017 = arith.muli %scan3A_80, %mul3A_1016 : i32
        %add3A_1018 = arith.constant 7 : i32
        %add3A_1019 = arith.addi %mul3A_1017, %add3A_1018 : i32
        %get3A_1020 = arith.index_cast %add3A_1019 : i32 to index
        %get3A_1021 = arith.constant 80 : index
        %get3A_1022 = tpu.vector_load %arg8[%get3A_1020, %get3A_1021] {strides = array<i32>} : memref<128x128xf32, #tpu.memory_space<vmem>>, vector<1x16xf32>,
        %get3A_1023 = vector.shape_cast %get3A_1022 : vector<1x16xf32> to vector<16xf32>
        %max3A_1024 = arith.maximumf %get3A_1023, %neg3A_948 : vector<16xf32>
        %add3A_1025 = arith.addf %add3A_1015, %max3A_1024 : vector<16xf32>
        %mul3A_1026 = arith.constant 16 : i32
        %mul3A_1027 = arith.muli %scan3A_80, %mul3A_1026 : i32
        %add3A_1028 = arith.constant 8 : i32
        %add3A_1029 = arith.addi %mul3A_1027, %add3A_1028 : i32
        %get3A_1030 = arith.index_cast %add3A_1029 : i32 to index
        %get3A_1031 = arith.constant 80 : index
        %get3A_1032 = tpu.vector_load %arg8[%get3A_1030, %get3A_1031] {strides = array<i32>} : memref<128x128xf32, #tpu.memory_space<vmem>>, vector<1x16xf32>,
        %get3A_1033 = vector.shape_cast %get3A_1032 : vector<1x16xf32> to vector<16xf32>
        %max3A_1034 = arith.maximumf %get3A_1033, %neg3A_948 : vector<16xf32>
        %add3A_1035 = arith.addf %add3A_1025, %max3A_1034 : vector<16xf32>
        %mul3A_1036 = arith.constant 16 : i32
        %mul3A_1037 = arith.muli %scan3A_80, %mul3A_1036 : i32
        %add3A_1038 = arith.constant 9 : i32
        %add3A_1039 = arith.addi %mul3A_1037, %add3A_1038 : i32
        %get3A_1040 = arith.index_cast %add3A_1039 : i32 to index
        %get3A_1041 = arith.constant 80 : index
        %get3A_1042 = tpu.vector_load %arg8[%get3A_1040, %get3A_1041] {strides = array<i32>} : memref<128x128xf32, #tpu.memory_space<vmem>>, vector<1x16xf32>,
        %get3A_1043 = vector.shape_cast %get3A_1042 : vector<1x16xf32> to vector<16xf32>
        %max3A_1044 = arith.maximumf %get3A_1043, %neg3A_948 : vector<16xf32>
        %add3A_1045 = arith.addf %add3A_1035, %max3A_1044 : vector<16xf32>
        %mul3A_1046 = arith.constant 16 : i32
        %mul3A_1047 = arith.muli %scan3A_80, %mul3A_1046 : i32
        %add3A_1048 = arith.constant 10 : i32
        %add3A_1049 = arith.addi %mul3A_1047, %add3A_1048 : i32
        %get3A_1050 = arith.index_cast %add3A_1049 : i32 to index
        %get3A_1051 = arith.constant 80 : index
        %get3A_1052 = tpu.vector_load %arg8[%get3A_1050, %get3A_1051] {strides = array<i32>} : memref<128x128xf32, #tpu.memory_space<vmem>>, vector<1x16xf32>,
        %get3A_1053 = vector.shape_cast %get3A_1052 : vector<1x16xf32> to vector<16xf32>
        %max3A_1054 = arith.maximumf %get3A_1053, %neg3A_948 : vector<16xf32>
        %add3A_1055 = arith.addf %add3A_1045, %max3A_1054 : vector<16xf32>
        %mul3A_1056 = arith.constant 16 : i32
        %mul3A_1057 = arith.muli %scan3A_80, %mul3A_1056 : i32
        %add3A_1058 = arith.constant 11 : i32
        %add3A_1059 = arith.addi %mul3A_1057, %add3A_1058 : i32
        %get3A_1060 = arith.index_cast %add3A_1059 : i32 to index
        %get3A_1061 = arith.constant 80 : index
        %get3A_1062 = tpu.vector_load %arg8[%get3A_1060, %get3A_1061] {strides = array<i32>} : memref<128x128xf32, #tpu.memory_space<vmem>>, vector<1x16xf32>,
        %get3A_1063 = vector.shape_cast %get3A_1062 : vector<1x16xf32> to vector<16xf32>
        %max3A_1064 = arith.maximumf %get3A_1063, %neg3A_948 : vector<16xf32>
        %add3A_1065 = arith.addf %add3A_1055, %max3A_1064 : vector<16xf32>
        %mul3A_1066 = arith.constant 16 : i32
        %mul3A_1067 = arith.muli %scan3A_80, %mul3A_1066 : i32
        %add3A_1068 = arith.constant 12 : i32
        %add3A_1069 = arith.addi %mul3A_1067, %add3A_1068 : i32
        %get3A_1070 = arith.index_cast %add3A_1069 : i32 to index
        %get3A_1071 = arith.constant 80 : index
        %get3A_1072 = tpu.vector_load %arg8[%get3A_1070, %get3A_1071] {strides = array<i32>} : memref<128x128xf32, #tpu.memory_space<vmem>>, vector<1x16xf32>,
        %get3A_1073 = vector.shape_cast %get3A_1072 : vector<1x16xf32> to vector<16xf32>
        %max3A_1074 = arith.maximumf %get3A_1073, %neg3A_948 : vector<16xf32>
        %add3A_1075 = arith.addf %add3A_1065, %max3A_1074 : vector<16xf32>
        %mul3A_1076 = arith.constant 16 : i32
        %mul3A_1077 = arith.muli %scan3A_80, %mul3A_1076 : i32
        %add3A_1078 = arith.constant 13 : i32
        %add3A_1079 = arith.addi %mul3A_1077, %add3A_1078 : i32
        %get3A_1080 = arith.index_cast %add3A_1079 : i32 to index
        %get3A_1081 = arith.constant 80 : index
        %get3A_1082 = tpu.vector_load %arg8[%get3A_1080, %get3A_1081] {strides = array<i32>} : memref<128x128xf32, #tpu.memory_space<vmem>>, vector<1x16xf32>,
        %get3A_1083 = vector.shape_cast %get3A_1082 : vector<1x16xf32> to vector<16xf32>
        %max3A_1084 = arith.maximumf %get3A_1083, %neg3A_948 : vector<16xf32>
        %add3A_1085 = arith.addf %add3A_1075, %max3A_1084 : vector<16xf32>
        %mul3A_1086 = arith.constant 16 : i32
        %mul3A_1087 = arith.muli %scan3A_80, %mul3A_1086 : i32
        %add3A_1088 = arith.constant 14 : i32
        %add3A_1089 = arith.addi %mul3A_1087, %add3A_1088 : i32
        %get3A_1090 = arith.index_cast %add3A_1089 : i32 to index
        %get3A_1091 = arith.constant 80 : index
        %get3A_1092 = tpu.vector_load %arg8[%get3A_1090, %get3A_1091] {strides = array<i32>} : memref<128x128xf32, #tpu.memory_space<vmem>>, vector<1x16xf32>,
        %get3A_1093 = vector.shape_cast %get3A_1092 : vector<1x16xf32> to vector<16xf32>
        %max3A_1094 = arith.maximumf %get3A_1093, %neg3A_948 : vector<16xf32>
        %add3A_1095 = arith.addf %add3A_1085, %max3A_1094 : vector<16xf32>
        %mul3A_1096 = arith.constant 16 : i32
        %mul3A_1097 = arith.muli %scan3A_80, %mul3A_1096 : i32
        %add3A_1098 = arith.constant 15 : i32
        %add3A_1099 = arith.addi %mul3A_1097, %add3A_1098 : i32
        %get3A_1100 = arith.index_cast %add3A_1099 : i32 to index
        %get3A_1101 = arith.constant 80 : index
        %get3A_1102 = tpu.vector_load %arg8[%get3A_1100, %get3A_1101] {strides = array<i32>} : memref<128x128xf32, #tpu.memory_space<vmem>>, vector<1x16xf32>,
        %get3A_1103 = vector.shape_cast %get3A_1102 : vector<1x16xf32> to vector<16xf32>
        %max3A_1104 = arith.maximumf %get3A_1103, %neg3A_948 : vector<16xf32>
        %add3A_1105 = arith.addf %add3A_1095, %max3A_1104 : vector<16xf32>
        %mul3A_1106 = arith.constant 6.250000e-02 : f32
        %mul3A_1107 = vector.broadcast %mul3A_1106 : f32 to vector<16xf32>
        %mul3A_1108 = arith.mulf %add3A_1105, %mul3A_1107 : vector<16xf32>
        %add3A_1109 = arith.addf %mul3A_1108, %get3A_945 : vector<16xf32>
        %swap3A_1110 = arith.index_cast %scan3A_80 : i32 to index
        %swap3A_1111 = arith.constant 80 : index
        %swap3A_1112 = tpu.vector_load %arg10[%swap3A_1110, %swap3A_1111] {strides = array<i32>} : memref<8x128xf32, #tpu.memory_space<vmem>>, vector<1x16xf32>,
        %swap3A_1113 = vector.shape_cast %swap3A_1112 : vector<1x16xf32> to vector<16xf32>
        %swap3A_1114 = vector.shape_cast %add3A_1109 : vector<16xf32> to vector<1x16xf32>
        tpu.vector_store %arg10[%swap3A_1110, %swap3A_1111], %swap3A_1114 {strides = array<i32>} : memref<8x128xf32, #tpu.memory_space<vmem>>, vector<1x16xf32>,
        %get3A_1115 = arith.index_cast %scan3A_80 : i32 to index
        %get3A_1116 = arith.constant 96 : index
        %get3A_1117 = tpu.vector_load %arg9[%get3A_1115, %get3A_1116] {strides = array<i32>} : memref<8x128xf32, #tpu.memory_space<vmem>>, vector<1x16xf32>,
        %get3A_1118 = vector.shape_cast %get3A_1117 : vector<1x16xf32> to vector<16xf32>
        %neg3A_1119 = arith.constant 0.000000e+00 : f32
        %neg3A_1120 = vector.broadcast %neg3A_1119 : f32 to vector<16xf32>
        %neg3A_1121 = arith.subf %neg3A_1120, %get3A_1118 : vector<16xf32>
        %mul3A_1122 = arith.constant 16 : i32
        %mul3A_1123 = arith.muli %scan3A_80, %mul3A_1122 : i32
        %get3A_1124 = arith.index_cast %mul3A_1123 : i32 to index
        %get3A_1125 = arith.constant 96 : index
        %get3A_1126 = tpu.vector_load %arg8[%get3A_1124, %get3A_1125] {strides = array<i32>} : memref<128x128xf32, #tpu.memory_space<vmem>>, vector<1x16xf32>,
        %get3A_1127 = vector.shape_cast %get3A_1126 : vector<1x16xf32> to vector<16xf32>
        %max3A_1128 = arith.maximumf %get3A_1127, %neg3A_1121 : vector<16xf32>
        %mul3A_1129 = arith.constant 16 : i32
        %mul3A_1130 = arith.muli %scan3A_80, %mul3A_1129 : i32
        %add3A_1131 = arith.constant 1 : i32
        %add3A_1132 = arith.addi %mul3A_1130, %add3A_1131 : i32
        %get3A_1133 = arith.index_cast %add3A_1132 : i32 to index
        %get3A_1134 = arith.constant 96 : index
        %get3A_1135 = tpu.vector_load %arg8[%get3A_1133, %get3A_1134] {strides = array<i32>} : memref<128x128xf32, #tpu.memory_space<vmem>>, vector<1x16xf32>,
        %get3A_1136 = vector.shape_cast %get3A_1135 : vector<1x16xf32> to vector<16xf32>
        %max3A_1137 = arith.maximumf %get3A_1136, %neg3A_1121 : vector<16xf32>
        %add3A_1138 = arith.addf %max3A_1128, %max3A_1137 : vector<16xf32>
        %mul3A_1139 = arith.constant 16 : i32
        %mul3A_1140 = arith.muli %scan3A_80, %mul3A_1139 : i32
        %add3A_1141 = arith.constant 2 : i32
        %add3A_1142 = arith.addi %mul3A_1140, %add3A_1141 : i32
        %get3A_1143 = arith.index_cast %add3A_1142 : i32 to index
        %get3A_1144 = arith.constant 96 : index
        %get3A_1145 = tpu.vector_load %arg8[%get3A_1143, %get3A_1144] {strides = array<i32>} : memref<128x128xf32, #tpu.memory_space<vmem>>, vector<1x16xf32>,
        %get3A_1146 = vector.shape_cast %get3A_1145 : vector<1x16xf32> to vector<16xf32>
        %max3A_1147 = arith.maximumf %get3A_1146, %neg3A_1121 : vector<16xf32>
        %add3A_1148 = arith.addf %add3A_1138, %max3A_1147 : vector<16xf32>
        %mul3A_1149 = arith.constant 16 : i32
        %mul3A_1150 = arith.muli %scan3A_80, %mul3A_1149 : i32
        %add3A_1151 = arith.constant 3 : i32
        %add3A_1152 = arith.addi %mul3A_1150, %add3A_1151 : i32
        %get3A_1153 = arith.index_cast %add3A_1152 : i32 to index
        %get3A_1154 = arith.constant 96 : index
        %get3A_1155 = tpu.vector_load %arg8[%get3A_1153, %get3A_1154] {strides = array<i32>} : memref<128x128xf32, #tpu.memory_space<vmem>>, vector<1x16xf32>,
        %get3A_1156 = vector.shape_cast %get3A_1155 : vector<1x16xf32> to vector<16xf32>
        %max3A_1157 = arith.maximumf %get3A_1156, %neg3A_1121 : vector<16xf32>
        %add3A_1158 = arith.addf %add3A_1148, %max3A_1157 : vector<16xf32>
        %mul3A_1159 = arith.constant 16 : i32
        %mul3A_1160 = arith.muli %scan3A_80, %mul3A_1159 : i32
        %add3A_1161 = arith.constant 4 : i32
        %add3A_1162 = arith.addi %mul3A_1160, %add3A_1161 : i32
        %get3A_1163 = arith.index_cast %add3A_1162 : i32 to index
        %get3A_1164 = arith.constant 96 : index
        %get3A_1165 = tpu.vector_load %arg8[%get3A_1163, %get3A_1164] {strides = array<i32>} : memref<128x128xf32, #tpu.memory_space<vmem>>, vector<1x16xf32>,
        %get3A_1166 = vector.shape_cast %get3A_1165 : vector<1x16xf32> to vector<16xf32>
        %max3A_1167 = arith.maximumf %get3A_1166, %neg3A_1121 : vector<16xf32>
        %add3A_1168 = arith.addf %add3A_1158, %max3A_1167 : vector<16xf32>
        %mul3A_1169 = arith.constant 16 : i32
        %mul3A_1170 = arith.muli %scan3A_80, %mul3A_1169 : i32
        %add3A_1171 = arith.constant 5 : i32
        %add3A_1172 = arith.addi %mul3A_1170, %add3A_1171 : i32
        %get3A_1173 = arith.index_cast %add3A_1172 : i32 to index
        %get3A_1174 = arith.constant 96 : index
        %get3A_1175 = tpu.vector_load %arg8[%get3A_1173, %get3A_1174] {strides = array<i32>} : memref<128x128xf32, #tpu.memory_space<vmem>>, vector<1x16xf32>,
        %get3A_1176 = vector.shape_cast %get3A_1175 : vector<1x16xf32> to vector<16xf32>
        %max3A_1177 = arith.maximumf %get3A_1176, %neg3A_1121 : vector<16xf32>
        %add3A_1178 = arith.addf %add3A_1168, %max3A_1177 : vector<16xf32>
        %mul3A_1179 = arith.constant 16 : i32
        %mul3A_1180 = arith.muli %scan3A_80, %mul3A_1179 : i32
        %add3A_1181 = arith.constant 6 : i32
        %add3A_1182 = arith.addi %mul3A_1180, %add3A_1181 : i32
        %get3A_1183 = arith.index_cast %add3A_1182 : i32 to index
        %get3A_1184 = arith.constant 96 : index
        %get3A_1185 = tpu.vector_load %arg8[%get3A_1183, %get3A_1184] {strides = array<i32>} : memref<128x128xf32, #tpu.memory_space<vmem>>, vector<1x16xf32>,
        %get3A_1186 = vector.shape_cast %get3A_1185 : vector<1x16xf32> to vector<16xf32>
        %max3A_1187 = arith.maximumf %get3A_1186, %neg3A_1121 : vector<16xf32>
        %add3A_1188 = arith.addf %add3A_1178, %max3A_1187 : vector<16xf32>
        %mul3A_1189 = arith.constant 16 : i32
        %mul3A_1190 = arith.muli %scan3A_80, %mul3A_1189 : i32
        %add3A_1191 = arith.constant 7 : i32
        %add3A_1192 = arith.addi %mul3A_1190, %add3A_1191 : i32
        %get3A_1193 = arith.index_cast %add3A_1192 : i32 to index
        %get3A_1194 = arith.constant 96 : index
        %get3A_1195 = tpu.vector_load %arg8[%get3A_1193, %get3A_1194] {strides = array<i32>} : memref<128x128xf32, #tpu.memory_space<vmem>>, vector<1x16xf32>,
        %get3A_1196 = vector.shape_cast %get3A_1195 : vector<1x16xf32> to vector<16xf32>
        %max3A_1197 = arith.maximumf %get3A_1196, %neg3A_1121 : vector<16xf32>
        %add3A_1198 = arith.addf %add3A_1188, %max3A_1197 : vector<16xf32>
        %mul3A_1199 = arith.constant 16 : i32
        %mul3A_1200 = arith.muli %scan3A_80, %mul3A_1199 : i32
        %add3A_1201 = arith.constant 8 : i32
        %add3A_1202 = arith.addi %mul3A_1200, %add3A_1201 : i32
        %get3A_1203 = arith.index_cast %add3A_1202 : i32 to index
        %get3A_1204 = arith.constant 96 : index
        %get3A_1205 = tpu.vector_load %arg8[%get3A_1203, %get3A_1204] {strides = array<i32>} : memref<128x128xf32, #tpu.memory_space<vmem>>, vector<1x16xf32>,
        %get3A_1206 = vector.shape_cast %get3A_1205 : vector<1x16xf32> to vector<16xf32>
        %max3A_1207 = arith.maximumf %get3A_1206, %neg3A_1121 : vector<16xf32>
        %add3A_1208 = arith.addf %add3A_1198, %max3A_1207 : vector<16xf32>
        %mul3A_1209 = arith.constant 16 : i32
        %mul3A_1210 = arith.muli %scan3A_80, %mul3A_1209 : i32
        %add3A_1211 = arith.constant 9 : i32
        %add3A_1212 = arith.addi %mul3A_1210, %add3A_1211 : i32
        %get3A_1213 = arith.index_cast %add3A_1212 : i32 to index
        %get3A_1214 = arith.constant 96 : index
        %get3A_1215 = tpu.vector_load %arg8[%get3A_1213, %get3A_1214] {strides = array<i32>} : memref<128x128xf32, #tpu.memory_space<vmem>>, vector<1x16xf32>,
        %get3A_1216 = vector.shape_cast %get3A_1215 : vector<1x16xf32> to vector<16xf32>
        %max3A_1217 = arith.maximumf %get3A_1216, %neg3A_1121 : vector<16xf32>
        %add3A_1218 = arith.addf %add3A_1208, %max3A_1217 : vector<16xf32>
        %mul3A_1219 = arith.constant 16 : i32
        %mul3A_1220 = arith.muli %scan3A_80, %mul3A_1219 : i32
        %add3A_1221 = arith.constant 10 : i32
        %add3A_1222 = arith.addi %mul3A_1220, %add3A_1221 : i32
        %get3A_1223 = arith.index_cast %add3A_1222 : i32 to index
        %get3A_1224 = arith.constant 96 : index
        %get3A_1225 = tpu.vector_load %arg8[%get3A_1223, %get3A_1224] {strides = array<i32>} : memref<128x128xf32, #tpu.memory_space<vmem>>, vector<1x16xf32>,
        %get3A_1226 = vector.shape_cast %get3A_1225 : vector<1x16xf32> to vector<16xf32>
        %max3A_1227 = arith.maximumf %get3A_1226, %neg3A_1121 : vector<16xf32>
        %add3A_1228 = arith.addf %add3A_1218, %max3A_1227 : vector<16xf32>
        %mul3A_1229 = arith.constant 16 : i32
        %mul3A_1230 = arith.muli %scan3A_80, %mul3A_1229 : i32
        %add3A_1231 = arith.constant 11 : i32
        %add3A_1232 = arith.addi %mul3A_1230, %add3A_1231 : i32
        %get3A_1233 = arith.index_cast %add3A_1232 : i32 to index
        %get3A_1234 = arith.constant 96 : index
        %get3A_1235 = tpu.vector_load %arg8[%get3A_1233, %get3A_1234] {strides = array<i32>} : memref<128x128xf32, #tpu.memory_space<vmem>>, vector<1x16xf32>,
        %get3A_1236 = vector.shape_cast %get3A_1235 : vector<1x16xf32> to vector<16xf32>
        %max3A_1237 = arith.maximumf %get3A_1236, %neg3A_1121 : vector<16xf32>
        %add3A_1238 = arith.addf %add3A_1228, %max3A_1237 : vector<16xf32>
        %mul3A_1239 = arith.constant 16 : i32
        %mul3A_1240 = arith.muli %scan3A_80, %mul3A_1239 : i32
        %add3A_1241 = arith.constant 12 : i32
        %add3A_1242 = arith.addi %mul3A_1240, %add3A_1241 : i32
        %get3A_1243 = arith.index_cast %add3A_1242 : i32 to index
        %get3A_1244 = arith.constant 96 : index
        %get3A_1245 = tpu.vector_load %arg8[%get3A_1243, %get3A_1244] {strides = array<i32>} : memref<128x128xf32, #tpu.memory_space<vmem>>, vector<1x16xf32>,
        %get3A_1246 = vector.shape_cast %get3A_1245 : vector<1x16xf32> to vector<16xf32>
        %max3A_1247 = arith.maximumf %get3A_1246, %neg3A_1121 : vector<16xf32>
        %add3A_1248 = arith.addf %add3A_1238, %max3A_1247 : vector<16xf32>
        %mul3A_1249 = arith.constant 16 : i32
        %mul3A_1250 = arith.muli %scan3A_80, %mul3A_1249 : i32
        %add3A_1251 = arith.constant 13 : i32
        %add3A_1252 = arith.addi %mul3A_1250, %add3A_1251 : i32
        %get3A_1253 = arith.index_cast %add3A_1252 : i32 to index
        %get3A_1254 = arith.constant 96 : index
        %get3A_1255 = tpu.vector_load %arg8[%get3A_1253, %get3A_1254] {strides = array<i32>} : memref<128x128xf32, #tpu.memory_space<vmem>>, vector<1x16xf32>,
        %get3A_1256 = vector.shape_cast %get3A_1255 : vector<1x16xf32> to vector<16xf32>
        %max3A_1257 = arith.maximumf %get3A_1256, %neg3A_1121 : vector<16xf32>
        %add3A_1258 = arith.addf %add3A_1248, %max3A_1257 : vector<16xf32>
        %mul3A_1259 = arith.constant 16 : i32
        %mul3A_1260 = arith.muli %scan3A_80, %mul3A_1259 : i32
        %add3A_1261 = arith.constant 14 : i32
        %add3A_1262 = arith.addi %mul3A_1260, %add3A_1261 : i32
        %get3A_1263 = arith.index_cast %add3A_1262 : i32 to index
        %get3A_1264 = arith.constant 96 : index
        %get3A_1265 = tpu.vector_load %arg8[%get3A_1263, %get3A_1264] {strides = array<i32>} : memref<128x128xf32, #tpu.memory_space<vmem>>, vector<1x16xf32>,
        %get3A_1266 = vector.shape_cast %get3A_1265 : vector<1x16xf32> to vector<16xf32>
        %max3A_1267 = arith.maximumf %get3A_1266, %neg3A_1121 : vector<16xf32>
        %add3A_1268 = arith.addf %add3A_1258, %max3A_1267 : vector<16xf32>
        %mul3A_1269 = arith.constant 16 : i32
        %mul3A_1270 = arith.muli %scan3A_80, %mul3A_1269 : i32
        %add3A_1271 = arith.constant 15 : i32
        %add3A_1272 = arith.addi %mul3A_1270, %add3A_1271 : i32
        %get3A_1273 = arith.index_cast %add3A_1272 : i32 to index
        %get3A_1274 = arith.constant 96 : index
        %get3A_1275 = tpu.vector_load %arg8[%get3A_1273, %get3A_1274] {strides = array<i32>} : memref<128x128xf32, #tpu.memory_space<vmem>>, vector<1x16xf32>,
        %get3A_1276 = vector.shape_cast %get3A_1275 : vector<1x16xf32> to vector<16xf32>
        %max3A_1277 = arith.maximumf %get3A_1276, %neg3A_1121 : vector<16xf32>
        %add3A_1278 = arith.addf %add3A_1268, %max3A_1277 : vector<16xf32>
        %mul3A_1279 = arith.constant 6.250000e-02 : f32
        %mul3A_1280 = vector.broadcast %mul3A_1279 : f32 to vector<16xf32>
        %mul3A_1281 = arith.mulf %add3A_1278, %mul3A_1280 : vector<16xf32>
        %add3A_1282 = arith.addf %mul3A_1281, %get3A_1118 : vector<16xf32>
        %swap3A_1283 = arith.index_cast %scan3A_80 : i32 to index
        %swap3A_1284 = arith.constant 96 : index
        %swap3A_1285 = tpu.vector_load %arg10[%swap3A_1283, %swap3A_1284] {strides = array<i32>} : memref<8x128xf32, #tpu.memory_space<vmem>>, vector<1x16xf32>,
        %swap3A_1286 = vector.shape_cast %swap3A_1285 : vector<1x16xf32> to vector<16xf32>
        %swap3A_1287 = vector.shape_cast %add3A_1282 : vector<16xf32> to vector<1x16xf32>
        tpu.vector_store %arg10[%swap3A_1283, %swap3A_1284], %swap3A_1287 {strides = array<i32>} : memref<8x128xf32, #tpu.memory_space<vmem>>, vector<1x16xf32>,
        %get3A_1288 = arith.index_cast %scan3A_80 : i32 to index
        %get3A_1289 = arith.constant 112 : index
        %get3A_1290 = tpu.vector_load %arg9[%get3A_1288, %get3A_1289] {strides = array<i32>} : memref<8x128xf32, #tpu.memory_space<vmem>>, vector<1x16xf32>,
        %get3A_1291 = vector.shape_cast %get3A_1290 : vector<1x16xf32> to vector<16xf32>
        %neg3A_1292 = arith.constant 0.000000e+00 : f32
        %neg3A_1293 = vector.broadcast %neg3A_1292 : f32 to vector<16xf32>
        %neg3A_1294 = arith.subf %neg3A_1293, %get3A_1291 : vector<16xf32>
        %mul3A_1295 = arith.constant 16 : i32
        %mul3A_1296 = arith.muli %scan3A_80, %mul3A_1295 : i32
        %get3A_1297 = arith.index_cast %mul3A_1296 : i32 to index
        %get3A_1298 = arith.constant 112 : index
        %get3A_1299 = tpu.vector_load %arg8[%get3A_1297, %get3A_1298] {strides = array<i32>} : memref<128x128xf32, #tpu.memory_space<vmem>>, vector<1x16xf32>,
        %get3A_1300 = vector.shape_cast %get3A_1299 : vector<1x16xf32> to vector<16xf32>
        %max3A_1301 = arith.maximumf %get3A_1300, %neg3A_1294 : vector<16xf32>
        %mul3A_1302 = arith.constant 16 : i32
        %mul3A_1303 = arith.muli %scan3A_80, %mul3A_1302 : i32
        %add3A_1304 = arith.constant 1 : i32
        %add3A_1305 = arith.addi %mul3A_1303, %add3A_1304 : i32
        %get3A_1306 = arith.index_cast %add3A_1305 : i32 to index
        %get3A_1307 = arith.constant 112 : index
        %get3A_1308 = tpu.vector_load %arg8[%get3A_1306, %get3A_1307] {strides = array<i32>} : memref<128x128xf32, #tpu.memory_space<vmem>>, vector<1x16xf32>,
        %get3A_1309 = vector.shape_cast %get3A_1308 : vector<1x16xf32> to vector<16xf32>
        %max3A_1310 = arith.maximumf %get3A_1309, %neg3A_1294 : vector<16xf32>
        %add3A_1311 = arith.addf %max3A_1301, %max3A_1310 : vector<16xf32>
        %mul3A_1312 = arith.constant 16 : i32
        %mul3A_1313 = arith.muli %scan3A_80, %mul3A_1312 : i32
        %add3A_1314 = arith.constant 2 : i32
        %add3A_1315 = arith.addi %mul3A_1313, %add3A_1314 : i32
        %get3A_1316 = arith.index_cast %add3A_1315 : i32 to index
        %get3A_1317 = arith.constant 112 : index
        %get3A_1318 = tpu.vector_load %arg8[%get3A_1316, %get3A_1317] {strides = array<i32>} : memref<128x128xf32, #tpu.memory_space<vmem>>, vector<1x16xf32>,
        %get3A_1319 = vector.shape_cast %get3A_1318 : vector<1x16xf32> to vector<16xf32>
        %max3A_1320 = arith.maximumf %get3A_1319, %neg3A_1294 : vector<16xf32>
        %add3A_1321 = arith.addf %add3A_1311, %max3A_1320 : vector<16xf32>
        %mul3A_1322 = arith.constant 16 : i32
        %mul3A_1323 = arith.muli %scan3A_80, %mul3A_1322 : i32
        %add3A_1324 = arith.constant 3 : i32
        %add3A_1325 = arith.addi %mul3A_1323, %add3A_1324 : i32
        %get3A_1326 = arith.index_cast %add3A_1325 : i32 to index
        %get3A_1327 = arith.constant 112 : index
        %get3A_1328 = tpu.vector_load %arg8[%get3A_1326, %get3A_1327] {strides = array<i32>} : memref<128x128xf32, #tpu.memory_space<vmem>>, vector<1x16xf32>,
        %get3A_1329 = vector.shape_cast %get3A_1328 : vector<1x16xf32> to vector<16xf32>
        %max3A_1330 = arith.maximumf %get3A_1329, %neg3A_1294 : vector<16xf32>
        %add3A_1331 = arith.addf %add3A_1321, %max3A_1330 : vector<16xf32>
        %mul3A_1332 = arith.constant 16 : i32
        %mul3A_1333 = arith.muli %scan3A_80, %mul3A_1332 : i32
        %add3A_1334 = arith.constant 4 : i32
        %add3A_1335 = arith.addi %mul3A_1333, %add3A_1334 : i32
        %get3A_1336 = arith.index_cast %add3A_1335 : i32 to index
        %get3A_1337 = arith.constant 112 : index
        %get3A_1338 = tpu.vector_load %arg8[%get3A_1336, %get3A_1337] {strides = array<i32>} : memref<128x128xf32, #tpu.memory_space<vmem>>, vector<1x16xf32>,
        %get3A_1339 = vector.shape_cast %get3A_1338 : vector<1x16xf32> to vector<16xf32>
        %max3A_1340 = arith.maximumf %get3A_1339, %neg3A_1294 : vector<16xf32>
        %add3A_1341 = arith.addf %add3A_1331, %max3A_1340 : vector<16xf32>
        %mul3A_1342 = arith.constant 16 : i32
        %mul3A_1343 = arith.muli %scan3A_80, %mul3A_1342 : i32
        %add3A_1344 = arith.constant 5 : i32
        %add3A_1345 = arith.addi %mul3A_1343, %add3A_1344 : i32
        %get3A_1346 = arith.index_cast %add3A_1345 : i32 to index
        %get3A_1347 = arith.constant 112 : index
        %get3A_1348 = tpu.vector_load %arg8[%get3A_1346, %get3A_1347] {strides = array<i32>} : memref<128x128xf32, #tpu.memory_space<vmem>>, vector<1x16xf32>,
        %get3A_1349 = vector.shape_cast %get3A_1348 : vector<1x16xf32> to vector<16xf32>
        %max3A_1350 = arith.maximumf %get3A_1349, %neg3A_1294 : vector<16xf32>
        %add3A_1351 = arith.addf %add3A_1341, %max3A_1350 : vector<16xf32>
        %mul3A_1352 = arith.constant 16 : i32
        %mul3A_1353 = arith.muli %scan3A_80, %mul3A_1352 : i32
        %add3A_1354 = arith.constant 6 : i32
        %add3A_1355 = arith.addi %mul3A_1353, %add3A_1354 : i32
        %get3A_1356 = arith.index_cast %add3A_1355 : i32 to index
        %get3A_1357 = arith.constant 112 : index
        %get3A_1358 = tpu.vector_load %arg8[%get3A_1356, %get3A_1357] {strides = array<i32>} : memref<128x128xf32, #tpu.memory_space<vmem>>, vector<1x16xf32>,
        %get3A_1359 = vector.shape_cast %get3A_1358 : vector<1x16xf32> to vector<16xf32>
        %max3A_1360 = arith.maximumf %get3A_1359, %neg3A_1294 : vector<16xf32>
        %add3A_1361 = arith.addf %add3A_1351, %max3A_1360 : vector<16xf32>
        %mul3A_1362 = arith.constant 16 : i32
        %mul3A_1363 = arith.muli %scan3A_80, %mul3A_1362 : i32
        %add3A_1364 = arith.constant 7 : i32
        %add3A_1365 = arith.addi %mul3A_1363, %add3A_1364 : i32
        %get3A_1366 = arith.index_cast %add3A_1365 : i32 to index
        %get3A_1367 = arith.constant 112 : index
        %get3A_1368 = tpu.vector_load %arg8[%get3A_1366, %get3A_1367] {strides = array<i32>} : memref<128x128xf32, #tpu.memory_space<vmem>>, vector<1x16xf32>,
        %get3A_1369 = vector.shape_cast %get3A_1368 : vector<1x16xf32> to vector<16xf32>
        %max3A_1370 = arith.maximumf %get3A_1369, %neg3A_1294 : vector<16xf32>
        %add3A_1371 = arith.addf %add3A_1361, %max3A_1370 : vector<16xf32>
        %mul3A_1372 = arith.constant 16 : i32
        %mul3A_1373 = arith.muli %scan3A_80, %mul3A_1372 : i32
        %add3A_1374 = arith.constant 8 : i32
        %add3A_1375 = arith.addi %mul3A_1373, %add3A_1374 : i32
        %get3A_1376 = arith.index_cast %add3A_1375 : i32 to index
        %get3A_1377 = arith.constant 112 : index
        %get3A_1378 = tpu.vector_load %arg8[%get3A_1376, %get3A_1377] {strides = array<i32>} : memref<128x128xf32, #tpu.memory_space<vmem>>, vector<1x16xf32>,
        %get3A_1379 = vector.shape_cast %get3A_1378 : vector<1x16xf32> to vector<16xf32>
        %max3A_1380 = arith.maximumf %get3A_1379, %neg3A_1294 : vector<16xf32>
        %add3A_1381 = arith.addf %add3A_1371, %max3A_1380 : vector<16xf32>
        %mul3A_1382 = arith.constant 16 : i32
        %mul3A_1383 = arith.muli %scan3A_80, %mul3A_1382 : i32
        %add3A_1384 = arith.constant 9 : i32
        %add3A_1385 = arith.addi %mul3A_1383, %add3A_1384 : i32
        %get3A_1386 = arith.index_cast %add3A_1385 : i32 to index
        %get3A_1387 = arith.constant 112 : index
        %get3A_1388 = tpu.vector_load %arg8[%get3A_1386, %get3A_1387] {strides = array<i32>} : memref<128x128xf32, #tpu.memory_space<vmem>>, vector<1x16xf32>,
        %get3A_1389 = vector.shape_cast %get3A_1388 : vector<1x16xf32> to vector<16xf32>
        %max3A_1390 = arith.maximumf %get3A_1389, %neg3A_1294 : vector<16xf32>
        %add3A_1391 = arith.addf %add3A_1381, %max3A_1390 : vector<16xf32>
        %mul3A_1392 = arith.constant 16 : i32
        %mul3A_1393 = arith.muli %scan3A_80, %mul3A_1392 : i32
        %add3A_1394 = arith.constant 10 : i32
        %add3A_1395 = arith.addi %mul3A_1393, %add3A_1394 : i32
        %get3A_1396 = arith.index_cast %add3A_1395 : i32 to index
        %get3A_1397 = arith.constant 112 : index
        %get3A_1398 = tpu.vector_load %arg8[%get3A_1396, %get3A_1397] {strides = array<i32>} : memref<128x128xf32, #tpu.memory_space<vmem>>, vector<1x16xf32>,
        %get3A_1399 = vector.shape_cast %get3A_1398 : vector<1x16xf32> to vector<16xf32>
        %max3A_1400 = arith.maximumf %get3A_1399, %neg3A_1294 : vector<16xf32>
        %add3A_1401 = arith.addf %add3A_1391, %max3A_1400 : vector<16xf32>
        %mul3A_1402 = arith.constant 16 : i32
        %mul3A_1403 = arith.muli %scan3A_80, %mul3A_1402 : i32
        %add3A_1404 = arith.constant 11 : i32
        %add3A_1405 = arith.addi %mul3A_1403, %add3A_1404 : i32
        %get3A_1406 = arith.index_cast %add3A_1405 : i32 to index
        %get3A_1407 = arith.constant 112 : index
        %get3A_1408 = tpu.vector_load %arg8[%get3A_1406, %get3A_1407] {strides = array<i32>} : memref<128x128xf32, #tpu.memory_space<vmem>>, vector<1x16xf32>,
        %get3A_1409 = vector.shape_cast %get3A_1408 : vector<1x16xf32> to vector<16xf32>
        %max3A_1410 = arith.maximumf %get3A_1409, %neg3A_1294 : vector<16xf32>
        %add3A_1411 = arith.addf %add3A_1401, %max3A_1410 : vector<16xf32>
        %mul3A_1412 = arith.constant 16 : i32
        %mul3A_1413 = arith.muli %scan3A_80, %mul3A_1412 : i32
        %add3A_1414 = arith.constant 12 : i32
        %add3A_1415 = arith.addi %mul3A_1413, %add3A_1414 : i32
        %get3A_1416 = arith.index_cast %add3A_1415 : i32 to index
        %get3A_1417 = arith.constant 112 : index
        %get3A_1418 = tpu.vector_load %arg8[%get3A_1416, %get3A_1417] {strides = array<i32>} : memref<128x128xf32, #tpu.memory_space<vmem>>, vector<1x16xf32>,
        %get3A_1419 = vector.shape_cast %get3A_1418 : vector<1x16xf32> to vector<16xf32>
        %max3A_1420 = arith.maximumf %get3A_1419, %neg3A_1294 : vector<16xf32>
        %add3A_1421 = arith.addf %add3A_1411, %max3A_1420 : vector<16xf32>
        %mul3A_1422 = arith.constant 16 : i32
        %mul3A_1423 = arith.muli %scan3A_80, %mul3A_1422 : i32
        %add3A_1424 = arith.constant 13 : i32
        %add3A_1425 = arith.addi %mul3A_1423, %add3A_1424 : i32
        %get3A_1426 = arith.index_cast %add3A_1425 : i32 to index
        %get3A_1427 = arith.constant 112 : index
        %get3A_1428 = tpu.vector_load %arg8[%get3A_1426, %get3A_1427] {strides = array<i32>} : memref<128x128xf32, #tpu.memory_space<vmem>>, vector<1x16xf32>,
        %get3A_1429 = vector.shape_cast %get3A_1428 : vector<1x16xf32> to vector<16xf32>
        %max3A_1430 = arith.maximumf %get3A_1429, %neg3A_1294 : vector<16xf32>
        %add3A_1431 = arith.addf %add3A_1421, %max3A_1430 : vector<16xf32>
        %mul3A_1432 = arith.constant 16 : i32
        %mul3A_1433 = arith.muli %scan3A_80, %mul3A_1432 : i32
        %add3A_1434 = arith.constant 14 : i32
        %add3A_1435 = arith.addi %mul3A_1433, %add3A_1434 : i32
        %get3A_1436 = arith.index_cast %add3A_1435 : i32 to index
        %get3A_1437 = arith.constant 112 : index
        %get3A_1438 = tpu.vector_load %arg8[%get3A_1436, %get3A_1437] {strides = array<i32>} : memref<128x128xf32, #tpu.memory_space<vmem>>, vector<1x16xf32>,
        %get3A_1439 = vector.shape_cast %get3A_1438 : vector<1x16xf32> to vector<16xf32>
        %max3A_1440 = arith.maximumf %get3A_1439, %neg3A_1294 : vector<16xf32>
        %add3A_1441 = arith.addf %add3A_1431, %max3A_1440 : vector<16xf32>
        %mul3A_1442 = arith.constant 16 : i32
        %mul3A_1443 = arith.muli %scan3A_80, %mul3A_1442 : i32
        %add3A_1444 = arith.constant 15 : i32
        %add3A_1445 = arith.addi %mul3A_1443, %add3A_1444 : i32
        %get3A_1446 = arith.index_cast %add3A_1445 : i32 to index
        %get3A_1447 = arith.constant 112 : index
        %get3A_1448 = tpu.vector_load %arg8[%get3A_1446, %get3A_1447] {strides = array<i32>} : memref<128x128xf32, #tpu.memory_space<vmem>>, vector<1x16xf32>,
        %get3A_1449 = vector.shape_cast %get3A_1448 : vector<1x16xf32> to vector<16xf32>
        %max3A_1450 = arith.maximumf %get3A_1449, %neg3A_1294 : vector<16xf32>
        %add3A_1451 = arith.addf %add3A_1441, %max3A_1450 : vector<16xf32>
        %mul3A_1452 = arith.constant 6.250000e-02 : f32
        %mul3A_1453 = vector.broadcast %mul3A_1452 : f32 to vector<16xf32>
        %mul3A_1454 = arith.mulf %add3A_1451, %mul3A_1453 : vector<16xf32>
        %add3A_1455 = arith.addf %mul3A_1454, %get3A_1291 : vector<16xf32>
        %swap3A_1456 = arith.index_cast %scan3A_80 : i32 to index
        %swap3A_1457 = arith.constant 112 : index
        %swap3A_1458 = tpu.vector_load %arg10[%swap3A_1456, %swap3A_1457] {strides = array<i32>} : memref<8x128xf32, #tpu.memory_space<vmem>>, vector<1x16xf32>,
        %swap3A_1459 = vector.shape_cast %swap3A_1458 : vector<1x16xf32> to vector<16xf32>
        %swap3A_1460 = vector.shape_cast %add3A_1455 : vector<16xf32> to vector<1x16xf32>
        tpu.vector_store %arg10[%swap3A_1456, %swap3A_1457], %swap3A_1460 {strides = array<i32>} : memref<8x128xf32, #tpu.memory_space<vmem>>, vector<1x16xf32>,
      }
      %scan3A_77 = arith.constant 8 : i32
      %add3A_78 = arith.constant 8 : i32
      %add3A_79 = arith.addi %add3A_32, %add3A_78 : i32
      "tpu.region"() ({
        %run_scoped3A = tpu.sem_alloc : memref<!tpu.dma_semaphore, #tpu.memory_space<semaphore_mem>>
        %dma_start3A_80 = arith.constant 0 : i32
        %dma_start3A_81 = tpu.memref_slice %arg5[%add3A_79, %dma_start3A_80] : memref<20480x128xf32, #tpu.memory_space<hbm>> -> memref<8x128xf32, #tpu.memory_space<hbm>>
        %dma_start3A_82 = arith.constant 0 : i32
        %dma_start3A_83 = tpu.memref_slice %arg5[%add3A_79, %dma_start3A_82] : memref<20480x128xf32, #tpu.memory_space<hbm>> -> memref<8x128xf32, #tpu.memory_space<hbm>>
        tpu.enqueue_dma source(%arg10 : memref<8x128xf32, #tpu.memory_space<vmem>>) target(%dma_start3A_83 : memref<8x128xf32, #tpu.memory_space<hbm>>) target_semaphore(%run_scoped3A : memref<!tpu.dma_semaphore, #tpu.memory_space<semaphore_mem>>)
        %dma_wait3A_84 = arith.constant 0 : i32
        %dma_wait3A_85 = tpu.memref_slice %arg5[%add3A_79, %dma_wait3A_84] : memref<20480x128xf32, #tpu.memory_space<hbm>> -> memref<8x128xf32, #tpu.memory_space<hbm>>
        %dma_wait3A_86 = arith.constant 0 : i32
        %dma_wait3A_87 = tpu.memref_slice %arg5[%add3A_79, %dma_wait3A_86] : memref<20480x128xf32, #tpu.memory_space<hbm>> -> memref<8x128xf32, #tpu.memory_space<hbm>>
        tpu.wait_dma2 semaphore(%run_scoped3A : memref<!tpu.dma_semaphore, #tpu.memory_space<semaphore_mem>>) src(%arg10 : memref<8x128xf32, #tpu.memory_space<vmem>>) dst(%dma_wait3A_87 : memref<8x128xf32, #tpu.memory_space<hbm>>)
        tpu.yield
      }) : () -> ()
    }
    %scan3A_20 = arith.constant 40 : i32
    %dma_wait3A = arith.constant 0 : i32
    %dma_wait3A_21 = arith.constant 0 : i32
    %dma_wait3A_22 = tpu.memref_slice %arg6[%dma_wait3A, %dma_wait3A_21] : memref<80x128xi32, #tpu.memory_space<vmem>> -> memref<1x128xi32, #tpu.memory_space<vmem>>
    %dma_wait3A_23 = tpu.memref_squeeze %dma_wait3A_22 : memref<1x128xi32, #tpu.memory_space<vmem>> -> memref<128xi32, #tpu.memory_space<vmem>>
    %dma_wait3A_24 = arith.constant 0 : i32
    %dma_wait3A_25 = arith.constant 0 : i32
    %dma_wait3A_26 = tpu.memref_slice %arg11[%dma_wait3A_24, %dma_wait3A_25] : memref<10240x128xf32, #tpu.memory_space<vmem_shared>> -> memref<10240x128xf32, #tpu.memory_space<vmem_shared>>
    tpu.wait_indirect_dma semaphore(%arg12 : memref<!tpu.dma_semaphore, #tpu.memory_space<semaphore_mem>>) src(%dma_wait3A_26 : memref<10240x128xf32, #tpu.memory_space<vmem_shared>>) dst(%arg7 : memref<128x128xf32, #tpu.memory_space<vmem>>)
    return
  }
}

module attributes {stable_mosaic.version = 14 : i64} {
  func.func @_pre_body(%arg0: i32, %arg1: memref<2000x128xf32, #tpu.memory_space<vmem>>, %arg2: memref<2000x2xf32, #tpu.memory_space<vmem>>, %arg3: memref<128x128xf32, #tpu.memory_space<vmem>>, %arg4: memref<128x128xf32, #tpu.memory_space<vmem>>, %arg5: memref<2x128xf32, #tpu.memory_space<vmem>>, %arg6: memref<1x128xf32, #tpu.memory_space<vmem>>, %arg7: memref<1x2000x128xf32, #tpu.memory_space<vmem>>, %arg8: memref<1x2000x128xf32, #tpu.memory_space<vmem>>) attributes {dimension_semantics = [#tpu.dimension_semantics<arbitrary>], iteration_bounds = array<i64: 10>, scalar_prefetch = 0 : i64, scratch_operands = 0 : i64, tpu.core_type = #tpu.core_type<tc>, window_params = [{transform_indices = @transform_0, window_bounds = array<i64: 2000, 128>}, {transform_indices = @transform_1, window_bounds = array<i64: 2000, 2>}, {pipeline_mode = #tpu.pipeline_mode<synchronous>, transform_indices = @transform_2, window_bounds = array<i64: 128, 128>}, {pipeline_mode = #tpu.pipeline_mode<synchronous>, transform_indices = @transform_3, window_bounds = array<i64: 128, 128>}, {pipeline_mode = #tpu.pipeline_mode<synchronous>, transform_indices = @transform_4, window_bounds = array<i64: 2, 128>}, {pipeline_mode = #tpu.pipeline_mode<synchronous>, transform_indices = @transform_5, window_bounds = array<i64: 1, 128>}, {transform_indices = @transform_6, window_bounds = array<i64: 1, 2000, 128>}, {transform_indices = @transform_7, window_bounds = array<i64: 1, 2000, 128>}]} {
    %get3A = arith.constant 0 : index
    %get3A_0 = arith.constant 0 : index
    %get3A_1 = vector.load %arg1[%get3A, %get3A_0] : memref<2000x128xf32, #tpu.memory_space<vmem>>, vector<2000x128xf32>
    %get3A_2 = arith.constant 0 : index
    %get3A_3 = arith.constant 0 : index
    %get3A_4 = vector.load %arg2[%get3A_2, %get3A_3] : memref<2000x2xf32, #tpu.memory_space<vmem>>, vector<2000x2xf32>
    %get3A_5 = arith.constant 0 : index
    %get3A_6 = arith.constant 0 : index
    %get3A_7 = vector.load %arg5[%get3A_5, %get3A_6] : memref<2x128xf32, #tpu.memory_space<vmem>>, vector<2x128xf32>
    %dot_general3A = arith.constant dense<0.000000e+00> : vector<2000x128xf32>
    %dot_general3A_8 = tpu.matmul %get3A_4, %get3A_7, %dot_general3A {dimension_numbers = #tpu.dot_dimension_numbers<[1], [0], [0], [1], [0, 0, 1, 1], [], []>, transpose_lhs_hint = false} : vector<2000x2xf32>, vector<2x128xf32>, vector<2000x128xf32> -> vector<2000x128xf32>
    %get3A_9 = arith.constant 0 : index
    %get3A_10 = arith.constant 0 : index
    %get3A_11 = vector.load %arg4[%get3A_9, %get3A_10] : memref<128x128xf32, #tpu.memory_space<vmem>>, vector<128x128xf32>
    %dot_general3A_12 = arith.constant dense<0.000000e+00> : vector<2000x128xf32>
    %dot_general3A_13 = tpu.matmul %get3A_1, %get3A_11, %dot_general3A_12 {dimension_numbers = #tpu.dot_dimension_numbers<[1], [0], [0], [1], [0, 0, 1, 1], [], []>, transpose_lhs_hint = false} : vector<2000x128xf32>, vector<128x128xf32>, vector<2000x128xf32> -> vector<2000x128xf32>
    %add3A = arith.addf %dot_general3A_13, %dot_general3A_8 : vector<2000x128xf32>
    %broadcast_in_dim3A = vector.shape_cast %add3A : vector<2000x128xf32> to vector<1x2000x128xf32>
    %swap3A = arith.constant 0 : index
    %swap3A_14 = arith.constant 0 : index
    %swap3A_15 = arith.constant 0 : index
    %swap3A_16 = vector.load %arg7[%swap3A, %swap3A_14, %swap3A_15] : memref<1x2000x128xf32, #tpu.memory_space<vmem>>, vector<1x2000x128xf32>
    tpu.vector_store %arg7[%swap3A, %swap3A_14, %swap3A_15], %broadcast_in_dim3A {strides = array<i32>} : memref<1x2000x128xf32, #tpu.memory_space<vmem>>, vector<1x2000x128xf32>,
    %get3A_17 = arith.constant 0 : index
    %get3A_18 = arith.constant 0 : index
    %get3A_19 = vector.load %arg3[%get3A_17, %get3A_18] : memref<128x128xf32, #tpu.memory_space<vmem>>, vector<128x128xf32>
    %dot_general3A_20 = arith.constant dense<0.000000e+00> : vector<2000x128xf32>
    %dot_general3A_21 = tpu.matmul %get3A_1, %get3A_19, %dot_general3A_20 {dimension_numbers = #tpu.dot_dimension_numbers<[1], [0], [0], [1], [0, 0, 1, 1], [], []>, transpose_lhs_hint = false} : vector<2000x128xf32>, vector<128x128xf32>, vector<2000x128xf32> -> vector<2000x128xf32>
    %sub3A = arith.subf %dot_general3A_21, %dot_general3A_8 : vector<2000x128xf32>
    %get3A_22 = arith.constant 0 : index
    %get3A_23 = arith.constant 0 : index
    %get3A_24 = vector.load %arg6[%get3A_22, %get3A_23] : memref<1x128xf32, #tpu.memory_space<vmem>>, vector<1x128xf32>
    %add3A_25 = vector.broadcast %get3A_24 : vector<1x128xf32> to vector<2000x128xf32>
    %add3A_26 = arith.addf %sub3A, %add3A_25 : vector<2000x128xf32>
    %broadcast_in_dim3A_27 = vector.shape_cast %add3A_26 : vector<2000x128xf32> to vector<1x2000x128xf32>
    %swap3A_28 = arith.constant 0 : index
    %swap3A_29 = arith.constant 0 : index
    %swap3A_30 = arith.constant 0 : index
    %swap3A_31 = vector.load %arg8[%swap3A_28, %swap3A_29, %swap3A_30] : memref<1x2000x128xf32, #tpu.memory_space<vmem>>, vector<1x2000x128xf32>
    tpu.vector_store %arg8[%swap3A_28, %swap3A_29, %swap3A_30], %broadcast_in_dim3A_27 {strides = array<i32>} : memref<1x2000x128xf32, #tpu.memory_space<vmem>>, vector<1x2000x128xf32>,
    return
  }
  func.func @transform_0(%arg0: i32) -> (i32, i32) {
    %c0_i32 = arith.constant 0 : i32
    %c0_i32_0 = arith.constant 0 : i32
    return %arg0, %c0_i32 : i32, i32
  }
  func.func @transform_1(%arg0: i32) -> (i32, i32) {
    %c0_i32 = arith.constant 0 : i32
    %c0_i32_0 = arith.constant 0 : i32
    return %arg0, %c0_i32 : i32, i32
  }
  func.func @transform_2(%arg0: i32) -> (i32, i32) {
    %c0_i32 = arith.constant 0 : i32
    %c0_i32_0 = arith.constant 0 : i32
    %c0_i32_1 = arith.constant 0 : i32
    return %c0_i32, %c0_i32_0 : i32, i32
  }
  func.func @transform_3(%arg0: i32) -> (i32, i32) {
    %c0_i32 = arith.constant 0 : i32
    %c0_i32_0 = arith.constant 0 : i32
    %c0_i32_1 = arith.constant 0 : i32
    return %c0_i32, %c0_i32_0 : i32, i32
  }
  func.func @transform_4(%arg0: i32) -> (i32, i32) {
    %c0_i32 = arith.constant 0 : i32
    %c0_i32_0 = arith.constant 0 : i32
    %c0_i32_1 = arith.constant 0 : i32
    return %c0_i32, %c0_i32_0 : i32, i32
  }
  func.func @transform_5(%arg0: i32) -> (i32, i32) {
    %c0_i32 = arith.constant 0 : i32
    %c0_i32_0 = arith.constant 0 : i32
    %c0_i32_1 = arith.constant 0 : i32
    return %c0_i32, %c0_i32_0 : i32, i32
  }
  func.func @transform_6(%arg0: i32) -> (i32, i32, i32) {
    %jit3A = arith.constant 5 : i32
    %div3A = arith.divsi %arg0, %jit3A : i32
    %sign3A = arith.constant 0 : i32
    %sign3A_0 = arith.cmpi sgt, %arg0, %sign3A : i32
    %sign3A_1 = arith.extui %sign3A_0 : i1 to i32
    %sign3A_2 = arith.constant 0 : i32
    %sign3A_3 = arith.cmpi slt, %arg0, %sign3A_2 : i32
    %sign3A_4 = arith.extui %sign3A_3 : i1 to i32
    %sign3A_5 = arith.subi %sign3A_1, %sign3A_4 : i32
    %sign3A_6 = arith.constant 0 : i32
    %sign3A_7 = arith.cmpi sgt, %jit3A, %sign3A_6 : i32
    %sign3A_8 = arith.extui %sign3A_7 : i1 to i32
    %sign3A_9 = arith.constant 0 : i32
    %sign3A_10 = arith.cmpi slt, %jit3A, %sign3A_9 : i32
    %sign3A_11 = arith.extui %sign3A_10 : i1 to i32
    %sign3A_12 = arith.subi %sign3A_8, %sign3A_11 : i32
    %ne3A = arith.cmpi ne, %sign3A_5, %sign3A_12 : i32
    %rem3A = arith.remsi %arg0, %jit3A : i32
    %ne3A_13 = arith.constant 0 : i32
    %ne3A_14 = arith.cmpi ne, %rem3A, %ne3A_13 : i32
    %and3A = arith.andi %ne3A, %ne3A_14 : i1
    %sub3A = arith.constant 1 : i32
    %sub3A_15 = arith.subi %div3A, %sub3A : i32
    %select_n3A = arith.select %and3A, %sub3A_15, %div3A : i32
    %jit3A_16 = arith.constant 5 : i32
    %eq3A = arith.constant 0 : i32
    %eq3A_17 = arith.cmpi eq, %jit3A_16, %eq3A : i32
    %jit3A_18 = arith.constant 1 : i32
    %select_n3A_19 = arith.select %eq3A_17, %jit3A_18, %jit3A_16 : i32
    %rem3A_20 = arith.remsi %arg0, %select_n3A_19 : i32
    %ne3A_21 = arith.constant 0 : i32
    %ne3A_22 = arith.cmpi ne, %rem3A_20, %ne3A_21 : i32
    %lt3A = arith.constant 0 : i32
    %lt3A_23 = arith.cmpi slt, %rem3A_20, %lt3A : i32
    %lt3A_24 = arith.constant 0 : i32
    %lt3A_25 = arith.cmpi slt, %select_n3A_19, %lt3A_24 : i32
    %ne3A_26 = arith.xori %lt3A_23, %lt3A_25 : i1
    %and3A_27 = arith.andi %ne3A_26, %ne3A_22 : i1
    %add3A = arith.addi %rem3A_20, %select_n3A_19 : i32
    %select_n3A_28 = arith.select %and3A_27, %add3A, %rem3A_20 : i32
    %c0_i32 = arith.constant 0 : i32
    %c0_i32_29 = arith.constant 0 : i32
    return %select_n3A, %select_n3A_28, %c0_i32 : i32, i32, i32
  }
  func.func @transform_7(%arg0: i32) -> (i32, i32, i32) {
    %jit3A = arith.constant 5 : i32
    %div3A = arith.divsi %arg0, %jit3A : i32
    %sign3A = arith.constant 0 : i32
    %sign3A_0 = arith.cmpi sgt, %arg0, %sign3A : i32
    %sign3A_1 = arith.extui %sign3A_0 : i1 to i32
    %sign3A_2 = arith.constant 0 : i32
    %sign3A_3 = arith.cmpi slt, %arg0, %sign3A_2 : i32
    %sign3A_4 = arith.extui %sign3A_3 : i1 to i32
    %sign3A_5 = arith.subi %sign3A_1, %sign3A_4 : i32
    %sign3A_6 = arith.constant 0 : i32
    %sign3A_7 = arith.cmpi sgt, %jit3A, %sign3A_6 : i32
    %sign3A_8 = arith.extui %sign3A_7 : i1 to i32
    %sign3A_9 = arith.constant 0 : i32
    %sign3A_10 = arith.cmpi slt, %jit3A, %sign3A_9 : i32
    %sign3A_11 = arith.extui %sign3A_10 : i1 to i32
    %sign3A_12 = arith.subi %sign3A_8, %sign3A_11 : i32
    %ne3A = arith.cmpi ne, %sign3A_5, %sign3A_12 : i32
    %rem3A = arith.remsi %arg0, %jit3A : i32
    %ne3A_13 = arith.constant 0 : i32
    %ne3A_14 = arith.cmpi ne, %rem3A, %ne3A_13 : i32
    %and3A = arith.andi %ne3A, %ne3A_14 : i1
    %sub3A = arith.constant 1 : i32
    %sub3A_15 = arith.subi %div3A, %sub3A : i32
    %select_n3A = arith.select %and3A, %sub3A_15, %div3A : i32
    %jit3A_16 = arith.constant 5 : i32
    %eq3A = arith.constant 0 : i32
    %eq3A_17 = arith.cmpi eq, %jit3A_16, %eq3A : i32
    %jit3A_18 = arith.constant 1 : i32
    %select_n3A_19 = arith.select %eq3A_17, %jit3A_18, %jit3A_16 : i32
    %rem3A_20 = arith.remsi %arg0, %select_n3A_19 : i32
    %ne3A_21 = arith.constant 0 : i32
    %ne3A_22 = arith.cmpi ne, %rem3A_20, %ne3A_21 : i32
    %lt3A = arith.constant 0 : i32
    %lt3A_23 = arith.cmpi slt, %rem3A_20, %lt3A : i32
    %lt3A_24 = arith.constant 0 : i32
    %lt3A_25 = arith.cmpi slt, %select_n3A_19, %lt3A_24 : i32
    %ne3A_26 = arith.xori %lt3A_23, %lt3A_25 : i1
    %and3A_27 = arith.andi %ne3A_26, %ne3A_22 : i1
    %add3A = arith.addi %rem3A_20, %select_n3A_19 : i32
    %select_n3A_28 = arith.select %and3A_27, %add3A, %rem3A_20 : i32
    %c0_i32 = arith.constant 0 : i32
    %c0_i32_29 = arith.constant 0 : i32
    return %select_n3A, %select_n3A_28, %c0_i32 : i32, i32, i32
  }
}

module attributes {stable_mosaic.version = 14 : i64} {
  func.func @_post_body(%arg0: i32, %arg1: memref<2000x128xf32, #tpu.memory_space<vmem>>, %arg2: memref<1x2000x128xf32, #tpu.memory_space<vmem>>, %arg3: memref<128x128xf32, #tpu.memory_space<vmem>>, %arg4: memref<128x128xf32, #tpu.memory_space<vmem>>, %arg5: memref<1x128xf32, #tpu.memory_space<vmem>>, %arg6: memref<1x128xf32, #tpu.memory_space<vmem>>, %arg7: memref<1x128xf32, #tpu.memory_space<vmem>>, %arg8: memref<2000x1xf32, #tpu.memory_space<vmem>>, %arg9: memref<1x2000x128xf32, #tpu.memory_space<vmem>>) attributes {dimension_semantics = [#tpu.dimension_semantics<arbitrary>], iteration_bounds = array<i64: 10>, scalar_prefetch = 0 : i64, scratch_operands = 0 : i64, tpu.core_type = #tpu.core_type<tc>, window_params = [{transform_indices = @transform_0, window_bounds = array<i64: 2000, 128>}, {transform_indices = @transform_1, window_bounds = array<i64: 1, 2000, 128>}, {pipeline_mode = #tpu.pipeline_mode<synchronous>, transform_indices = @transform_2, window_bounds = array<i64: 128, 128>}, {pipeline_mode = #tpu.pipeline_mode<synchronous>, transform_indices = @transform_3, window_bounds = array<i64: 128, 128>}, {pipeline_mode = #tpu.pipeline_mode<synchronous>, transform_indices = @transform_4, window_bounds = array<i64: 1, 128>}, {pipeline_mode = #tpu.pipeline_mode<synchronous>, transform_indices = @transform_5, window_bounds = array<i64: 1, 128>}, {pipeline_mode = #tpu.pipeline_mode<synchronous>, transform_indices = @transform_6, window_bounds = array<i64: 1, 128>}, {transform_indices = @transform_7, window_bounds = array<i64: 2000, 1>}, {transform_indices = @transform_8, window_bounds = array<i64: 1, 2000, 128>}]} {
    %get3A = arith.constant 0 : index
    %get3A_0 = arith.constant 0 : index
    %get3A_1 = vector.load %arg1[%get3A, %get3A_0] : memref<2000x128xf32, #tpu.memory_space<vmem>>, vector<2000x128xf32>
    %get3A_2 = arith.constant 0 : index
    %get3A_3 = arith.constant 0 : index
    %get3A_4 = vector.load %arg3[%get3A_2, %get3A_3] : memref<128x128xf32, #tpu.memory_space<vmem>>, vector<128x128xf32>
    %dot_general3A = arith.constant dense<0.000000e+00> : vector<2000x128xf32>
    %dot_general3A_5 = tpu.matmul %get3A_1, %get3A_4, %dot_general3A {dimension_numbers = #tpu.dot_dimension_numbers<[1], [0], [0], [1], [0, 0, 1, 1], [], []>, transpose_lhs_hint = false} : vector<2000x128xf32>, vector<128x128xf32>, vector<2000x128xf32> -> vector<2000x128xf32>
    %get3A_6 = arith.constant 0 : index
    %get3A_7 = arith.constant 0 : index
    %get3A_8 = arith.constant 0 : index
    %get3A_9 = vector.load %arg2[%get3A_6, %get3A_7, %get3A_8] : memref<1x2000x128xf32, #tpu.memory_space<vmem>>, vector<1x2000x128xf32>
    %get3A_10 = vector.shape_cast %get3A_9 : vector<1x2000x128xf32> to vector<2000x128xf32>
    %get3A_11 = arith.constant 0 : index
    %get3A_12 = arith.constant 0 : index
    %get3A_13 = vector.load %arg4[%get3A_11, %get3A_12] : memref<128x128xf32, #tpu.memory_space<vmem>>, vector<128x128xf32>
    %dot_general3A_14 = arith.constant dense<0.000000e+00> : vector<2000x128xf32>
    %dot_general3A_15 = tpu.matmul %get3A_10, %get3A_13, %dot_general3A_14 {dimension_numbers = #tpu.dot_dimension_numbers<[1], [0], [0], [1], [0, 0, 1, 1], [], []>, transpose_lhs_hint = false} : vector<2000x128xf32>, vector<128x128xf32>, vector<2000x128xf32> -> vector<2000x128xf32>
    %add3A = arith.addf %dot_general3A_5, %dot_general3A_15 : vector<2000x128xf32>
    %get3A_16 = arith.constant 0 : index
    %get3A_17 = arith.constant 0 : index
    %get3A_18 = vector.load %arg5[%get3A_16, %get3A_17] : memref<1x128xf32, #tpu.memory_space<vmem>>, vector<1x128xf32>
    %add3A_19 = vector.broadcast %get3A_18 : vector<1x128xf32> to vector<2000x128xf32>
    %add3A_20 = arith.addf %add3A, %add3A_19 : vector<2000x128xf32>
    %reduce_sum3A = arith.constant dense<0.000000e+00> : vector<2000xf32>
    %reduce_sum3A_21 = vector.multi_reduction <add>, %add3A_20, %reduce_sum3A [1] : vector<2000x128xf32> to vector<2000xf32>
    %broadcast_in_dim3A = vector.shape_cast %reduce_sum3A_21 : vector<2000xf32> to vector<2000x1xf32>
    %div3A = arith.constant 1.280000e+02 : f32
    %div3A_22 = vector.broadcast %div3A : f32 to vector<2000x1xf32>
    %div3A_23 = arith.divf %broadcast_in_dim3A, %div3A_22 : vector<2000x1xf32>
    %sub3A = vector.broadcast %div3A_23 : vector<2000x1xf32> to vector<2000x128xf32>
    %sub3A_24 = arith.subf %add3A_20, %sub3A : vector<2000x128xf32>
    %mul3A = arith.mulf %sub3A_24, %sub3A_24 : vector<2000x128xf32>
    %reduce_sum3A_25 = arith.constant dense<0.000000e+00> : vector<2000xf32>
    %reduce_sum3A_26 = vector.multi_reduction <add>, %mul3A, %reduce_sum3A_25 [1] : vector<2000x128xf32> to vector<2000xf32>
    %broadcast_in_dim3A_27 = vector.shape_cast %reduce_sum3A_26 : vector<2000xf32> to vector<2000x1xf32>
    %div3A_28 = arith.constant 1.280000e+02 : f32
    %div3A_29 = vector.broadcast %div3A_28 : f32 to vector<2000x1xf32>
    %div3A_30 = arith.divf %broadcast_in_dim3A_27, %div3A_29 : vector<2000x1xf32>
    %add3A_31 = arith.constant 9.99999974E-6 : f32
    %add3A_32 = vector.broadcast %add3A_31 : f32 to vector<2000x1xf32>
    %add3A_33 = arith.addf %div3A_30, %add3A_32 : vector<2000x1xf32>
    %rsqrt3A = math.rsqrt %add3A_33 : vector<2000x1xf32>
    %mul3A_34 = vector.broadcast %rsqrt3A : vector<2000x1xf32> to vector<2000x128xf32>
    %mul3A_35 = arith.mulf %sub3A_24, %mul3A_34 : vector<2000x128xf32>
    %get3A_36 = arith.constant 0 : index
    %get3A_37 = arith.constant 0 : index
    %get3A_38 = vector.load %arg6[%get3A_36, %get3A_37] : memref<1x128xf32, #tpu.memory_space<vmem>>, vector<1x128xf32>
    %mul3A_39 = vector.broadcast %get3A_38 : vector<1x128xf32> to vector<2000x128xf32>
    %mul3A_40 = arith.mulf %mul3A_35, %mul3A_39 : vector<2000x128xf32>
    %get3A_41 = arith.constant 0 : index
    %get3A_42 = arith.constant 0 : index
    %get3A_43 = vector.load %arg7[%get3A_41, %get3A_42] : memref<1x128xf32, #tpu.memory_space<vmem>>, vector<1x128xf32>
    %add3A_44 = vector.broadcast %get3A_43 : vector<1x128xf32> to vector<2000x128xf32>
    %add3A_45 = arith.addf %mul3A_40, %add3A_44 : vector<2000x128xf32>
    %max3A = arith.constant 0.000000e+00 : f32
    %max3A_46 = vector.broadcast %max3A : f32 to vector<2000x128xf32>
    %max3A_47 = arith.maximumf %add3A_45, %max3A_46 : vector<2000x128xf32>
    %get3A_48 = arith.constant 0 : index
    %get3A_49 = arith.constant 0 : index
    %get3A_50 = vector.load %arg8[%get3A_48, %get3A_49] : memref<2000x1xf32, #tpu.memory_space<vmem>>, vector<2000x1xf32>
    %mul3A_51 = vector.broadcast %get3A_50 : vector<2000x1xf32> to vector<2000x128xf32>
    %mul3A_52 = arith.mulf %max3A_47, %mul3A_51 : vector<2000x128xf32>
    %broadcast_in_dim3A_53 = vector.shape_cast %mul3A_52 : vector<2000x128xf32> to vector<1x2000x128xf32>
    %swap3A = arith.constant 0 : index
    %swap3A_54 = arith.constant 0 : index
    %swap3A_55 = arith.constant 0 : index
    %swap3A_56 = vector.load %arg9[%swap3A, %swap3A_54, %swap3A_55] : memref<1x2000x128xf32, #tpu.memory_space<vmem>>, vector<1x2000x128xf32>
    tpu.vector_store %arg9[%swap3A, %swap3A_54, %swap3A_55], %broadcast_in_dim3A_53 {strides = array<i32>} : memref<1x2000x128xf32, #tpu.memory_space<vmem>>, vector<1x2000x128xf32>,
    return
  }
  func.func @transform_0(%arg0: i32) -> (i32, i32) {
    %c0_i32 = arith.constant 0 : i32
    %c0_i32_0 = arith.constant 0 : i32
    return %arg0, %c0_i32 : i32, i32
  }
  func.func @transform_1(%arg0: i32) -> (i32, i32, i32) {
    %jit3A = arith.constant 5 : i32
    %div3A = arith.divsi %arg0, %jit3A : i32
    %sign3A = arith.constant 0 : i32
    %sign3A_0 = arith.cmpi sgt, %arg0, %sign3A : i32
    %sign3A_1 = arith.extui %sign3A_0 : i1 to i32
    %sign3A_2 = arith.constant 0 : i32
    %sign3A_3 = arith.cmpi slt, %arg0, %sign3A_2 : i32
    %sign3A_4 = arith.extui %sign3A_3 : i1 to i32
    %sign3A_5 = arith.subi %sign3A_1, %sign3A_4 : i32
    %sign3A_6 = arith.constant 0 : i32
    %sign3A_7 = arith.cmpi sgt, %jit3A, %sign3A_6 : i32
    %sign3A_8 = arith.extui %sign3A_7 : i1 to i32
    %sign3A_9 = arith.constant 0 : i32
    %sign3A_10 = arith.cmpi slt, %jit3A, %sign3A_9 : i32
    %sign3A_11 = arith.extui %sign3A_10 : i1 to i32
    %sign3A_12 = arith.subi %sign3A_8, %sign3A_11 : i32
    %ne3A = arith.cmpi ne, %sign3A_5, %sign3A_12 : i32
    %rem3A = arith.remsi %arg0, %jit3A : i32
    %ne3A_13 = arith.constant 0 : i32
    %ne3A_14 = arith.cmpi ne, %rem3A, %ne3A_13 : i32
    %and3A = arith.andi %ne3A, %ne3A_14 : i1
    %sub3A = arith.constant 1 : i32
    %sub3A_15 = arith.subi %div3A, %sub3A : i32
    %select_n3A = arith.select %and3A, %sub3A_15, %div3A : i32
    %jit3A_16 = arith.constant 5 : i32
    %eq3A = arith.constant 0 : i32
    %eq3A_17 = arith.cmpi eq, %jit3A_16, %eq3A : i32
    %jit3A_18 = arith.constant 1 : i32
    %select_n3A_19 = arith.select %eq3A_17, %jit3A_18, %jit3A_16 : i32
    %rem3A_20 = arith.remsi %arg0, %select_n3A_19 : i32
    %ne3A_21 = arith.constant 0 : i32
    %ne3A_22 = arith.cmpi ne, %rem3A_20, %ne3A_21 : i32
    %lt3A = arith.constant 0 : i32
    %lt3A_23 = arith.cmpi slt, %rem3A_20, %lt3A : i32
    %lt3A_24 = arith.constant 0 : i32
    %lt3A_25 = arith.cmpi slt, %select_n3A_19, %lt3A_24 : i32
    %ne3A_26 = arith.xori %lt3A_23, %lt3A_25 : i1
    %and3A_27 = arith.andi %ne3A_26, %ne3A_22 : i1
    %add3A = arith.addi %rem3A_20, %select_n3A_19 : i32
    %select_n3A_28 = arith.select %and3A_27, %add3A, %rem3A_20 : i32
    %c0_i32 = arith.constant 0 : i32
    %c0_i32_29 = arith.constant 0 : i32
    return %select_n3A, %select_n3A_28, %c0_i32 : i32, i32, i32
  }
  func.func @transform_2(%arg0: i32) -> (i32, i32) {
    %c0_i32 = arith.constant 0 : i32
    %c0_i32_0 = arith.constant 0 : i32
    %c0_i32_1 = arith.constant 0 : i32
    return %c0_i32, %c0_i32_0 : i32, i32
  }
  func.func @transform_3(%arg0: i32) -> (i32, i32) {
    %c0_i32 = arith.constant 0 : i32
    %c0_i32_0 = arith.constant 0 : i32
    %c0_i32_1 = arith.constant 0 : i32
    return %c0_i32, %c0_i32_0 : i32, i32
  }
  func.func @transform_4(%arg0: i32) -> (i32, i32) {
    %c0_i32 = arith.constant 0 : i32
    %c0_i32_0 = arith.constant 0 : i32
    %c0_i32_1 = arith.constant 0 : i32
    return %c0_i32, %c0_i32_0 : i32, i32
  }
  func.func @transform_5(%arg0: i32) -> (i32, i32) {
    %c0_i32 = arith.constant 0 : i32
    %c0_i32_0 = arith.constant 0 : i32
    %c0_i32_1 = arith.constant 0 : i32
    return %c0_i32, %c0_i32_0 : i32, i32
  }
  func.func @transform_6(%arg0: i32) -> (i32, i32) {
    %c0_i32 = arith.constant 0 : i32
    %c0_i32_0 = arith.constant 0 : i32
    %c0_i32_1 = arith.constant 0 : i32
    return %c0_i32, %c0_i32_0 : i32, i32
  }
  func.func @transform_7(%arg0: i32) -> (i32, i32) {
    %c0_i32 = arith.constant 0 : i32
    %c0_i32_0 = arith.constant 0 : i32
    return %arg0, %c0_i32 : i32, i32
  }
  func.func @transform_8(%arg0: i32) -> (i32, i32, i32) {
    %jit3A = arith.constant 5 : i32
    %div3A = arith.divsi %arg0, %jit3A : i32
    %sign3A = arith.constant 0 : i32
    %sign3A_0 = arith.cmpi sgt, %arg0, %sign3A : i32
    %sign3A_1 = arith.extui %sign3A_0 : i1 to i32
    %sign3A_2 = arith.constant 0 : i32
    %sign3A_3 = arith.cmpi slt, %arg0, %sign3A_2 : i32
    %sign3A_4 = arith.extui %sign3A_3 : i1 to i32
    %sign3A_5 = arith.subi %sign3A_1, %sign3A_4 : i32
    %sign3A_6 = arith.constant 0 : i32
    %sign3A_7 = arith.cmpi sgt, %jit3A, %sign3A_6 : i32
    %sign3A_8 = arith.extui %sign3A_7 : i1 to i32
    %sign3A_9 = arith.constant 0 : i32
    %sign3A_10 = arith.cmpi slt, %jit3A, %sign3A_9 : i32
    %sign3A_11 = arith.extui %sign3A_10 : i1 to i32
    %sign3A_12 = arith.subi %sign3A_8, %sign3A_11 : i32
    %ne3A = arith.cmpi ne, %sign3A_5, %sign3A_12 : i32
    %rem3A = arith.remsi %arg0, %jit3A : i32
    %ne3A_13 = arith.constant 0 : i32
    %ne3A_14 = arith.cmpi ne, %rem3A, %ne3A_13 : i32
    %and3A = arith.andi %ne3A, %ne3A_14 : i1
    %sub3A = arith.constant 1 : i32
    %sub3A_15 = arith.subi %div3A, %sub3A : i32
    %select_n3A = arith.select %and3A, %sub3A_15, %div3A : i32
    %jit3A_16 = arith.constant 5 : i32
    %eq3A = arith.constant 0 : i32
    %eq3A_17 = arith.cmpi eq, %jit3A_16, %eq3A : i32
    %jit3A_18 = arith.constant 1 : i32
    %select_n3A_19 = arith.select %eq3A_17, %jit3A_18, %jit3A_16 : i32
    %rem3A_20 = arith.remsi %arg0, %select_n3A_19 : i32
    %ne3A_21 = arith.constant 0 : i32
    %ne3A_22 = arith.cmpi ne, %rem3A_20, %ne3A_21 : i32
    %lt3A = arith.constant 0 : i32
    %lt3A_23 = arith.cmpi slt, %rem3A_20, %lt3A : i32
    %lt3A_24 = arith.constant 0 : i32
    %lt3A_25 = arith.cmpi slt, %select_n3A_19, %lt3A_24 : i32
    %ne3A_26 = arith.xori %lt3A_23, %lt3A_25 : i1
    %and3A_27 = arith.andi %ne3A_26, %ne3A_22 : i1
    %add3A = arith.addi %rem3A_20, %select_n3A_19 : i32
    %select_n3A_28 = arith.select %and3A_27, %add3A, %rem3A_20 : i32
    %c0_i32 = arith.constant 0 : i32
    %c0_i32_29 = arith.constant 0 : i32
    return %select_n3A, %select_n3A_28, %c0_i32 : i32, i32, i32
  }
}

</mosaic_0001>

<sc_bundles>
// kernel: kernel.5.cloned.1.call-start
scs
__scs_entry_jumppad:
0x0: {  	(pc) =	sbr.rel $0x88, $3  }
0x1: {  	(tag) =	ssettag $0x0;
	lr =	simm.s32 $0x1  }
0x2: {  	[smem:$0x3F97] =	sst lr;
	_ =	strace $0xD0000000  }
0x3: {  	_ = 	snop  }
0x4: {  	_ = 	snop  }
0x5: {  	_ = 	snop  }
0x6: {  	_ = 	snop  }
0x7: {  	_ = 	snop  }
__scs_overlays_trampoline_lowered:
0x8: {  	[smem:$0x3FA6] =	sst s0  }
0x9: {  	[smem:$0x3FA7] =	sst s1  }
0xa: {  	[smem:$0x3FA8] =	sst s2  }
0xb: {  	[smem:$0x3FA9] =	sst s3  }
0xc: {  	[smem:$0x3FAA] =	sst s4  }
0xd: {  	[smem:$0x3FAB] =	sst s5  }
0xe: {  	[smem:$0x3FAC] =	sst s6  }
0xf: {  	[smem:$0x3FAD] =	sst s7  }
0x10: {  	[smem:$0x3FAE] =	sst s8  }
0x11: {  	[smem:$0x3FAF] =	sst s9;
	s0 =	simm.s32 @!p0 $0x0  }
0x12: {  	s1 =	sld [smem:$0x3F95];
	s0 =	simm.s32 @p0 $0x1  }
0x13: {  	[smem:$0x3FB0] =	sst s0;
	s0 =	simm.s32 @!p1 $0x0  }
0x14: {  	s2 =	sld [smem:$0x3F94];
	s0 =	simm.s32 @p1 $0x1  }
0x15: {  	[smem:$0x3FB1] =	sst s0;
	s0 =	simm.s32 @!p2 $0x0  }
0x16: {  	s3 =	sld [smem:$0x3FDB];
	s0 =	simm.s32 @p2 $0x1  }
0x17: {  	s4 =	simm.s32 $0x1BF5;
	[smem:$0x3FB3] =	sst s0  }
0x18: {  	s0 =	sld [smem:$0x3F96];
	_ =	swait.ge [sflag:s4], $0x0  }
0x19: {  	s7 =	sld [smem:$0x3F97]  }
0x1a: {  	s8 =	sadd.s32 $0xFFFFE003, lr  }
0x1b: {  	s9 =	sadd.s32 $0xFFFFFEF7, lr;
	s5 =	simm.s32 $0xFFFFFFFF;
	p2 =	slt.u32 s8, $0xFFFFF086  }
0x1c: {  	p1 =	slt.u32 s9, $0xF7A;
	s5 =	simm.s32 @!p2 $0x0  }
0x1d: {  	s5 =	simm.s32 @p1 $0x1;
	p0 =	seq.s32 s7, s2  }
0x1e: {  	s7 =	smul.u32 @!p0 $0xF7A, s2;
	p2 =	seq.s32 @!p0 s5, $0x0  }
0x1f: {  	s9 =	smul.u32 $0xF7A, s1;
	s8 =	simm.s32 @!p0 $0x1BF5;
	p2 =	por !p2, p0  }
0x20: {  	[sflag:s8] =	ssyncset.s32 @!p0 $0xFFFFF086;
	s6 =	sadd.s32 @!p0 s3, s7;
	s7 =	simm.s32 @!p0 $0x108  }
0x21: {  	s3 =	sadd.s32 s3, s9;
	s6 =	sadd.s32 @!p0 $0x88, s6;
	s7 =	simm.s32 @p2 $0x1082  }
0x22: {  	[simem:s7], [sflag:s8] =	dma.local @!p0 [hbm:s6], $0xF7A  }
0x23: {  	s9 =	sor.u32 $0xD0000000, s2;
	s6 =	simm.s32 $0x108;
	_ =	swait.ge @!p0 [sflag:s8], $0x0  }
0x24: {  	s3 =	sadd.s32 $0x88, s3;
	s6 =	simm.s32 @!p1 $0x1082;
	[sflag:s4] =	ssyncset.s32 $0xFFFFF086  }
0x25: {  	[simem:s6], [sflag:s4] =	dma.local [hbm:s3], $0xF7A  }
0x26: {  	[smem:$0x3F97] =	sst s1;
	(tag) =	ssettag s2;
	_ =	strace s9  }
0x27: {  	s1 =	sld [smem:$0x3FA7]  }
0x28: {  	s2 =	sld [smem:$0x3FA8]  }
0x29: {  	s4 =	sld [smem:$0x3FAA]  }
0x2a: {  	p0 =	seq.s32 s5, $0x0;
	s5 =	sld [smem:$0x3FAB]  }
0x2b: {  	s6 =	sld [smem:$0x3FAC]  }
0x2c: {  	s7 =	sld [smem:$0x3FAD]  }
0x2d: {  	s3 =	simm.s32 $0x108;
	s8 =	sld [smem:$0x3FAE]  }
0x2e: {  	s3 =	simm.s32 @!p0 $0x1082;
	s9 =	sld [smem:$0x3FAF]  }
0x2f: {  	lr =	sadd.s32 s0, s3;
	s0 =	sld [smem:$0x3FA6]  }
0x30: {  	s3 =	sld [smem:$0x3FA9]  }
0x31: {  	[smem:$0x3FB2] =	sst s10  }
0x32: {  	s10 =	sld [smem:$0x3FB0];
	_ =	sdelay $0x3  }
0x33: {  	p0 =	seq.s32 s10, $0x1;
	s10 =	sld [smem:$0x3FB2];
	_ =	sdelay $0x3  }
0x34: {  	[smem:$0x3FB2] =	sst s10  }
0x35: {  	s10 =	sld [smem:$0x3FB1];
	_ =	sdelay $0x3  }
0x36: {  	p1 =	seq.s32 s10, $0x1;
	s10 =	sld [smem:$0x3FB2];
	_ =	sdelay $0x3  }
0x37: {  	[smem:$0x3FB2] =	sst s10  }
0x38: {  	s10 =	sld [smem:$0x3FB3]  }
0x39: {  	_ = 	snop;
	(pc) =	sbr.ind lr, $3  }
0x3a: {  	_ = 	snop  }
0x3b: {  	_ = 	snop  }
0x3c: {  	p2 =	seq.s32 s10, $0x1;
	s10 =	sld [smem:$0x3FB2]  }
0x3d: {  	_ =	shalt  }
0x3e: {  	_ =	shalt  }
0x3f: {  	_ =	shalt  }
0x40: {  	_ =	shalt  }
0x41: {  	_ =	shalt  }
0x42: {  	_ =	shalt  }
0x43: {  	_ =	shalt  }
0x44: {  	_ =	shalt  }
0x45: {  	_ =	shalt  }
0x46: {  	_ =	shalt  }
0x47: {  	_ =	shalt  }
0x48: {  	_ =	shalt  }
0x49: {  	_ =	shalt  }
0x4a: {  	_ =	shalt  }
0x4b: {  	_ =	shalt  }
0x4c: {  	_ =	shalt  }
0x4d: {  	_ =	shalt  }
0x4e: {  	_ =	shalt  }
0x4f: {  	_ =	shalt  }
0x50: {  	_ =	shalt  }
0x51: {  	_ =	shalt  }
0x52: {  	_ =	shalt  }
0x53: {  	_ =	shalt  }
0x54: {  	_ =	shalt  }
0x55: {  	_ =	shalt  }
0x56: {  	_ =	shalt  }
0x57: {  	_ =	shalt  }
0x58: {  	_ =	shalt  }
0x59: {  	_ =	shalt  }
0x5a: {  	_ =	shalt  }
0x5b: {  	_ =	shalt  }
0x5c: {  	_ =	shalt  }
0x5d: {  	_ =	shalt  }
0x5e: {  	_ =	shalt  }
0x5f: {  	_ =	shalt  }
0x60: {  	_ =	shalt  }
0x61: {  	_ =	shalt  }
0x62: {  	_ =	shalt  }
0x63: {  	_ =	shalt  }
0x64: {  	_ =	shalt  }
0x65: {  	_ =	shalt  }
0x66: {  	_ =	shalt  }
0x67: {  	_ =	shalt  }
0x68: {  	_ =	shalt  }
0x69: {  	_ =	shalt  }
0x6a: {  	_ =	shalt  }
0x6b: {  	_ =	shalt  }
0x6c: {  	_ =	shalt  }
0x6d: {  	_ =	shalt  }
0x6e: {  	_ =	shalt  }
0x6f: {  	_ =	shalt  }
0x70: {  	_ =	shalt  }
0x71: {  	_ =	shalt  }
0x72: {  	_ =	shalt  }
0x73: {  	_ =	shalt  }
0x74: {  	_ =	shalt  }
0x75: {  	_ =	shalt  }
0x76: {  	_ =	shalt  }
0x77: {  	_ =	shalt  }
0x78: {  	_ =	shalt  }
0x79: {  	_ =	shalt  }
0x7a: {  	_ =	shalt  }
0x7b: {  	_ =	shalt  }
0x7c: {  	_ =	shalt  }
0x7d: {  	_ =	shalt  }
0x7e: {  	_ =	shalt  }
0x7f: {  	_ =	shalt  }
0x80: {  	_ =	shalt  }
0x81: {  	_ =	shalt  }
0x82: {  	_ =	shalt  }
0x83: {  	_ =	shalt  }
0x84: {  	_ =	shalt  }
0x85: {  	_ =	shalt  }
0x86: {  	_ =	shalt  }
0x87: {  	_ =	shalt  }
.Lfunc_end0:
.L_simem_size_0:
called_computation_lowered:
.L_overlay_start_0:
0x88: {  	s2 =	sld [smem:$0x3FD9]  }
0x89: {  	s3 =	sld [smem:$0x3FFE];
	_ =	sdelay $0x1  }
0x8a: {  	s1 =	srdreg.scid  }
0x8b: {  	s0 =	sand.u32 $0x1, s1  }
0x8c: {  	s17 =	sshll.u32 s0, $0xA;
	s2 =	sadd.s32 s3, s2  }
0x8d: {  	s2 =	sadd.s32 s2, s17  }
0x8e: {  	[smem:$0x3FBE] =	sst s2  }
0x8f: {  	_ = 	snop  }
0x90: {  	s2 =	sld [smem:$0x3FD0];
	(tm) =	ssettm $0x1  }
0x91: {  	s18 =	sld [smem:$0x3FFB];
	_ =	sdelay $0x3  }
0x92: {  	_ =	strace s18  }
0x93: {  	s3 =	sld [smem:$0x3FFC];
	_ =	sdelay $0x3  }
0x94: {  	_ =	strace s3  }
0x95: {  	s3 =	sld [smem:$0x3FFD];
	_ =	sdelay $0x3  }
0x96: {  	_ =	strace s3  }
0x97: {  	_ =	strace $0x8FFFFFFF  }
0x98: {  	s19 =	sld [smem:$0x3FDB];
	_ =	sdelay $0x1  }
0x99: {  	s4 =	simm.s32 $_scs_section_size  }
0x9a: {  	s5 =	simm.s32 $_size__tile_overlayer_lowered;
	s6 =	simm.s32 $_tile_overlayer_lowered  }
0x9b: {  	s22 =	simm.s32 $0x1BFF;
	s21 =	sshll.u32 s6, $0x1;
	s3 =	sadd.s32 s4, s19  }
0x9c: {  	s7 =	simm.s32 $0x0;
	s20 =	sshll.u32 s5, $0x1;
	s5 =	sadd.s32 s21, s3  }
0x9d: {  	[timem:s7], [sflag:s22] =	dma.local [hbm:s5], s20  }
0x9e: {  	_ =	swait.ge [sflag:s22], s20  }
0x9f: {  	s4 =	ssub.s32 $0x0, s20;
	[sflag:s22] =	ssyncset.done $0x0  }
0xa0: {  	[sflag:s22] =	ssyncadd.s32 s4;
	_ =	sdelay $0x1  }
0xa1: {  	s23 =	simm.s32 $0x1B8B  }
0xa2: {  	_ =	swait.ge [sflag:s23], $0x1  }
0xa3: {  	[sflag:s23] =	ssyncset.done $0x0  }
0xa4: {  	s25 =	simm.s32 $0x1B8E;
	s24 =	sld [smem:$0x3FFE];
	[sflag:s23] =	ssyncadd.s32 $0xFFFFFFFF  }
0xa5: {  	s26 =	simm.s32 $execute0_lowered;
	[smem:$0x3FD2] =	sst s25  }
0xa6: {  	s5 =	sshll.u32 s26, $0x1;
	_ =	strace $0x80000046;
	[dreg:$0x1] =	wrdreg $0xFFFFFFFF  }
0xa7: {  	s28 =	simm.s32 $_size_execute0_lowered;
	s3 =	sadd.s32 s3, s5;
	[dreg:$0x0] =	wrdreg $0x0  }
0xa8: {  	s5 =	sshll.u32 s28, $0x1;
	[dreg:$0x2] =	wrdreg s3  }
0xa9: {  	[dreg:$0x3] =	wrdreg s5  }
0xaa: {  	[dreg:$0x4] =	wrdreg $0xC0  }
0xab: {  	_ =	task [dreg:s7], $0x5FFFF  }
0xac: {  	[dreg:$0x1] =	wrdreg $0xFFFFFFFF  }
0xad: {  	[dreg:$0x0] =	wrdreg $0x60  }
0xae: {  	[dreg:$0x2] =	wrdreg s24  }
0xaf: {  	[dreg:$0x3] =	wrdreg s2  }
0xb0: {  	[dreg:$0x4] =	wrdreg $0xB0000  }
0xb1: {  	[dreg:$0x5] =	wrdreg $0x9  }
0xb2: {  	_ =	task.clear_ibuf [dreg:s7], $0x6FFFF;
	_ =	strace $0x90000046  }
0xb3: {  	s29 =	simm.s32 $0x9;
	_ =	strace $0x80000048  }
0xb4: {  	_ =	swait.ge [sflag:s29], $0x1  }
0xb5: {  	[sflag:s29] =	ssyncadd.s32 $0xFFFFFFFF  }
0xb6: {  	_ =	strace $0x90000048  }
0xb7: {  	_ =	sfence  }
0xb8: {  	s30 =	sld [smem:$0x0];
	_ =	sdelay $0x2  }
0xb9: {  	s31 =	sshll.u32 s1, $0xD;
	s1 =	sshrl.u32 s1, $0x2  }
0xba: {  	s3 =	sand.u32 $0x4000, s31;
	s1 =	sadd.s32 s1, s30  }
0xbb: {  	s0 =	sor.u32 s3, s0;
	s1 =	sshll.u32 s1, $0x11  }
0xbc: {  	s0 =	sor.u32 s1, s0  }
0xbd: {  	s0 =	sadd.s32 $0x8F2B, s0  }
0xbe: {  	[sflag:s0] =	ssyncadd.remote.s32 $0x1  }
0xbf: {  	_ =	sfence.sel $0xFFFF  }
0xc0: {  	[dreg:$0x0] =	wrdreg $0xFFFFFFFF;
	(pc) =	sbr.abs _section_cstart, $3  }
0xc1: {  	[dreg:$0x1] =	wrdreg $0xFFFFFFFF  }
0xc2: {  	_ =	task.clear_ibuf [dreg:s7], $0x2FFFF;
	_ =	strace $0x9FFFFFFF  }
0xc3: {  	(tm) =	ssettm $0x7FFFFFFF  }
tec
execute0_lowered:
.L_overlay_start_1:
0x0: {  	(tag) =	ssettag $0x1  }
0x1: {  	s6 =	rddreg [dreg:$0x0]  }
0x2: {  	s9 =	rddreg [dreg:$0x1]  }
0x3: {  	s0 =	srdreg.scid;
	s2 =	rddreg [dreg:$0x2]  }
0x4: {  	s3 =	simm.s32 $0x0;
	s14 =	simm.s32 $0x2800;
	s15 =	simm.s32 $0x6800  }
0x5: {  	s16 =	simm.s32 $0xA800;
	s17 =	simm.s32 $0x1;
	s18 =	simm.s32 $0xAC00  }
0x6: {  	s19 =	simm.s32 $0x2;
	s5 =	sand.u32 $0x1, s0;
	s0 =	stileid.u32  }
0x7: {  	s20 =	simm.s32 $0x0;
	[smem:$0x7FF] =	sst s3;
	s7 =	smul.u32 $0x5000, s5  }
0x8: {  	s1 =	sshll.u32 s5, $0x4;
	s8 =	ssub.s32 $0x2, s5;
	s10 =	smul.u32 $0x500, s0  }
0x9: {  	s13 =	smul.u32 $0x50000, s0;
	s5 =	sadd.s32 $0x52400, s6;
	s31 =	sshll.u32 s0, $0x6  }
0xa: {  	s4 =	sor.u32 s0, s1;
	s1 =	rddreg [dreg:$0x3];
	s12 =	sshrl.u32 s8, $0x1  }
0xb: {  	_ =	strace $0x80000047;
	s4 =	smul.u32 $0x2800, s4;
	s12 =	ssub.s32 s8, s12  }
0xc: {  	s10 =	sadd.s32 s10, s7;
	s30 =	sshrl.u32 s13, $0x2;
	s8 =	sor.u32 $0x1C03, s31  }
0xd: {  	s13 =	sadd.s32 s30, s2;
	s9 =	sadd.s32 s9, s10;
	s10 =	smax.u32 s12, $0x1  }
0xe: {  	s12 =	simm.s32 $0x3;
	s11 =	sadd.s32 s4, s6;
	s6 =	sadd.s32 $0xA2400, s6  }
0xf: {  	s7 =	sadd.s32 $0x2400, s11;
	s11 =	sshrl.u32 s13, $0x3;
	s13 =	simm.s32 $0x80  }
.LBB2_1:
0x10: {  	[spmem:s11], [sflag:s8] =	dma.local [hbm:s7], $0x2800  }
0x11: {  	_ =	swait.ge [sflag:s12], $0x2800  }
0x12: {  	[sflag:s12] =	ssyncset.done $0x0  }
0x13: {  	[sflag:s12] =	ssyncadd.s32 $0xFFFFD800  }
0x14: {  	[tilespmem:s3], [sflag:$0x3] =	stream.linear.gather [hbm4b:s9+s3], $0x2800, $0x38;
	[tilespmem:$0x1F000] =	vst v63  }
0x15: {  	_ =	swait.ge [sflag:s12], $0x2800  }
0x16: {  	[sflag:s12] =	ssyncset.done $0x0  }
0x17: {  	[sflag:s12] =	ssyncadd.s32 $0xFFFFD800  }
0x18: {  	s21 =	simm.s32 $0x0;
	[bflag:$0x0] =	sbarrier.arrive $0xFFFF  }
0x19: {  	[tilespmem:s14], [sflag:$0x1] =	stream.indirect.gather [spmem:s2], $0x80, s3, s13, $0xb8;
	[tilespmem:$0x1F000] =	vst v63  }
.LBB2_2:
0x1a: {  	s22 =	sshll.u32 s21, $0x8  }
0x1b: {  	s23 =	sand.u32 $0x3FFFFF00, s22  }
0x1c: {  	s22 =	sadd.s32 s4, s22;
	s23 =	sor.u32 $0x80, s23  }
0x1d: {  	[tilespmem:s15], [sflag:$0x2] =	stream.indirect.gather [spmem:s2], $0x80, s23, s13, $0xb8;
	[tilespmem:$0x1F000] =	vst v63  }
0x1e: {  	s24 =	simm.s32 $0x0;
	s31 =	sadd.s32 s5, s22  }
0x1f: {  	[tilespmem:s16], [sflag:$0x3] =	stream.linear.gather [hbm4b:s31+s24], $0x400, $0x38;
	[tilespmem:$0x1F000] =	vst v63  }
0x20: {  	_ =	swait.ge [sflag:s12], $0x400  }
0x21: {  	[sflag:s12] =	ssyncset.done $0x0  }
0x22: {  	[sflag:s12] =	ssyncadd.s32 $0xFFFFFC00  }
0x23: {  	_ =	swait.ge [sflag:s17], $0x4000  }
0x24: {  	[sflag:s17] =	ssyncset.done $0x0  }
0x25: {  	s23 =	simm.s32 $0x0;
	[sflag:s17] =	ssyncadd.s32 $0xFFFFC000  }
0x26: {  	s24 =	simm.s32 $0x2C00;
	v0 =	vld [tilespmem:s23+$0xA800]  }
0x27: {  	v1 =	vld [tilespmem:s24+$0xFFFFFC00]  }
0x28: {  	v2 =	vld [tilespmem:s24+$0xFFFFFC80];
	_ =	sdelay $0x1  }
0x29: {  	v3 =	vld [tilespmem:s24+$0xFFFFFD00]  }
0x2a: {  	v4 =	vsub.f32 $0.0e+00, v0  }
0x2b: {  	v5 =	vld [tilespmem:s24+$0xFFFFFD80]  }
0x2c: {  	v1 =	vmax.f32 v1, v4;
	v2 =	vmax.f32 v2, v4  }
0x2d: {  	v1 =	vadd.f32 v2, v1;
	v2 =	vld [tilespmem:s24+$0xFFFFFE00]  }
0x2e: {  	v3 =	vmax.f32 v3, v4  }
0x2f: {  	v1 =	vadd.f32 v3, v1;
	v3 =	vld [tilespmem:s24+$0xFFFFFE80]  }
0x30: {  	v5 =	vmax.f32 v5, v4  }
0x31: {  	v1 =	vadd.f32 v5, v1;
	v5 =	vld [tilespmem:s24+$0xFFFFFF00]  }
0x32: {  	v2 =	vmax.f32 v2, v4  }
0x33: {  	v1 =	vadd.f32 v2, v1;
	v2 =	vld [tilespmem:s24+$0xFFFFFF80]  }
0x34: {  	v3 =	vmax.f32 v3, v4  }
0x35: {  	v1 =	vadd.f32 v3, v1;
	v3 =	vld [tilespmem:s24+$0x0]  }
0x36: {  	v5 =	vmax.f32 v5, v4  }
0x37: {  	v1 =	vadd.f32 v5, v1;
	v5 =	vld [tilespmem:s24+$0x80]  }
0x38: {  	v2 =	vmax.f32 v2, v4  }
0x39: {  	v1 =	vadd.f32 v2, v1;
	v2 =	vld [tilespmem:s24+$0x100]  }
0x3a: {  	v3 =	vmax.f32 v3, v4  }
0x3b: {  	v1 =	vadd.f32 v3, v1;
	v3 =	vld [tilespmem:s24+$0x180]  }
0x3c: {  	v5 =	vmax.f32 v5, v4  }
0x3d: {  	v1 =	vadd.f32 v5, v1;
	v5 =	vld [tilespmem:s24+$0x200]  }
0x3e: {  	v2 =	vmax.f32 v2, v4  }
0x3f: {  	v1 =	vadd.f32 v2, v1;
	v2 =	vld [tilespmem:s24+$0x280]  }
0x40: {  	v3 =	vmax.f32 v3, v4  }
0x41: {  	v1 =	vadd.f32 v3, v1;
	v3 =	vld [tilespmem:s24+$0x300]  }
0x42: {  	v5 =	vmax.f32 v5, v4  }
0x43: {  	v1 =	vadd.f32 v5, v1;
	v5 =	vld [tilespmem:s24+$0x380]  }
0x44: {  	v2 =	vmax.f32 v2, v4  }
0x45: {  	v1 =	vadd.f32 v2, v1  }
0x46: {  	v2 =	vmax.f32 v3, v4  }
0x47: {  	v1 =	vadd.f32 v2, v1  }
0x48: {  	v2 =	vmax.f32 v5, v4  }
0x49: {  	v1 =	vadd.f32 v2, v1;
	_ =	sdelay $0x1  }
0x4a: {  	v1 =	vmul.f32 $6.250000000e-02, v1;
	_ =	sdelay $0x1  }
0x4b: {  	v0 =	vadd.f32 v1, v0;
	_ =	sdelay $0x1  }
0x4c: {  	[tilespmem:s23+$0xAC00] =	vst v0;
	v0 =	vld [tilespmem:s23+$0xA810]  }
0x4d: {  	v1 =	vld [tilespmem:s24+$0xFFFFFC10]  }
0x4e: {  	v2 =	vld [tilespmem:s24+$0xFFFFFC90];
	_ =	sdelay $0x1  }
0x4f: {  	v3 =	vld [tilespmem:s24+$0xFFFFFD10]  }
0x50: {  	v4 =	vsub.f32 $0.0e+00, v0  }
0x51: {  	v5 =	vld [tilespmem:s24+$0xFFFFFD90]  }
0x52: {  	v1 =	vmax.f32 v1, v4;
	v2 =	vmax.f32 v2, v4  }
0x53: {  	v1 =	vadd.f32 v2, v1;
	v2 =	vld [tilespmem:s24+$0xFFFFFE10]  }
0x54: {  	v3 =	vmax.f32 v3, v4  }
0x55: {  	v1 =	vadd.f32 v3, v1;
	v3 =	vld [tilespmem:s24+$0xFFFFFE90]  }
0x56: {  	v5 =	vmax.f32 v5, v4  }
0x57: {  	v1 =	vadd.f32 v5, v1;
	v5 =	vld [tilespmem:s24+$0xFFFFFF10]  }
0x58: {  	v2 =	vmax.f32 v2, v4  }
0x59: {  	v1 =	vadd.f32 v2, v1;
	v2 =	vld [tilespmem:s24+$0xFFFFFF90]  }
0x5a: {  	v3 =	vmax.f32 v3, v4  }
0x5b: {  	v1 =	vadd.f32 v3, v1;
	v3 =	vld [tilespmem:s24+$0x10]  }
0x5c: {  	v5 =	vmax.f32 v5, v4  }
0x5d: {  	v1 =	vadd.f32 v5, v1;
	v5 =	vld [tilespmem:s24+$0x90]  }
0x5e: {  	v2 =	vmax.f32 v2, v4  }
0x5f: {  	v1 =	vadd.f32 v2, v1;
	v2 =	vld [tilespmem:s24+$0x110]  }
0x60: {  	v3 =	vmax.f32 v3, v4  }
0x61: {  	v1 =	vadd.f32 v3, v1;
	v3 =	vld [tilespmem:s24+$0x190]  }
0x62: {  	v5 =	vmax.f32 v5, v4  }
0x63: {  	v1 =	vadd.f32 v5, v1;
	v5 =	vld [tilespmem:s24+$0x210]  }
0x64: {  	v2 =	vmax.f32 v2, v4  }
0x65: {  	v1 =	vadd.f32 v2, v1;
	v2 =	vld [tilespmem:s24+$0x290]  }
0x66: {  	v3 =	vmax.f32 v3, v4  }
0x67: {  	v1 =	vadd.f32 v3, v1;
	v3 =	vld [tilespmem:s24+$0x310]  }
0x68: {  	v5 =	vmax.f32 v5, v4  }
0x69: {  	v1 =	vadd.f32 v5, v1;
	v5 =	vld [tilespmem:s24+$0x390]  }
0x6a: {  	v2 =	vmax.f32 v2, v4  }
0x6b: {  	v1 =	vadd.f32 v2, v1  }
0x6c: {  	v2 =	vmax.f32 v3, v4  }
0x6d: {  	v1 =	vadd.f32 v2, v1  }
0x6e: {  	v2 =	vmax.f32 v5, v4  }
0x6f: {  	v1 =	vadd.f32 v2, v1;
	_ =	sdelay $0x1  }
0x70: {  	v1 =	vmul.f32 $6.250000000e-02, v1;
	_ =	sdelay $0x1  }
0x71: {  	v0 =	vadd.f32 v1, v0;
	_ =	sdelay $0x1  }
0x72: {  	v1 =	vld [tilespmem:s23+$0xA820];
	[tilespmem:s23+$0xAC10] =	vst v0  }
0x73: {  	v0 =	vld [tilespmem:s24+$0xFFFFFC20]  }
0x74: {  	v2 =	vld [tilespmem:s24+$0xFFFFFCA0];
	_ =	sdelay $0x1  }
0x75: {  	v3 =	vld [tilespmem:s24+$0xFFFFFD20]  }
0x76: {  	v4 =	vsub.f32 $0.0e+00, v1  }
0x77: {  	v5 =	vld [tilespmem:s24+$0xFFFFFDA0]  }
0x78: {  	v0 =	vmax.f32 v0, v4;
	v2 =	vmax.f32 v2, v4  }
0x79: {  	v0 =	vadd.f32 v2, v0;
	v2 =	vld [tilespmem:s24+$0xFFFFFE20]  }
0x7a: {  	v3 =	vmax.f32 v3, v4  }
0x7b: {  	v0 =	vadd.f32 v3, v0;
	v3 =	vld [tilespmem:s24+$0xFFFFFEA0]  }
0x7c: {  	v5 =	vmax.f32 v5, v4  }
0x7d: {  	v0 =	vadd.f32 v5, v0;
	v5 =	vld [tilespmem:s24+$0xFFFFFF20]  }
0x7e: {  	v2 =	vmax.f32 v2, v4  }
0x7f: {  	v0 =	vadd.f32 v2, v0;
	v2 =	vld [tilespmem:s24+$0xFFFFFFA0]  }
0x80: {  	v3 =	vmax.f32 v3, v4  }
0x81: {  	v0 =	vadd.f32 v3, v0;
	v3 =	vld [tilespmem:s24+$0x20]  }
0x82: {  	v5 =	vmax.f32 v5, v4  }
0x83: {  	v0 =	vadd.f32 v5, v0;
	v5 =	vld [tilespmem:s24+$0xA0]  }
0x84: {  	v2 =	vmax.f32 v2, v4  }
0x85: {  	v0 =	vadd.f32 v2, v0;
	v2 =	vld [tilespmem:s24+$0x120]  }
0x86: {  	v3 =	vmax.f32 v3, v4  }
0x87: {  	v0 =	vadd.f32 v3, v0;
	v3 =	vld [tilespmem:s24+$0x1A0]  }
0x88: {  	v5 =	vmax.f32 v5, v4  }
0x89: {  	v0 =	vadd.f32 v5, v0;
	v5 =	vld [tilespmem:s24+$0x220]  }
0x8a: {  	v2 =	vmax.f32 v2, v4  }
0x8b: {  	v0 =	vadd.f32 v2, v0;
	v2 =	vld [tilespmem:s24+$0x2A0]  }
0x8c: {  	v3 =	vmax.f32 v3, v4  }
0x8d: {  	v0 =	vadd.f32 v3, v0;
	v3 =	vld [tilespmem:s24+$0x320]  }
0x8e: {  	v5 =	vmax.f32 v5, v4  }
0x8f: {  	v0 =	vadd.f32 v5, v0;
	v5 =	vld [tilespmem:s24+$0x3A0]  }
0x90: {  	v2 =	vmax.f32 v2, v4  }
0x91: {  	v0 =	vadd.f32 v2, v0  }
0x92: {  	v2 =	vmax.f32 v3, v4  }
0x93: {  	v0 =	vadd.f32 v2, v0  }
0x94: {  	v2 =	vmax.f32 v5, v4  }
0x95: {  	v0 =	vadd.f32 v2, v0;
	_ =	sdelay $0x1  }
0x96: {  	v0 =	vmul.f32 $6.250000000e-02, v0;
	_ =	sdelay $0x1  }
0x97: {  	v0 =	vadd.f32 v0, v1;
	_ =	sdelay $0x1  }
0x98: {  	v1 =	vld [tilespmem:s23+$0xA830];
	[tilespmem:s23+$0xAC20] =	vst v0  }
0x99: {  	v0 =	vld [tilespmem:s24+$0xFFFFFC30]  }
0x9a: {  	v2 =	vld [tilespmem:s24+$0xFFFFFCB0];
	_ =	sdelay $0x1  }
0x9b: {  	v3 =	vld [tilespmem:s24+$0xFFFFFD30]  }
0x9c: {  	v4 =	vsub.f32 $0.0e+00, v1  }
0x9d: {  	v5 =	vld [tilespmem:s24+$0xFFFFFDB0]  }
0x9e: {  	v0 =	vmax.f32 v0, v4;
	v2 =	vmax.f32 v2, v4  }
0x9f: {  	v0 =	vadd.f32 v2, v0;
	v2 =	vld [tilespmem:s24+$0xFFFFFE30]  }
0xa0: {  	v3 =	vmax.f32 v3, v4  }
0xa1: {  	v0 =	vadd.f32 v3, v0;
	v3 =	vld [tilespmem:s24+$0xFFFFFEB0]  }
0xa2: {  	v5 =	vmax.f32 v5, v4  }
0xa3: {  	v0 =	vadd.f32 v5, v0;
	v5 =	vld [tilespmem:s24+$0xFFFFFF30]  }
0xa4: {  	v2 =	vmax.f32 v2, v4  }
0xa5: {  	v0 =	vadd.f32 v2, v0;
	v2 =	vld [tilespmem:s24+$0xFFFFFFB0]  }
0xa6: {  	v3 =	vmax.f32 v3, v4  }
0xa7: {  	v0 =	vadd.f32 v3, v0;
	v3 =	vld [tilespmem:s24+$0x30]  }
0xa8: {  	v5 =	vmax.f32 v5, v4  }
0xa9: {  	v0 =	vadd.f32 v5, v0;
	v5 =	vld [tilespmem:s24+$0xB0]  }
0xaa: {  	v2 =	vmax.f32 v2, v4  }
0xab: {  	v0 =	vadd.f32 v2, v0;
	v2 =	vld [tilespmem:s24+$0x130]  }
0xac: {  	v3 =	vmax.f32 v3, v4  }
0xad: {  	v0 =	vadd.f32 v3, v0;
	v3 =	vld [tilespmem:s24+$0x1B0]  }
0xae: {  	v5 =	vmax.f32 v5, v4  }
0xaf: {  	v0 =	vadd.f32 v5, v0;
	v5 =	vld [tilespmem:s24+$0x230]  }
0xb0: {  	v2 =	vmax.f32 v2, v4  }
0xb1: {  	v0 =	vadd.f32 v2, v0;
	v2 =	vld [tilespmem:s24+$0x2B0]  }
0xb2: {  	v3 =	vmax.f32 v3, v4  }
0xb3: {  	v0 =	vadd.f32 v3, v0;
	v3 =	vld [tilespmem:s24+$0x330]  }
0xb4: {  	v5 =	vmax.f32 v5, v4  }
0xb5: {  	v0 =	vadd.f32 v5, v0;
	v5 =	vld [tilespmem:s24+$0x3B0]  }
0xb6: {  	v2 =	vmax.f32 v2, v4  }
0xb7: {  	v0 =	vadd.f32 v2, v0  }
0xb8: {  	v2 =	vmax.f32 v3, v4  }
0xb9: {  	v0 =	vadd.f32 v2, v0  }
0xba: {  	v2 =	vmax.f32 v5, v4  }
0xbb: {  	v0 =	vadd.f32 v2, v0;
	_ =	sdelay $0x1  }
0xbc: {  	v0 =	vmul.f32 $6.250000000e-02, v0;
	_ =	sdelay $0x1  }
0xbd: {  	v0 =	vadd.f32 v0, v1;
	_ =	sdelay $0x1  }
0xbe: {  	[tilespmem:s23+$0xAC30] =	vst v0;
	v0 =	vld [tilespmem:s23+$0xA840]  }
0xbf: {  	v1 =	vld [tilespmem:s24+$0xFFFFFC40]  }
0xc0: {  	v2 =	vld [tilespmem:s24+$0xFFFFFCC0];
	_ =	sdelay $0x1  }
0xc1: {  	v3 =	vld [tilespmem:s24+$0xFFFFFD40]  }
0xc2: {  	v4 =	vsub.f32 $0.0e+00, v0  }
0xc3: {  	v5 =	vld [tilespmem:s24+$0xFFFFFDC0]  }
0xc4: {  	v1 =	vmax.f32 v1, v4;
	v2 =	vmax.f32 v2, v4  }
0xc5: {  	v1 =	vadd.f32 v2, v1;
	v2 =	vld [tilespmem:s24+$0xFFFFFE40]  }
0xc6: {  	v3 =	vmax.f32 v3, v4  }
0xc7: {  	v1 =	vadd.f32 v3, v1;
	v3 =	vld [tilespmem:s24+$0xFFFFFEC0]  }
0xc8: {  	v5 =	vmax.f32 v5, v4  }
0xc9: {  	v1 =	vadd.f32 v5, v1;
	v5 =	vld [tilespmem:s24+$0xFFFFFF40]  }
0xca: {  	v2 =	vmax.f32 v2, v4  }
0xcb: {  	v1 =	vadd.f32 v2, v1;
	v2 =	vld [tilespmem:s24+$0xFFFFFFC0]  }
0xcc: {  	v3 =	vmax.f32 v3, v4  }
0xcd: {  	v1 =	vadd.f32 v3, v1;
	v3 =	vld [tilespmem:s24+$0x40]  }
0xce: {  	v5 =	vmax.f32 v5, v4  }
0xcf: {  	v1 =	vadd.f32 v5, v1;
	v5 =	vld [tilespmem:s24+$0xC0]  }
0xd0: {  	v2 =	vmax.f32 v2, v4  }
0xd1: {  	v1 =	vadd.f32 v2, v1;
	v2 =	vld [tilespmem:s24+$0x140]  }
0xd2: {  	v3 =	vmax.f32 v3, v4  }
0xd3: {  	v1 =	vadd.f32 v3, v1;
	v3 =	vld [tilespmem:s24+$0x1C0]  }
0xd4: {  	v5 =	vmax.f32 v5, v4  }
0xd5: {  	v1 =	vadd.f32 v5, v1;
	v5 =	vld [tilespmem:s24+$0x240]  }
0xd6: {  	v2 =	vmax.f32 v2, v4  }
0xd7: {  	v1 =	vadd.f32 v2, v1;
	v2 =	vld [tilespmem:s24+$0x2C0]  }
0xd8: {  	v3 =	vmax.f32 v3, v4  }
0xd9: {  	v1 =	vadd.f32 v3, v1;
	v3 =	vld [tilespmem:s24+$0x340]  }
0xda: {  	v5 =	vmax.f32 v5, v4  }
0xdb: {  	v1 =	vadd.f32 v5, v1;
	v5 =	vld [tilespmem:s24+$0x3C0]  }
0xdc: {  	v2 =	vmax.f32 v2, v4  }
0xdd: {  	v1 =	vadd.f32 v2, v1  }
0xde: {  	v2 =	vmax.f32 v3, v4  }
0xdf: {  	v1 =	vadd.f32 v2, v1  }
0xe0: {  	v2 =	vmax.f32 v5, v4  }
0xe1: {  	v1 =	vadd.f32 v2, v1;
	_ =	sdelay $0x1  }
0xe2: {  	v1 =	vmul.f32 $6.250000000e-02, v1;
	_ =	sdelay $0x1  }
0xe3: {  	v0 =	vadd.f32 v1, v0;
	_ =	sdelay $0x1  }
0xe4: {  	v1 =	vld [tilespmem:s23+$0xA850];
	[tilespmem:s23+$0xAC40] =	vst v0  }
0xe5: {  	v0 =	vld [tilespmem:s24+$0xFFFFFCD0]  }
0xe6: {  	v2 =	vld [tilespmem:s24+$0xFFFFFC50];
	_ =	sdelay $0x1  }
0xe7: {  	v3 =	vld [tilespmem:s24+$0xFFFFFD50]  }
0xe8: {  	v4 =	vsub.f32 $0.0e+00, v1  }
0xe9: {  	v5 =	vld [tilespmem:s24+$0xFFFFFDD0]  }
0xea: {  	v0 =	vmax.f32 v0, v4;
	v2 =	vmax.f32 v2, v4  }
0xeb: {  	v6 =	vld [tilespmem:s24+$0xFFFFFE50];
	v0 =	vadd.f32 v0, v2  }
0xec: {  	v2 =	vmax.f32 v3, v4  }
0xed: {  	v3 =	vld [tilespmem:s24+$0xFFFFFED0];
	v0 =	vadd.f32 v2, v0  }
0xee: {  	v2 =	vmax.f32 v5, v4  }
0xef: {  	v5 =	vld [tilespmem:s24+$0xFFFFFF50];
	v0 =	vadd.f32 v2, v0  }
0xf0: {  	v2 =	vmax.f32 v6, v4  }
0xf1: {  	v6 =	vld [tilespmem:s24+$0xFFFFFFD0];
	v0 =	vadd.f32 v2, v0  }
0xf2: {  	v2 =	vmax.f32 v3, v4  }
0xf3: {  	v3 =	vld [tilespmem:s24+$0x50];
	v0 =	vadd.f32 v2, v0  }
0xf4: {  	v2 =	vmax.f32 v5, v4  }
0xf5: {  	v5 =	vld [tilespmem:s24+$0xD0];
	v0 =	vadd.f32 v2, v0  }
0xf6: {  	v2 =	vmax.f32 v6, v4  }
0xf7: {  	v6 =	vld [tilespmem:s24+$0x150];
	v0 =	vadd.f32 v2, v0  }
0xf8: {  	v2 =	vmax.f32 v3, v4  }
0xf9: {  	v3 =	vld [tilespmem:s24+$0x1D0];
	v0 =	vadd.f32 v2, v0  }
0xfa: {  	v2 =	vmax.f32 v5, v4  }
0xfb: {  	v5 =	vld [tilespmem:s24+$0x250];
	v0 =	vadd.f32 v2, v0  }
0xfc: {  	v2 =	vmax.f32 v6, v4  }
0xfd: {  	v6 =	vld [tilespmem:s24+$0x2D0];
	v0 =	vadd.f32 v2, v0  }
0xfe: {  	v2 =	vmax.f32 v3, v4  }
0xff: {  	v3 =	vld [tilespmem:s24+$0x350];
	v0 =	vadd.f32 v2, v0  }
0x100: {  	v2 =	vmax.f32 v5, v4  }
0x101: {  	v5 =	vld [tilespmem:s24+$0x3D0];
	v0 =	vadd.f32 v2, v0  }
0x102: {  	v2 =	vmax.f32 v6, v4  }
0x103: {  	v0 =	vadd.f32 v2, v0  }
0x104: {  	v2 =	vmax.f32 v3, v4  }
0x105: {  	v0 =	vadd.f32 v2, v0  }
0x106: {  	v2 =	vmax.f32 v5, v4  }
0x107: {  	v0 =	vadd.f32 v2, v0;
	_ =	sdelay $0x1  }
0x108: {  	v0 =	vmul.f32 $6.250000000e-02, v0;
	_ =	sdelay $0x1  }
0x109: {  	v0 =	vadd.f32 v0, v1;
	_ =	sdelay $0x1  }
0x10a: {  	v1 =	vld [tilespmem:s23+$0xA860];
	[tilespmem:s23+$0xAC50] =	vst v0  }
0x10b: {  	v0 =	vld [tilespmem:s24+$0xFFFFFC60]  }
0x10c: {  	v2 =	vld [tilespmem:s24+$0xFFFFFCE0];
	_ =	sdelay $0x1  }
0x10d: {  	v3 =	vld [tilespmem:s24+$0xFFFFFD60]  }
0x10e: {  	v4 =	vsub.f32 $0.0e+00, v1  }
0x10f: {  	v5 =	vld [tilespmem:s24+$0xFFFFFDE0]  }
0x110: {  	v0 =	vmax.f32 v0, v4;
	v2 =	vmax.f32 v2, v4  }
0x111: {  	v6 =	vld [tilespmem:s24+$0xFFFFFE60];
	v0 =	vadd.f32 v2, v0  }
0x112: {  	v2 =	vmax.f32 v3, v4  }
0x113: {  	v3 =	vld [tilespmem:s24+$0xFFFFFEE0];
	v0 =	vadd.f32 v2, v0  }
0x114: {  	v2 =	vmax.f32 v5, v4  }
0x115: {  	v5 =	vld [tilespmem:s24+$0xFFFFFF60];
	v0 =	vadd.f32 v2, v0  }
0x116: {  	v2 =	vmax.f32 v6, v4  }
0x117: {  	v6 =	vld [tilespmem:s24+$0xFFFFFFE0];
	v0 =	vadd.f32 v2, v0  }
0x118: {  	v2 =	vmax.f32 v3, v4  }
0x119: {  	v3 =	vld [tilespmem:s24+$0x60];
	v0 =	vadd.f32 v2, v0  }
0x11a: {  	v2 =	vmax.f32 v5, v4  }
0x11b: {  	v5 =	vld [tilespmem:s24+$0xE0];
	v0 =	vadd.f32 v2, v0  }
0x11c: {  	v2 =	vmax.f32 v6, v4  }
0x11d: {  	v6 =	vld [tilespmem:s24+$0x160];
	v0 =	vadd.f32 v2, v0  }
0x11e: {  	v2 =	vmax.f32 v3, v4  }
0x11f: {  	v3 =	vld [tilespmem:s24+$0x1E0];
	v0 =	vadd.f32 v2, v0  }
0x120: {  	v2 =	vmax.f32 v5, v4  }
0x121: {  	v5 =	vld [tilespmem:s24+$0x260];
	v0 =	vadd.f32 v2, v0  }
0x122: {  	v2 =	vmax.f32 v6, v4  }
0x123: {  	v6 =	vld [tilespmem:s24+$0x2E0];
	v0 =	vadd.f32 v2, v0  }
0x124: {  	v2 =	vmax.f32 v3, v4  }
0x125: {  	v3 =	vld [tilespmem:s24+$0x360];
	v0 =	vadd.f32 v2, v0  }
0x126: {  	v2 =	vmax.f32 v5, v4  }
0x127: {  	v5 =	vld [tilespmem:s24+$0x3E0];
	v0 =	vadd.f32 v2, v0  }
0x128: {  	v2 =	vmax.f32 v6, v4  }
0x129: {  	v0 =	vadd.f32 v2, v0  }
0x12a: {  	v2 =	vmax.f32 v3, v4  }
0x12b: {  	v0 =	vadd.f32 v2, v0  }
0x12c: {  	v2 =	vmax.f32 v5, v4  }
0x12d: {  	v0 =	vadd.f32 v2, v0;
	_ =	sdelay $0x1  }
0x12e: {  	v0 =	vmul.f32 $6.250000000e-02, v0;
	_ =	sdelay $0x1  }
0x12f: {  	v1 =	vadd.f32 v0, v1;
	_ =	sdelay $0x1  }
0x130: {  	v0 =	vld [tilespmem:s23+$0xA870];
	[tilespmem:s23+$0xAC60] =	vst v1  }
0x131: {  	v2 =	vld [tilespmem:s24+$0xFFFFFC70]  }
0x132: {  	v3 =	vld [tilespmem:s24+$0xFFFFFCF0];
	_ =	sdelay $0x1  }
0x133: {  	v4 =	vld [tilespmem:s24+$0xFFFFFD70]  }
0x134: {  	v1 =	vsub.f32 $0.0e+00, v0  }
0x135: {  	v5 =	vld [tilespmem:s24+$0xFFFFFDF0]  }
0x136: {  	v2 =	vmax.f32 v2, v1;
	v3 =	vmax.f32 v3, v1  }
0x137: {  	v6 =	vld [tilespmem:s24+$0xFFFFFE70];
	v2 =	vadd.f32 v3, v2  }
0x138: {  	v3 =	vmax.f32 v4, v1  }
0x139: {  	v4 =	vld [tilespmem:s24+$0xFFFFFEF0];
	v2 =	vadd.f32 v3, v2  }
0x13a: {  	v3 =	vmax.f32 v5, v1  }
0x13b: {  	v5 =	vld [tilespmem:s24+$0xFFFFFF70];
	v2 =	vadd.f32 v3, v2  }
0x13c: {  	v3 =	vmax.f32 v6, v1  }
0x13d: {  	v6 =	vld [tilespmem:s24+$0xFFFFFFF0];
	v2 =	vadd.f32 v3, v2  }
0x13e: {  	v3 =	vmax.f32 v4, v1  }
0x13f: {  	v4 =	vld [tilespmem:s24+$0x70];
	v2 =	vadd.f32 v3, v2  }
0x140: {  	v3 =	vmax.f32 v5, v1  }
0x141: {  	v5 =	vld [tilespmem:s24+$0xF0];
	v2 =	vadd.f32 v3, v2  }
0x142: {  	v3 =	vmax.f32 v6, v1  }
0x143: {  	v6 =	vld [tilespmem:s24+$0x170];
	v2 =	vadd.f32 v3, v2  }
0x144: {  	v7 =	vld [tilespmem:s24+$0x1F0];
	v3 =	vmax.f32 v4, v1  }
0x145: {  	v2 =	vadd.f32 v3, v2  }
0x146: {  	v4 =	vld [tilespmem:s24+$0x270];
	v3 =	vmax.f32 v5, v1  }
0x147: {  	v5 =	vld [tilespmem:s24+$0x2F0];
	v8 =	vadd.f32 v3, v2  }
0x148: {  	v6 =	vmax.f32 v6, v1;
	v3 =	vld [tilespmem:s24+$0x370]  }
0x149: {  	s25 =	simm.s32 $0x200;
	v7 =	vmax.f32 v7, v1;
	v2 =	vld [tilespmem:s24+$0x3F0];
	v6 =	vadd.f32 v6, v8  }
.LBB2_3:
0x14a: {  	p0 =	sne.s32 s25, $0xE00  }
0x14b: {  	s24 =	sadd.s32 $0x800, s24;
	s26 =	smov.u32 s25;
	s25 =	sadd.s32 $0x200, s25  }
0x14c: {  	v4 =	vmax.f32 v4, v1;
	v6 =	vadd.f32 v7, v6;
	_ =	sdelay $0x1  }
0x14d: {  	v5 =	vmax.f32 v5, v1;
	v4 =	vadd.f32 v4, v6;
	_ =	sdelay $0x1  }
0x14e: {  	v3 =	vmax.f32 v3, v1;
	v4 =	vadd.f32 v5, v4  }
0x14f: {  	s26 =	sshra.s32 s26, $0x2  }
0x150: {  	v1 =	vmax.f32 v2, v1;
	v5 =	vld [tilespmem:s26+$0xA800];
	v3 =	vadd.f32 v3, v4;
	_ =	sdelay $0x1  }
0x151: {  	v1 =	vadd.f32 v1, v3;
	_ =	sdelay $0x1  }
0x152: {  	v1 =	vmul.f32 $6.250000000e-02, v1  }
0x153: {  	v2 =	vsub.f32 $0.0e+00, v5  }
0x154: {  	v0 =	vadd.f32 v1, v0;
	_ =	sdelay $0x1  }
0x155: {  	[tilespmem:s23+$0xAC70] =	vst v0;
	s23 =	smov.u32 s26  }
0x156: {  	v0 =	vld [tilespmem:s24+$0xFFFFFC00]  }
0x157: {  	v1 =	vld [tilespmem:s24+$0xFFFFFC80];
	_ =	sdelay $0x1  }
0x158: {  	v3 =	vld [tilespmem:s24+$0xFFFFFD00]  }
0x159: {  	v4 =	vld [tilespmem:s24+$0xFFFFFD80]  }
0x15a: {  	v0 =	vmax.f32 v0, v2  }
0x15b: {  	v1 =	vmax.f32 v1, v2  }
0x15c: {  	v0 =	vadd.f32 v1, v0;
	v1 =	vld [tilespmem:s24+$0xFFFFFE00]  }
0x15d: {  	v3 =	vmax.f32 v3, v2  }
0x15e: {  	v0 =	vadd.f32 v3, v0;
	v3 =	vmax.f32 v4, v2;
	v4 =	vld [tilespmem:s24+$0xFFFFFE80];
	_ =	sdelay $0x1  }
0x15f: {  	v0 =	vadd.f32 v3, v0;
	v3 =	vld [tilespmem:s24+$0xFFFFFF00]  }
0x160: {  	v1 =	vmax.f32 v1, v2  }
0x161: {  	v0 =	vadd.f32 v1, v0;
	v1 =	vld [tilespmem:s24+$0xFFFFFF80]  }
0x162: {  	v4 =	vmax.f32 v4, v2  }
0x163: {  	v0 =	vadd.f32 v4, v0;
	v4 =	vld [tilespmem:s24+$0x0]  }
0x164: {  	v3 =	vmax.f32 v3, v2  }
0x165: {  	v0 =	vadd.f32 v3, v0;
	v3 =	vld [tilespmem:s24+$0x80]  }
0x166: {  	v1 =	vmax.f32 v1, v2  }
0x167: {  	v0 =	vadd.f32 v1, v0;
	v1 =	vld [tilespmem:s24+$0x100]  }
0x168: {  	v4 =	vmax.f32 v4, v2  }
0x169: {  	v0 =	vadd.f32 v4, v0;
	v4 =	vld [tilespmem:s24+$0x180]  }
0x16a: {  	v3 =	vmax.f32 v3, v2  }
0x16b: {  	v0 =	vadd.f32 v3, v0;
	v3 =	vld [tilespmem:s24+$0x200]  }
0x16c: {  	v1 =	vmax.f32 v1, v2  }
0x16d: {  	v0 =	vadd.f32 v1, v0;
	v1 =	vld [tilespmem:s24+$0x280]  }
0x16e: {  	v4 =	vmax.f32 v4, v2  }
0x16f: {  	v0 =	vadd.f32 v4, v0;
	v4 =	vld [tilespmem:s24+$0x300]  }
0x170: {  	v3 =	vmax.f32 v3, v2  }
0x171: {  	v0 =	vadd.f32 v3, v0;
	v3 =	vld [tilespmem:s24+$0x380]  }
0x172: {  	v1 =	vmax.f32 v1, v2  }
0x173: {  	v0 =	vadd.f32 v1, v0  }
0x174: {  	v1 =	vmax.f32 v4, v2  }
0x175: {  	v0 =	vadd.f32 v1, v0  }
0x176: {  	v1 =	vmax.f32 v3, v2  }
0x177: {  	v0 =	vadd.f32 v1, v0;
	_ =	sdelay $0x1  }
0x178: {  	v0 =	vmul.f32 $6.250000000e-02, v0;
	_ =	sdelay $0x1  }
0x179: {  	v0 =	vadd.f32 v0, v5;
	_ =	sdelay $0x1  }
0x17a: {  	[tilespmem:s23+$0xAC00] =	vst v0;
	v0 =	vld [tilespmem:s23+$0xA810]  }
0x17b: {  	v1 =	vld [tilespmem:s24+$0xFFFFFC10]  }
0x17c: {  	v2 =	vld [tilespmem:s24+$0xFFFFFC90];
	_ =	sdelay $0x1  }
0x17d: {  	v3 =	vld [tilespmem:s24+$0xFFFFFD10]  }
0x17e: {  	v4 =	vsub.f32 $0.0e+00, v0  }
0x17f: {  	v5 =	vld [tilespmem:s24+$0xFFFFFD90]  }
0x180: {  	v1 =	vmax.f32 v1, v4;
	v2 =	vmax.f32 v2, v4  }
0x181: {  	v1 =	vadd.f32 v2, v1;
	v2 =	vld [tilespmem:s24+$0xFFFFFE10]  }
0x182: {  	v3 =	vmax.f32 v3, v4  }
0x183: {  	v1 =	vadd.f32 v3, v1;
	v3 =	vld [tilespmem:s24+$0xFFFFFE90]  }
0x184: {  	v5 =	vmax.f32 v5, v4  }
0x185: {  	v1 =	vadd.f32 v5, v1;
	v5 =	vld [tilespmem:s24+$0xFFFFFF10]  }
0x186: {  	v2 =	vmax.f32 v2, v4  }
0x187: {  	v1 =	vadd.f32 v2, v1;
	v2 =	vld [tilespmem:s24+$0xFFFFFF90]  }
0x188: {  	v3 =	vmax.f32 v3, v4  }
0x189: {  	v1 =	vadd.f32 v3, v1;
	v3 =	vld [tilespmem:s24+$0x10]  }
0x18a: {  	v5 =	vmax.f32 v5, v4  }
0x18b: {  	v1 =	vadd.f32 v5, v1;
	v5 =	vld [tilespmem:s24+$0x90]  }
0x18c: {  	v2 =	vmax.f32 v2, v4  }
0x18d: {  	v1 =	vadd.f32 v2, v1;
	v2 =	vld [tilespmem:s24+$0x110]  }
0x18e: {  	v3 =	vmax.f32 v3, v4  }
0x18f: {  	v1 =	vadd.f32 v3, v1;
	v3 =	vld [tilespmem:s24+$0x190]  }
0x190: {  	v5 =	vmax.f32 v5, v4  }
0x191: {  	v1 =	vadd.f32 v5, v1;
	v5 =	vld [tilespmem:s24+$0x210]  }
0x192: {  	v2 =	vmax.f32 v2, v4  }
0x193: {  	v1 =	vadd.f32 v2, v1;
	v2 =	vld [tilespmem:s24+$0x290]  }
0x194: {  	v3 =	vmax.f32 v3, v4  }
0x195: {  	v1 =	vadd.f32 v3, v1;
	v3 =	vld [tilespmem:s24+$0x310]  }
0x196: {  	v5 =	vmax.f32 v5, v4  }
0x197: {  	v1 =	vadd.f32 v5, v1;
	v5 =	vld [tilespmem:s24+$0x390]  }
0x198: {  	v2 =	vmax.f32 v2, v4  }
0x199: {  	v1 =	vadd.f32 v2, v1  }
0x19a: {  	v2 =	vmax.f32 v3, v4  }
0x19b: {  	v1 =	vadd.f32 v2, v1  }
0x19c: {  	v2 =	vmax.f32 v5, v4  }
0x19d: {  	v1 =	vadd.f32 v2, v1;
	_ =	sdelay $0x1  }
0x19e: {  	v1 =	vmul.f32 $6.250000000e-02, v1;
	_ =	sdelay $0x1  }
0x19f: {  	v0 =	vadd.f32 v1, v0  }
0x1a0: {  	v1 =	vld [tilespmem:s23+$0xA820]  }
0x1a1: {  	[tilespmem:s23+$0xAC10] =	vst v0  }
0x1a2: {  	v0 =	vld [tilespmem:s24+$0xFFFFFC20]  }
0x1a3: {  	v2 =	vld [tilespmem:s24+$0xFFFFFCA0];
	_ =	sdelay $0x1  }
0x1a4: {  	v3 =	vsub.f32 $0.0e+00, v1;
	v4 =	vld [tilespmem:s24+$0xFFFFFD20];
	_ =	sdelay $0x1  }
0x1a5: {  	v0 =	vmax.f32 v0, v3;
	v5 =	vld [tilespmem:s24+$0xFFFFFDA0]  }
0x1a6: {  	v2 =	vmax.f32 v2, v3  }
0x1a7: {  	v0 =	vadd.f32 v2, v0;
	v2 =	vld [tilespmem:s24+$0xFFFFFE20]  }
0x1a8: {  	v4 =	vmax.f32 v4, v3  }
0x1a9: {  	v0 =	vadd.f32 v4, v0;
	v4 =	vld [tilespmem:s24+$0xFFFFFEA0]  }
0x1aa: {  	v5 =	vmax.f32 v5, v3  }
0x1ab: {  	v0 =	vadd.f32 v5, v0;
	v5 =	vld [tilespmem:s24+$0xFFFFFF20]  }
0x1ac: {  	v2 =	vmax.f32 v2, v3  }
0x1ad: {  	v0 =	vadd.f32 v2, v0;
	v2 =	vld [tilespmem:s24+$0xFFFFFFA0]  }
0x1ae: {  	v4 =	vmax.f32 v4, v3  }
0x1af: {  	v0 =	vadd.f32 v4, v0;
	v4 =	vld [tilespmem:s24+$0x20]  }
0x1b0: {  	v5 =	vmax.f32 v5, v3  }
0x1b1: {  	v0 =	vadd.f32 v5, v0;
	v5 =	vld [tilespmem:s24+$0xA0]  }
0x1b2: {  	v2 =	vmax.f32 v2, v3  }
0x1b3: {  	v0 =	vadd.f32 v2, v0;
	v2 =	vld [tilespmem:s24+$0x120]  }
0x1b4: {  	v4 =	vmax.f32 v4, v3  }
0x1b5: {  	v0 =	vadd.f32 v4, v0;
	v4 =	vld [tilespmem:s24+$0x1A0]  }
0x1b6: {  	v5 =	vmax.f32 v5, v3  }
0x1b7: {  	v0 =	vadd.f32 v5, v0;
	v5 =	vld [tilespmem:s24+$0x220]  }
0x1b8: {  	v2 =	vmax.f32 v2, v3  }
0x1b9: {  	v0 =	vadd.f32 v2, v0;
	v2 =	vld [tilespmem:s24+$0x2A0]  }
0x1ba: {  	v4 =	vmax.f32 v4, v3  }
0x1bb: {  	v0 =	vadd.f32 v4, v0;
	v4 =	vld [tilespmem:s24+$0x320]  }
0x1bc: {  	v5 =	vmax.f32 v5, v3  }
0x1bd: {  	v0 =	vadd.f32 v5, v0;
	v5 =	vld [tilespmem:s24+$0x3A0]  }
0x1be: {  	v2 =	vmax.f32 v2, v3  }
0x1bf: {  	v0 =	vadd.f32 v2, v0  }
0x1c0: {  	v2 =	vmax.f32 v4, v3  }
0x1c1: {  	v0 =	vadd.f32 v2, v0  }
0x1c2: {  	v2 =	vmax.f32 v5, v3  }
0x1c3: {  	v0 =	vadd.f32 v2, v0;
	_ =	sdelay $0x1  }
0x1c4: {  	v0 =	vmul.f32 $6.250000000e-02, v0;
	_ =	sdelay $0x1  }
0x1c5: {  	v0 =	vadd.f32 v0, v1  }
0x1c6: {  	v1 =	vld [tilespmem:s23+$0xA830]  }
0x1c7: {  	[tilespmem:s23+$0xAC20] =	vst v0  }
0x1c8: {  	v0 =	vld [tilespmem:s24+$0xFFFFFC30]  }
0x1c9: {  	v2 =	vld [tilespmem:s24+$0xFFFFFCB0];
	_ =	sdelay $0x1  }
0x1ca: {  	v3 =	vsub.f32 $0.0e+00, v1;
	v4 =	vld [tilespmem:s24+$0xFFFFFD30];
	_ =	sdelay $0x1  }
0x1cb: {  	v0 =	vmax.f32 v0, v3;
	v5 =	vld [tilespmem:s24+$0xFFFFFDB0]  }
0x1cc: {  	v2 =	vmax.f32 v2, v3  }
0x1cd: {  	v0 =	vadd.f32 v2, v0;
	v2 =	vld [tilespmem:s24+$0xFFFFFE30]  }
0x1ce: {  	v4 =	vmax.f32 v4, v3  }
0x1cf: {  	v0 =	vadd.f32 v4, v0;
	v4 =	vld [tilespmem:s24+$0xFFFFFEB0]  }
0x1d0: {  	v5 =	vmax.f32 v5, v3  }
0x1d1: {  	v0 =	vadd.f32 v5, v0;
	v5 =	vld [tilespmem:s24+$0xFFFFFF30]  }
0x1d2: {  	v2 =	vmax.f32 v2, v3  }
0x1d3: {  	v0 =	vadd.f32 v2, v0;
	v2 =	vld [tilespmem:s24+$0xFFFFFFB0]  }
0x1d4: {  	v4 =	vmax.f32 v4, v3  }
0x1d5: {  	v0 =	vadd.f32 v4, v0;
	v4 =	vld [tilespmem:s24+$0x30]  }
0x1d6: {  	v5 =	vmax.f32 v5, v3  }
0x1d7: {  	v0 =	vadd.f32 v5, v0;
	v5 =	vld [tilespmem:s24+$0xB0]  }
0x1d8: {  	v2 =	vmax.f32 v2, v3  }
0x1d9: {  	v0 =	vadd.f32 v2, v0;
	v2 =	vld [tilespmem:s24+$0x130]  }
0x1da: {  	v4 =	vmax.f32 v4, v3  }
0x1db: {  	v0 =	vadd.f32 v4, v0;
	v4 =	vld [tilespmem:s24+$0x1B0]  }
0x1dc: {  	v5 =	vmax.f32 v5, v3  }
0x1dd: {  	v0 =	vadd.f32 v5, v0;
	v5 =	vld [tilespmem:s24+$0x230]  }
0x1de: {  	v2 =	vmax.f32 v2, v3  }
0x1df: {  	v0 =	vadd.f32 v2, v0;
	v2 =	vld [tilespmem:s24+$0x2B0]  }
0x1e0: {  	v4 =	vmax.f32 v4, v3  }
0x1e1: {  	v0 =	vadd.f32 v4, v0;
	v4 =	vld [tilespmem:s24+$0x330]  }
0x1e2: {  	v5 =	vmax.f32 v5, v3  }
0x1e3: {  	v0 =	vadd.f32 v5, v0;
	v5 =	vld [tilespmem:s24+$0x3B0]  }
0x1e4: {  	v2 =	vmax.f32 v2, v3  }
0x1e5: {  	v0 =	vadd.f32 v2, v0  }
0x1e6: {  	v2 =	vmax.f32 v4, v3  }
0x1e7: {  	v0 =	vadd.f32 v2, v0  }
0x1e8: {  	v2 =	vmax.f32 v5, v3  }
0x1e9: {  	v0 =	vadd.f32 v2, v0;
	_ =	sdelay $0x1  }
0x1ea: {  	v0 =	vmul.f32 $6.250000000e-02, v0;
	_ =	sdelay $0x1  }
0x1eb: {  	v0 =	vadd.f32 v0, v1;
	_ =	sdelay $0x1  }
0x1ec: {  	[tilespmem:s23+$0xAC30] =	vst v0;
	v0 =	vld [tilespmem:s23+$0xA840]  }
0x1ed: {  	v1 =	vld [tilespmem:s24+$0xFFFFFC40]  }
0x1ee: {  	v2 =	vld [tilespmem:s24+$0xFFFFFCC0];
	_ =	sdelay $0x1  }
0x1ef: {  	v3 =	vld [tilespmem:s24+$0xFFFFFD40]  }
0x1f0: {  	v4 =	vsub.f32 $0.0e+00, v0  }
0x1f1: {  	v5 =	vld [tilespmem:s24+$0xFFFFFDC0]  }
0x1f2: {  	v1 =	vmax.f32 v1, v4;
	v2 =	vmax.f32 v2, v4  }
0x1f3: {  	v1 =	vadd.f32 v2, v1;
	v2 =	vld [tilespmem:s24+$0xFFFFFE40]  }
0x1f4: {  	v3 =	vmax.f32 v3, v4  }
0x1f5: {  	v1 =	vadd.f32 v3, v1;
	v3 =	vld [tilespmem:s24+$0xFFFFFEC0]  }
0x1f6: {  	v5 =	vmax.f32 v5, v4  }
0x1f7: {  	v1 =	vadd.f32 v5, v1;
	v5 =	vld [tilespmem:s24+$0xFFFFFF40]  }
0x1f8: {  	v2 =	vmax.f32 v2, v4  }
0x1f9: {  	v1 =	vadd.f32 v2, v1;
	v2 =	vld [tilespmem:s24+$0xFFFFFFC0]  }
0x1fa: {  	v3 =	vmax.f32 v3, v4  }
0x1fb: {  	v1 =	vadd.f32 v3, v1;
	v3 =	vld [tilespmem:s24+$0x40]  }
0x1fc: {  	v5 =	vmax.f32 v5, v4  }
0x1fd: {  	v1 =	vadd.f32 v5, v1;
	v5 =	vld [tilespmem:s24+$0xC0]  }
0x1fe: {  	v2 =	vmax.f32 v2, v4  }
0x1ff: {  	v1 =	vadd.f32 v2, v1;
	v2 =	vld [tilespmem:s24+$0x140]  }
0x200: {  	v3 =	vmax.f32 v3, v4  }
0x201: {  	v1 =	vadd.f32 v3, v1;
	v3 =	vld [tilespmem:s24+$0x1C0]  }
0x202: {  	v5 =	vmax.f32 v5, v4  }
0x203: {  	v1 =	vadd.f32 v5, v1;
	v5 =	vld [tilespmem:s24+$0x240]  }
0x204: {  	v2 =	vmax.f32 v2, v4  }
0x205: {  	v1 =	vadd.f32 v2, v1;
	v2 =	vld [tilespmem:s24+$0x2C0]  }
0x206: {  	v3 =	vmax.f32 v3, v4  }
0x207: {  	v1 =	vadd.f32 v3, v1;
	v3 =	vld [tilespmem:s24+$0x340]  }
0x208: {  	v5 =	vmax.f32 v5, v4  }
0x209: {  	v1 =	vadd.f32 v5, v1;
	v5 =	vld [tilespmem:s24+$0x3C0]  }
0x20a: {  	v2 =	vmax.f32 v2, v4  }
0x20b: {  	v1 =	vadd.f32 v2, v1  }
0x20c: {  	v2 =	vmax.f32 v3, v4  }
0x20d: {  	v1 =	vadd.f32 v2, v1  }
0x20e: {  	v2 =	vmax.f32 v5, v4  }
0x20f: {  	v1 =	vadd.f32 v2, v1;
	_ =	sdelay $0x1  }
0x210: {  	v1 =	vmul.f32 $6.250000000e-02, v1;
	_ =	sdelay $0x1  }
0x211: {  	v0 =	vadd.f32 v1, v0  }
0x212: {  	v1 =	vld [tilespmem:s23+$0xA850]  }
0x213: {  	[tilespmem:s23+$0xAC40] =	vst v0  }
0x214: {  	v0 =	vld [tilespmem:s24+$0xFFFFFCD0]  }
0x215: {  	v2 =	vld [tilespmem:s24+$0xFFFFFC50]  }
0x216: {  	v3 =	vld [tilespmem:s24+$0xFFFFFD50]  }
0x217: {  	v4 =	vsub.f32 $0.0e+00, v1;
	v5 =	vld [tilespmem:s24+$0xFFFFFDD0]  }
0x218: {  	v6 =	vld [tilespmem:s24+$0xFFFFFE50]  }
0x219: {  	v0 =	vmax.f32 v0, v4;
	v7 =	vld [tilespmem:s24+$0xFFFFFED0]  }
0x21a: {  	v2 =	vmax.f32 v2, v4;
	v8 =	vld [tilespmem:s24+$0xFFFFFF50]  }
0x21b: {  	v0 =	vadd.f32 v0, v2;
	v2 =	vmax.f32 v3, v4;
	v3 =	vld [tilespmem:s24+$0xFFFFFFD0]  }
0x21c: {  	v9 =	vld [tilespmem:s24+$0x50]  }
0x21d: {  	v0 =	vadd.f32 v2, v0;
	v2 =	vld [tilespmem:s24+$0xD0]  }
0x21e: {  	v5 =	vmax.f32 v5, v4;
	v10 =	vld [tilespmem:s24+$0x150]  }
0x21f: {  	v0 =	vadd.f32 v5, v0;
	v5 =	vld [tilespmem:s24+$0x1D0]  }
0x220: {  	v6 =	vmax.f32 v6, v4;
	v11 =	vld [tilespmem:s24+$0x250]  }
0x221: {  	v0 =	vadd.f32 v6, v0;
	v6 =	vld [tilespmem:s24+$0x2D0]  }
0x222: {  	v7 =	vmax.f32 v7, v4;
	v12 =	vld [tilespmem:s24+$0x350]  }
0x223: {  	v0 =	vadd.f32 v7, v0;
	v7 =	vld [tilespmem:s24+$0x3D0]  }
0x224: {  	v8 =	vmax.f32 v8, v4  }
0x225: {  	v0 =	vadd.f32 v8, v0  }
0x226: {  	v3 =	vmax.f32 v3, v4  }
0x227: {  	v0 =	vadd.f32 v3, v0  }
0x228: {  	v3 =	vmax.f32 v9, v4  }
0x229: {  	v0 =	vadd.f32 v3, v0  }
0x22a: {  	v2 =	vmax.f32 v2, v4  }
0x22b: {  	v0 =	vadd.f32 v2, v0  }
0x22c: {  	v2 =	vmax.f32 v10, v4  }
0x22d: {  	v0 =	vadd.f32 v2, v0  }
0x22e: {  	v2 =	vmax.f32 v5, v4  }
0x22f: {  	v0 =	vadd.f32 v2, v0  }
0x230: {  	v2 =	vmax.f32 v11, v4  }
0x231: {  	v0 =	vadd.f32 v2, v0  }
0x232: {  	v2 =	vmax.f32 v6, v4  }
0x233: {  	v0 =	vadd.f32 v2, v0  }
0x234: {  	v2 =	vmax.f32 v12, v4  }
0x235: {  	v0 =	vadd.f32 v2, v0  }
0x236: {  	v2 =	vmax.f32 v7, v4  }
0x237: {  	v0 =	vadd.f32 v2, v0;
	_ =	sdelay $0x1  }
0x238: {  	v0 =	vmul.f32 $6.250000000e-02, v0;
	_ =	sdelay $0x1  }
0x239: {  	v0 =	vadd.f32 v0, v1  }
0x23a: {  	v1 =	vld [tilespmem:s23+$0xA860]  }
0x23b: {  	[tilespmem:s23+$0xAC50] =	vst v0  }
0x23c: {  	v0 =	vld [tilespmem:s24+$0xFFFFFC60]  }
0x23d: {  	v2 =	vld [tilespmem:s24+$0xFFFFFCE0]  }
0x23e: {  	v3 =	vld [tilespmem:s24+$0xFFFFFD60]  }
0x23f: {  	v4 =	vsub.f32 $0.0e+00, v1;
	v5 =	vld [tilespmem:s24+$0xFFFFFDE0]  }
0x240: {  	v6 =	vld [tilespmem:s24+$0xFFFFFE60]  }
0x241: {  	v0 =	vmax.f32 v0, v4;
	v7 =	vld [tilespmem:s24+$0xFFFFFEE0]  }
0x242: {  	v2 =	vmax.f32 v2, v4;
	v8 =	vld [tilespmem:s24+$0xFFFFFF60]  }
0x243: {  	v0 =	vadd.f32 v2, v0;
	v2 =	vld [tilespmem:s24+$0xFFFFFFE0]  }
0x244: {  	v3 =	vmax.f32 v3, v4;
	v9 =	vld [tilespmem:s24+$0x60]  }
0x245: {  	v0 =	vadd.f32 v3, v0;
	v3 =	vld [tilespmem:s24+$0xE0]  }
0x246: {  	v5 =	vmax.f32 v5, v4;
	v10 =	vld [tilespmem:s24+$0x160]  }
0x247: {  	v0 =	vadd.f32 v5, v0;
	v5 =	vld [tilespmem:s24+$0x1E0]  }
0x248: {  	v6 =	vmax.f32 v6, v4;
	v11 =	vld [tilespmem:s24+$0x260]  }
0x249: {  	v0 =	vadd.f32 v6, v0;
	v6 =	vld [tilespmem:s24+$0x2E0]  }
0x24a: {  	v7 =	vmax.f32 v7, v4;
	v12 =	vld [tilespmem:s24+$0x360]  }
0x24b: {  	v0 =	vadd.f32 v7, v0;
	v7 =	vld [tilespmem:s24+$0x3E0]  }
0x24c: {  	v8 =	vmax.f32 v8, v4  }
0x24d: {  	v0 =	vadd.f32 v8, v0  }
0x24e: {  	v2 =	vmax.f32 v2, v4  }
0x24f: {  	v0 =	vadd.f32 v2, v0  }
0x250: {  	v2 =	vmax.f32 v9, v4  }
0x251: {  	v0 =	vadd.f32 v2, v0  }
0x252: {  	v2 =	vmax.f32 v3, v4  }
0x253: {  	v0 =	vadd.f32 v2, v0  }
0x254: {  	v2 =	vmax.f32 v10, v4  }
0x255: {  	v0 =	vadd.f32 v2, v0  }
0x256: {  	v2 =	vmax.f32 v5, v4  }
0x257: {  	v0 =	vadd.f32 v2, v0  }
0x258: {  	v2 =	vmax.f32 v11, v4  }
0x259: {  	v0 =	vadd.f32 v2, v0  }
0x25a: {  	v2 =	vmax.f32 v6, v4  }
0x25b: {  	v0 =	vadd.f32 v2, v0  }
0x25c: {  	v2 =	vmax.f32 v12, v4  }
0x25d: {  	v0 =	vadd.f32 v2, v0  }
0x25e: {  	v2 =	vmax.f32 v7, v4  }
0x25f: {  	v0 =	vadd.f32 v2, v0;
	_ =	sdelay $0x1  }
0x260: {  	v0 =	vmul.f32 $6.250000000e-02, v0;
	_ =	sdelay $0x1  }
0x261: {  	v1 =	vadd.f32 v0, v1  }
0x262: {  	v0 =	vld [tilespmem:s23+$0xA870]  }
0x263: {  	[tilespmem:s23+$0xAC60] =	vst v1  }
0x264: {  	v2 =	vld [tilespmem:s24+$0xFFFFFC70]  }
0x265: {  	v3 =	vld [tilespmem:s24+$0xFFFFFCF0]  }
0x266: {  	v4 =	vld [tilespmem:s24+$0xFFFFFD70]  }
0x267: {  	v1 =	vsub.f32 $0.0e+00, v0;
	v5 =	vld [tilespmem:s24+$0xFFFFFDF0]  }
0x268: {  	v6 =	vld [tilespmem:s24+$0xFFFFFE70]  }
0x269: {  	v2 =	vmax.f32 v2, v1;
	v7 =	vld [tilespmem:s24+$0xFFFFFEF0]  }
0x26a: {  	v3 =	vmax.f32 v3, v1;
	v8 =	vld [tilespmem:s24+$0xFFFFFF70]  }
0x26b: {  	v2 =	vadd.f32 v3, v2;
	v3 =	vmax.f32 v4, v1;
	v9 =	vld [tilespmem:s24+$0xFFFFFFF0]  }
0x26c: {  	v10 =	vld [tilespmem:s24+$0x70]  }
0x26d: {  	v2 =	vadd.f32 v3, v2;
	v3 =	vmax.f32 v5, v1;
	v11 =	vld [tilespmem:s24+$0xF0]  }
0x26e: {  	v12 =	vld [tilespmem:s24+$0x170]  }
0x26f: {  	v2 =	vadd.f32 v3, v2;
	v3 =	vmax.f32 v6, v1;
	v13 =	vld [tilespmem:s24+$0x1F0]  }
0x270: {  	v4 =	vld [tilespmem:s24+$0x270]  }
0x271: {  	v6 =	vmax.f32 v7, v1;
	v2 =	vadd.f32 v3, v2;
	v5 =	vld [tilespmem:s24+$0x2F0]  }
0x272: {  	v3 =	vld [tilespmem:s24+$0x370]  }
0x273: {  	v7 =	vmax.f32 v8, v1;
	v6 =	vadd.f32 v6, v2;
	v2 =	vld [tilespmem:s24+$0x3F0];
	_ =	sdelay $0x1  }
0x274: {  	v6 =	vadd.f32 v7, v6;
	v7 =	vmax.f32 v9, v1;
	_ =	sdelay $0x1  }
0x275: {  	v6 =	vadd.f32 v7, v6;
	v7 =	vmax.f32 v10, v1;
	_ =	sdelay $0x1  }
.Ltmp0:
0x276: {  	v6 =	vadd.f32 v7, v6;
	v7 =	vmax.f32 v11, v1;
	(pc) =	sbr.rel @p0 .LBB2_3-.Ltmp0, $3  }
0x277: {  	_ = 	snop  }
0x278: {  	v6 =	vadd.f32 v7, v6;
	v7 =	vmax.f32 v12, v1;
	_ =	sdelay $0x1  }
0x279: {  	v6 =	vadd.f32 v7, v6;
	v7 =	vmax.f32 v13, v1  }
0x27a: {  	_ = 	snop  }
0x27b: {  	v6 =	vadd.f32 v7, v6  }
0x27c: {  	v4 =	vmax.f32 v4, v1  }
0x27d: {  	v4 =	vadd.f32 v4, v6  }
0x27e: {  	v5 =	vmax.f32 v5, v1  }
0x27f: {  	v4 =	vadd.f32 v5, v4  }
0x280: {  	v3 =	vmax.f32 v3, v1  }
0x281: {  	v3 =	vadd.f32 v3, v4  }
0x282: {  	v1 =	vmax.f32 v2, v1  }
0x283: {  	v1 =	vadd.f32 v1, v3;
	_ =	sdelay $0x1  }
0x284: {  	v1 =	vmul.f32 $6.250000000e-02, v1;
	_ =	sdelay $0x1  }
0x285: {  	v0 =	vadd.f32 v1, v0;
	_ =	sdelay $0x1  }
0x286: {  	s30 =	sshll.u32 s21, $0x1;
	s24 =	sadd.s32 s6, s22;
	s25 =	simm.s32 $0x0;
	[tilespmem:s23+$0xAC70] =	vst v0  }
0x287: {  	[hbm4b:s24+s25] =	stream.linear.scatter [tilespmem:s18], [sflag:$0x3], $0x400, $0x38;
	[tilespmem:$0x1F000] =	vst v63  }
0x288: {  	s23 =	smin.u32 s30, $0x4D;
	_ =	swait.ge [sflag:s12], $0x400  }
0x289: {  	s23 =	sshll.u32 s23, $0x7;
	[sflag:s12] =	ssyncset.done $0x0  }
0x28a: {  	s22 =	sor.u32 $0x80, s22;
	s23 =	sadd.s32 $0x100, s23;
	[sflag:s12] =	ssyncadd.s32 $0xFFFFFC00  }
0x28b: {  	[tilespmem:s14], [sflag:$0x1] =	stream.indirect.gather [spmem:s2], $0x80, s23, s13, $0xb8;
	[tilespmem:$0x1F000] =	vst v63  }
0x28c: {  	s31 =	sadd.s32 s5, s22  }
0x28d: {  	[tilespmem:s16], [sflag:$0x3] =	stream.linear.gather [hbm4b:s31+s25], $0x400, $0x38;
	[tilespmem:$0x1F000] =	vst v63  }
0x28e: {  	_ =	swait.ge [sflag:s12], $0x400  }
0x28f: {  	[sflag:s12] =	ssyncset.done $0x0  }
0x290: {  	[sflag:s12] =	ssyncadd.s32 $0xFFFFFC00  }
0x291: {  	_ =	swait.ge [sflag:s19], $0x4000  }
0x292: {  	[sflag:s19] =	ssyncset.done $0x0  }
0x293: {  	s23 =	simm.s32 $0x0;
	[sflag:s19] =	ssyncadd.s32 $0xFFFFC000  }
0x294: {  	s24 =	simm.s32 $0x6C00;
	v0 =	vld [tilespmem:s23+$0xA800]  }
0x295: {  	v1 =	vld [tilespmem:s24+$0xFFFFFC00]  }
0x296: {  	v2 =	vld [tilespmem:s24+$0xFFFFFC80];
	_ =	sdelay $0x1  }
0x297: {  	v3 =	vld [tilespmem:s24+$0xFFFFFD00]  }
0x298: {  	v4 =	vsub.f32 $0.0e+00, v0  }
0x299: {  	v5 =	vld [tilespmem:s24+$0xFFFFFD80]  }
0x29a: {  	v1 =	vmax.f32 v1, v4;
	v2 =	vmax.f32 v2, v4  }
0x29b: {  	v1 =	vadd.f32 v2, v1;
	v2 =	vld [tilespmem:s24+$0xFFFFFE00]  }
0x29c: {  	v3 =	vmax.f32 v3, v4  }
0x29d: {  	v1 =	vadd.f32 v3, v1;
	v3 =	vld [tilespmem:s24+$0xFFFFFE80]  }
0x29e: {  	v5 =	vmax.f32 v5, v4  }
0x29f: {  	v1 =	vadd.f32 v5, v1;
	v5 =	vld [tilespmem:s24+$0xFFFFFF00]  }
0x2a0: {  	v2 =	vmax.f32 v2, v4  }
0x2a1: {  	v1 =	vadd.f32 v2, v1;
	v2 =	vld [tilespmem:s24+$0xFFFFFF80]  }
0x2a2: {  	v3 =	vmax.f32 v3, v4  }
0x2a3: {  	v1 =	vadd.f32 v3, v1;
	v3 =	vld [tilespmem:s24+$0x0]  }
0x2a4: {  	v5 =	vmax.f32 v5, v4  }
0x2a5: {  	v1 =	vadd.f32 v5, v1;
	v5 =	vld [tilespmem:s24+$0x80]  }
0x2a6: {  	v2 =	vmax.f32 v2, v4  }
0x2a7: {  	v1 =	vadd.f32 v2, v1;
	v2 =	vld [tilespmem:s24+$0x100]  }
0x2a8: {  	v3 =	vmax.f32 v3, v4  }
0x2a9: {  	v1 =	vadd.f32 v3, v1;
	v3 =	vld [tilespmem:s24+$0x180]  }
0x2aa: {  	v5 =	vmax.f32 v5, v4  }
0x2ab: {  	v1 =	vadd.f32 v5, v1;
	v5 =	vld [tilespmem:s24+$0x200]  }
0x2ac: {  	v2 =	vmax.f32 v2, v4  }
0x2ad: {  	v1 =	vadd.f32 v2, v1;
	v2 =	vld [tilespmem:s24+$0x280]  }
0x2ae: {  	v3 =	vmax.f32 v3, v4  }
0x2af: {  	v1 =	vadd.f32 v3, v1;
	v3 =	vld [tilespmem:s24+$0x300]  }
0x2b0: {  	v5 =	vmax.f32 v5, v4  }
0x2b1: {  	v1 =	vadd.f32 v5, v1;
	v5 =	vld [tilespmem:s24+$0x380]  }
0x2b2: {  	v2 =	vmax.f32 v2, v4  }
0x2b3: {  	v1 =	vadd.f32 v2, v1  }
0x2b4: {  	v2 =	vmax.f32 v3, v4  }
0x2b5: {  	v1 =	vadd.f32 v2, v1  }
0x2b6: {  	v2 =	vmax.f32 v5, v4  }
0x2b7: {  	v1 =	vadd.f32 v2, v1;
	_ =	sdelay $0x1  }
0x2b8: {  	v1 =	vmul.f32 $6.250000000e-02, v1;
	_ =	sdelay $0x1  }
0x2b9: {  	v0 =	vadd.f32 v1, v0;
	_ =	sdelay $0x1  }
0x2ba: {  	[tilespmem:s23+$0xAC00] =	vst v0;
	v0 =	vld [tilespmem:s23+$0xA810]  }
0x2bb: {  	v1 =	vld [tilespmem:s24+$0xFFFFFC10]  }
0x2bc: {  	v2 =	vld [tilespmem:s24+$0xFFFFFC90];
	_ =	sdelay $0x1  }
0x2bd: {  	v3 =	vld [tilespmem:s24+$0xFFFFFD10]  }
0x2be: {  	v4 =	vsub.f32 $0.0e+00, v0  }
0x2bf: {  	v5 =	vld [tilespmem:s24+$0xFFFFFD90]  }
0x2c0: {  	v1 =	vmax.f32 v1, v4;
	v2 =	vmax.f32 v2, v4  }
0x2c1: {  	v1 =	vadd.f32 v2, v1;
	v2 =	vld [tilespmem:s24+$0xFFFFFE10]  }
0x2c2: {  	v3 =	vmax.f32 v3, v4  }
0x2c3: {  	v1 =	vadd.f32 v3, v1;
	v3 =	vld [tilespmem:s24+$0xFFFFFE90]  }
0x2c4: {  	v5 =	vmax.f32 v5, v4  }
0x2c5: {  	v1 =	vadd.f32 v5, v1;
	v5 =	vld [tilespmem:s24+$0xFFFFFF10]  }
0x2c6: {  	v2 =	vmax.f32 v2, v4  }
0x2c7: {  	v1 =	vadd.f32 v2, v1;
	v2 =	vld [tilespmem:s24+$0xFFFFFF90]  }
0x2c8: {  	v3 =	vmax.f32 v3, v4  }
0x2c9: {  	v1 =	vadd.f32 v3, v1;
	v3 =	vld [tilespmem:s24+$0x10]  }
0x2ca: {  	v5 =	vmax.f32 v5, v4  }
0x2cb: {  	v1 =	vadd.f32 v5, v1;
	v5 =	vld [tilespmem:s24+$0x90]  }
0x2cc: {  	v2 =	vmax.f32 v2, v4  }
0x2cd: {  	v1 =	vadd.f32 v2, v1;
	v2 =	vld [tilespmem:s24+$0x110]  }
0x2ce: {  	v3 =	vmax.f32 v3, v4  }
0x2cf: {  	v1 =	vadd.f32 v3, v1;
	v3 =	vld [tilespmem:s24+$0x190]  }
0x2d0: {  	v5 =	vmax.f32 v5, v4  }
0x2d1: {  	v1 =	vadd.f32 v5, v1;
	v5 =	vld [tilespmem:s24+$0x210]  }
0x2d2: {  	v2 =	vmax.f32 v2, v4  }
0x2d3: {  	v1 =	vadd.f32 v2, v1;
	v2 =	vld [tilespmem:s24+$0x290]  }
0x2d4: {  	v3 =	vmax.f32 v3, v4  }
0x2d5: {  	v1 =	vadd.f32 v3, v1;
	v3 =	vld [tilespmem:s24+$0x310]  }
0x2d6: {  	v5 =	vmax.f32 v5, v4  }
0x2d7: {  	v1 =	vadd.f32 v5, v1;
	v5 =	vld [tilespmem:s24+$0x390]  }
0x2d8: {  	v2 =	vmax.f32 v2, v4  }
0x2d9: {  	v1 =	vadd.f32 v2, v1  }
0x2da: {  	v2 =	vmax.f32 v3, v4  }
0x2db: {  	v1 =	vadd.f32 v2, v1  }
0x2dc: {  	v2 =	vmax.f32 v5, v4  }
0x2dd: {  	v1 =	vadd.f32 v2, v1;
	_ =	sdelay $0x1  }
0x2de: {  	v1 =	vmul.f32 $6.250000000e-02, v1;
	_ =	sdelay $0x1  }
0x2df: {  	v0 =	vadd.f32 v1, v0;
	_ =	sdelay $0x1  }
0x2e0: {  	v1 =	vld [tilespmem:s23+$0xA820];
	[tilespmem:s23+$0xAC10] =	vst v0  }
0x2e1: {  	v0 =	vld [tilespmem:s24+$0xFFFFFC20]  }
0x2e2: {  	v2 =	vld [tilespmem:s24+$0xFFFFFCA0];
	_ =	sdelay $0x1  }
0x2e3: {  	v3 =	vld [tilespmem:s24+$0xFFFFFD20]  }
0x2e4: {  	v4 =	vsub.f32 $0.0e+00, v1  }
0x2e5: {  	v5 =	vld [tilespmem:s24+$0xFFFFFDA0]  }
0x2e6: {  	v0 =	vmax.f32 v0, v4;
	v2 =	vmax.f32 v2, v4  }
0x2e7: {  	v0 =	vadd.f32 v2, v0;
	v2 =	vld [tilespmem:s24+$0xFFFFFE20]  }
0x2e8: {  	v3 =	vmax.f32 v3, v4  }
0x2e9: {  	v0 =	vadd.f32 v3, v0;
	v3 =	vld [tilespmem:s24+$0xFFFFFEA0]  }
0x2ea: {  	v5 =	vmax.f32 v5, v4  }
0x2eb: {  	v0 =	vadd.f32 v5, v0;
	v5 =	vld [tilespmem:s24+$0xFFFFFF20]  }
0x2ec: {  	v2 =	vmax.f32 v2, v4  }
0x2ed: {  	v0 =	vadd.f32 v2, v0;
	v2 =	vld [tilespmem:s24+$0xFFFFFFA0]  }
0x2ee: {  	v3 =	vmax.f32 v3, v4  }
0x2ef: {  	v0 =	vadd.f32 v3, v0;
	v3 =	vld [tilespmem:s24+$0x20]  }
0x2f0: {  	v5 =	vmax.f32 v5, v4  }
0x2f1: {  	v0 =	vadd.f32 v5, v0;
	v5 =	vld [tilespmem:s24+$0xA0]  }
0x2f2: {  	v2 =	vmax.f32 v2, v4  }
0x2f3: {  	v0 =	vadd.f32 v2, v0;
	v2 =	vld [tilespmem:s24+$0x120]  }
0x2f4: {  	v3 =	vmax.f32 v3, v4  }
0x2f5: {  	v0 =	vadd.f32 v3, v0;
	v3 =	vld [tilespmem:s24+$0x1A0]  }
0x2f6: {  	v5 =	vmax.f32 v5, v4  }
0x2f7: {  	v0 =	vadd.f32 v5, v0;
	v5 =	vld [tilespmem:s24+$0x220]  }
0x2f8: {  	v2 =	vmax.f32 v2, v4  }
0x2f9: {  	v0 =	vadd.f32 v2, v0;
	v2 =	vld [tilespmem:s24+$0x2A0]  }
0x2fa: {  	v3 =	vmax.f32 v3, v4  }
0x2fb: {  	v0 =	vadd.f32 v3, v0;
	v3 =	vld [tilespmem:s24+$0x320]  }
0x2fc: {  	v5 =	vmax.f32 v5, v4  }
0x2fd: {  	v0 =	vadd.f32 v5, v0;
	v5 =	vld [tilespmem:s24+$0x3A0]  }
0x2fe: {  	v2 =	vmax.f32 v2, v4  }
0x2ff: {  	v0 =	vadd.f32 v2, v0  }
0x300: {  	v2 =	vmax.f32 v3, v4  }
0x301: {  	v0 =	vadd.f32 v2, v0  }
0x302: {  	v2 =	vmax.f32 v5, v4  }
0x303: {  	v0 =	vadd.f32 v2, v0;
	_ =	sdelay $0x1  }
0x304: {  	v0 =	vmul.f32 $6.250000000e-02, v0;
	_ =	sdelay $0x1  }
0x305: {  	v0 =	vadd.f32 v0, v1;
	_ =	sdelay $0x1  }
0x306: {  	v1 =	vld [tilespmem:s23+$0xA830];
	[tilespmem:s23+$0xAC20] =	vst v0  }
0x307: {  	v0 =	vld [tilespmem:s24+$0xFFFFFC30]  }
0x308: {  	v2 =	vld [tilespmem:s24+$0xFFFFFCB0];
	_ =	sdelay $0x1  }
0x309: {  	v3 =	vld [tilespmem:s24+$0xFFFFFD30]  }
0x30a: {  	v4 =	vsub.f32 $0.0e+00, v1  }
0x30b: {  	v5 =	vld [tilespmem:s24+$0xFFFFFDB0]  }
0x30c: {  	v0 =	vmax.f32 v0, v4;
	v2 =	vmax.f32 v2, v4  }
0x30d: {  	v0 =	vadd.f32 v2, v0;
	v2 =	vld [tilespmem:s24+$0xFFFFFE30]  }
0x30e: {  	v3 =	vmax.f32 v3, v4  }
0x30f: {  	v0 =	vadd.f32 v3, v0;
	v3 =	vld [tilespmem:s24+$0xFFFFFEB0]  }
0x310: {  	v5 =	vmax.f32 v5, v4  }
0x311: {  	v0 =	vadd.f32 v5, v0;
	v5 =	vld [tilespmem:s24+$0xFFFFFF30]  }
0x312: {  	v2 =	vmax.f32 v2, v4  }
0x313: {  	v0 =	vadd.f32 v2, v0;
	v2 =	vld [tilespmem:s24+$0xFFFFFFB0]  }
0x314: {  	v3 =	vmax.f32 v3, v4  }
0x315: {  	v0 =	vadd.f32 v3, v0;
	v3 =	vld [tilespmem:s24+$0x30]  }
0x316: {  	v5 =	vmax.f32 v5, v4  }
0x317: {  	v0 =	vadd.f32 v5, v0;
	v5 =	vld [tilespmem:s24+$0xB0]  }
0x318: {  	v2 =	vmax.f32 v2, v4  }
0x319: {  	v0 =	vadd.f32 v2, v0;
	v2 =	vld [tilespmem:s24+$0x130]  }
0x31a: {  	v3 =	vmax.f32 v3, v4  }
0x31b: {  	v0 =	vadd.f32 v3, v0;
	v3 =	vld [tilespmem:s24+$0x1B0]  }
0x31c: {  	v5 =	vmax.f32 v5, v4  }
0x31d: {  	v0 =	vadd.f32 v5, v0;
	v5 =	vld [tilespmem:s24+$0x230]  }
0x31e: {  	v2 =	vmax.f32 v2, v4  }
0x31f: {  	v0 =	vadd.f32 v2, v0;
	v2 =	vld [tilespmem:s24+$0x2B0]  }
0x320: {  	v3 =	vmax.f32 v3, v4  }
0x321: {  	v0 =	vadd.f32 v3, v0;
	v3 =	vld [tilespmem:s24+$0x330]  }
0x322: {  	v5 =	vmax.f32 v5, v4  }
0x323: {  	v0 =	vadd.f32 v5, v0;
	v5 =	vld [tilespmem:s24+$0x3B0]  }
0x324: {  	v2 =	vmax.f32 v2, v4  }
0x325: {  	v0 =	vadd.f32 v2, v0  }
0x326: {  	v2 =	vmax.f32 v3, v4  }
0x327: {  	v0 =	vadd.f32 v2, v0  }
0x328: {  	v2 =	vmax.f32 v5, v4  }
0x329: {  	v0 =	vadd.f32 v2, v0;
	_ =	sdelay $0x1  }
0x32a: {  	v0 =	vmul.f32 $6.250000000e-02, v0;
	_ =	sdelay $0x1  }
0x32b: {  	v0 =	vadd.f32 v0, v1;
	_ =	sdelay $0x1  }
0x32c: {  	[tilespmem:s23+$0xAC30] =	vst v0;
	v0 =	vld [tilespmem:s23+$0xA840]  }
0x32d: {  	v1 =	vld [tilespmem:s24+$0xFFFFFC40]  }
0x32e: {  	v2 =	vld [tilespmem:s24+$0xFFFFFCC0];
	_ =	sdelay $0x1  }
0x32f: {  	v3 =	vld [tilespmem:s24+$0xFFFFFD40]  }
0x330: {  	v4 =	vsub.f32 $0.0e+00, v0  }
0x331: {  	v5 =	vld [tilespmem:s24+$0xFFFFFDC0]  }
0x332: {  	v1 =	vmax.f32 v1, v4;
	v2 =	vmax.f32 v2, v4  }
0x333: {  	v1 =	vadd.f32 v2, v1;
	v2 =	vld [tilespmem:s24+$0xFFFFFE40]  }
0x334: {  	v3 =	vmax.f32 v3, v4  }
0x335: {  	v1 =	vadd.f32 v3, v1;
	v3 =	vld [tilespmem:s24+$0xFFFFFEC0]  }
0x336: {  	v5 =	vmax.f32 v5, v4  }
0x337: {  	v1 =	vadd.f32 v5, v1;
	v5 =	vld [tilespmem:s24+$0xFFFFFF40]  }
0x338: {  	v2 =	vmax.f32 v2, v4  }
0x339: {  	v1 =	vadd.f32 v2, v1;
	v2 =	vld [tilespmem:s24+$0xFFFFFFC0]  }
0x33a: {  	v3 =	vmax.f32 v3, v4  }
0x33b: {  	v1 =	vadd.f32 v3, v1;
	v3 =	vld [tilespmem:s24+$0x40]  }
0x33c: {  	v5 =	vmax.f32 v5, v4  }
0x33d: {  	v1 =	vadd.f32 v5, v1;
	v5 =	vld [tilespmem:s24+$0xC0]  }
0x33e: {  	v2 =	vmax.f32 v2, v4  }
0x33f: {  	v1 =	vadd.f32 v2, v1;
	v2 =	vld [tilespmem:s24+$0x140]  }
0x340: {  	v3 =	vmax.f32 v3, v4  }
0x341: {  	v1 =	vadd.f32 v3, v1;
	v3 =	vld [tilespmem:s24+$0x1C0]  }
0x342: {  	v5 =	vmax.f32 v5, v4  }
0x343: {  	v1 =	vadd.f32 v5, v1;
	v5 =	vld [tilespmem:s24+$0x240]  }
0x344: {  	v2 =	vmax.f32 v2, v4  }
0x345: {  	v1 =	vadd.f32 v2, v1;
	v2 =	vld [tilespmem:s24+$0x2C0]  }
0x346: {  	v3 =	vmax.f32 v3, v4  }
0x347: {  	v1 =	vadd.f32 v3, v1;
	v3 =	vld [tilespmem:s24+$0x340]  }
0x348: {  	v5 =	vmax.f32 v5, v4  }
0x349: {  	v1 =	vadd.f32 v5, v1;
	v5 =	vld [tilespmem:s24+$0x3C0]  }
0x34a: {  	v2 =	vmax.f32 v2, v4  }
0x34b: {  	v1 =	vadd.f32 v2, v1  }
0x34c: {  	v2 =	vmax.f32 v3, v4  }
0x34d: {  	v1 =	vadd.f32 v2, v1  }
0x34e: {  	v2 =	vmax.f32 v5, v4  }
0x34f: {  	v1 =	vadd.f32 v2, v1;
	_ =	sdelay $0x1  }
0x350: {  	v1 =	vmul.f32 $6.250000000e-02, v1;
	_ =	sdelay $0x1  }
0x351: {  	v0 =	vadd.f32 v1, v0;
	_ =	sdelay $0x1  }
0x352: {  	v1 =	vld [tilespmem:s23+$0xA850];
	[tilespmem:s23+$0xAC40] =	vst v0  }
0x353: {  	v0 =	vld [tilespmem:s24+$0xFFFFFCD0]  }
0x354: {  	v2 =	vld [tilespmem:s24+$0xFFFFFC50];
	_ =	sdelay $0x1  }
0x355: {  	v3 =	vld [tilespmem:s24+$0xFFFFFD50]  }
0x356: {  	v4 =	vsub.f32 $0.0e+00, v1  }
0x357: {  	v5 =	vld [tilespmem:s24+$0xFFFFFDD0]  }
0x358: {  	v0 =	vmax.f32 v0, v4;
	v2 =	vmax.f32 v2, v4  }
0x359: {  	v6 =	vld [tilespmem:s24+$0xFFFFFE50];
	v0 =	vadd.f32 v0, v2  }
0x35a: {  	v2 =	vmax.f32 v3, v4  }
0x35b: {  	v3 =	vld [tilespmem:s24+$0xFFFFFED0];
	v0 =	vadd.f32 v2, v0  }
0x35c: {  	v2 =	vmax.f32 v5, v4  }
0x35d: {  	v5 =	vld [tilespmem:s24+$0xFFFFFF50];
	v0 =	vadd.f32 v2, v0  }
0x35e: {  	v2 =	vmax.f32 v6, v4  }
0x35f: {  	v6 =	vld [tilespmem:s24+$0xFFFFFFD0];
	v0 =	vadd.f32 v2, v0  }
0x360: {  	v2 =	vmax.f32 v3, v4  }
0x361: {  	v3 =	vld [tilespmem:s24+$0x50];
	v0 =	vadd.f32 v2, v0  }
0x362: {  	v2 =	vmax.f32 v5, v4  }
0x363: {  	v5 =	vld [tilespmem:s24+$0xD0];
	v0 =	vadd.f32 v2, v0  }
0x364: {  	v2 =	vmax.f32 v6, v4  }
0x365: {  	v6 =	vld [tilespmem:s24+$0x150];
	v0 =	vadd.f32 v2, v0  }
0x366: {  	v2 =	vmax.f32 v3, v4  }
0x367: {  	v3 =	vld [tilespmem:s24+$0x1D0];
	v0 =	vadd.f32 v2, v0  }
0x368: {  	v2 =	vmax.f32 v5, v4  }
0x369: {  	v5 =	vld [tilespmem:s24+$0x250];
	v0 =	vadd.f32 v2, v0  }
0x36a: {  	v2 =	vmax.f32 v6, v4  }
0x36b: {  	v6 =	vld [tilespmem:s24+$0x2D0];
	v0 =	vadd.f32 v2, v0  }
0x36c: {  	v2 =	vmax.f32 v3, v4  }
0x36d: {  	v3 =	vld [tilespmem:s24+$0x350];
	v0 =	vadd.f32 v2, v0  }
0x36e: {  	v2 =	vmax.f32 v5, v4  }
0x36f: {  	v5 =	vld [tilespmem:s24+$0x3D0];
	v0 =	vadd.f32 v2, v0  }
0x370: {  	v2 =	vmax.f32 v6, v4  }
0x371: {  	v0 =	vadd.f32 v2, v0  }
0x372: {  	v2 =	vmax.f32 v3, v4  }
0x373: {  	v0 =	vadd.f32 v2, v0  }
0x374: {  	v2 =	vmax.f32 v5, v4  }
0x375: {  	v0 =	vadd.f32 v2, v0;
	_ =	sdelay $0x1  }
0x376: {  	v0 =	vmul.f32 $6.250000000e-02, v0;
	_ =	sdelay $0x1  }
0x377: {  	v0 =	vadd.f32 v0, v1;
	_ =	sdelay $0x1  }
0x378: {  	v1 =	vld [tilespmem:s23+$0xA860];
	[tilespmem:s23+$0xAC50] =	vst v0  }
0x379: {  	v0 =	vld [tilespmem:s24+$0xFFFFFC60]  }
0x37a: {  	v2 =	vld [tilespmem:s24+$0xFFFFFCE0];
	_ =	sdelay $0x1  }
0x37b: {  	v3 =	vld [tilespmem:s24+$0xFFFFFD60]  }
0x37c: {  	v4 =	vsub.f32 $0.0e+00, v1  }
0x37d: {  	v5 =	vld [tilespmem:s24+$0xFFFFFDE0]  }
0x37e: {  	v0 =	vmax.f32 v0, v4;
	v2 =	vmax.f32 v2, v4  }
0x37f: {  	v6 =	vld [tilespmem:s24+$0xFFFFFE60];
	v0 =	vadd.f32 v2, v0  }
0x380: {  	v2 =	vmax.f32 v3, v4  }
0x381: {  	v3 =	vld [tilespmem:s24+$0xFFFFFEE0];
	v0 =	vadd.f32 v2, v0  }
0x382: {  	v2 =	vmax.f32 v5, v4  }
0x383: {  	v5 =	vld [tilespmem:s24+$0xFFFFFF60];
	v0 =	vadd.f32 v2, v0  }
0x384: {  	v2 =	vmax.f32 v6, v4  }
0x385: {  	v6 =	vld [tilespmem:s24+$0xFFFFFFE0];
	v0 =	vadd.f32 v2, v0  }
0x386: {  	v2 =	vmax.f32 v3, v4  }
0x387: {  	v3 =	vld [tilespmem:s24+$0x60];
	v0 =	vadd.f32 v2, v0  }
0x388: {  	v2 =	vmax.f32 v5, v4  }
0x389: {  	v5 =	vld [tilespmem:s24+$0xE0];
	v0 =	vadd.f32 v2, v0  }
0x38a: {  	v2 =	vmax.f32 v6, v4  }
0x38b: {  	v6 =	vld [tilespmem:s24+$0x160];
	v0 =	vadd.f32 v2, v0  }
0x38c: {  	v2 =	vmax.f32 v3, v4  }
0x38d: {  	v3 =	vld [tilespmem:s24+$0x1E0];
	v0 =	vadd.f32 v2, v0  }
0x38e: {  	v2 =	vmax.f32 v5, v4  }
0x38f: {  	v5 =	vld [tilespmem:s24+$0x260];
	v0 =	vadd.f32 v2, v0  }
0x390: {  	v2 =	vmax.f32 v6, v4  }
0x391: {  	v6 =	vld [tilespmem:s24+$0x2E0];
	v0 =	vadd.f32 v2, v0  }
0x392: {  	v2 =	vmax.f32 v3, v4  }
0x393: {  	v3 =	vld [tilespmem:s24+$0x360];
	v0 =	vadd.f32 v2, v0  }
0x394: {  	v2 =	vmax.f32 v5, v4  }
0x395: {  	v5 =	vld [tilespmem:s24+$0x3E0];
	v0 =	vadd.f32 v2, v0  }
0x396: {  	v2 =	vmax.f32 v6, v4  }
0x397: {  	v0 =	vadd.f32 v2, v0  }
0x398: {  	v2 =	vmax.f32 v3, v4  }
0x399: {  	v0 =	vadd.f32 v2, v0  }
0x39a: {  	v2 =	vmax.f32 v5, v4  }
0x39b: {  	v0 =	vadd.f32 v2, v0;
	_ =	sdelay $0x1  }
0x39c: {  	v0 =	vmul.f32 $6.250000000e-02, v0;
	_ =	sdelay $0x1  }
0x39d: {  	v1 =	vadd.f32 v0, v1;
	_ =	sdelay $0x1  }
0x39e: {  	v0 =	vld [tilespmem:s23+$0xA870];
	[tilespmem:s23+$0xAC60] =	vst v1  }
0x39f: {  	v2 =	vld [tilespmem:s24+$0xFFFFFC70]  }
0x3a0: {  	v3 =	vld [tilespmem:s24+$0xFFFFFCF0];
	_ =	sdelay $0x1  }
0x3a1: {  	v4 =	vld [tilespmem:s24+$0xFFFFFD70]  }
0x3a2: {  	v1 =	vsub.f32 $0.0e+00, v0  }
0x3a3: {  	v5 =	vld [tilespmem:s24+$0xFFFFFDF0]  }
0x3a4: {  	v2 =	vmax.f32 v2, v1;
	v3 =	vmax.f32 v3, v1  }
0x3a5: {  	v6 =	vld [tilespmem:s24+$0xFFFFFE70];
	v2 =	vadd.f32 v3, v2  }
0x3a6: {  	v3 =	vmax.f32 v4, v1  }
0x3a7: {  	v4 =	vld [tilespmem:s24+$0xFFFFFEF0];
	v2 =	vadd.f32 v3, v2  }
0x3a8: {  	v3 =	vmax.f32 v5, v1  }
0x3a9: {  	v5 =	vld [tilespmem:s24+$0xFFFFFF70];
	v2 =	vadd.f32 v3, v2  }
0x3aa: {  	v3 =	vmax.f32 v6, v1  }
0x3ab: {  	v6 =	vld [tilespmem:s24+$0xFFFFFFF0];
	v2 =	vadd.f32 v3, v2  }
0x3ac: {  	v3 =	vmax.f32 v4, v1  }
0x3ad: {  	v4 =	vld [tilespmem:s24+$0x70];
	v2 =	vadd.f32 v3, v2  }
0x3ae: {  	v3 =	vmax.f32 v5, v1  }
0x3af: {  	v5 =	vld [tilespmem:s24+$0xF0];
	v2 =	vadd.f32 v3, v2  }
0x3b0: {  	v3 =	vmax.f32 v6, v1  }
0x3b1: {  	v6 =	vld [tilespmem:s24+$0x170];
	v2 =	vadd.f32 v3, v2  }
0x3b2: {  	v7 =	vld [tilespmem:s24+$0x1F0];
	v3 =	vmax.f32 v4, v1  }
0x3b3: {  	v2 =	vadd.f32 v3, v2  }
0x3b4: {  	v4 =	vld [tilespmem:s24+$0x270];
	v3 =	vmax.f32 v5, v1  }
0x3b5: {  	v5 =	vld [tilespmem:s24+$0x2F0];
	v8 =	vadd.f32 v3, v2  }
0x3b6: {  	v6 =	vmax.f32 v6, v1;
	v3 =	vld [tilespmem:s24+$0x370]  }
0x3b7: {  	s25 =	simm.s32 $0x200;
	v7 =	vmax.f32 v7, v1;
	v2 =	vld [tilespmem:s24+$0x3F0];
	v6 =	vadd.f32 v6, v8  }
.LBB2_5:
0x3b8: {  	p0 =	sne.s32 s25, $0xE00  }
0x3b9: {  	s24 =	sadd.s32 $0x800, s24;
	s26 =	smov.u32 s25;
	s25 =	sadd.s32 $0x200, s25  }
0x3ba: {  	v4 =	vmax.f32 v4, v1;
	v6 =	vadd.f32 v7, v6;
	_ =	sdelay $0x1  }
0x3bb: {  	v5 =	vmax.f32 v5, v1;
	v4 =	vadd.f32 v4, v6;
	_ =	sdelay $0x1  }
0x3bc: {  	v3 =	vmax.f32 v3, v1;
	v4 =	vadd.f32 v5, v4  }
0x3bd: {  	s26 =	sshra.s32 s26, $0x2  }
0x3be: {  	v1 =	vmax.f32 v2, v1;
	v5 =	vld [tilespmem:s26+$0xA800];
	v3 =	vadd.f32 v3, v4;
	_ =	sdelay $0x1  }
0x3bf: {  	v1 =	vadd.f32 v1, v3;
	_ =	sdelay $0x1  }
0x3c0: {  	v1 =	vmul.f32 $6.250000000e-02, v1  }
0x3c1: {  	v2 =	vsub.f32 $0.0e+00, v5  }
0x3c2: {  	v0 =	vadd.f32 v1, v0;
	_ =	sdelay $0x1  }
0x3c3: {  	[tilespmem:s23+$0xAC70] =	vst v0;
	s23 =	smov.u32 s26  }
0x3c4: {  	v0 =	vld [tilespmem:s24+$0xFFFFFC00]  }
0x3c5: {  	v1 =	vld [tilespmem:s24+$0xFFFFFC80];
	_ =	sdelay $0x1  }
0x3c6: {  	v3 =	vld [tilespmem:s24+$0xFFFFFD00]  }
0x3c7: {  	v4 =	vld [tilespmem:s24+$0xFFFFFD80]  }
0x3c8: {  	v0 =	vmax.f32 v0, v2  }
0x3c9: {  	v1 =	vmax.f32 v1, v2  }
0x3ca: {  	v0 =	vadd.f32 v1, v0;
	v1 =	vld [tilespmem:s24+$0xFFFFFE00]  }
0x3cb: {  	v3 =	vmax.f32 v3, v2  }
0x3cc: {  	v0 =	vadd.f32 v3, v0;
	v3 =	vmax.f32 v4, v2;
	v4 =	vld [tilespmem:s24+$0xFFFFFE80];
	_ =	sdelay $0x1  }
0x3cd: {  	v0 =	vadd.f32 v3, v0;
	v3 =	vld [tilespmem:s24+$0xFFFFFF00]  }
0x3ce: {  	v1 =	vmax.f32 v1, v2  }
0x3cf: {  	v0 =	vadd.f32 v1, v0;
	v1 =	vld [tilespmem:s24+$0xFFFFFF80]  }
0x3d0: {  	v4 =	vmax.f32 v4, v2  }
0x3d1: {  	v0 =	vadd.f32 v4, v0;
	v4 =	vld [tilespmem:s24+$0x0]  }
0x3d2: {  	v3 =	vmax.f32 v3, v2  }
0x3d3: {  	v0 =	vadd.f32 v3, v0;
	v3 =	vld [tilespmem:s24+$0x80]  }
0x3d4: {  	v1 =	vmax.f32 v1, v2  }
0x3d5: {  	v0 =	vadd.f32 v1, v0;
	v1 =	vld [tilespmem:s24+$0x100]  }
0x3d6: {  	v4 =	vmax.f32 v4, v2  }
0x3d7: {  	v0 =	vadd.f32 v4, v0;
	v4 =	vld [tilespmem:s24+$0x180]  }
0x3d8: {  	v3 =	vmax.f32 v3, v2  }
0x3d9: {  	v0 =	vadd.f32 v3, v0;
	v3 =	vld [tilespmem:s24+$0x200]  }
0x3da: {  	v1 =	vmax.f32 v1, v2  }
0x3db: {  	v0 =	vadd.f32 v1, v0;
	v1 =	vld [tilespmem:s24+$0x280]  }
0x3dc: {  	v4 =	vmax.f32 v4, v2  }
0x3dd: {  	v0 =	vadd.f32 v4, v0;
	v4 =	vld [tilespmem:s24+$0x300]  }
0x3de: {  	v3 =	vmax.f32 v3, v2  }
0x3df: {  	v0 =	vadd.f32 v3, v0;
	v3 =	vld [tilespmem:s24+$0x380]  }
0x3e0: {  	v1 =	vmax.f32 v1, v2  }
0x3e1: {  	v0 =	vadd.f32 v1, v0  }
0x3e2: {  	v1 =	vmax.f32 v4, v2  }
0x3e3: {  	v0 =	vadd.f32 v1, v0  }
0x3e4: {  	v1 =	vmax.f32 v3, v2  }
0x3e5: {  	v0 =	vadd.f32 v1, v0;
	_ =	sdelay $0x1  }
0x3e6: {  	v0 =	vmul.f32 $6.250000000e-02, v0;
	_ =	sdelay $0x1  }
0x3e7: {  	v0 =	vadd.f32 v0, v5;
	_ =	sdelay $0x1  }
0x3e8: {  	[tilespmem:s23+$0xAC00] =	vst v0;
	v0 =	vld [tilespmem:s23+$0xA810]  }
0x3e9: {  	v1 =	vld [tilespmem:s24+$0xFFFFFC10]  }
0x3ea: {  	v2 =	vld [tilespmem:s24+$0xFFFFFC90];
	_ =	sdelay $0x1  }
0x3eb: {  	v3 =	vld [tilespmem:s24+$0xFFFFFD10]  }
0x3ec: {  	v4 =	vsub.f32 $0.0e+00, v0  }
0x3ed: {  	v5 =	vld [tilespmem:s24+$0xFFFFFD90]  }
0x3ee: {  	v1 =	vmax.f32 v1, v4;
	v2 =	vmax.f32 v2, v4  }
0x3ef: {  	v1 =	vadd.f32 v2, v1;
	v2 =	vld [tilespmem:s24+$0xFFFFFE10]  }
0x3f0: {  	v3 =	vmax.f32 v3, v4  }
0x3f1: {  	v1 =	vadd.f32 v3, v1;
	v3 =	vld [tilespmem:s24+$0xFFFFFE90]  }
0x3f2: {  	v5 =	vmax.f32 v5, v4  }
0x3f3: {  	v1 =	vadd.f32 v5, v1;
	v5 =	vld [tilespmem:s24+$0xFFFFFF10]  }
0x3f4: {  	v2 =	vmax.f32 v2, v4  }
0x3f5: {  	v1 =	vadd.f32 v2, v1;
	v2 =	vld [tilespmem:s24+$0xFFFFFF90]  }
0x3f6: {  	v3 =	vmax.f32 v3, v4  }
0x3f7: {  	v1 =	vadd.f32 v3, v1;
	v3 =	vld [tilespmem:s24+$0x10]  }
0x3f8: {  	v5 =	vmax.f32 v5, v4  }
0x3f9: {  	v1 =	vadd.f32 v5, v1;
	v5 =	vld [tilespmem:s24+$0x90]  }
0x3fa: {  	v2 =	vmax.f32 v2, v4  }
0x3fb: {  	v1 =	vadd.f32 v2, v1;
	v2 =	vld [tilespmem:s24+$0x110]  }
0x3fc: {  	v3 =	vmax.f32 v3, v4  }
0x3fd: {  	v1 =	vadd.f32 v3, v1;
	v3 =	vld [tilespmem:s24+$0x190]  }
0x3fe: {  	v5 =	vmax.f32 v5, v4  }
0x3ff: {  	v1 =	vadd.f32 v5, v1;
	v5 =	vld [tilespmem:s24+$0x210]  }
0x400: {  	v2 =	vmax.f32 v2, v4  }
0x401: {  	v1 =	vadd.f32 v2, v1;
	v2 =	vld [tilespmem:s24+$0x290]  }
0x402: {  	v3 =	vmax.f32 v3, v4  }
0x403: {  	v1 =	vadd.f32 v3, v1;
	v3 =	vld [tilespmem:s24+$0x310]  }
0x404: {  	v5 =	vmax.f32 v5, v4  }
0x405: {  	v1 =	vadd.f32 v5, v1;
	v5 =	vld [tilespmem:s24+$0x390]  }
0x406: {  	v2 =	vmax.f32 v2, v4  }
0x407: {  	v1 =	vadd.f32 v2, v1  }
0x408: {  	v2 =	vmax.f32 v3, v4  }
0x409: {  	v1 =	vadd.f32 v2, v1  }
0x40a: {  	v2 =	vmax.f32 v5, v4  }
0x40b: {  	v1 =	vadd.f32 v2, v1;
	_ =	sdelay $0x1  }
0x40c: {  	v1 =	vmul.f32 $6.250000000e-02, v1;
	_ =	sdelay $0x1  }
0x40d: {  	v0 =	vadd.f32 v1, v0  }
0x40e: {  	v1 =	vld [tilespmem:s23+$0xA820]  }
0x40f: {  	[tilespmem:s23+$0xAC10] =	vst v0  }
0x410: {  	v0 =	vld [tilespmem:s24+$0xFFFFFC20]  }
0x411: {  	v2 =	vld [tilespmem:s24+$0xFFFFFCA0];
	_ =	sdelay $0x1  }
0x412: {  	v3 =	vsub.f32 $0.0e+00, v1;
	v4 =	vld [tilespmem:s24+$0xFFFFFD20];
	_ =	sdelay $0x1  }
0x413: {  	v0 =	vmax.f32 v0, v3;
	v5 =	vld [tilespmem:s24+$0xFFFFFDA0]  }
0x414: {  	v2 =	vmax.f32 v2, v3  }
0x415: {  	v0 =	vadd.f32 v2, v0;
	v2 =	vld [tilespmem:s24+$0xFFFFFE20]  }
0x416: {  	v4 =	vmax.f32 v4, v3  }
0x417: {  	v0 =	vadd.f32 v4, v0;
	v4 =	vld [tilespmem:s24+$0xFFFFFEA0]  }
0x418: {  	v5 =	vmax.f32 v5, v3  }
0x419: {  	v0 =	vadd.f32 v5, v0;
	v5 =	vld [tilespmem:s24+$0xFFFFFF20]  }
0x41a: {  	v2 =	vmax.f32 v2, v3  }
0x41b: {  	v0 =	vadd.f32 v2, v0;
	v2 =	vld [tilespmem:s24+$0xFFFFFFA0]  }
0x41c: {  	v4 =	vmax.f32 v4, v3  }
0x41d: {  	v0 =	vadd.f32 v4, v0;
	v4 =	vld [tilespmem:s24+$0x20]  }
0x41e: {  	v5 =	vmax.f32 v5, v3  }
0x41f: {  	v0 =	vadd.f32 v5, v0;
	v5 =	vld [tilespmem:s24+$0xA0]  }
0x420: {  	v2 =	vmax.f32 v2, v3  }
0x421: {  	v0 =	vadd.f32 v2, v0;
	v2 =	vld [tilespmem:s24+$0x120]  }
0x422: {  	v4 =	vmax.f32 v4, v3  }
0x423: {  	v0 =	vadd.f32 v4, v0;
	v4 =	vld [tilespmem:s24+$0x1A0]  }
0x424: {  	v5 =	vmax.f32 v5, v3  }
0x425: {  	v0 =	vadd.f32 v5, v0;
	v5 =	vld [tilespmem:s24+$0x220]  }
0x426: {  	v2 =	vmax.f32 v2, v3  }
0x427: {  	v0 =	vadd.f32 v2, v0;
	v2 =	vld [tilespmem:s24+$0x2A0]  }
0x428: {  	v4 =	vmax.f32 v4, v3  }
0x429: {  	v0 =	vadd.f32 v4, v0;
	v4 =	vld [tilespmem:s24+$0x320]  }
0x42a: {  	v5 =	vmax.f32 v5, v3  }
0x42b: {  	v0 =	vadd.f32 v5, v0;
	v5 =	vld [tilespmem:s24+$0x3A0]  }
0x42c: {  	v2 =	vmax.f32 v2, v3  }
0x42d: {  	v0 =	vadd.f32 v2, v0  }
0x42e: {  	v2 =	vmax.f32 v4, v3  }
0x42f: {  	v0 =	vadd.f32 v2, v0  }
0x430: {  	v2 =	vmax.f32 v5, v3  }
0x431: {  	v0 =	vadd.f32 v2, v0;
	_ =	sdelay $0x1  }
0x432: {  	v0 =	vmul.f32 $6.250000000e-02, v0;
	_ =	sdelay $0x1  }
0x433: {  	v0 =	vadd.f32 v0, v1  }
0x434: {  	v1 =	vld [tilespmem:s23+$0xA830]  }
0x435: {  	[tilespmem:s23+$0xAC20] =	vst v0  }
0x436: {  	v0 =	vld [tilespmem:s24+$0xFFFFFC30]  }
0x437: {  	v2 =	vld [tilespmem:s24+$0xFFFFFCB0];
	_ =	sdelay $0x1  }
0x438: {  	v3 =	vsub.f32 $0.0e+00, v1;
	v4 =	vld [tilespmem:s24+$0xFFFFFD30];
	_ =	sdelay $0x1  }
0x439: {  	v0 =	vmax.f32 v0, v3;
	v5 =	vld [tilespmem:s24+$0xFFFFFDB0]  }
0x43a: {  	v2 =	vmax.f32 v2, v3  }
0x43b: {  	v0 =	vadd.f32 v2, v0;
	v2 =	vld [tilespmem:s24+$0xFFFFFE30]  }
0x43c: {  	v4 =	vmax.f32 v4, v3  }
0x43d: {  	v0 =	vadd.f32 v4, v0;
	v4 =	vld [tilespmem:s24+$0xFFFFFEB0]  }
0x43e: {  	v5 =	vmax.f32 v5, v3  }
0x43f: {  	v0 =	vadd.f32 v5, v0;
	v5 =	vld [tilespmem:s24+$0xFFFFFF30]  }
0x440: {  	v2 =	vmax.f32 v2, v3  }
0x441: {  	v0 =	vadd.f32 v2, v0;
	v2 =	vld [tilespmem:s24+$0xFFFFFFB0]  }
0x442: {  	v4 =	vmax.f32 v4, v3  }
0x443: {  	v0 =	vadd.f32 v4, v0;
	v4 =	vld [tilespmem:s24+$0x30]  }
0x444: {  	v5 =	vmax.f32 v5, v3  }
0x445: {  	v0 =	vadd.f32 v5, v0;
	v5 =	vld [tilespmem:s24+$0xB0]  }
0x446: {  	v2 =	vmax.f32 v2, v3  }
0x447: {  	v0 =	vadd.f32 v2, v0;
	v2 =	vld [tilespmem:s24+$0x130]  }
0x448: {  	v4 =	vmax.f32 v4, v3  }
0x449: {  	v0 =	vadd.f32 v4, v0;
	v4 =	vld [tilespmem:s24+$0x1B0]  }
0x44a: {  	v5 =	vmax.f32 v5, v3  }
0x44b: {  	v0 =	vadd.f32 v5, v0;
	v5 =	vld [tilespmem:s24+$0x230]  }
0x44c: {  	v2 =	vmax.f32 v2, v3  }
0x44d: {  	v0 =	vadd.f32 v2, v0;
	v2 =	vld [tilespmem:s24+$0x2B0]  }
0x44e: {  	v4 =	vmax.f32 v4, v3  }
0x44f: {  	v0 =	vadd.f32 v4, v0;
	v4 =	vld [tilespmem:s24+$0x330]  }
0x450: {  	v5 =	vmax.f32 v5, v3  }
0x451: {  	v0 =	vadd.f32 v5, v0;
	v5 =	vld [tilespmem:s24+$0x3B0]  }
0x452: {  	v2 =	vmax.f32 v2, v3  }
0x453: {  	v0 =	vadd.f32 v2, v0  }
0x454: {  	v2 =	vmax.f32 v4, v3  }
0x455: {  	v0 =	vadd.f32 v2, v0  }
0x456: {  	v2 =	vmax.f32 v5, v3  }
0x457: {  	v0 =	vadd.f32 v2, v0;
	_ =	sdelay $0x1  }
0x458: {  	v0 =	vmul.f32 $6.250000000e-02, v0;
	_ =	sdelay $0x1  }
0x459: {  	v0 =	vadd.f32 v0, v1;
	_ =	sdelay $0x1  }
0x45a: {  	[tilespmem:s23+$0xAC30] =	vst v0;
	v0 =	vld [tilespmem:s23+$0xA840]  }
0x45b: {  	v1 =	vld [tilespmem:s24+$0xFFFFFC40]  }
0x45c: {  	v2 =	vld [tilespmem:s24+$0xFFFFFCC0];
	_ =	sdelay $0x1  }
0x45d: {  	v3 =	vld [tilespmem:s24+$0xFFFFFD40]  }
0x45e: {  	v4 =	vsub.f32 $0.0e+00, v0  }
0x45f: {  	v5 =	vld [tilespmem:s24+$0xFFFFFDC0]  }
0x460: {  	v1 =	vmax.f32 v1, v4;
	v2 =	vmax.f32 v2, v4  }
0x461: {  	v1 =	vadd.f32 v2, v1;
	v2 =	vld [tilespmem:s24+$0xFFFFFE40]  }
0x462: {  	v3 =	vmax.f32 v3, v4  }
0x463: {  	v1 =	vadd.f32 v3, v1;
	v3 =	vld [tilespmem:s24+$0xFFFFFEC0]  }
0x464: {  	v5 =	vmax.f32 v5, v4  }
0x465: {  	v1 =	vadd.f32 v5, v1;
	v5 =	vld [tilespmem:s24+$0xFFFFFF40]  }
0x466: {  	v2 =	vmax.f32 v2, v4  }
0x467: {  	v1 =	vadd.f32 v2, v1;
	v2 =	vld [tilespmem:s24+$0xFFFFFFC0]  }
0x468: {  	v3 =	vmax.f32 v3, v4  }
0x469: {  	v1 =	vadd.f32 v3, v1;
	v3 =	vld [tilespmem:s24+$0x40]  }
0x46a: {  	v5 =	vmax.f32 v5, v4  }
0x46b: {  	v1 =	vadd.f32 v5, v1;
	v5 =	vld [tilespmem:s24+$0xC0]  }
0x46c: {  	v2 =	vmax.f32 v2, v4  }
0x46d: {  	v1 =	vadd.f32 v2, v1;
	v2 =	vld [tilespmem:s24+$0x140]  }
0x46e: {  	v3 =	vmax.f32 v3, v4  }
0x46f: {  	v1 =	vadd.f32 v3, v1;
	v3 =	vld [tilespmem:s24+$0x1C0]  }
0x470: {  	v5 =	vmax.f32 v5, v4  }
0x471: {  	v1 =	vadd.f32 v5, v1;
	v5 =	vld [tilespmem:s24+$0x240]  }
0x472: {  	v2 =	vmax.f32 v2, v4  }
0x473: {  	v1 =	vadd.f32 v2, v1;
	v2 =	vld [tilespmem:s24+$0x2C0]  }
0x474: {  	v3 =	vmax.f32 v3, v4  }
0x475: {  	v1 =	vadd.f32 v3, v1;
	v3 =	vld [tilespmem:s24+$0x340]  }
0x476: {  	v5 =	vmax.f32 v5, v4  }
0x477: {  	v1 =	vadd.f32 v5, v1;
	v5 =	vld [tilespmem:s24+$0x3C0]  }
0x478: {  	v2 =	vmax.f32 v2, v4  }
0x479: {  	v1 =	vadd.f32 v2, v1  }
0x47a: {  	v2 =	vmax.f32 v3, v4  }
0x47b: {  	v1 =	vadd.f32 v2, v1  }
0x47c: {  	v2 =	vmax.f32 v5, v4  }
0x47d: {  	v1 =	vadd.f32 v2, v1;
	_ =	sdelay $0x1  }
0x47e: {  	v1 =	vmul.f32 $6.250000000e-02, v1;
	_ =	sdelay $0x1  }
0x47f: {  	v0 =	vadd.f32 v1, v0  }
0x480: {  	v1 =	vld [tilespmem:s23+$0xA850]  }
0x481: {  	[tilespmem:s23+$0xAC40] =	vst v0  }
0x482: {  	v0 =	vld [tilespmem:s24+$0xFFFFFCD0]  }
0x483: {  	v2 =	vld [tilespmem:s24+$0xFFFFFC50]  }
0x484: {  	v3 =	vld [tilespmem:s24+$0xFFFFFD50]  }
0x485: {  	v4 =	vsub.f32 $0.0e+00, v1;
	v5 =	vld [tilespmem:s24+$0xFFFFFDD0]  }
0x486: {  	v6 =	vld [tilespmem:s24+$0xFFFFFE50]  }
0x487: {  	v0 =	vmax.f32 v0, v4;
	v7 =	vld [tilespmem:s24+$0xFFFFFED0]  }
0x488: {  	v2 =	vmax.f32 v2, v4;
	v8 =	vld [tilespmem:s24+$0xFFFFFF50]  }
0x489: {  	v0 =	vadd.f32 v0, v2;
	v2 =	vmax.f32 v3, v4;
	v3 =	vld [tilespmem:s24+$0xFFFFFFD0]  }
0x48a: {  	v9 =	vld [tilespmem:s24+$0x50]  }
0x48b: {  	v0 =	vadd.f32 v2, v0;
	v2 =	vld [tilespmem:s24+$0xD0]  }
0x48c: {  	v5 =	vmax.f32 v5, v4;
	v10 =	vld [tilespmem:s24+$0x150]  }
0x48d: {  	v0 =	vadd.f32 v5, v0;
	v5 =	vld [tilespmem:s24+$0x1D0]  }
0x48e: {  	v6 =	vmax.f32 v6, v4;
	v11 =	vld [tilespmem:s24+$0x250]  }
0x48f: {  	v0 =	vadd.f32 v6, v0;
	v6 =	vld [tilespmem:s24+$0x2D0]  }
0x490: {  	v7 =	vmax.f32 v7, v4;
	v12 =	vld [tilespmem:s24+$0x350]  }
0x491: {  	v0 =	vadd.f32 v7, v0;
	v7 =	vld [tilespmem:s24+$0x3D0]  }
0x492: {  	v8 =	vmax.f32 v8, v4  }
0x493: {  	v0 =	vadd.f32 v8, v0  }
0x494: {  	v3 =	vmax.f32 v3, v4  }
0x495: {  	v0 =	vadd.f32 v3, v0  }
0x496: {  	v3 =	vmax.f32 v9, v4  }
0x497: {  	v0 =	vadd.f32 v3, v0  }
0x498: {  	v2 =	vmax.f32 v2, v4  }
0x499: {  	v0 =	vadd.f32 v2, v0  }
0x49a: {  	v2 =	vmax.f32 v10, v4  }
0x49b: {  	v0 =	vadd.f32 v2, v0  }
0x49c: {  	v2 =	vmax.f32 v5, v4  }
0x49d: {  	v0 =	vadd.f32 v2, v0  }
0x49e: {  	v2 =	vmax.f32 v11, v4  }
0x49f: {  	v0 =	vadd.f32 v2, v0  }
0x4a0: {  	v2 =	vmax.f32 v6, v4  }
0x4a1: {  	v0 =	vadd.f32 v2, v0  }
0x4a2: {  	v2 =	vmax.f32 v12, v4  }
0x4a3: {  	v0 =	vadd.f32 v2, v0  }
0x4a4: {  	v2 =	vmax.f32 v7, v4  }
0x4a5: {  	v0 =	vadd.f32 v2, v0;
	_ =	sdelay $0x1  }
0x4a6: {  	v0 =	vmul.f32 $6.250000000e-02, v0;
	_ =	sdelay $0x1  }
0x4a7: {  	v0 =	vadd.f32 v0, v1  }
0x4a8: {  	v1 =	vld [tilespmem:s23+$0xA860]  }
0x4a9: {  	[tilespmem:s23+$0xAC50] =	vst v0  }
0x4aa: {  	v0 =	vld [tilespmem:s24+$0xFFFFFC60]  }
0x4ab: {  	v2 =	vld [tilespmem:s24+$0xFFFFFCE0]  }
0x4ac: {  	v3 =	vld [tilespmem:s24+$0xFFFFFD60]  }
0x4ad: {  	v4 =	vsub.f32 $0.0e+00, v1;
	v5 =	vld [tilespmem:s24+$0xFFFFFDE0]  }
0x4ae: {  	v6 =	vld [tilespmem:s24+$0xFFFFFE60]  }
0x4af: {  	v0 =	vmax.f32 v0, v4;
	v7 =	vld [tilespmem:s24+$0xFFFFFEE0]  }
0x4b0: {  	v2 =	vmax.f32 v2, v4;
	v8 =	vld [tilespmem:s24+$0xFFFFFF60]  }
0x4b1: {  	v0 =	vadd.f32 v2, v0;
	v2 =	vld [tilespmem:s24+$0xFFFFFFE0]  }
0x4b2: {  	v3 =	vmax.f32 v3, v4;
	v9 =	vld [tilespmem:s24+$0x60]  }
0x4b3: {  	v0 =	vadd.f32 v3, v0;
	v3 =	vld [tilespmem:s24+$0xE0]  }
0x4b4: {  	v5 =	vmax.f32 v5, v4;
	v10 =	vld [tilespmem:s24+$0x160]  }
0x4b5: {  	v0 =	vadd.f32 v5, v0;
	v5 =	vld [tilespmem:s24+$0x1E0]  }
0x4b6: {  	v6 =	vmax.f32 v6, v4;
	v11 =	vld [tilespmem:s24+$0x260]  }
0x4b7: {  	v0 =	vadd.f32 v6, v0;
	v6 =	vld [tilespmem:s24+$0x2E0]  }
0x4b8: {  	v7 =	vmax.f32 v7, v4;
	v12 =	vld [tilespmem:s24+$0x360]  }
0x4b9: {  	v0 =	vadd.f32 v7, v0;
	v7 =	vld [tilespmem:s24+$0x3E0]  }
0x4ba: {  	v8 =	vmax.f32 v8, v4  }
0x4bb: {  	v0 =	vadd.f32 v8, v0  }
0x4bc: {  	v2 =	vmax.f32 v2, v4  }
0x4bd: {  	v0 =	vadd.f32 v2, v0  }
0x4be: {  	v2 =	vmax.f32 v9, v4  }
0x4bf: {  	v0 =	vadd.f32 v2, v0  }
0x4c0: {  	v2 =	vmax.f32 v3, v4  }
0x4c1: {  	v0 =	vadd.f32 v2, v0  }
0x4c2: {  	v2 =	vmax.f32 v10, v4  }
0x4c3: {  	v0 =	vadd.f32 v2, v0  }
0x4c4: {  	v2 =	vmax.f32 v5, v4  }
0x4c5: {  	v0 =	vadd.f32 v2, v0  }
0x4c6: {  	v2 =	vmax.f32 v11, v4  }
0x4c7: {  	v0 =	vadd.f32 v2, v0  }
0x4c8: {  	v2 =	vmax.f32 v6, v4  }
0x4c9: {  	v0 =	vadd.f32 v2, v0  }
0x4ca: {  	v2 =	vmax.f32 v12, v4  }
0x4cb: {  	v0 =	vadd.f32 v2, v0  }
0x4cc: {  	v2 =	vmax.f32 v7, v4  }
0x4cd: {  	v0 =	vadd.f32 v2, v0;
	_ =	sdelay $0x1  }
0x4ce: {  	v0 =	vmul.f32 $6.250000000e-02, v0;
	_ =	sdelay $0x1  }
0x4cf: {  	v1 =	vadd.f32 v0, v1  }
0x4d0: {  	v0 =	vld [tilespmem:s23+$0xA870]  }
0x4d1: {  	[tilespmem:s23+$0xAC60] =	vst v1  }
0x4d2: {  	v2 =	vld [tilespmem:s24+$0xFFFFFC70]  }
0x4d3: {  	v3 =	vld [tilespmem:s24+$0xFFFFFCF0]  }
0x4d4: {  	v4 =	vld [tilespmem:s24+$0xFFFFFD70]  }
0x4d5: {  	v1 =	vsub.f32 $0.0e+00, v0;
	v5 =	vld [tilespmem:s24+$0xFFFFFDF0]  }
0x4d6: {  	v6 =	vld [tilespmem:s24+$0xFFFFFE70]  }
0x4d7: {  	v2 =	vmax.f32 v2, v1;
	v7 =	vld [tilespmem:s24+$0xFFFFFEF0]  }
0x4d8: {  	v3 =	vmax.f32 v3, v1;
	v8 =	vld [tilespmem:s24+$0xFFFFFF70]  }
0x4d9: {  	v2 =	vadd.f32 v3, v2;
	v3 =	vmax.f32 v4, v1;
	v9 =	vld [tilespmem:s24+$0xFFFFFFF0]  }
0x4da: {  	v10 =	vld [tilespmem:s24+$0x70]  }
0x4db: {  	v2 =	vadd.f32 v3, v2;
	v3 =	vmax.f32 v5, v1;
	v11 =	vld [tilespmem:s24+$0xF0]  }
0x4dc: {  	v12 =	vld [tilespmem:s24+$0x170]  }
0x4dd: {  	v2 =	vadd.f32 v3, v2;
	v3 =	vmax.f32 v6, v1;
	v13 =	vld [tilespmem:s24+$0x1F0]  }
0x4de: {  	v4 =	vld [tilespmem:s24+$0x270]  }
0x4df: {  	v6 =	vmax.f32 v7, v1;
	v2 =	vadd.f32 v3, v2;
	v5 =	vld [tilespmem:s24+$0x2F0]  }
0x4e0: {  	v3 =	vld [tilespmem:s24+$0x370]  }
0x4e1: {  	v7 =	vmax.f32 v8, v1;
	v6 =	vadd.f32 v6, v2;
	v2 =	vld [tilespmem:s24+$0x3F0];
	_ =	sdelay $0x1  }
0x4e2: {  	v6 =	vadd.f32 v7, v6;
	v7 =	vmax.f32 v9, v1;
	_ =	sdelay $0x1  }
0x4e3: {  	v6 =	vadd.f32 v7, v6;
	v7 =	vmax.f32 v10, v1;
	_ =	sdelay $0x1  }
.Ltmp1:
0x4e4: {  	v6 =	vadd.f32 v7, v6;
	v7 =	vmax.f32 v11, v1;
	(pc) =	sbr.rel @p0 .LBB2_5-.Ltmp1, $3  }
0x4e5: {  	_ = 	snop  }
0x4e6: {  	v6 =	vadd.f32 v7, v6;
	v7 =	vmax.f32 v12, v1;
	_ =	sdelay $0x1  }
0x4e7: {  	v6 =	vadd.f32 v7, v6;
	v7 =	vmax.f32 v13, v1  }
0x4e8: {  	_ = 	snop  }
0x4e9: {  	v6 =	vadd.f32 v7, v6  }
0x4ea: {  	v4 =	vmax.f32 v4, v1  }
0x4eb: {  	v4 =	vadd.f32 v4, v6  }
0x4ec: {  	v5 =	vmax.f32 v5, v1  }
0x4ed: {  	v4 =	vadd.f32 v5, v4  }
0x4ee: {  	v3 =	vmax.f32 v3, v1  }
0x4ef: {  	v3 =	vadd.f32 v3, v4  }
0x4f0: {  	v63 =	vmax.f32 v2, v1  }
0x4f1: {  	v1 =	vadd.f32 v63, v3;
	_ =	sdelay $0x1  }
0x4f2: {  	v1 =	vmul.f32 $6.250000000e-02, v1;
	_ =	sdelay $0x1  }
0x4f3: {  	s21 =	sadd.s32 $0x1, s21;
	v0 =	vadd.f32 v1, v0  }
0x4f4: {  	p0 =	sne.s32 s21, $0x28  }
.Ltmp2:
0x4f5: {  	s22 =	sadd.s32 s6, s22;
	[tilespmem:s23+$0xAC70] =	vst v0;
	(pc) =	sbr.rel @p0 .LBB2_2-.Ltmp2, $4  }
0x4f6: {  	[hbm4b:s22+s3] =	stream.linear.scatter [tilespmem:s18], [sflag:$0x3], $0x400, $0x38;
	[tilespmem:$0x1F000] =	vst v63  }
0x4f7: {  	_ =	swait.ge [sflag:s12], $0x400  }
0x4f8: {  	[sflag:s12] =	ssyncset.done $0x0  }
0x4f9: {  	[sflag:s12] =	ssyncadd.s32 $0xFFFFFC00  }
0x4fa: {  	s20 =	sadd.s32 $0x1, s20  }
0x4fb: {  	p0 =	sne.s32 s20, s10  }
.Ltmp3:
0x4fc: {  	_ = 	snop;
	(pc) =	sbr.rel @p0 .LBB2_1-.Ltmp3, $4  }
0x4fd: {  	_ = 	snop  }
0x4fe: {  	_ =	swait.ge [sflag:s17], $0x4000  }
0x4ff: {  	[sflag:s17] =	ssyncset.done $0x0  }
0x500: {  	[sflag:s17] =	ssyncadd.s32 $0xFFFFC000  }
0x501: {  	_ =	sfence.sel $0x180000  }
0x502: {  	[bflag:$0x0] =	sbarrier.arrive $0xFFFF  }
0x503: {  	p0 =	sne.s32 s0, $0x0;
	_ =	strace $0x90000047  }
0x504: {  	s0 =	sadd.s32 @!p0 $0x100000, s1;
	[bflag:$0x2] =	sbarrier.arrive $0xFFFF  }
0x505: {  	[sflag:s0] =	ssyncadd.tile.s32 @!p0 $0x1;
	_ =	shalt  }
.Lfunc_end2:
_tile_overlayer_lowered:
.L_overlay_start_2:
0x506: {  	(tag) =	ssettag $0x2  }
0x507: {  	s0 =	rddreg [dreg:$0x0];
	s2 =	stileid.u32  }
0x508: {  	s1 =	rddreg [dreg:$0x1];
	p0 =	sne.s32 s2, $0x0  }
0x509: {  	s3 =	rddreg [dreg:$0x2];
	[bflag:$0x3] =	sbarrier.arrive $0xFFFF;
	s2 =	simm.s32 @!p0 $0x1C03  }
0x50a: {  	[timem:s3], [sflag:s2] =	dma.local @!p0 [hbm:s0], s1  }
0x50b: {  	s0 =	simm.s32 @!p0 $0x3  }
0x50c: {  	_ =	swait.ge @!p0 [sflag:s0], s1  }
0x50d: {  	s1 =	ssub.s32 @!p0 $0x0, s1;
	[sflag:s0] =	ssyncset.done @!p0 $0x0  }
0x50e: {  	[sflag:s0] =	ssyncadd.s32 @!p0 s1  }
0x50f: {  	[bflag:$0x3] =	sbarrier.arrive $0xFFFF  }
0x510: {  	_ =	shalt  }

</sc_bundles>
